<compile_context>
chip_gen: v7x
topology: tpu7x:2x2x1
jax: 0.10.2.dev20260603
libtpu: 0.0.44.dev20260713+nightly
codegen_flags: <defaults>
</compile_context>

<pallas_src>
import functools

import jax
import jax.numpy as jnp
from jax import lax
from jax.experimental import pallas as pl
from jax.experimental.pallas import tpu as pltpu
from jax.experimental.pallas import tpu_sc as plsc

N = 10000
E = 320000
D = 128

NC = 2
NS = 16
NW = NC * NS

CH = 125
NCHT = E // CH
NCH_W = NCHT // NW
GRP = 40
NGRP = NCH_W // GRP
EPW = NCH_W * CH
ATILES = 10
ASTRIPE = N // ATILES
AZ = 40
DEG_T = 5
DEG_STRIPE = N // DEG_T

_f32 = jnp.float32
_mesh = plsc.VectorSubcoreMesh(core_axis_name="c", subcore_axis_name="s")



def _deg_body(src_hbm, dst_hbm, ones_hbm, z1_hbm, dout_hbm, din_hbm,
              idx_s, idx_d, ones_v, stage_v, do_sh, di_sh,
              sda, sdb, sdc, sdd):
    cid = lax.axis_index("c")
    sid = lax.axis_index("s")
    wid = cid * NS + sid

    pltpu.sync_copy(src_hbm.at[wid], idx_s)
    pltpu.sync_copy(dst_hbm.at[wid], idx_d)
    pltpu.sync_copy(ones_hbm, ones_v)

    @pl.when(sid < DEG_T)
    def _zero():
        base = sid * DEG_STRIPE
        pltpu.sync_copy(z1_hbm, stage_v)
        pltpu.sync_copy(stage_v, do_sh.at[pl.ds(base, DEG_STRIPE)])
        pltpu.sync_copy(stage_v, di_sh.at[pl.ds(base, DEG_STRIPE)])

    plsc.subcore_barrier()

    SDA = (sda, sdb)
    SDB = (sdc, sdd)

    def dstart(j, b):
        pltpu.async_copy(ones_v, do_sh.at[idx_s.at[j]], SDA[b], add=True)
        pltpu.async_copy(ones_v, di_sh.at[idx_d.at[j]], SDB[b], add=True)

    def dwait(j, b):
        pltpu.make_async_copy(ones_v, do_sh.at[idx_s.at[j]], SDA[b]).wait()
        pltpu.make_async_copy(ones_v, di_sh.at[idx_d.at[j]], SDB[b]).wait()

    dstart(0, 0)
    dstart(1, 1)

    def body(i, carry):
        j0 = 2 * i
        dwait(j0, 0)
        dstart(j0 + 2, 0)
        dwait(j0 + 1, 1)
        dstart(j0 + 3, 1)
        return carry

    lax.fori_loop(0, (NCH_W - 4) // 2 + 1, body, 0)
    dwait(NCH_W - 2, 0)
    dwait(NCH_W - 1, 1)
    plsc.subcore_barrier()

    @pl.when(sid < DEG_T)
    def _out():
        base = sid * DEG_STRIPE
        pltpu.sync_copy(do_sh.at[pl.ds(base, DEG_STRIPE)], stage_v)
        pltpu.sync_copy(stage_v, dout_hbm.at[pl.ds(cid * N + base, DEG_STRIPE)])
        pltpu.sync_copy(di_sh.at[pl.ds(base, DEG_STRIPE)], stage_v)
        pltpu.sync_copy(stage_v, din_hbm.at[pl.ds(cid * N + base, DEG_STRIPE)])


_deg_call = functools.partial(
    pl.kernel,
    out_type=(jax.ShapeDtypeStruct((NC * N,), _f32),
              jax.ShapeDtypeStruct((NC * N,), _f32)),
    mesh=_mesh,
    scratch_types=[
        pltpu.VMEM((NCH_W, CH), jnp.int32),
        pltpu.VMEM((NCH_W, CH), jnp.int32),
        pltpu.VMEM((CH,), _f32),
        pltpu.VMEM((DEG_STRIPE,), _f32),
        pltpu.VMEM_SHARED((N,), _f32),
        pltpu.VMEM_SHARED((N,), _f32),
        pltpu.SemaphoreType.DMA,
        pltpu.SemaphoreType.DMA,
        pltpu.SemaphoreType.DMA,
        pltpu.SemaphoreType.DMA,
    ],
)(_deg_body)


def _agg_body(src_hbm, dst_hbm, table_hbm, z2_hbm, out_hbm,
              idx_s, idx_d, rows, zbuf, agg_sh, sem0, sem1):
    cid = lax.axis_index("c")
    sid = lax.axis_index("s")
    wid = cid * NS + sid

    sems = (sem0, sem1)

    def start(l, b):
        pltpu.async_copy(table_hbm.at[idx_s.at[l]], rows.at[b], sems[b])

    def finish(l, b):
        pltpu.make_async_copy(table_hbm.at[idx_s.at[l]], rows.at[b],
                              sems[b]).wait()
        pltpu.sync_copy(rows.at[b], agg_sh.at[idx_d.at[l]], add=True)

    pltpu.sync_copy(src_hbm.at[wid, 0], idx_s)
    pltpu.sync_copy(dst_hbm.at[wid, 0], idx_d)
    start(0, 0)
    start(1, 1)
    pltpu.sync_copy(z2_hbm, zbuf)

    @pl.when(sid < ATILES)
    def _zero():
        for k in range(ASTRIPE // AZ):
            pltpu.sync_copy(zbuf, agg_sh.at[pl.ds(sid * ASTRIPE + k * AZ, AZ)])

    plsc.subcore_barrier()

    for g in range(NGRP):
        if g > 0:
            pltpu.sync_copy(src_hbm.at[wid, g], idx_s)
            pltpu.sync_copy(dst_hbm.at[wid, g], idx_d)
            start(0, 0)
            start(1, 1)

        def body(i, carry):
            l0 = 2 * i
            finish(l0, 0)
            start(l0 + 2, 0)
            finish(l0 + 1, 1)
            start(l0 + 3, 1)
            return carry

        lax.fori_loop(0, (GRP - 4) // 2 + 1, body, 0)
        finish(GRP - 2, 0)
        finish(GRP - 1, 1)
    plsc.subcore_barrier()

    @pl.when(sid < ATILES)
    def _out():
        pltpu.sync_copy(agg_sh.at[pl.ds(sid * ASTRIPE, ASTRIPE)],
                        out_hbm.at[cid, pl.ds(sid * ASTRIPE, ASTRIPE)])


_agg_call = functools.partial(
    pl.kernel,
    out_type=jax.ShapeDtypeStruct((NC, N, D), _f32),
    mesh=_mesh,
    scratch_types=[
        pltpu.VMEM((GRP, CH), jnp.int32),
        pltpu.VMEM((GRP, CH), jnp.int32),
        pltpu.VMEM((2, CH, D), _f32),
        pltpu.VMEM((AZ, D), _f32),
        pltpu.VMEM_SHARED((N, D), _f32),
        pltpu.SemaphoreType.DMA,
        pltpu.SemaphoreType.DMA,
    ],
)(_agg_body)



BN = 1000


def _prep_body(x_ref, dop_ref, o_ref):
    do = jnp.maximum(dop_ref[0] + dop_ref[1], 1.0)
    o_ref[...] = x_ref[...] * lax.rsqrt(do)


_prep_call = pl.pallas_call(
    _prep_body,
    grid=(N // BN,),
    in_specs=[
        pl.BlockSpec((BN, D), lambda i: (i, 0)),
        pl.BlockSpec((NC, BN, 1), lambda i: (0, i, 0)),
    ],
    out_specs=pl.BlockSpec((BN, D), lambda i: (i, 0)),
    out_shape=jax.ShapeDtypeStruct((N, D), _f32),
)


def _dense_math(aggp, dip, x, w, b, g, be):
    rs_in = lax.rsqrt(jnp.maximum(dip[0] + dip[1], 1.0))
    a = (aggp[0] + aggp[1]) * rs_in
    h = jnp.dot(a, w[...], preferred_element_type=_f32) + b[...]
    mu = jnp.mean(h, axis=1, keepdims=True)
    var = jnp.mean((h - mu) ** 2, axis=1, keepdims=True)
    h = (h - mu) * lax.rsqrt(var + 1e-5) * g[...] + be[...]
    return jnp.maximum(h, 0.0) + x[...]


def _dense_body2(aggp, dip, dop, x, w, b, g, be, out_h, out_s):
    h = _dense_math(aggp, dip, x, w, b, g, be)
    out_h[...] = h
    out_s[...] = h * lax.rsqrt(jnp.maximum(dop[0] + dop[1], 1.0))


def _dense_body1(aggp, dip, dop, x, w, b, g, be, out_h):
    out_h[...] = _dense_math(aggp, dip, x, w, b, g, be)


def _make_dense(n_out):
    body = _dense_body2 if n_out == 2 else _dense_body1
    out_shape = [jax.ShapeDtypeStruct((N, D), _f32)] * n_out
    out_specs = [pl.BlockSpec((BN, D), lambda i: (i, 0))] * n_out
    if n_out == 1:
        out_shape, out_specs = out_shape[0], out_specs[0]
    return pl.pallas_call(
        body,
        grid=(N // BN,),
        in_specs=[
            pl.BlockSpec((NC, BN, D), lambda i: (0, i, 0)),
            pl.BlockSpec((NC, BN, 1), lambda i: (0, i, 0)),
            pl.BlockSpec((NC, BN, 1), lambda i: (0, i, 0)),
            pl.BlockSpec((BN, D), lambda i: (i, 0)),
            pl.BlockSpec((D, D), lambda i: (0, 0)),
            pl.BlockSpec((1, D), lambda i: (0, 0)),
            pl.BlockSpec((1, D), lambda i: (0, 0)),
            pl.BlockSpec((1, D), lambda i: (0, 0)),
        ],
        out_specs=out_specs,
        out_shape=out_shape,
    )


_dense2 = _make_dense(2)
_dense1 = _make_dense(1)



def kernel(features, edge_index, W1, b1, ln_g1, ln_b1, W2, b2, ln_g2, ln_b2):
    src4d = edge_index[0].reshape(NW, NGRP, GRP, CH)
    dst4d = edge_index[1].reshape(NW, NGRP, GRP, CH)
    ones1 = jnp.ones((CH,), _f32)
    z1 = jnp.zeros((DEG_STRIPE,), _f32)
    z2 = jnp.zeros((AZ, D), _f32)

    src3d = edge_index[0].reshape(NW, NCH_W, CH)
    dst3d = edge_index[1].reshape(NW, NCH_W, CH)
    dout_p, din_p = _deg_call(src3d, dst3d, ones1, z1)
    dop = dout_p.reshape(NC, N, 1)
    dip = din_p.reshape(NC, N, 1)

    scaled = _prep_call(features, dop)
    aggp = _agg_call(src4d, dst4d, scaled, z2)
    h1, scaled2 = _dense2(aggp, dip, dop, features,
                          W1, b1.reshape(1, D), ln_g1.reshape(1, D),
                          ln_b1.reshape(1, D))
    aggp2 = _agg_call(src4d, dst4d, scaled2, z2)
    return _dense1(aggp2, dip, dop, h1,
                   W2, b2.reshape(1, D), ln_g2.reshape(1, D),
                   ln_b2.reshape(1, D))

# --- scband reference (transcript-rebuilt; emitter-appended) ---
"""Pipeline reference for scband-gcnmodel-11914239279899 (READ-ONLY COPY).

The authoritative reference and input builder live on the scoring server;
editing this copy changes nothing except your own understanding.
"""

import jax, jax.numpy as jnp
import numpy as np

N = 10000
E = 320000
D = 128


def setup_inputs(seed: int = 0) -> dict:
    key = jax.random.key(seed)
    ks = jax.random.split(key, 12)
    features = jax.random.normal(ks[0], (N, D), dtype=jnp.float32)
    edge_index = jax.random.randint(ks[1], (2, E), 0, N, dtype=jnp.int32)
    scale = 1.0 / np.sqrt(D)
    W1 = jax.random.normal(ks[2], (D, D), dtype=jnp.float32) * scale
    b1 = jnp.zeros((D,), dtype=jnp.float32)
    ln_g1 = jnp.ones((D,), dtype=jnp.float32)
    ln_b1 = jnp.zeros((D,), dtype=jnp.float32)
    W2 = jax.random.normal(ks[3], (D, D), dtype=jnp.float32) * scale
    b2 = jnp.zeros((D,), dtype=jnp.float32)
    ln_g2 = jnp.ones((D,), dtype=jnp.float32)
    ln_b2 = jnp.zeros((D,), dtype=jnp.float32)
    return {"features": features, "edge_index": edge_index,
            "W1": W1, "b1": b1, "ln_g1": ln_g1, "ln_b1": ln_b1,
            "W2": W2, "b2": b2, "ln_g2": ln_g2, "ln_b2": ln_b2}


def _layer_norm(h, g, b):
    mu = jnp.mean(h, axis=-1, keepdims=True)
    var = jnp.mean((h - mu) ** 2, axis=-1, keepdims=True)
    return (h - mu) / jnp.sqrt(var + 1e-5) * g + b


def _graph_conv(x, src, dst, W, b):
    # DGL GraphConv with norm='both': D_out^{-1/2} on source feats,
    # sum-aggregate along edges, D_in^{-1/2} on dest, then linear.
    ones = jnp.ones((src.shape[0],), dtype=jnp.float32)
    deg_out = jnp.maximum(jax.ops.segment_sum(ones, src, num_segments=N), 1.0)
    deg_in = jnp.maximum(jax.ops.segment_sum(ones, dst, num_segments=N), 1.0)
    h = x * jax.lax.rsqrt(deg_out)[:, None]
    msg = jnp.take(h, src, axis=0)
    agg = jax.ops.segment_sum(msg, dst, num_segments=N)
    agg = agg * jax.lax.rsqrt(deg_in)[:, None]
    return agg @ W + b


def _block(x, src, dst, W, b, g, be):
    h = _graph_conv(x, src, dst, W, b)
    h = _layer_norm(h, g, be)
    h = jax.nn.relu(h)
    # dropout p=0 -> identity; input_dim == hidden_dim -> skip is identity
    return h + x


def reference(features, edge_index, W1, b1, ln_g1, ln_b1, W2, b2, ln_g2, ln_b2):
    src = edge_index[0]
    dst = edge_index[1]
    h = _block(features, src, dst, W1, b1, ln_g1, ln_b1)
    h = _block(h, src, dst, W2, b2, ln_g2, ln_b2)
    return h

if __name__ == "__main__":
    import jax
    _d = setup_inputs()
    print(jax.jit(kernel)(*tuple(_d.values())))

</pallas_src>

<mosaic_0001>
#map = affine_map<(d0, d1) -> (0, 0, 0, 0)>
#map1 = affine_map<(d0, d1) -> (0, 0)>
#map2 = affine_map<(d0, d1) -> (0, 0, 0)>
module attributes {stable_mosaic.version = 14 : i64} {
  func.func @_agg_body(%arg0: i32, %arg1: i32, %arg2: memref<32x2x40x125xi32, #tpu.memory_space<hbm>>, %arg3: memref<32x2x40x125xi32, #tpu.memory_space<hbm>>, %arg4: memref<10000x128xf32, #tpu.memory_space<hbm>>, %arg5: memref<40x128xf32, #tpu.memory_space<hbm>>, %arg6: memref<2x10000x128xf32, #tpu.memory_space<hbm>>, %arg7: memref<40x125xi32, #tpu.memory_space<vmem>>, %arg8: memref<40x125xi32, #tpu.memory_space<vmem>>, %arg9: memref<2x125x128xf32, #tpu.memory_space<vmem>>, %arg10: memref<40x128xf32, #tpu.memory_space<vmem>>, %arg11: memref<10000x128xf32, #tpu.memory_space<vmem_shared>>, %arg12: memref<!tpu.dma_semaphore, #tpu.memory_space<semaphore_mem>>, %arg13: memref<!tpu.dma_semaphore, #tpu.memory_space<semaphore_mem>>) attributes {dimension_semantics = [#tpu.dimension_semantics<core_parallel>, #tpu.dimension_semantics<subcore_parallel>], iteration_bounds = array<i64: 2, 16>, scalar_prefetch = 0 : i64, scratch_operands = 7 : i64, tpu.core_type = #tpu.core_type<sc_vector_subcore>, window_params = [{transform_indices = #map}, {transform_indices = #map}, {transform_indices = #map1}, {transform_indices = #map1}, {transform_indices = #map2}]} {
    %mul3A = arith.constant 16 : i32
    %mul3A_0 = arith.muli %arg0, %mul3A : i32
    %add3A = arith.addi %mul3A_0, %arg1 : i32
    %run_scoped3A = arith.constant 0 : i32
    "tpu.region"() ({
      %run_scoped3A_125 = tpu.sem_alloc : memref<!tpu.dma_semaphore, #tpu.memory_space<semaphore_mem>>
      %dma_start3A_126 = arith.constant 0 : i32
      %dma_start3A_127 = arith.constant 0 : i32
      %dma_start3A_128 = tpu.memref_slice %arg2[%add3A, %run_scoped3A, %dma_start3A_126, %dma_start3A_127] : memref<32x2x40x125xi32, #tpu.memory_space<hbm>> -> memref<1x1x40x125xi32, #tpu.memory_space<hbm>>
      %dma_start3A_129 = tpu.memref_squeeze %dma_start3A_128 : memref<1x1x40x125xi32, #tpu.memory_space<hbm>> -> memref<40x125xi32, #tpu.memory_space<hbm>>
      %dma_start3A_130 = arith.constant 0 : i32
      %dma_start3A_131 = arith.constant 0 : i32
      %dma_start3A_132 = tpu.memref_slice %arg2[%add3A, %run_scoped3A, %dma_start3A_130, %dma_start3A_131] : memref<32x2x40x125xi32, #tpu.memory_space<hbm>> -> memref<1x1x40x125xi32, #tpu.memory_space<hbm>>
      %dma_start3A_133 = tpu.memref_squeeze %dma_start3A_132 : memref<1x1x40x125xi32, #tpu.memory_space<hbm>> -> memref<40x125xi32, #tpu.memory_space<hbm>>
      tpu.enqueue_dma source(%dma_start3A_133 : memref<40x125xi32, #tpu.memory_space<hbm>>) target(%arg7 : memref<40x125xi32, #tpu.memory_space<vmem>>) target_semaphore(%run_scoped3A_125 : memref<!tpu.dma_semaphore, #tpu.memory_space<semaphore_mem>>)
      %dma_wait3A_134 = arith.constant 0 : i32
      %dma_wait3A_135 = arith.constant 0 : i32
      %dma_wait3A_136 = tpu.memref_slice %arg2[%add3A, %run_scoped3A, %dma_wait3A_134, %dma_wait3A_135] : memref<32x2x40x125xi32, #tpu.memory_space<hbm>> -> memref<1x1x40x125xi32, #tpu.memory_space<hbm>>
      %dma_wait3A_137 = tpu.memref_squeeze %dma_wait3A_136 : memref<1x1x40x125xi32, #tpu.memory_space<hbm>> -> memref<40x125xi32, #tpu.memory_space<hbm>>
      %dma_wait3A_138 = arith.constant 0 : i32
      %dma_wait3A_139 = arith.constant 0 : i32
      %dma_wait3A_140 = tpu.memref_slice %arg2[%add3A, %run_scoped3A, %dma_wait3A_138, %dma_wait3A_139] : memref<32x2x40x125xi32, #tpu.memory_space<hbm>> -> memref<1x1x40x125xi32, #tpu.memory_space<hbm>>
      %dma_wait3A_141 = tpu.memref_squeeze %dma_wait3A_140 : memref<1x1x40x125xi32, #tpu.memory_space<hbm>> -> memref<40x125xi32, #tpu.memory_space<hbm>>
      tpu.wait_dma2 semaphore(%run_scoped3A_125 : memref<!tpu.dma_semaphore, #tpu.memory_space<semaphore_mem>>) src(%dma_wait3A_141 : memref<40x125xi32, #tpu.memory_space<hbm>>) dst(%arg7 : memref<40x125xi32, #tpu.memory_space<vmem>>)
      tpu.yield
    }) : () -> ()
    %run_scoped3A_1 = arith.constant 0 : i32
    "tpu.region"() ({
      %run_scoped3A_125 = tpu.sem_alloc : memref<!tpu.dma_semaphore, #tpu.memory_space<semaphore_mem>>
      %dma_start3A_126 = arith.constant 0 : i32
      %dma_start3A_127 = arith.constant 0 : i32
      %dma_start3A_128 = tpu.memref_slice %arg3[%add3A, %run_scoped3A_1, %dma_start3A_126, %dma_start3A_127] : memref<32x2x40x125xi32, #tpu.memory_space<hbm>> -> memref<1x1x40x125xi32, #tpu.memory_space<hbm>>
      %dma_start3A_129 = tpu.memref_squeeze %dma_start3A_128 : memref<1x1x40x125xi32, #tpu.memory_space<hbm>> -> memref<40x125xi32, #tpu.memory_space<hbm>>
      %dma_start3A_130 = arith.constant 0 : i32
      %dma_start3A_131 = arith.constant 0 : i32
      %dma_start3A_132 = tpu.memref_slice %arg3[%add3A, %run_scoped3A_1, %dma_start3A_130, %dma_start3A_131] : memref<32x2x40x125xi32, #tpu.memory_space<hbm>> -> memref<1x1x40x125xi32, #tpu.memory_space<hbm>>
      %dma_start3A_133 = tpu.memref_squeeze %dma_start3A_132 : memref<1x1x40x125xi32, #tpu.memory_space<hbm>> -> memref<40x125xi32, #tpu.memory_space<hbm>>
      tpu.enqueue_dma source(%dma_start3A_133 : memref<40x125xi32, #tpu.memory_space<hbm>>) target(%arg8 : memref<40x125xi32, #tpu.memory_space<vmem>>) target_semaphore(%run_scoped3A_125 : memref<!tpu.dma_semaphore, #tpu.memory_space<semaphore_mem>>)
      %dma_wait3A_134 = arith.constant 0 : i32
      %dma_wait3A_135 = arith.constant 0 : i32
      %dma_wait3A_136 = tpu.memref_slice %arg3[%add3A, %run_scoped3A_1, %dma_wait3A_134, %dma_wait3A_135] : memref<32x2x40x125xi32, #tpu.memory_space<hbm>> -> memref<1x1x40x125xi32, #tpu.memory_space<hbm>>
      %dma_wait3A_137 = tpu.memref_squeeze %dma_wait3A_136 : memref<1x1x40x125xi32, #tpu.memory_space<hbm>> -> memref<40x125xi32, #tpu.memory_space<hbm>>
      %dma_wait3A_138 = arith.constant 0 : i32
      %dma_wait3A_139 = arith.constant 0 : i32
      %dma_wait3A_140 = tpu.memref_slice %arg3[%add3A, %run_scoped3A_1, %dma_wait3A_138, %dma_wait3A_139] : memref<32x2x40x125xi32, #tpu.memory_space<hbm>> -> memref<1x1x40x125xi32, #tpu.memory_space<hbm>>
      %dma_wait3A_141 = tpu.memref_squeeze %dma_wait3A_140 : memref<1x1x40x125xi32, #tpu.memory_space<hbm>> -> memref<40x125xi32, #tpu.memory_space<hbm>>
      tpu.wait_dma2 semaphore(%run_scoped3A_125 : memref<!tpu.dma_semaphore, #tpu.memory_space<semaphore_mem>>) src(%dma_wait3A_141 : memref<40x125xi32, #tpu.memory_space<hbm>>) dst(%arg8 : memref<40x125xi32, #tpu.memory_space<vmem>>)
      tpu.yield
    }) : () -> ()
    %dma_start3A = arith.constant 0 : i32
    %dma_start3A_2 = arith.constant 0 : i32
    %dma_start3A_3 = arith.constant 0 : i32
    %dma_start3A_4 = arith.constant 0 : i32
    %dma_start3A_5 = tpu.memref_slice %arg9[%dma_start3A_2, %dma_start3A_3, %dma_start3A_4] : memref<2x125x128xf32, #tpu.memory_space<vmem>> -> memref<1x125x128xf32, #tpu.memory_space<vmem>>
    %dma_start3A_6 = tpu.memref_squeeze %dma_start3A_5 : memref<1x125x128xf32, #tpu.memory_space<vmem>> -> memref<125x128xf32, #tpu.memory_space<vmem>>
    %dma_start3A_7 = arith.constant 0 : i32
    %dma_start3A_8 = tpu.memref_slice %arg7[%dma_start3A, %dma_start3A_7] : memref<40x125xi32, #tpu.memory_space<vmem>> -> memref<1x125xi32, #tpu.memory_space<vmem>>
    %dma_start3A_9 = tpu.memref_squeeze %dma_start3A_8 : memref<1x125xi32, #tpu.memory_space<vmem>> -> memref<125xi32, #tpu.memory_space<vmem>>
    %dma_start3A_10 = arith.constant 0 : i32
    %dma_start3A_11 = arith.constant 0 : i32
    %dma_start3A_12 = tpu.memref_slice %arg4[%dma_start3A_10, %dma_start3A_11] : memref<10000x128xf32, #tpu.memory_space<hbm>> -> memref<10000x128xf32, #tpu.memory_space<hbm>>
    tpu.enqueue_indirect_dma source(%dma_start3A_12 : memref<10000x128xf32, #tpu.memory_space<hbm>>) target(%dma_start3A_6 : memref<125x128xf32, #tpu.memory_space<vmem>>) offsets(%dma_start3A_9 : memref<125xi32, #tpu.memory_space<vmem>>) semaphore(%arg12 : memref<!tpu.dma_semaphore, #tpu.memory_space<semaphore_mem>>)
    %dma_start3A_13 = arith.constant 1 : i32
    %dma_start3A_14 = arith.constant 1 : i32
    %dma_start3A_15 = arith.constant 0 : i32
    %dma_start3A_16 = arith.constant 0 : i32
    %dma_start3A_17 = tpu.memref_slice %arg9[%dma_start3A_14, %dma_start3A_15, %dma_start3A_16] : memref<2x125x128xf32, #tpu.memory_space<vmem>> -> memref<1x125x128xf32, #tpu.memory_space<vmem>>
    %dma_start3A_18 = tpu.memref_squeeze %dma_start3A_17 : memref<1x125x128xf32, #tpu.memory_space<vmem>> -> memref<125x128xf32, #tpu.memory_space<vmem>>
    %dma_start3A_19 = arith.constant 0 : i32
    %dma_start3A_20 = tpu.memref_slice %arg7[%dma_start3A_13, %dma_start3A_19] : memref<40x125xi32, #tpu.memory_space<vmem>> -> memref<1x125xi32, #tpu.memory_space<vmem>>
    %dma_start3A_21 = tpu.memref_squeeze %dma_start3A_20 : memref<1x125xi32, #tpu.memory_space<vmem>> -> memref<125xi32, #tpu.memory_space<vmem>>
    %dma_start3A_22 = arith.constant 0 : i32
    %dma_start3A_23 = arith.constant 0 : i32
    %dma_start3A_24 = tpu.memref_slice %arg4[%dma_start3A_22, %dma_start3A_23] : memref<10000x128xf32, #tpu.memory_space<hbm>> -> memref<10000x128xf32, #tpu.memory_space<hbm>>
    tpu.enqueue_indirect_dma source(%dma_start3A_24 : memref<10000x128xf32, #tpu.memory_space<hbm>>) target(%dma_start3A_18 : memref<125x128xf32, #tpu.memory_space<vmem>>) offsets(%dma_start3A_21 : memref<125xi32, #tpu.memory_space<vmem>>) semaphore(%arg13 : memref<!tpu.dma_semaphore, #tpu.memory_space<semaphore_mem>>)
    "tpu.region"() ({
      %run_scoped3A_125 = tpu.sem_alloc : memref<!tpu.dma_semaphore, #tpu.memory_space<semaphore_mem>>
      tpu.enqueue_dma source(%arg5 : memref<40x128xf32, #tpu.memory_space<hbm>>) target(%arg10 : memref<40x128xf32, #tpu.memory_space<vmem>>) target_semaphore(%run_scoped3A_125 : memref<!tpu.dma_semaphore, #tpu.memory_space<semaphore_mem>>)
      tpu.wait_dma2 semaphore(%run_scoped3A_125 : memref<!tpu.dma_semaphore, #tpu.memory_space<semaphore_mem>>) src(%arg5 : memref<40x128xf32, #tpu.memory_space<hbm>>) dst(%arg10 : memref<40x128xf32, #tpu.memory_space<vmem>>)
      tpu.yield
    }) : () -> ()
    %lt3A = arith.constant 10 : i32
    %lt3A_25 = arith.cmpi slt, %arg1, %lt3A : i32
    %convert_element_type3A = arith.extui %lt3A_25 : i1 to i32
    %cond3A = arith.constant 0 : i32
    %cond3A_26 = arith.cmpi ne, %convert_element_type3A, %cond3A : i32
    scf.if %cond3A_26 {
      %mul3A_125 = arith.constant 1000 : i32
      %mul3A_126 = arith.muli %arg1, %mul3A_125 : i32
      %add3A_127 = arith.constant 0 : i32
      %add3A_128 = arith.addi %mul3A_126, %add3A_127 : i32
      "tpu.region"() ({
        %run_scoped3A_225 = tpu.sem_alloc : memref<!tpu.dma_semaphore, #tpu.memory_space<semaphore_mem>>
        %dma_start3A_226 = arith.constant 0 : i32
        %dma_start3A_227 = tpu.memref_slice %arg11[%add3A_128, %dma_start3A_226] : memref<10000x128xf32, #tpu.memory_space<vmem_shared>> -> memref<40x128xf32, #tpu.memory_space<vmem_shared>>
        %dma_start3A_228 = arith.constant 0 : i32
        %dma_start3A_229 = tpu.memref_slice %arg11[%add3A_128, %dma_start3A_228] : memref<10000x128xf32, #tpu.memory_space<vmem_shared>> -> memref<40x128xf32, #tpu.memory_space<vmem_shared>>
        tpu.enqueue_dma source(%arg10 : memref<40x128xf32, #tpu.memory_space<vmem>>) target(%dma_start3A_229 : memref<40x128xf32, #tpu.memory_space<vmem_shared>>) target_semaphore(%run_scoped3A_225 : memref<!tpu.dma_semaphore, #tpu.memory_space<semaphore_mem>>)
        %dma_wait3A_230 = arith.constant 0 : i32
        %dma_wait3A_231 = tpu.memref_slice %arg11[%add3A_128, %dma_wait3A_230] : memref<10000x128xf32, #tpu.memory_space<vmem_shared>> -> memref<40x128xf32, #tpu.memory_space<vmem_shared>>
        %dma_wait3A_232 = arith.constant 0 : i32
        %dma_wait3A_233 = tpu.memref_slice %arg11[%add3A_128, %dma_wait3A_232] : memref<10000x128xf32, #tpu.memory_space<vmem_shared>> -> memref<40x128xf32, #tpu.memory_space<vmem_shared>>
        tpu.wait_dma2 semaphore(%run_scoped3A_225 : memref<!tpu.dma_semaphore, #tpu.memory_space<semaphore_mem>>) src(%arg10 : memref<40x128xf32, #tpu.memory_space<vmem>>) dst(%dma_wait3A_233 : memref<40x128xf32, #tpu.memory_space<vmem_shared>>)
        tpu.yield
      }) : () -> ()
      %mul3A_129 = arith.constant 1000 : i32
      %mul3A_130 = arith.muli %arg1, %mul3A_129 : i32
      %add3A_131 = arith.constant 40 : i32
      %add3A_132 = arith.addi %mul3A_130, %add3A_131 : i32
      "tpu.region"() ({
        %run_scoped3A_225 = tpu.sem_alloc : memref<!tpu.dma_semaphore, #tpu.memory_space<semaphore_mem>>
        %dma_start3A_226 = arith.constant 0 : i32
        %dma_start3A_227 = tpu.memref_slice %arg11[%add3A_132, %dma_start3A_226] : memref<10000x128xf32, #tpu.memory_space<vmem_shared>> -> memref<40x128xf32, #tpu.memory_space<vmem_shared>>
        %dma_start3A_228 = arith.constant 0 : i32
        %dma_start3A_229 = tpu.memref_slice %arg11[%add3A_132, %dma_start3A_228] : memref<10000x128xf32, #tpu.memory_space<vmem_shared>> -> memref<40x128xf32, #tpu.memory_space<vmem_shared>>
        tpu.enqueue_dma source(%arg10 : memref<40x128xf32, #tpu.memory_space<vmem>>) target(%dma_start3A_229 : memref<40x128xf32, #tpu.memory_space<vmem_shared>>) target_semaphore(%run_scoped3A_225 : memref<!tpu.dma_semaphore, #tpu.memory_space<semaphore_mem>>)
        %dma_wait3A_230 = arith.constant 0 : i32
        %dma_wait3A_231 = tpu.memref_slice %arg11[%add3A_132, %dma_wait3A_230] : memref<10000x128xf32, #tpu.memory_space<vmem_shared>> -> memref<40x128xf32, #tpu.memory_space<vmem_shared>>
        %dma_wait3A_232 = arith.constant 0 : i32
        %dma_wait3A_233 = tpu.memref_slice %arg11[%add3A_132, %dma_wait3A_232] : memref<10000x128xf32, #tpu.memory_space<vmem_shared>> -> memref<40x128xf32, #tpu.memory_space<vmem_shared>>
        tpu.wait_dma2 semaphore(%run_scoped3A_225 : memref<!tpu.dma_semaphore, #tpu.memory_space<semaphore_mem>>) src(%arg10 : memref<40x128xf32, #tpu.memory_space<vmem>>) dst(%dma_wait3A_233 : memref<40x128xf32, #tpu.memory_space<vmem_shared>>)
        tpu.yield
      }) : () -> ()
      %mul3A_133 = arith.constant 1000 : i32
      %mul3A_134 = arith.muli %arg1, %mul3A_133 : i32
      %add3A_135 = arith.constant 80 : i32
      %add3A_136 = arith.addi %mul3A_134, %add3A_135 : i32
      "tpu.region"() ({
        %run_scoped3A_225 = tpu.sem_alloc : memref<!tpu.dma_semaphore, #tpu.memory_space<semaphore_mem>>
        %dma_start3A_226 = arith.constant 0 : i32
        %dma_start3A_227 = tpu.memref_slice %arg11[%add3A_136, %dma_start3A_226] : memref<10000x128xf32, #tpu.memory_space<vmem_shared>> -> memref<40x128xf32, #tpu.memory_space<vmem_shared>>
        %dma_start3A_228 = arith.constant 0 : i32
        %dma_start3A_229 = tpu.memref_slice %arg11[%add3A_136, %dma_start3A_228] : memref<10000x128xf32, #tpu.memory_space<vmem_shared>> -> memref<40x128xf32, #tpu.memory_space<vmem_shared>>
        tpu.enqueue_dma source(%arg10 : memref<40x128xf32, #tpu.memory_space<vmem>>) target(%dma_start3A_229 : memref<40x128xf32, #tpu.memory_space<vmem_shared>>) target_semaphore(%run_scoped3A_225 : memref<!tpu.dma_semaphore, #tpu.memory_space<semaphore_mem>>)
        %dma_wait3A_230 = arith.constant 0 : i32
        %dma_wait3A_231 = tpu.memref_slice %arg11[%add3A_136, %dma_wait3A_230] : memref<10000x128xf32, #tpu.memory_space<vmem_shared>> -> memref<40x128xf32, #tpu.memory_space<vmem_shared>>
        %dma_wait3A_232 = arith.constant 0 : i32
        %dma_wait3A_233 = tpu.memref_slice %arg11[%add3A_136, %dma_wait3A_232] : memref<10000x128xf32, #tpu.memory_space<vmem_shared>> -> memref<40x128xf32, #tpu.memory_space<vmem_shared>>
        tpu.wait_dma2 semaphore(%run_scoped3A_225 : memref<!tpu.dma_semaphore, #tpu.memory_space<semaphore_mem>>) src(%arg10 : memref<40x128xf32, #tpu.memory_space<vmem>>) dst(%dma_wait3A_233 : memref<40x128xf32, #tpu.memory_space<vmem_shared>>)
        tpu.yield
      }) : () -> ()
      %mul3A_137 = arith.constant 1000 : i32
      %mul3A_138 = arith.muli %arg1, %mul3A_137 : i32
      %add3A_139 = arith.constant 120 : i32
      %add3A_140 = arith.addi %mul3A_138, %add3A_139 : i32
      "tpu.region"() ({
        %run_scoped3A_225 = tpu.sem_alloc : memref<!tpu.dma_semaphore, #tpu.memory_space<semaphore_mem>>
        %dma_start3A_226 = arith.constant 0 : i32
        %dma_start3A_227 = tpu.memref_slice %arg11[%add3A_140, %dma_start3A_226] : memref<10000x128xf32, #tpu.memory_space<vmem_shared>> -> memref<40x128xf32, #tpu.memory_space<vmem_shared>>
        %dma_start3A_228 = arith.constant 0 : i32
        %dma_start3A_229 = tpu.memref_slice %arg11[%add3A_140, %dma_start3A_228] : memref<10000x128xf32, #tpu.memory_space<vmem_shared>> -> memref<40x128xf32, #tpu.memory_space<vmem_shared>>
        tpu.enqueue_dma source(%arg10 : memref<40x128xf32, #tpu.memory_space<vmem>>) target(%dma_start3A_229 : memref<40x128xf32, #tpu.memory_space<vmem_shared>>) target_semaphore(%run_scoped3A_225 : memref<!tpu.dma_semaphore, #tpu.memory_space<semaphore_mem>>)
        %dma_wait3A_230 = arith.constant 0 : i32
        %dma_wait3A_231 = tpu.memref_slice %arg11[%add3A_140, %dma_wait3A_230] : memref<10000x128xf32, #tpu.memory_space<vmem_shared>> -> memref<40x128xf32, #tpu.memory_space<vmem_shared>>
        %dma_wait3A_232 = arith.constant 0 : i32
        %dma_wait3A_233 = tpu.memref_slice %arg11[%add3A_140, %dma_wait3A_232] : memref<10000x128xf32, #tpu.memory_space<vmem_shared>> -> memref<40x128xf32, #tpu.memory_space<vmem_shared>>
        tpu.wait_dma2 semaphore(%run_scoped3A_225 : memref<!tpu.dma_semaphore, #tpu.memory_space<semaphore_mem>>) src(%arg10 : memref<40x128xf32, #tpu.memory_space<vmem>>) dst(%dma_wait3A_233 : memref<40x128xf32, #tpu.memory_space<vmem_shared>>)
        tpu.yield
      }) : () -> ()
      %mul3A_141 = arith.constant 1000 : i32
      %mul3A_142 = arith.muli %arg1, %mul3A_141 : i32
      %add3A_143 = arith.constant 160 : i32
      %add3A_144 = arith.addi %mul3A_142, %add3A_143 : i32
      "tpu.region"() ({
        %run_scoped3A_225 = tpu.sem_alloc : memref<!tpu.dma_semaphore, #tpu.memory_space<semaphore_mem>>
        %dma_start3A_226 = arith.constant 0 : i32
        %dma_start3A_227 = tpu.memref_slice %arg11[%add3A_144, %dma_start3A_226] : memref<10000x128xf32, #tpu.memory_space<vmem_shared>> -> memref<40x128xf32, #tpu.memory_space<vmem_shared>>
        %dma_start3A_228 = arith.constant 0 : i32
        %dma_start3A_229 = tpu.memref_slice %arg11[%add3A_144, %dma_start3A_228] : memref<10000x128xf32, #tpu.memory_space<vmem_shared>> -> memref<40x128xf32, #tpu.memory_space<vmem_shared>>
        tpu.enqueue_dma source(%arg10 : memref<40x128xf32, #tpu.memory_space<vmem>>) target(%dma_start3A_229 : memref<40x128xf32, #tpu.memory_space<vmem_shared>>) target_semaphore(%run_scoped3A_225 : memref<!tpu.dma_semaphore, #tpu.memory_space<semaphore_mem>>)
        %dma_wait3A_230 = arith.constant 0 : i32
        %dma_wait3A_231 = tpu.memref_slice %arg11[%add3A_144, %dma_wait3A_230] : memref<10000x128xf32, #tpu.memory_space<vmem_shared>> -> memref<40x128xf32, #tpu.memory_space<vmem_shared>>
        %dma_wait3A_232 = arith.constant 0 : i32
        %dma_wait3A_233 = tpu.memref_slice %arg11[%add3A_144, %dma_wait3A_232] : memref<10000x128xf32, #tpu.memory_space<vmem_shared>> -> memref<40x128xf32, #tpu.memory_space<vmem_shared>>
        tpu.wait_dma2 semaphore(%run_scoped3A_225 : memref<!tpu.dma_semaphore, #tpu.memory_space<semaphore_mem>>) src(%arg10 : memref<40x128xf32, #tpu.memory_space<vmem>>) dst(%dma_wait3A_233 : memref<40x128xf32, #tpu.memory_space<vmem_shared>>)
        tpu.yield
      }) : () -> ()
      %mul3A_145 = arith.constant 1000 : i32
      %mul3A_146 = arith.muli %arg1, %mul3A_145 : i32
      %add3A_147 = arith.constant 200 : i32
      %add3A_148 = arith.addi %mul3A_146, %add3A_147 : i32
      "tpu.region"() ({
        %run_scoped3A_225 = tpu.sem_alloc : memref<!tpu.dma_semaphore, #tpu.memory_space<semaphore_mem>>
        %dma_start3A_226 = arith.constant 0 : i32
        %dma_start3A_227 = tpu.memref_slice %arg11[%add3A_148, %dma_start3A_226] : memref<10000x128xf32, #tpu.memory_space<vmem_shared>> -> memref<40x128xf32, #tpu.memory_space<vmem_shared>>
        %dma_start3A_228 = arith.constant 0 : i32
        %dma_start3A_229 = tpu.memref_slice %arg11[%add3A_148, %dma_start3A_228] : memref<10000x128xf32, #tpu.memory_space<vmem_shared>> -> memref<40x128xf32, #tpu.memory_space<vmem_shared>>
        tpu.enqueue_dma source(%arg10 : memref<40x128xf32, #tpu.memory_space<vmem>>) target(%dma_start3A_229 : memref<40x128xf32, #tpu.memory_space<vmem_shared>>) target_semaphore(%run_scoped3A_225 : memref<!tpu.dma_semaphore, #tpu.memory_space<semaphore_mem>>)
        %dma_wait3A_230 = arith.constant 0 : i32
        %dma_wait3A_231 = tpu.memref_slice %arg11[%add3A_148, %dma_wait3A_230] : memref<10000x128xf32, #tpu.memory_space<vmem_shared>> -> memref<40x128xf32, #tpu.memory_space<vmem_shared>>
        %dma_wait3A_232 = arith.constant 0 : i32
        %dma_wait3A_233 = tpu.memref_slice %arg11[%add3A_148, %dma_wait3A_232] : memref<10000x128xf32, #tpu.memory_space<vmem_shared>> -> memref<40x128xf32, #tpu.memory_space<vmem_shared>>
        tpu.wait_dma2 semaphore(%run_scoped3A_225 : memref<!tpu.dma_semaphore, #tpu.memory_space<semaphore_mem>>) src(%arg10 : memref<40x128xf32, #tpu.memory_space<vmem>>) dst(%dma_wait3A_233 : memref<40x128xf32, #tpu.memory_space<vmem_shared>>)
        tpu.yield
      }) : () -> ()
      %mul3A_149 = arith.constant 1000 : i32
      %mul3A_150 = arith.muli %arg1, %mul3A_149 : i32
      %add3A_151 = arith.constant 240 : i32
      %add3A_152 = arith.addi %mul3A_150, %add3A_151 : i32
      "tpu.region"() ({
        %run_scoped3A_225 = tpu.sem_alloc : memref<!tpu.dma_semaphore, #tpu.memory_space<semaphore_mem>>
        %dma_start3A_226 = arith.constant 0 : i32
        %dma_start3A_227 = tpu.memref_slice %arg11[%add3A_152, %dma_start3A_226] : memref<10000x128xf32, #tpu.memory_space<vmem_shared>> -> memref<40x128xf32, #tpu.memory_space<vmem_shared>>
        %dma_start3A_228 = arith.constant 0 : i32
        %dma_start3A_229 = tpu.memref_slice %arg11[%add3A_152, %dma_start3A_228] : memref<10000x128xf32, #tpu.memory_space<vmem_shared>> -> memref<40x128xf32, #tpu.memory_space<vmem_shared>>
        tpu.enqueue_dma source(%arg10 : memref<40x128xf32, #tpu.memory_space<vmem>>) target(%dma_start3A_229 : memref<40x128xf32, #tpu.memory_space<vmem_shared>>) target_semaphore(%run_scoped3A_225 : memref<!tpu.dma_semaphore, #tpu.memory_space<semaphore_mem>>)
        %dma_wait3A_230 = arith.constant 0 : i32
        %dma_wait3A_231 = tpu.memref_slice %arg11[%add3A_152, %dma_wait3A_230] : memref<10000x128xf32, #tpu.memory_space<vmem_shared>> -> memref<40x128xf32, #tpu.memory_space<vmem_shared>>
        %dma_wait3A_232 = arith.constant 0 : i32
        %dma_wait3A_233 = tpu.memref_slice %arg11[%add3A_152, %dma_wait3A_232] : memref<10000x128xf32, #tpu.memory_space<vmem_shared>> -> memref<40x128xf32, #tpu.memory_space<vmem_shared>>
        tpu.wait_dma2 semaphore(%run_scoped3A_225 : memref<!tpu.dma_semaphore, #tpu.memory_space<semaphore_mem>>) src(%arg10 : memref<40x128xf32, #tpu.memory_space<vmem>>) dst(%dma_wait3A_233 : memref<40x128xf32, #tpu.memory_space<vmem_shared>>)
        tpu.yield
      }) : () -> ()
      %mul3A_153 = arith.constant 1000 : i32
      %mul3A_154 = arith.muli %arg1, %mul3A_153 : i32
      %add3A_155 = arith.constant 280 : i32
      %add3A_156 = arith.addi %mul3A_154, %add3A_155 : i32
      "tpu.region"() ({
        %run_scoped3A_225 = tpu.sem_alloc : memref<!tpu.dma_semaphore, #tpu.memory_space<semaphore_mem>>
        %dma_start3A_226 = arith.constant 0 : i32
        %dma_start3A_227 = tpu.memref_slice %arg11[%add3A_156, %dma_start3A_226] : memref<10000x128xf32, #tpu.memory_space<vmem_shared>> -> memref<40x128xf32, #tpu.memory_space<vmem_shared>>
        %dma_start3A_228 = arith.constant 0 : i32
        %dma_start3A_229 = tpu.memref_slice %arg11[%add3A_156, %dma_start3A_228] : memref<10000x128xf32, #tpu.memory_space<vmem_shared>> -> memref<40x128xf32, #tpu.memory_space<vmem_shared>>
        tpu.enqueue_dma source(%arg10 : memref<40x128xf32, #tpu.memory_space<vmem>>) target(%dma_start3A_229 : memref<40x128xf32, #tpu.memory_space<vmem_shared>>) target_semaphore(%run_scoped3A_225 : memref<!tpu.dma_semaphore, #tpu.memory_space<semaphore_mem>>)
        %dma_wait3A_230 = arith.constant 0 : i32
        %dma_wait3A_231 = tpu.memref_slice %arg11[%add3A_156, %dma_wait3A_230] : memref<10000x128xf32, #tpu.memory_space<vmem_shared>> -> memref<40x128xf32, #tpu.memory_space<vmem_shared>>
        %dma_wait3A_232 = arith.constant 0 : i32
        %dma_wait3A_233 = tpu.memref_slice %arg11[%add3A_156, %dma_wait3A_232] : memref<10000x128xf32, #tpu.memory_space<vmem_shared>> -> memref<40x128xf32, #tpu.memory_space<vmem_shared>>
        tpu.wait_dma2 semaphore(%run_scoped3A_225 : memref<!tpu.dma_semaphore, #tpu.memory_space<semaphore_mem>>) src(%arg10 : memref<40x128xf32, #tpu.memory_space<vmem>>) dst(%dma_wait3A_233 : memref<40x128xf32, #tpu.memory_space<vmem_shared>>)
        tpu.yield
      }) : () -> ()
      %mul3A_157 = arith.constant 1000 : i32
      %mul3A_158 = arith.muli %arg1, %mul3A_157 : i32
      %add3A_159 = arith.constant 320 : i32
      %add3A_160 = arith.addi %mul3A_158, %add3A_159 : i32
      "tpu.region"() ({
        %run_scoped3A_225 = tpu.sem_alloc : memref<!tpu.dma_semaphore, #tpu.memory_space<semaphore_mem>>
        %dma_start3A_226 = arith.constant 0 : i32
        %dma_start3A_227 = tpu.memref_slice %arg11[%add3A_160, %dma_start3A_226] : memref<10000x128xf32, #tpu.memory_space<vmem_shared>> -> memref<40x128xf32, #tpu.memory_space<vmem_shared>>
        %dma_start3A_228 = arith.constant 0 : i32
        %dma_start3A_229 = tpu.memref_slice %arg11[%add3A_160, %dma_start3A_228] : memref<10000x128xf32, #tpu.memory_space<vmem_shared>> -> memref<40x128xf32, #tpu.memory_space<vmem_shared>>
        tpu.enqueue_dma source(%arg10 : memref<40x128xf32, #tpu.memory_space<vmem>>) target(%dma_start3A_229 : memref<40x128xf32, #tpu.memory_space<vmem_shared>>) target_semaphore(%run_scoped3A_225 : memref<!tpu.dma_semaphore, #tpu.memory_space<semaphore_mem>>)
        %dma_wait3A_230 = arith.constant 0 : i32
        %dma_wait3A_231 = tpu.memref_slice %arg11[%add3A_160, %dma_wait3A_230] : memref<10000x128xf32, #tpu.memory_space<vmem_shared>> -> memref<40x128xf32, #tpu.memory_space<vmem_shared>>
        %dma_wait3A_232 = arith.constant 0 : i32
        %dma_wait3A_233 = tpu.memref_slice %arg11[%add3A_160, %dma_wait3A_232] : memref<10000x128xf32, #tpu.memory_space<vmem_shared>> -> memref<40x128xf32, #tpu.memory_space<vmem_shared>>
        tpu.wait_dma2 semaphore(%run_scoped3A_225 : memref<!tpu.dma_semaphore, #tpu.memory_space<semaphore_mem>>) src(%arg10 : memref<40x128xf32, #tpu.memory_space<vmem>>) dst(%dma_wait3A_233 : memref<40x128xf32, #tpu.memory_space<vmem_shared>>)
        tpu.yield
      }) : () -> ()
      %mul3A_161 = arith.constant 1000 : i32
      %mul3A_162 = arith.muli %arg1, %mul3A_161 : i32
      %add3A_163 = arith.constant 360 : i32
      %add3A_164 = arith.addi %mul3A_162, %add3A_163 : i32
      "tpu.region"() ({
        %run_scoped3A_225 = tpu.sem_alloc : memref<!tpu.dma_semaphore, #tpu.memory_space<semaphore_mem>>
        %dma_start3A_226 = arith.constant 0 : i32
        %dma_start3A_227 = tpu.memref_slice %arg11[%add3A_164, %dma_start3A_226] : memref<10000x128xf32, #tpu.memory_space<vmem_shared>> -> memref<40x128xf32, #tpu.memory_space<vmem_shared>>
        %dma_start3A_228 = arith.constant 0 : i32
        %dma_start3A_229 = tpu.memref_slice %arg11[%add3A_164, %dma_start3A_228] : memref<10000x128xf32, #tpu.memory_space<vmem_shared>> -> memref<40x128xf32, #tpu.memory_space<vmem_shared>>
        tpu.enqueue_dma source(%arg10 : memref<40x128xf32, #tpu.memory_space<vmem>>) target(%dma_start3A_229 : memref<40x128xf32, #tpu.memory_space<vmem_shared>>) target_semaphore(%run_scoped3A_225 : memref<!tpu.dma_semaphore, #tpu.memory_space<semaphore_mem>>)
        %dma_wait3A_230 = arith.constant 0 : i32
        %dma_wait3A_231 = tpu.memref_slice %arg11[%add3A_164, %dma_wait3A_230] : memref<10000x128xf32, #tpu.memory_space<vmem_shared>> -> memref<40x128xf32, #tpu.memory_space<vmem_shared>>
        %dma_wait3A_232 = arith.constant 0 : i32
        %dma_wait3A_233 = tpu.memref_slice %arg11[%add3A_164, %dma_wait3A_232] : memref<10000x128xf32, #tpu.memory_space<vmem_shared>> -> memref<40x128xf32, #tpu.memory_space<vmem_shared>>
        tpu.wait_dma2 semaphore(%run_scoped3A_225 : memref<!tpu.dma_semaphore, #tpu.memory_space<semaphore_mem>>) src(%arg10 : memref<40x128xf32, #tpu.memory_space<vmem>>) dst(%dma_wait3A_233 : memref<40x128xf32, #tpu.memory_space<vmem_shared>>)
        tpu.yield
      }) : () -> ()
      %mul3A_165 = arith.constant 1000 : i32
      %mul3A_166 = arith.muli %arg1, %mul3A_165 : i32
      %add3A_167 = arith.constant 400 : i32
      %add3A_168 = arith.addi %mul3A_166, %add3A_167 : i32
      "tpu.region"() ({
        %run_scoped3A_225 = tpu.sem_alloc : memref<!tpu.dma_semaphore, #tpu.memory_space<semaphore_mem>>
        %dma_start3A_226 = arith.constant 0 : i32
        %dma_start3A_227 = tpu.memref_slice %arg11[%add3A_168, %dma_start3A_226] : memref<10000x128xf32, #tpu.memory_space<vmem_shared>> -> memref<40x128xf32, #tpu.memory_space<vmem_shared>>
        %dma_start3A_228 = arith.constant 0 : i32
        %dma_start3A_229 = tpu.memref_slice %arg11[%add3A_168, %dma_start3A_228] : memref<10000x128xf32, #tpu.memory_space<vmem_shared>> -> memref<40x128xf32, #tpu.memory_space<vmem_shared>>
        tpu.enqueue_dma source(%arg10 : memref<40x128xf32, #tpu.memory_space<vmem>>) target(%dma_start3A_229 : memref<40x128xf32, #tpu.memory_space<vmem_shared>>) target_semaphore(%run_scoped3A_225 : memref<!tpu.dma_semaphore, #tpu.memory_space<semaphore_mem>>)
        %dma_wait3A_230 = arith.constant 0 : i32
        %dma_wait3A_231 = tpu.memref_slice %arg11[%add3A_168, %dma_wait3A_230] : memref<10000x128xf32, #tpu.memory_space<vmem_shared>> -> memref<40x128xf32, #tpu.memory_space<vmem_shared>>
        %dma_wait3A_232 = arith.constant 0 : i32
        %dma_wait3A_233 = tpu.memref_slice %arg11[%add3A_168, %dma_wait3A_232] : memref<10000x128xf32, #tpu.memory_space<vmem_shared>> -> memref<40x128xf32, #tpu.memory_space<vmem_shared>>
        tpu.wait_dma2 semaphore(%run_scoped3A_225 : memref<!tpu.dma_semaphore, #tpu.memory_space<semaphore_mem>>) src(%arg10 : memref<40x128xf32, #tpu.memory_space<vmem>>) dst(%dma_wait3A_233 : memref<40x128xf32, #tpu.memory_space<vmem_shared>>)
        tpu.yield
      }) : () -> ()
      %mul3A_169 = arith.constant 1000 : i32
      %mul3A_170 = arith.muli %arg1, %mul3A_169 : i32
      %add3A_171 = arith.constant 440 : i32
      %add3A_172 = arith.addi %mul3A_170, %add3A_171 : i32
      "tpu.region"() ({
        %run_scoped3A_225 = tpu.sem_alloc : memref<!tpu.dma_semaphore, #tpu.memory_space<semaphore_mem>>
        %dma_start3A_226 = arith.constant 0 : i32
        %dma_start3A_227 = tpu.memref_slice %arg11[%add3A_172, %dma_start3A_226] : memref<10000x128xf32, #tpu.memory_space<vmem_shared>> -> memref<40x128xf32, #tpu.memory_space<vmem_shared>>
        %dma_start3A_228 = arith.constant 0 : i32
        %dma_start3A_229 = tpu.memref_slice %arg11[%add3A_172, %dma_start3A_228] : memref<10000x128xf32, #tpu.memory_space<vmem_shared>> -> memref<40x128xf32, #tpu.memory_space<vmem_shared>>
        tpu.enqueue_dma source(%arg10 : memref<40x128xf32, #tpu.memory_space<vmem>>) target(%dma_start3A_229 : memref<40x128xf32, #tpu.memory_space<vmem_shared>>) target_semaphore(%run_scoped3A_225 : memref<!tpu.dma_semaphore, #tpu.memory_space<semaphore_mem>>)
        %dma_wait3A_230 = arith.constant 0 : i32
        %dma_wait3A_231 = tpu.memref_slice %arg11[%add3A_172, %dma_wait3A_230] : memref<10000x128xf32, #tpu.memory_space<vmem_shared>> -> memref<40x128xf32, #tpu.memory_space<vmem_shared>>
        %dma_wait3A_232 = arith.constant 0 : i32
        %dma_wait3A_233 = tpu.memref_slice %arg11[%add3A_172, %dma_wait3A_232] : memref<10000x128xf32, #tpu.memory_space<vmem_shared>> -> memref<40x128xf32, #tpu.memory_space<vmem_shared>>
        tpu.wait_dma2 semaphore(%run_scoped3A_225 : memref<!tpu.dma_semaphore, #tpu.memory_space<semaphore_mem>>) src(%arg10 : memref<40x128xf32, #tpu.memory_space<vmem>>) dst(%dma_wait3A_233 : memref<40x128xf32, #tpu.memory_space<vmem_shared>>)
        tpu.yield
      }) : () -> ()
      %mul3A_173 = arith.constant 1000 : i32
      %mul3A_174 = arith.muli %arg1, %mul3A_173 : i32
      %add3A_175 = arith.constant 480 : i32
      %add3A_176 = arith.addi %mul3A_174, %add3A_175 : i32
      "tpu.region"() ({
        %run_scoped3A_225 = tpu.sem_alloc : memref<!tpu.dma_semaphore, #tpu.memory_space<semaphore_mem>>
        %dma_start3A_226 = arith.constant 0 : i32
        %dma_start3A_227 = tpu.memref_slice %arg11[%add3A_176, %dma_start3A_226] : memref<10000x128xf32, #tpu.memory_space<vmem_shared>> -> memref<40x128xf32, #tpu.memory_space<vmem_shared>>
        %dma_start3A_228 = arith.constant 0 : i32
        %dma_start3A_229 = tpu.memref_slice %arg11[%add3A_176, %dma_start3A_228] : memref<10000x128xf32, #tpu.memory_space<vmem_shared>> -> memref<40x128xf32, #tpu.memory_space<vmem_shared>>
        tpu.enqueue_dma source(%arg10 : memref<40x128xf32, #tpu.memory_space<vmem>>) target(%dma_start3A_229 : memref<40x128xf32, #tpu.memory_space<vmem_shared>>) target_semaphore(%run_scoped3A_225 : memref<!tpu.dma_semaphore, #tpu.memory_space<semaphore_mem>>)
        %dma_wait3A_230 = arith.constant 0 : i32
        %dma_wait3A_231 = tpu.memref_slice %arg11[%add3A_176, %dma_wait3A_230] : memref<10000x128xf32, #tpu.memory_space<vmem_shared>> -> memref<40x128xf32, #tpu.memory_space<vmem_shared>>
        %dma_wait3A_232 = arith.constant 0 : i32
        %dma_wait3A_233 = tpu.memref_slice %arg11[%add3A_176, %dma_wait3A_232] : memref<10000x128xf32, #tpu.memory_space<vmem_shared>> -> memref<40x128xf32, #tpu.memory_space<vmem_shared>>
        tpu.wait_dma2 semaphore(%run_scoped3A_225 : memref<!tpu.dma_semaphore, #tpu.memory_space<semaphore_mem>>) src(%arg10 : memref<40x128xf32, #tpu.memory_space<vmem>>) dst(%dma_wait3A_233 : memref<40x128xf32, #tpu.memory_space<vmem_shared>>)
        tpu.yield
      }) : () -> ()
      %mul3A_177 = arith.constant 1000 : i32
      %mul3A_178 = arith.muli %arg1, %mul3A_177 : i32
      %add3A_179 = arith.constant 520 : i32
      %add3A_180 = arith.addi %mul3A_178, %add3A_179 : i32
      "tpu.region"() ({
        %run_scoped3A_225 = tpu.sem_alloc : memref<!tpu.dma_semaphore, #tpu.memory_space<semaphore_mem>>
        %dma_start3A_226 = arith.constant 0 : i32
        %dma_start3A_227 = tpu.memref_slice %arg11[%add3A_180, %dma_start3A_226] : memref<10000x128xf32, #tpu.memory_space<vmem_shared>> -> memref<40x128xf32, #tpu.memory_space<vmem_shared>>
        %dma_start3A_228 = arith.constant 0 : i32
        %dma_start3A_229 = tpu.memref_slice %arg11[%add3A_180, %dma_start3A_228] : memref<10000x128xf32, #tpu.memory_space<vmem_shared>> -> memref<40x128xf32, #tpu.memory_space<vmem_shared>>
        tpu.enqueue_dma source(%arg10 : memref<40x128xf32, #tpu.memory_space<vmem>>) target(%dma_start3A_229 : memref<40x128xf32, #tpu.memory_space<vmem_shared>>) target_semaphore(%run_scoped3A_225 : memref<!tpu.dma_semaphore, #tpu.memory_space<semaphore_mem>>)
        %dma_wait3A_230 = arith.constant 0 : i32
        %dma_wait3A_231 = tpu.memref_slice %arg11[%add3A_180, %dma_wait3A_230] : memref<10000x128xf32, #tpu.memory_space<vmem_shared>> -> memref<40x128xf32, #tpu.memory_space<vmem_shared>>
        %dma_wait3A_232 = arith.constant 0 : i32
        %dma_wait3A_233 = tpu.memref_slice %arg11[%add3A_180, %dma_wait3A_232] : memref<10000x128xf32, #tpu.memory_space<vmem_shared>> -> memref<40x128xf32, #tpu.memory_space<vmem_shared>>
        tpu.wait_dma2 semaphore(%run_scoped3A_225 : memref<!tpu.dma_semaphore, #tpu.memory_space<semaphore_mem>>) src(%arg10 : memref<40x128xf32, #tpu.memory_space<vmem>>) dst(%dma_wait3A_233 : memref<40x128xf32, #tpu.memory_space<vmem_shared>>)
        tpu.yield
      }) : () -> ()
      %mul3A_181 = arith.constant 1000 : i32
      %mul3A_182 = arith.muli %arg1, %mul3A_181 : i32
      %add3A_183 = arith.constant 560 : i32
      %add3A_184 = arith.addi %mul3A_182, %add3A_183 : i32
      "tpu.region"() ({
        %run_scoped3A_225 = tpu.sem_alloc : memref<!tpu.dma_semaphore, #tpu.memory_space<semaphore_mem>>
        %dma_start3A_226 = arith.constant 0 : i32
        %dma_start3A_227 = tpu.memref_slice %arg11[%add3A_184, %dma_start3A_226] : memref<10000x128xf32, #tpu.memory_space<vmem_shared>> -> memref<40x128xf32, #tpu.memory_space<vmem_shared>>
        %dma_start3A_228 = arith.constant 0 : i32
        %dma_start3A_229 = tpu.memref_slice %arg11[%add3A_184, %dma_start3A_228] : memref<10000x128xf32, #tpu.memory_space<vmem_shared>> -> memref<40x128xf32, #tpu.memory_space<vmem_shared>>
        tpu.enqueue_dma source(%arg10 : memref<40x128xf32, #tpu.memory_space<vmem>>) target(%dma_start3A_229 : memref<40x128xf32, #tpu.memory_space<vmem_shared>>) target_semaphore(%run_scoped3A_225 : memref<!tpu.dma_semaphore, #tpu.memory_space<semaphore_mem>>)
        %dma_wait3A_230 = arith.constant 0 : i32
        %dma_wait3A_231 = tpu.memref_slice %arg11[%add3A_184, %dma_wait3A_230] : memref<10000x128xf32, #tpu.memory_space<vmem_shared>> -> memref<40x128xf32, #tpu.memory_space<vmem_shared>>
        %dma_wait3A_232 = arith.constant 0 : i32
        %dma_wait3A_233 = tpu.memref_slice %arg11[%add3A_184, %dma_wait3A_232] : memref<10000x128xf32, #tpu.memory_space<vmem_shared>> -> memref<40x128xf32, #tpu.memory_space<vmem_shared>>
        tpu.wait_dma2 semaphore(%run_scoped3A_225 : memref<!tpu.dma_semaphore, #tpu.memory_space<semaphore_mem>>) src(%arg10 : memref<40x128xf32, #tpu.memory_space<vmem>>) dst(%dma_wait3A_233 : memref<40x128xf32, #tpu.memory_space<vmem_shared>>)
        tpu.yield
      }) : () -> ()
      %mul3A_185 = arith.constant 1000 : i32
      %mul3A_186 = arith.muli %arg1, %mul3A_185 : i32
      %add3A_187 = arith.constant 600 : i32
      %add3A_188 = arith.addi %mul3A_186, %add3A_187 : i32
      "tpu.region"() ({
        %run_scoped3A_225 = tpu.sem_alloc : memref<!tpu.dma_semaphore, #tpu.memory_space<semaphore_mem>>
        %dma_start3A_226 = arith.constant 0 : i32
        %dma_start3A_227 = tpu.memref_slice %arg11[%add3A_188, %dma_start3A_226] : memref<10000x128xf32, #tpu.memory_space<vmem_shared>> -> memref<40x128xf32, #tpu.memory_space<vmem_shared>>
        %dma_start3A_228 = arith.constant 0 : i32
        %dma_start3A_229 = tpu.memref_slice %arg11[%add3A_188, %dma_start3A_228] : memref<10000x128xf32, #tpu.memory_space<vmem_shared>> -> memref<40x128xf32, #tpu.memory_space<vmem_shared>>
        tpu.enqueue_dma source(%arg10 : memref<40x128xf32, #tpu.memory_space<vmem>>) target(%dma_start3A_229 : memref<40x128xf32, #tpu.memory_space<vmem_shared>>) target_semaphore(%run_scoped3A_225 : memref<!tpu.dma_semaphore, #tpu.memory_space<semaphore_mem>>)
        %dma_wait3A_230 = arith.constant 0 : i32
        %dma_wait3A_231 = tpu.memref_slice %arg11[%add3A_188, %dma_wait3A_230] : memref<10000x128xf32, #tpu.memory_space<vmem_shared>> -> memref<40x128xf32, #tpu.memory_space<vmem_shared>>
        %dma_wait3A_232 = arith.constant 0 : i32
        %dma_wait3A_233 = tpu.memref_slice %arg11[%add3A_188, %dma_wait3A_232] : memref<10000x128xf32, #tpu.memory_space<vmem_shared>> -> memref<40x128xf32, #tpu.memory_space<vmem_shared>>
        tpu.wait_dma2 semaphore(%run_scoped3A_225 : memref<!tpu.dma_semaphore, #tpu.memory_space<semaphore_mem>>) src(%arg10 : memref<40x128xf32, #tpu.memory_space<vmem>>) dst(%dma_wait3A_233 : memref<40x128xf32, #tpu.memory_space<vmem_shared>>)
        tpu.yield
      }) : () -> ()
      %mul3A_189 = arith.constant 1000 : i32
      %mul3A_190 = arith.muli %arg1, %mul3A_189 : i32
      %add3A_191 = arith.constant 640 : i32
      %add3A_192 = arith.addi %mul3A_190, %add3A_191 : i32
      "tpu.region"() ({
        %run_scoped3A_225 = tpu.sem_alloc : memref<!tpu.dma_semaphore, #tpu.memory_space<semaphore_mem>>
        %dma_start3A_226 = arith.constant 0 : i32
        %dma_start3A_227 = tpu.memref_slice %arg11[%add3A_192, %dma_start3A_226] : memref<10000x128xf32, #tpu.memory_space<vmem_shared>> -> memref<40x128xf32, #tpu.memory_space<vmem_shared>>
        %dma_start3A_228 = arith.constant 0 : i32
        %dma_start3A_229 = tpu.memref_slice %arg11[%add3A_192, %dma_start3A_228] : memref<10000x128xf32, #tpu.memory_space<vmem_shared>> -> memref<40x128xf32, #tpu.memory_space<vmem_shared>>
        tpu.enqueue_dma source(%arg10 : memref<40x128xf32, #tpu.memory_space<vmem>>) target(%dma_start3A_229 : memref<40x128xf32, #tpu.memory_space<vmem_shared>>) target_semaphore(%run_scoped3A_225 : memref<!tpu.dma_semaphore, #tpu.memory_space<semaphore_mem>>)
        %dma_wait3A_230 = arith.constant 0 : i32
        %dma_wait3A_231 = tpu.memref_slice %arg11[%add3A_192, %dma_wait3A_230] : memref<10000x128xf32, #tpu.memory_space<vmem_shared>> -> memref<40x128xf32, #tpu.memory_space<vmem_shared>>
        %dma_wait3A_232 = arith.constant 0 : i32
        %dma_wait3A_233 = tpu.memref_slice %arg11[%add3A_192, %dma_wait3A_232] : memref<10000x128xf32, #tpu.memory_space<vmem_shared>> -> memref<40x128xf32, #tpu.memory_space<vmem_shared>>
        tpu.wait_dma2 semaphore(%run_scoped3A_225 : memref<!tpu.dma_semaphore, #tpu.memory_space<semaphore_mem>>) src(%arg10 : memref<40x128xf32, #tpu.memory_space<vmem>>) dst(%dma_wait3A_233 : memref<40x128xf32, #tpu.memory_space<vmem_shared>>)
        tpu.yield
      }) : () -> ()
      %mul3A_193 = arith.constant 1000 : i32
      %mul3A_194 = arith.muli %arg1, %mul3A_193 : i32
      %add3A_195 = arith.constant 680 : i32
      %add3A_196 = arith.addi %mul3A_194, %add3A_195 : i32
      "tpu.region"() ({
        %run_scoped3A_225 = tpu.sem_alloc : memref<!tpu.dma_semaphore, #tpu.memory_space<semaphore_mem>>
        %dma_start3A_226 = arith.constant 0 : i32
        %dma_start3A_227 = tpu.memref_slice %arg11[%add3A_196, %dma_start3A_226] : memref<10000x128xf32, #tpu.memory_space<vmem_shared>> -> memref<40x128xf32, #tpu.memory_space<vmem_shared>>
        %dma_start3A_228 = arith.constant 0 : i32
        %dma_start3A_229 = tpu.memref_slice %arg11[%add3A_196, %dma_start3A_228] : memref<10000x128xf32, #tpu.memory_space<vmem_shared>> -> memref<40x128xf32, #tpu.memory_space<vmem_shared>>
        tpu.enqueue_dma source(%arg10 : memref<40x128xf32, #tpu.memory_space<vmem>>) target(%dma_start3A_229 : memref<40x128xf32, #tpu.memory_space<vmem_shared>>) target_semaphore(%run_scoped3A_225 : memref<!tpu.dma_semaphore, #tpu.memory_space<semaphore_mem>>)
        %dma_wait3A_230 = arith.constant 0 : i32
        %dma_wait3A_231 = tpu.memref_slice %arg11[%add3A_196, %dma_wait3A_230] : memref<10000x128xf32, #tpu.memory_space<vmem_shared>> -> memref<40x128xf32, #tpu.memory_space<vmem_shared>>
        %dma_wait3A_232 = arith.constant 0 : i32
        %dma_wait3A_233 = tpu.memref_slice %arg11[%add3A_196, %dma_wait3A_232] : memref<10000x128xf32, #tpu.memory_space<vmem_shared>> -> memref<40x128xf32, #tpu.memory_space<vmem_shared>>
        tpu.wait_dma2 semaphore(%run_scoped3A_225 : memref<!tpu.dma_semaphore, #tpu.memory_space<semaphore_mem>>) src(%arg10 : memref<40x128xf32, #tpu.memory_space<vmem>>) dst(%dma_wait3A_233 : memref<40x128xf32, #tpu.memory_space<vmem_shared>>)
        tpu.yield
      }) : () -> ()
      %mul3A_197 = arith.constant 1000 : i32
      %mul3A_198 = arith.muli %arg1, %mul3A_197 : i32
      %add3A_199 = arith.constant 720 : i32
      %add3A_200 = arith.addi %mul3A_198, %add3A_199 : i32
      "tpu.region"() ({
        %run_scoped3A_225 = tpu.sem_alloc : memref<!tpu.dma_semaphore, #tpu.memory_space<semaphore_mem>>
        %dma_start3A_226 = arith.constant 0 : i32
        %dma_start3A_227 = tpu.memref_slice %arg11[%add3A_200, %dma_start3A_226] : memref<10000x128xf32, #tpu.memory_space<vmem_shared>> -> memref<40x128xf32, #tpu.memory_space<vmem_shared>>
        %dma_start3A_228 = arith.constant 0 : i32
        %dma_start3A_229 = tpu.memref_slice %arg11[%add3A_200, %dma_start3A_228] : memref<10000x128xf32, #tpu.memory_space<vmem_shared>> -> memref<40x128xf32, #tpu.memory_space<vmem_shared>>
        tpu.enqueue_dma source(%arg10 : memref<40x128xf32, #tpu.memory_space<vmem>>) target(%dma_start3A_229 : memref<40x128xf32, #tpu.memory_space<vmem_shared>>) target_semaphore(%run_scoped3A_225 : memref<!tpu.dma_semaphore, #tpu.memory_space<semaphore_mem>>)
        %dma_wait3A_230 = arith.constant 0 : i32
        %dma_wait3A_231 = tpu.memref_slice %arg11[%add3A_200, %dma_wait3A_230] : memref<10000x128xf32, #tpu.memory_space<vmem_shared>> -> memref<40x128xf32, #tpu.memory_space<vmem_shared>>
        %dma_wait3A_232 = arith.constant 0 : i32
        %dma_wait3A_233 = tpu.memref_slice %arg11[%add3A_200, %dma_wait3A_232] : memref<10000x128xf32, #tpu.memory_space<vmem_shared>> -> memref<40x128xf32, #tpu.memory_space<vmem_shared>>
        tpu.wait_dma2 semaphore(%run_scoped3A_225 : memref<!tpu.dma_semaphore, #tpu.memory_space<semaphore_mem>>) src(%arg10 : memref<40x128xf32, #tpu.memory_space<vmem>>) dst(%dma_wait3A_233 : memref<40x128xf32, #tpu.memory_space<vmem_shared>>)
        tpu.yield
      }) : () -> ()
      %mul3A_201 = arith.constant 1000 : i32
      %mul3A_202 = arith.muli %arg1, %mul3A_201 : i32
      %add3A_203 = arith.constant 760 : i32
      %add3A_204 = arith.addi %mul3A_202, %add3A_203 : i32
      "tpu.region"() ({
        %run_scoped3A_225 = tpu.sem_alloc : memref<!tpu.dma_semaphore, #tpu.memory_space<semaphore_mem>>
        %dma_start3A_226 = arith.constant 0 : i32
        %dma_start3A_227 = tpu.memref_slice %arg11[%add3A_204, %dma_start3A_226] : memref<10000x128xf32, #tpu.memory_space<vmem_shared>> -> memref<40x128xf32, #tpu.memory_space<vmem_shared>>
        %dma_start3A_228 = arith.constant 0 : i32
        %dma_start3A_229 = tpu.memref_slice %arg11[%add3A_204, %dma_start3A_228] : memref<10000x128xf32, #tpu.memory_space<vmem_shared>> -> memref<40x128xf32, #tpu.memory_space<vmem_shared>>
        tpu.enqueue_dma source(%arg10 : memref<40x128xf32, #tpu.memory_space<vmem>>) target(%dma_start3A_229 : memref<40x128xf32, #tpu.memory_space<vmem_shared>>) target_semaphore(%run_scoped3A_225 : memref<!tpu.dma_semaphore, #tpu.memory_space<semaphore_mem>>)
        %dma_wait3A_230 = arith.constant 0 : i32
        %dma_wait3A_231 = tpu.memref_slice %arg11[%add3A_204, %dma_wait3A_230] : memref<10000x128xf32, #tpu.memory_space<vmem_shared>> -> memref<40x128xf32, #tpu.memory_space<vmem_shared>>
        %dma_wait3A_232 = arith.constant 0 : i32
        %dma_wait3A_233 = tpu.memref_slice %arg11[%add3A_204, %dma_wait3A_232] : memref<10000x128xf32, #tpu.memory_space<vmem_shared>> -> memref<40x128xf32, #tpu.memory_space<vmem_shared>>
        tpu.wait_dma2 semaphore(%run_scoped3A_225 : memref<!tpu.dma_semaphore, #tpu.memory_space<semaphore_mem>>) src(%arg10 : memref<40x128xf32, #tpu.memory_space<vmem>>) dst(%dma_wait3A_233 : memref<40x128xf32, #tpu.memory_space<vmem_shared>>)
        tpu.yield
      }) : () -> ()
      %mul3A_205 = arith.constant 1000 : i32
      %mul3A_206 = arith.muli %arg1, %mul3A_205 : i32
      %add3A_207 = arith.constant 800 : i32
      %add3A_208 = arith.addi %mul3A_206, %add3A_207 : i32
      "tpu.region"() ({
        %run_scoped3A_225 = tpu.sem_alloc : memref<!tpu.dma_semaphore, #tpu.memory_space<semaphore_mem>>
        %dma_start3A_226 = arith.constant 0 : i32
        %dma_start3A_227 = tpu.memref_slice %arg11[%add3A_208, %dma_start3A_226] : memref<10000x128xf32, #tpu.memory_space<vmem_shared>> -> memref<40x128xf32, #tpu.memory_space<vmem_shared>>
        %dma_start3A_228 = arith.constant 0 : i32
        %dma_start3A_229 = tpu.memref_slice %arg11[%add3A_208, %dma_start3A_228] : memref<10000x128xf32, #tpu.memory_space<vmem_shared>> -> memref<40x128xf32, #tpu.memory_space<vmem_shared>>
        tpu.enqueue_dma source(%arg10 : memref<40x128xf32, #tpu.memory_space<vmem>>) target(%dma_start3A_229 : memref<40x128xf32, #tpu.memory_space<vmem_shared>>) target_semaphore(%run_scoped3A_225 : memref<!tpu.dma_semaphore, #tpu.memory_space<semaphore_mem>>)
        %dma_wait3A_230 = arith.constant 0 : i32
        %dma_wait3A_231 = tpu.memref_slice %arg11[%add3A_208, %dma_wait3A_230] : memref<10000x128xf32, #tpu.memory_space<vmem_shared>> -> memref<40x128xf32, #tpu.memory_space<vmem_shared>>
        %dma_wait3A_232 = arith.constant 0 : i32
        %dma_wait3A_233 = tpu.memref_slice %arg11[%add3A_208, %dma_wait3A_232] : memref<10000x128xf32, #tpu.memory_space<vmem_shared>> -> memref<40x128xf32, #tpu.memory_space<vmem_shared>>
        tpu.wait_dma2 semaphore(%run_scoped3A_225 : memref<!tpu.dma_semaphore, #tpu.memory_space<semaphore_mem>>) src(%arg10 : memref<40x128xf32, #tpu.memory_space<vmem>>) dst(%dma_wait3A_233 : memref<40x128xf32, #tpu.memory_space<vmem_shared>>)
        tpu.yield
      }) : () -> ()
      %mul3A_209 = arith.constant 1000 : i32
      %mul3A_210 = arith.muli %arg1, %mul3A_209 : i32
      %add3A_211 = arith.constant 840 : i32
      %add3A_212 = arith.addi %mul3A_210, %add3A_211 : i32
      "tpu.region"() ({
        %run_scoped3A_225 = tpu.sem_alloc : memref<!tpu.dma_semaphore, #tpu.memory_space<semaphore_mem>>
        %dma_start3A_226 = arith.constant 0 : i32
        %dma_start3A_227 = tpu.memref_slice %arg11[%add3A_212, %dma_start3A_226] : memref<10000x128xf32, #tpu.memory_space<vmem_shared>> -> memref<40x128xf32, #tpu.memory_space<vmem_shared>>
        %dma_start3A_228 = arith.constant 0 : i32
        %dma_start3A_229 = tpu.memref_slice %arg11[%add3A_212, %dma_start3A_228] : memref<10000x128xf32, #tpu.memory_space<vmem_shared>> -> memref<40x128xf32, #tpu.memory_space<vmem_shared>>
        tpu.enqueue_dma source(%arg10 : memref<40x128xf32, #tpu.memory_space<vmem>>) target(%dma_start3A_229 : memref<40x128xf32, #tpu.memory_space<vmem_shared>>) target_semaphore(%run_scoped3A_225 : memref<!tpu.dma_semaphore, #tpu.memory_space<semaphore_mem>>)
        %dma_wait3A_230 = arith.constant 0 : i32
        %dma_wait3A_231 = tpu.memref_slice %arg11[%add3A_212, %dma_wait3A_230] : memref<10000x128xf32, #tpu.memory_space<vmem_shared>> -> memref<40x128xf32, #tpu.memory_space<vmem_shared>>
        %dma_wait3A_232 = arith.constant 0 : i32
        %dma_wait3A_233 = tpu.memref_slice %arg11[%add3A_212, %dma_wait3A_232] : memref<10000x128xf32, #tpu.memory_space<vmem_shared>> -> memref<40x128xf32, #tpu.memory_space<vmem_shared>>
        tpu.wait_dma2 semaphore(%run_scoped3A_225 : memref<!tpu.dma_semaphore, #tpu.memory_space<semaphore_mem>>) src(%arg10 : memref<40x128xf32, #tpu.memory_space<vmem>>) dst(%dma_wait3A_233 : memref<40x128xf32, #tpu.memory_space<vmem_shared>>)
        tpu.yield
      }) : () -> ()
      %mul3A_213 = arith.constant 1000 : i32
      %mul3A_214 = arith.muli %arg1, %mul3A_213 : i32
      %add3A_215 = arith.constant 880 : i32
      %add3A_216 = arith.addi %mul3A_214, %add3A_215 : i32
      "tpu.region"() ({
        %run_scoped3A_225 = tpu.sem_alloc : memref<!tpu.dma_semaphore, #tpu.memory_space<semaphore_mem>>
        %dma_start3A_226 = arith.constant 0 : i32
        %dma_start3A_227 = tpu.memref_slice %arg11[%add3A_216, %dma_start3A_226] : memref<10000x128xf32, #tpu.memory_space<vmem_shared>> -> memref<40x128xf32, #tpu.memory_space<vmem_shared>>
        %dma_start3A_228 = arith.constant 0 : i32
        %dma_start3A_229 = tpu.memref_slice %arg11[%add3A_216, %dma_start3A_228] : memref<10000x128xf32, #tpu.memory_space<vmem_shared>> -> memref<40x128xf32, #tpu.memory_space<vmem_shared>>
        tpu.enqueue_dma source(%arg10 : memref<40x128xf32, #tpu.memory_space<vmem>>) target(%dma_start3A_229 : memref<40x128xf32, #tpu.memory_space<vmem_shared>>) target_semaphore(%run_scoped3A_225 : memref<!tpu.dma_semaphore, #tpu.memory_space<semaphore_mem>>)
        %dma_wait3A_230 = arith.constant 0 : i32
        %dma_wait3A_231 = tpu.memref_slice %arg11[%add3A_216, %dma_wait3A_230] : memref<10000x128xf32, #tpu.memory_space<vmem_shared>> -> memref<40x128xf32, #tpu.memory_space<vmem_shared>>
        %dma_wait3A_232 = arith.constant 0 : i32
        %dma_wait3A_233 = tpu.memref_slice %arg11[%add3A_216, %dma_wait3A_232] : memref<10000x128xf32, #tpu.memory_space<vmem_shared>> -> memref<40x128xf32, #tpu.memory_space<vmem_shared>>
        tpu.wait_dma2 semaphore(%run_scoped3A_225 : memref<!tpu.dma_semaphore, #tpu.memory_space<semaphore_mem>>) src(%arg10 : memref<40x128xf32, #tpu.memory_space<vmem>>) dst(%dma_wait3A_233 : memref<40x128xf32, #tpu.memory_space<vmem_shared>>)
        tpu.yield
      }) : () -> ()
      %mul3A_217 = arith.constant 1000 : i32
      %mul3A_218 = arith.muli %arg1, %mul3A_217 : i32
      %add3A_219 = arith.constant 920 : i32
      %add3A_220 = arith.addi %mul3A_218, %add3A_219 : i32
      "tpu.region"() ({
        %run_scoped3A_225 = tpu.sem_alloc : memref<!tpu.dma_semaphore, #tpu.memory_space<semaphore_mem>>
        %dma_start3A_226 = arith.constant 0 : i32
        %dma_start3A_227 = tpu.memref_slice %arg11[%add3A_220, %dma_start3A_226] : memref<10000x128xf32, #tpu.memory_space<vmem_shared>> -> memref<40x128xf32, #tpu.memory_space<vmem_shared>>
        %dma_start3A_228 = arith.constant 0 : i32
        %dma_start3A_229 = tpu.memref_slice %arg11[%add3A_220, %dma_start3A_228] : memref<10000x128xf32, #tpu.memory_space<vmem_shared>> -> memref<40x128xf32, #tpu.memory_space<vmem_shared>>
        tpu.enqueue_dma source(%arg10 : memref<40x128xf32, #tpu.memory_space<vmem>>) target(%dma_start3A_229 : memref<40x128xf32, #tpu.memory_space<vmem_shared>>) target_semaphore(%run_scoped3A_225 : memref<!tpu.dma_semaphore, #tpu.memory_space<semaphore_mem>>)
        %dma_wait3A_230 = arith.constant 0 : i32
        %dma_wait3A_231 = tpu.memref_slice %arg11[%add3A_220, %dma_wait3A_230] : memref<10000x128xf32, #tpu.memory_space<vmem_shared>> -> memref<40x128xf32, #tpu.memory_space<vmem_shared>>
        %dma_wait3A_232 = arith.constant 0 : i32
        %dma_wait3A_233 = tpu.memref_slice %arg11[%add3A_220, %dma_wait3A_232] : memref<10000x128xf32, #tpu.memory_space<vmem_shared>> -> memref<40x128xf32, #tpu.memory_space<vmem_shared>>
        tpu.wait_dma2 semaphore(%run_scoped3A_225 : memref<!tpu.dma_semaphore, #tpu.memory_space<semaphore_mem>>) src(%arg10 : memref<40x128xf32, #tpu.memory_space<vmem>>) dst(%dma_wait3A_233 : memref<40x128xf32, #tpu.memory_space<vmem_shared>>)
        tpu.yield
      }) : () -> ()
      %mul3A_221 = arith.constant 1000 : i32
      %mul3A_222 = arith.muli %arg1, %mul3A_221 : i32
      %add3A_223 = arith.constant 960 : i32
      %add3A_224 = arith.addi %mul3A_222, %add3A_223 : i32
      "tpu.region"() ({
        %run_scoped3A_225 = tpu.sem_alloc : memref<!tpu.dma_semaphore, #tpu.memory_space<semaphore_mem>>
        %dma_start3A_226 = arith.constant 0 : i32
        %dma_start3A_227 = tpu.memref_slice %arg11[%add3A_224, %dma_start3A_226] : memref<10000x128xf32, #tpu.memory_space<vmem_shared>> -> memref<40x128xf32, #tpu.memory_space<vmem_shared>>
        %dma_start3A_228 = arith.constant 0 : i32
        %dma_start3A_229 = tpu.memref_slice %arg11[%add3A_224, %dma_start3A_228] : memref<10000x128xf32, #tpu.memory_space<vmem_shared>> -> memref<40x128xf32, #tpu.memory_space<vmem_shared>>
        tpu.enqueue_dma source(%arg10 : memref<40x128xf32, #tpu.memory_space<vmem>>) target(%dma_start3A_229 : memref<40x128xf32, #tpu.memory_space<vmem_shared>>) target_semaphore(%run_scoped3A_225 : memref<!tpu.dma_semaphore, #tpu.memory_space<semaphore_mem>>)
        %dma_wait3A_230 = arith.constant 0 : i32
        %dma_wait3A_231 = tpu.memref_slice %arg11[%add3A_224, %dma_wait3A_230] : memref<10000x128xf32, #tpu.memory_space<vmem_shared>> -> memref<40x128xf32, #tpu.memory_space<vmem_shared>>
        %dma_wait3A_232 = arith.constant 0 : i32
        %dma_wait3A_233 = tpu.memref_slice %arg11[%add3A_224, %dma_wait3A_232] : memref<10000x128xf32, #tpu.memory_space<vmem_shared>> -> memref<40x128xf32, #tpu.memory_space<vmem_shared>>
        tpu.wait_dma2 semaphore(%run_scoped3A_225 : memref<!tpu.dma_semaphore, #tpu.memory_space<semaphore_mem>>) src(%arg10 : memref<40x128xf32, #tpu.memory_space<vmem>>) dst(%dma_wait3A_233 : memref<40x128xf32, #tpu.memory_space<vmem_shared>>)
        tpu.yield
      }) : () -> ()
    } else {
    }
    %barrier3A = arith.constant 0 : index
    tpu.barrier barrier_id(%barrier3A)
    %scan3A = arith.constant 0 : i32
    %scan3A_27 = arith.constant 0 : i32
    %scan3A_28 = arith.constant 19 : i32
    %scan3A_29 = arith.addi %scan3A_27, %scan3A_28 : i32
    %scan3A_30 = arith.constant 1 : i32
    scf.for %scan3A_125 = %scan3A_27 to %scan3A_29 step %scan3A_30  : i32 {
      %mul3A_126 = arith.constant 2 : i32
      %mul3A_127 = arith.muli %mul3A_126, %scan3A_125 : i32
      %dma_wait3A_128 = arith.constant 0 : i32
      %dma_wait3A_129 = arith.constant 0 : i32
      %dma_wait3A_130 = arith.constant 0 : i32
      %dma_wait3A_131 = tpu.memref_slice %arg9[%dma_wait3A_128, %dma_wait3A_129, %dma_wait3A_130] : memref<2x125x128xf32, #tpu.memory_space<vmem>> -> memref<1x125x128xf32, #tpu.memory_space<vmem>>
      %dma_wait3A_132 = tpu.memref_squeeze %dma_wait3A_131 : memref<1x125x128xf32, #tpu.memory_space<vmem>> -> memref<125x128xf32, #tpu.memory_space<vmem>>
      %dma_wait3A_133 = arith.constant 0 : i32
      %dma_wait3A_134 = tpu.memref_slice %arg7[%mul3A_127, %dma_wait3A_133] : memref<40x125xi32, #tpu.memory_space<vmem>> -> memref<1x125xi32, #tpu.memory_space<vmem>>
      %dma_wait3A_135 = tpu.memref_squeeze %dma_wait3A_134 : memref<1x125xi32, #tpu.memory_space<vmem>> -> memref<125xi32, #tpu.memory_space<vmem>>
      %dma_wait3A_136 = arith.constant 0 : i32
      %dma_wait3A_137 = arith.constant 0 : i32
      %dma_wait3A_138 = tpu.memref_slice %arg4[%dma_wait3A_136, %dma_wait3A_137] : memref<10000x128xf32, #tpu.memory_space<hbm>> -> memref<10000x128xf32, #tpu.memory_space<hbm>>
      tpu.wait_indirect_dma semaphore(%arg12 : memref<!tpu.dma_semaphore, #tpu.memory_space<semaphore_mem>>) src(%dma_wait3A_138 : memref<10000x128xf32, #tpu.memory_space<hbm>>) dst(%dma_wait3A_132 : memref<125x128xf32, #tpu.memory_space<vmem>>)
      %run_scoped3A_139 = arith.constant 0 : i32
      "tpu.region"() ({
        %run_scoped3A_180 = tpu.sem_alloc : memref<!tpu.dma_semaphore, #tpu.memory_space<semaphore_mem>>
        %dma_start3A_181 = arith.constant 0 : i32
        %dma_start3A_182 = arith.constant 0 : i32
        %dma_start3A_183 = tpu.memref_slice %arg9[%run_scoped3A_139, %dma_start3A_181, %dma_start3A_182] : memref<2x125x128xf32, #tpu.memory_space<vmem>> -> memref<1x125x128xf32, #tpu.memory_space<vmem>>
        %dma_start3A_184 = tpu.memref_squeeze %dma_start3A_183 : memref<1x125x128xf32, #tpu.memory_space<vmem>> -> memref<125x128xf32, #tpu.memory_space<vmem>>
        %dma_start3A_185 = arith.constant 0 : i32
        %dma_start3A_186 = tpu.memref_slice %arg8[%mul3A_127, %dma_start3A_185] : memref<40x125xi32, #tpu.memory_space<vmem>> -> memref<1x125xi32, #tpu.memory_space<vmem>>
        %dma_start3A_187 = tpu.memref_squeeze %dma_start3A_186 : memref<1x125xi32, #tpu.memory_space<vmem>> -> memref<125xi32, #tpu.memory_space<vmem>>
        %dma_start3A_188 = arith.constant 0 : i32
        %dma_start3A_189 = arith.constant 0 : i32
        %dma_start3A_190 = tpu.memref_slice %arg11[%dma_start3A_188, %dma_start3A_189] : memref<10000x128xf32, #tpu.memory_space<vmem_shared>> -> memref<10000x128xf32, #tpu.memory_space<vmem_shared>>
        tpu.enqueue_indirect_dma source(%dma_start3A_184 : memref<125x128xf32, #tpu.memory_space<vmem>>) target(%dma_start3A_190 : memref<10000x128xf32, #tpu.memory_space<vmem_shared>>) offsets(%dma_start3A_187 : memref<125xi32, #tpu.memory_space<vmem>>) semaphore(%run_scoped3A_180 : memref<!tpu.dma_semaphore, #tpu.memory_space<semaphore_mem>>) {add = true}
        %dma_wait3A_191 = arith.constant 0 : i32
        %dma_wait3A_192 = arith.constant 0 : i32
        %dma_wait3A_193 = tpu.memref_slice %arg9[%run_scoped3A_139, %dma_wait3A_191, %dma_wait3A_192] : memref<2x125x128xf32, #tpu.memory_space<vmem>> -> memref<1x125x128xf32, #tpu.memory_space<vmem>>
        %dma_wait3A_194 = tpu.memref_squeeze %dma_wait3A_193 : memref<1x125x128xf32, #tpu.memory_space<vmem>> -> memref<125x128xf32, #tpu.memory_space<vmem>>
        %dma_wait3A_195 = arith.constant 0 : i32
        %dma_wait3A_196 = tpu.memref_slice %arg8[%mul3A_127, %dma_wait3A_195] : memref<40x125xi32, #tpu.memory_space<vmem>> -> memref<1x125xi32, #tpu.memory_space<vmem>>
        %dma_wait3A_197 = tpu.memref_squeeze %dma_wait3A_196 : memref<1x125xi32, #tpu.memory_space<vmem>> -> memref<125xi32, #tpu.memory_space<vmem>>
        %dma_wait3A_198 = arith.constant 0 : i32
        %dma_wait3A_199 = arith.constant 0 : i32
        %dma_wait3A_200 = tpu.memref_slice %arg11[%dma_wait3A_198, %dma_wait3A_199] : memref<10000x128xf32, #tpu.memory_space<vmem_shared>> -> memref<10000x128xf32, #tpu.memory_space<vmem_shared>>
        tpu.wait_indirect_dma semaphore(%run_scoped3A_180 : memref<!tpu.dma_semaphore, #tpu.memory_space<semaphore_mem>>) src(%dma_wait3A_194 : memref<125x128xf32, #tpu.memory_space<vmem>>) dst(%dma_wait3A_200 : memref<10000x128xf32, #tpu.memory_space<vmem_shared>>)
        tpu.yield
      }) : () -> ()
      %add3A_140 = arith.constant 2 : i32
      %add3A_141 = arith.addi %mul3A_127, %add3A_140 : i32
      %dma_start3A_142 = arith.constant 0 : i32
      %dma_start3A_143 = arith.constant 0 : i32
      %dma_start3A_144 = arith.constant 0 : i32
      %dma_start3A_145 = tpu.memref_slice %arg9[%dma_start3A_142, %dma_start3A_143, %dma_start3A_144] : memref<2x125x128xf32, #tpu.memory_space<vmem>> -> memref<1x125x128xf32, #tpu.memory_space<vmem>>
      %dma_start3A_146 = tpu.memref_squeeze %dma_start3A_145 : memref<1x125x128xf32, #tpu.memory_space<vmem>> -> memref<125x128xf32, #tpu.memory_space<vmem>>
      %dma_start3A_147 = arith.constant 0 : i32
      %dma_start3A_148 = tpu.memref_slice %arg7[%add3A_141, %dma_start3A_147] : memref<40x125xi32, #tpu.memory_space<vmem>> -> memref<1x125xi32, #tpu.memory_space<vmem>>
      %dma_start3A_149 = tpu.memref_squeeze %dma_start3A_148 : memref<1x125xi32, #tpu.memory_space<vmem>> -> memref<125xi32, #tpu.memory_space<vmem>>
      %dma_start3A_150 = arith.constant 0 : i32
      %dma_start3A_151 = arith.constant 0 : i32
      %dma_start3A_152 = tpu.memref_slice %arg4[%dma_start3A_150, %dma_start3A_151] : memref<10000x128xf32, #tpu.memory_space<hbm>> -> memref<10000x128xf32, #tpu.memory_space<hbm>>
      tpu.enqueue_indirect_dma source(%dma_start3A_152 : memref<10000x128xf32, #tpu.memory_space<hbm>>) target(%dma_start3A_146 : memref<125x128xf32, #tpu.memory_space<vmem>>) offsets(%dma_start3A_149 : memref<125xi32, #tpu.memory_space<vmem>>) semaphore(%arg12 : memref<!tpu.dma_semaphore, #tpu.memory_space<semaphore_mem>>)
      %add3A_153 = arith.constant 1 : i32
      %add3A_154 = arith.addi %mul3A_127, %add3A_153 : i32
      %dma_wait3A_155 = arith.constant 1 : i32
      %dma_wait3A_156 = arith.constant 0 : i32
      %dma_wait3A_157 = arith.constant 0 : i32
      %dma_wait3A_158 = tpu.memref_slice %arg9[%dma_wait3A_155, %dma_wait3A_156, %dma_wait3A_157] : memref<2x125x128xf32, #tpu.memory_space<vmem>> -> memref<1x125x128xf32, #tpu.memory_space<vmem>>
      %dma_wait3A_159 = tpu.memref_squeeze %dma_wait3A_158 : memref<1x125x128xf32, #tpu.memory_space<vmem>> -> memref<125x128xf32, #tpu.memory_space<vmem>>
      %dma_wait3A_160 = arith.constant 0 : i32
      %dma_wait3A_161 = tpu.memref_slice %arg7[%add3A_154, %dma_wait3A_160] : memref<40x125xi32, #tpu.memory_space<vmem>> -> memref<1x125xi32, #tpu.memory_space<vmem>>
      %dma_wait3A_162 = tpu.memref_squeeze %dma_wait3A_161 : memref<1x125xi32, #tpu.memory_space<vmem>> -> memref<125xi32, #tpu.memory_space<vmem>>
      %dma_wait3A_163 = arith.constant 0 : i32
      %dma_wait3A_164 = arith.constant 0 : i32
      %dma_wait3A_165 = tpu.memref_slice %arg4[%dma_wait3A_163, %dma_wait3A_164] : memref<10000x128xf32, #tpu.memory_space<hbm>> -> memref<10000x128xf32, #tpu.memory_space<hbm>>
      tpu.wait_indirect_dma semaphore(%arg13 : memref<!tpu.dma_semaphore, #tpu.memory_space<semaphore_mem>>) src(%dma_wait3A_165 : memref<10000x128xf32, #tpu.memory_space<hbm>>) dst(%dma_wait3A_159 : memref<125x128xf32, #tpu.memory_space<vmem>>)
      %run_scoped3A_166 = arith.constant 1 : i32
      "tpu.region"() ({
        %run_scoped3A_180 = tpu.sem_alloc : memref<!tpu.dma_semaphore, #tpu.memory_space<semaphore_mem>>
        %dma_start3A_181 = arith.constant 0 : i32
        %dma_start3A_182 = arith.constant 0 : i32
        %dma_start3A_183 = tpu.memref_slice %arg9[%run_scoped3A_166, %dma_start3A_181, %dma_start3A_182] : memref<2x125x128xf32, #tpu.memory_space<vmem>> -> memref<1x125x128xf32, #tpu.memory_space<vmem>>
        %dma_start3A_184 = tpu.memref_squeeze %dma_start3A_183 : memref<1x125x128xf32, #tpu.memory_space<vmem>> -> memref<125x128xf32, #tpu.memory_space<vmem>>
        %dma_start3A_185 = arith.constant 0 : i32
        %dma_start3A_186 = tpu.memref_slice %arg8[%add3A_154, %dma_start3A_185] : memref<40x125xi32, #tpu.memory_space<vmem>> -> memref<1x125xi32, #tpu.memory_space<vmem>>
        %dma_start3A_187 = tpu.memref_squeeze %dma_start3A_186 : memref<1x125xi32, #tpu.memory_space<vmem>> -> memref<125xi32, #tpu.memory_space<vmem>>
        %dma_start3A_188 = arith.constant 0 : i32
        %dma_start3A_189 = arith.constant 0 : i32
        %dma_start3A_190 = tpu.memref_slice %arg11[%dma_start3A_188, %dma_start3A_189] : memref<10000x128xf32, #tpu.memory_space<vmem_shared>> -> memref<10000x128xf32, #tpu.memory_space<vmem_shared>>
        tpu.enqueue_indirect_dma source(%dma_start3A_184 : memref<125x128xf32, #tpu.memory_space<vmem>>) target(%dma_start3A_190 : memref<10000x128xf32, #tpu.memory_space<vmem_shared>>) offsets(%dma_start3A_187 : memref<125xi32, #tpu.memory_space<vmem>>) semaphore(%run_scoped3A_180 : memref<!tpu.dma_semaphore, #tpu.memory_space<semaphore_mem>>) {add = true}
        %dma_wait3A_191 = arith.constant 0 : i32
        %dma_wait3A_192 = arith.constant 0 : i32
        %dma_wait3A_193 = tpu.memref_slice %arg9[%run_scoped3A_166, %dma_wait3A_191, %dma_wait3A_192] : memref<2x125x128xf32, #tpu.memory_space<vmem>> -> memref<1x125x128xf32, #tpu.memory_space<vmem>>
        %dma_wait3A_194 = tpu.memref_squeeze %dma_wait3A_193 : memref<1x125x128xf32, #tpu.memory_space<vmem>> -> memref<125x128xf32, #tpu.memory_space<vmem>>
        %dma_wait3A_195 = arith.constant 0 : i32
        %dma_wait3A_196 = tpu.memref_slice %arg8[%add3A_154, %dma_wait3A_195] : memref<40x125xi32, #tpu.memory_space<vmem>> -> memref<1x125xi32, #tpu.memory_space<vmem>>
        %dma_wait3A_197 = tpu.memref_squeeze %dma_wait3A_196 : memref<1x125xi32, #tpu.memory_space<vmem>> -> memref<125xi32, #tpu.memory_space<vmem>>
        %dma_wait3A_198 = arith.constant 0 : i32
        %dma_wait3A_199 = arith.constant 0 : i32
        %dma_wait3A_200 = tpu.memref_slice %arg11[%dma_wait3A_198, %dma_wait3A_199] : memref<10000x128xf32, #tpu.memory_space<vmem_shared>> -> memref<10000x128xf32, #tpu.memory_space<vmem_shared>>
        tpu.wait_indirect_dma semaphore(%run_scoped3A_180 : memref<!tpu.dma_semaphore, #tpu.memory_space<semaphore_mem>>) src(%dma_wait3A_194 : memref<125x128xf32, #tpu.memory_space<vmem>>) dst(%dma_wait3A_200 : memref<10000x128xf32, #tpu.memory_space<vmem_shared>>)
        tpu.yield
      }) : () -> ()
      %add3A_167 = arith.constant 3 : i32
      %add3A_168 = arith.addi %mul3A_127, %add3A_167 : i32
      %dma_start3A_169 = arith.constant 1 : i32
      %dma_start3A_170 = arith.constant 0 : i32
      %dma_start3A_171 = arith.constant 0 : i32
      %dma_start3A_172 = tpu.memref_slice %arg9[%dma_start3A_169, %dma_start3A_170, %dma_start3A_171] : memref<2x125x128xf32, #tpu.memory_space<vmem>> -> memref<1x125x128xf32, #tpu.memory_space<vmem>>
      %dma_start3A_173 = tpu.memref_squeeze %dma_start3A_172 : memref<1x125x128xf32, #tpu.memory_space<vmem>> -> memref<125x128xf32, #tpu.memory_space<vmem>>
      %dma_start3A_174 = arith.constant 0 : i32
      %dma_start3A_175 = tpu.memref_slice %arg7[%add3A_168, %dma_start3A_174] : memref<40x125xi32, #tpu.memory_space<vmem>> -> memref<1x125xi32, #tpu.memory_space<vmem>>
      %dma_start3A_176 = tpu.memref_squeeze %dma_start3A_175 : memref<1x125xi32, #tpu.memory_space<vmem>> -> memref<125xi32, #tpu.memory_space<vmem>>
      %dma_start3A_177 = arith.constant 0 : i32
      %dma_start3A_178 = arith.constant 0 : i32
      %dma_start3A_179 = tpu.memref_slice %arg4[%dma_start3A_177, %dma_start3A_178] : memref<10000x128xf32, #tpu.memory_space<hbm>> -> memref<10000x128xf32, #tpu.memory_space<hbm>>
      tpu.enqueue_indirect_dma source(%dma_start3A_179 : memref<10000x128xf32, #tpu.memory_space<hbm>>) target(%dma_start3A_173 : memref<125x128xf32, #tpu.memory_space<vmem>>) offsets(%dma_start3A_176 : memref<125xi32, #tpu.memory_space<vmem>>) semaphore(%arg13 : memref<!tpu.dma_semaphore, #tpu.memory_space<semaphore_mem>>)
    }
    %scan3A_31 = arith.constant 19 : i32
    %dma_wait3A = arith.constant 38 : i32
    %dma_wait3A_32 = arith.constant 0 : i32
    %dma_wait3A_33 = arith.constant 0 : i32
    %dma_wait3A_34 = arith.constant 0 : i32
    %dma_wait3A_35 = tpu.memref_slice %arg9[%dma_wait3A_32, %dma_wait3A_33, %dma_wait3A_34] : memref<2x125x128xf32, #tpu.memory_space<vmem>> -> memref<1x125x128xf32, #tpu.memory_space<vmem>>
    %dma_wait3A_36 = tpu.memref_squeeze %dma_wait3A_35 : memref<1x125x128xf32, #tpu.memory_space<vmem>> -> memref<125x128xf32, #tpu.memory_space<vmem>>
    %dma_wait3A_37 = arith.constant 0 : i32
    %dma_wait3A_38 = tpu.memref_slice %arg7[%dma_wait3A, %dma_wait3A_37] : memref<40x125xi32, #tpu.memory_space<vmem>> -> memref<1x125xi32, #tpu.memory_space<vmem>>
    %dma_wait3A_39 = tpu.memref_squeeze %dma_wait3A_38 : memref<1x125xi32, #tpu.memory_space<vmem>> -> memref<125xi32, #tpu.memory_space<vmem>>
    %dma_wait3A_40 = arith.constant 0 : i32
    %dma_wait3A_41 = arith.constant 0 : i32
    %dma_wait3A_42 = tpu.memref_slice %arg4[%dma_wait3A_40, %dma_wait3A_41] : memref<10000x128xf32, #tpu.memory_space<hbm>> -> memref<10000x128xf32, #tpu.memory_space<hbm>>
    tpu.wait_indirect_dma semaphore(%arg12 : memref<!tpu.dma_semaphore, #tpu.memory_space<semaphore_mem>>) src(%dma_wait3A_42 : memref<10000x128xf32, #tpu.memory_space<hbm>>) dst(%dma_wait3A_36 : memref<125x128xf32, #tpu.memory_space<vmem>>)
    %run_scoped3A_43 = arith.constant 0 : i32
    %run_scoped3A_44 = arith.constant 38 : i32
    "tpu.region"() ({
      %run_scoped3A_125 = tpu.sem_alloc : memref<!tpu.dma_semaphore, #tpu.memory_space<semaphore_mem>>
      %dma_start3A_126 = arith.constant 0 : i32
      %dma_start3A_127 = arith.constant 0 : i32
      %dma_start3A_128 = tpu.memref_slice %arg9[%run_scoped3A_43, %dma_start3A_126, %dma_start3A_127] : memref<2x125x128xf32, #tpu.memory_space<vmem>> -> memref<1x125x128xf32, #tpu.memory_space<vmem>>
      %dma_start3A_129 = tpu.memref_squeeze %dma_start3A_128 : memref<1x125x128xf32, #tpu.memory_space<vmem>> -> memref<125x128xf32, #tpu.memory_space<vmem>>
      %dma_start3A_130 = arith.constant 0 : i32
      %dma_start3A_131 = tpu.memref_slice %arg8[%run_scoped3A_44, %dma_start3A_130] : memref<40x125xi32, #tpu.memory_space<vmem>> -> memref<1x125xi32, #tpu.memory_space<vmem>>
      %dma_start3A_132 = tpu.memref_squeeze %dma_start3A_131 : memref<1x125xi32, #tpu.memory_space<vmem>> -> memref<125xi32, #tpu.memory_space<vmem>>
      %dma_start3A_133 = arith.constant 0 : i32
      %dma_start3A_134 = arith.constant 0 : i32
      %dma_start3A_135 = tpu.memref_slice %arg11[%dma_start3A_133, %dma_start3A_134] : memref<10000x128xf32, #tpu.memory_space<vmem_shared>> -> memref<10000x128xf32, #tpu.memory_space<vmem_shared>>
      tpu.enqueue_indirect_dma source(%dma_start3A_129 : memref<125x128xf32, #tpu.memory_space<vmem>>) target(%dma_start3A_135 : memref<10000x128xf32, #tpu.memory_space<vmem_shared>>) offsets(%dma_start3A_132 : memref<125xi32, #tpu.memory_space<vmem>>) semaphore(%run_scoped3A_125 : memref<!tpu.dma_semaphore, #tpu.memory_space<semaphore_mem>>) {add = true}
      %dma_wait3A_136 = arith.constant 0 : i32
      %dma_wait3A_137 = arith.constant 0 : i32
      %dma_wait3A_138 = tpu.memref_slice %arg9[%run_scoped3A_43, %dma_wait3A_136, %dma_wait3A_137] : memref<2x125x128xf32, #tpu.memory_space<vmem>> -> memref<1x125x128xf32, #tpu.memory_space<vmem>>
      %dma_wait3A_139 = tpu.memref_squeeze %dma_wait3A_138 : memref<1x125x128xf32, #tpu.memory_space<vmem>> -> memref<125x128xf32, #tpu.memory_space<vmem>>
      %dma_wait3A_140 = arith.constant 0 : i32
      %dma_wait3A_141 = tpu.memref_slice %arg8[%run_scoped3A_44, %dma_wait3A_140] : memref<40x125xi32, #tpu.memory_space<vmem>> -> memref<1x125xi32, #tpu.memory_space<vmem>>
      %dma_wait3A_142 = tpu.memref_squeeze %dma_wait3A_141 : memref<1x125xi32, #tpu.memory_space<vmem>> -> memref<125xi32, #tpu.memory_space<vmem>>
      %dma_wait3A_143 = arith.constant 0 : i32
      %dma_wait3A_144 = arith.constant 0 : i32
      %dma_wait3A_145 = tpu.memref_slice %arg11[%dma_wait3A_143, %dma_wait3A_144] : memref<10000x128xf32, #tpu.memory_space<vmem_shared>> -> memref<10000x128xf32, #tpu.memory_space<vmem_shared>>
      tpu.wait_indirect_dma semaphore(%run_scoped3A_125 : memref<!tpu.dma_semaphore, #tpu.memory_space<semaphore_mem>>) src(%dma_wait3A_139 : memref<125x128xf32, #tpu.memory_space<vmem>>) dst(%dma_wait3A_145 : memref<10000x128xf32, #tpu.memory_space<vmem_shared>>)
      tpu.yield
    }) : () -> ()
    %dma_wait3A_45 = arith.constant 39 : i32
    %dma_wait3A_46 = arith.constant 1 : i32
    %dma_wait3A_47 = arith.constant 0 : i32
    %dma_wait3A_48 = arith.constant 0 : i32
    %dma_wait3A_49 = tpu.memref_slice %arg9[%dma_wait3A_46, %dma_wait3A_47, %dma_wait3A_48] : memref<2x125x128xf32, #tpu.memory_space<vmem>> -> memref<1x125x128xf32, #tpu.memory_space<vmem>>
    %dma_wait3A_50 = tpu.memref_squeeze %dma_wait3A_49 : memref<1x125x128xf32, #tpu.memory_space<vmem>> -> memref<125x128xf32, #tpu.memory_space<vmem>>
    %dma_wait3A_51 = arith.constant 0 : i32
    %dma_wait3A_52 = tpu.memref_slice %arg7[%dma_wait3A_45, %dma_wait3A_51] : memref<40x125xi32, #tpu.memory_space<vmem>> -> memref<1x125xi32, #tpu.memory_space<vmem>>
    %dma_wait3A_53 = tpu.memref_squeeze %dma_wait3A_52 : memref<1x125xi32, #tpu.memory_space<vmem>> -> memref<125xi32, #tpu.memory_space<vmem>>
    %dma_wait3A_54 = arith.constant 0 : i32
    %dma_wait3A_55 = arith.constant 0 : i32
    %dma_wait3A_56 = tpu.memref_slice %arg4[%dma_wait3A_54, %dma_wait3A_55] : memref<10000x128xf32, #tpu.memory_space<hbm>> -> memref<10000x128xf32, #tpu.memory_space<hbm>>
    tpu.wait_indirect_dma semaphore(%arg13 : memref<!tpu.dma_semaphore, #tpu.memory_space<semaphore_mem>>) src(%dma_wait3A_56 : memref<10000x128xf32, #tpu.memory_space<hbm>>) dst(%dma_wait3A_50 : memref<125x128xf32, #tpu.memory_space<vmem>>)
    %run_scoped3A_57 = arith.constant 1 : i32
    %run_scoped3A_58 = arith.constant 39 : i32
    "tpu.region"() ({
      %run_scoped3A_125 = tpu.sem_alloc : memref<!tpu.dma_semaphore, #tpu.memory_space<semaphore_mem>>
      %dma_start3A_126 = arith.constant 0 : i32
      %dma_start3A_127 = arith.constant 0 : i32
      %dma_start3A_128 = tpu.memref_slice %arg9[%run_scoped3A_57, %dma_start3A_126, %dma_start3A_127] : memref<2x125x128xf32, #tpu.memory_space<vmem>> -> memref<1x125x128xf32, #tpu.memory_space<vmem>>
      %dma_start3A_129 = tpu.memref_squeeze %dma_start3A_128 : memref<1x125x128xf32, #tpu.memory_space<vmem>> -> memref<125x128xf32, #tpu.memory_space<vmem>>
      %dma_start3A_130 = arith.constant 0 : i32
      %dma_start3A_131 = tpu.memref_slice %arg8[%run_scoped3A_58, %dma_start3A_130] : memref<40x125xi32, #tpu.memory_space<vmem>> -> memref<1x125xi32, #tpu.memory_space<vmem>>
      %dma_start3A_132 = tpu.memref_squeeze %dma_start3A_131 : memref<1x125xi32, #tpu.memory_space<vmem>> -> memref<125xi32, #tpu.memory_space<vmem>>
      %dma_start3A_133 = arith.constant 0 : i32
      %dma_start3A_134 = arith.constant 0 : i32
      %dma_start3A_135 = tpu.memref_slice %arg11[%dma_start3A_133, %dma_start3A_134] : memref<10000x128xf32, #tpu.memory_space<vmem_shared>> -> memref<10000x128xf32, #tpu.memory_space<vmem_shared>>
      tpu.enqueue_indirect_dma source(%dma_start3A_129 : memref<125x128xf32, #tpu.memory_space<vmem>>) target(%dma_start3A_135 : memref<10000x128xf32, #tpu.memory_space<vmem_shared>>) offsets(%dma_start3A_132 : memref<125xi32, #tpu.memory_space<vmem>>) semaphore(%run_scoped3A_125 : memref<!tpu.dma_semaphore, #tpu.memory_space<semaphore_mem>>) {add = true}
      %dma_wait3A_136 = arith.constant 0 : i32
      %dma_wait3A_137 = arith.constant 0 : i32
      %dma_wait3A_138 = tpu.memref_slice %arg9[%run_scoped3A_57, %dma_wait3A_136, %dma_wait3A_137] : memref<2x125x128xf32, #tpu.memory_space<vmem>> -> memref<1x125x128xf32, #tpu.memory_space<vmem>>
      %dma_wait3A_139 = tpu.memref_squeeze %dma_wait3A_138 : memref<1x125x128xf32, #tpu.memory_space<vmem>> -> memref<125x128xf32, #tpu.memory_space<vmem>>
      %dma_wait3A_140 = arith.constant 0 : i32
      %dma_wait3A_141 = tpu.memref_slice %arg8[%run_scoped3A_58, %dma_wait3A_140] : memref<40x125xi32, #tpu.memory_space<vmem>> -> memref<1x125xi32, #tpu.memory_space<vmem>>
      %dma_wait3A_142 = tpu.memref_squeeze %dma_wait3A_141 : memref<1x125xi32, #tpu.memory_space<vmem>> -> memref<125xi32, #tpu.memory_space<vmem>>
      %dma_wait3A_143 = arith.constant 0 : i32
      %dma_wait3A_144 = arith.constant 0 : i32
      %dma_wait3A_145 = tpu.memref_slice %arg11[%dma_wait3A_143, %dma_wait3A_144] : memref<10000x128xf32, #tpu.memory_space<vmem_shared>> -> memref<10000x128xf32, #tpu.memory_space<vmem_shared>>
      tpu.wait_indirect_dma semaphore(%run_scoped3A_125 : memref<!tpu.dma_semaphore, #tpu.memory_space<semaphore_mem>>) src(%dma_wait3A_139 : memref<125x128xf32, #tpu.memory_space<vmem>>) dst(%dma_wait3A_145 : memref<10000x128xf32, #tpu.memory_space<vmem_shared>>)
      tpu.yield
    }) : () -> ()
    %run_scoped3A_59 = arith.constant 1 : i32
    "tpu.region"() ({
      %run_scoped3A_125 = tpu.sem_alloc : memref<!tpu.dma_semaphore, #tpu.memory_space<semaphore_mem>>
      %dma_start3A_126 = arith.constant 0 : i32
      %dma_start3A_127 = arith.constant 0 : i32
      %dma_start3A_128 = tpu.memref_slice %arg2[%add3A, %run_scoped3A_59, %dma_start3A_126, %dma_start3A_127] : memref<32x2x40x125xi32, #tpu.memory_space<hbm>> -> memref<1x1x40x125xi32, #tpu.memory_space<hbm>>
      %dma_start3A_129 = tpu.memref_squeeze %dma_start3A_128 : memref<1x1x40x125xi32, #tpu.memory_space<hbm>> -> memref<40x125xi32, #tpu.memory_space<hbm>>
      %dma_start3A_130 = arith.constant 0 : i32
      %dma_start3A_131 = arith.constant 0 : i32
      %dma_start3A_132 = tpu.memref_slice %arg2[%add3A, %run_scoped3A_59, %dma_start3A_130, %dma_start3A_131] : memref<32x2x40x125xi32, #tpu.memory_space<hbm>> -> memref<1x1x40x125xi32, #tpu.memory_space<hbm>>
      %dma_start3A_133 = tpu.memref_squeeze %dma_start3A_132 : memref<1x1x40x125xi32, #tpu.memory_space<hbm>> -> memref<40x125xi32, #tpu.memory_space<hbm>>
      tpu.enqueue_dma source(%dma_start3A_133 : memref<40x125xi32, #tpu.memory_space<hbm>>) target(%arg7 : memref<40x125xi32, #tpu.memory_space<vmem>>) target_semaphore(%run_scoped3A_125 : memref<!tpu.dma_semaphore, #tpu.memory_space<semaphore_mem>>)
      %dma_wait3A_134 = arith.constant 0 : i32
      %dma_wait3A_135 = arith.constant 0 : i32
      %dma_wait3A_136 = tpu.memref_slice %arg2[%add3A, %run_scoped3A_59, %dma_wait3A_134, %dma_wait3A_135] : memref<32x2x40x125xi32, #tpu.memory_space<hbm>> -> memref<1x1x40x125xi32, #tpu.memory_space<hbm>>
      %dma_wait3A_137 = tpu.memref_squeeze %dma_wait3A_136 : memref<1x1x40x125xi32, #tpu.memory_space<hbm>> -> memref<40x125xi32, #tpu.memory_space<hbm>>
      %dma_wait3A_138 = arith.constant 0 : i32
      %dma_wait3A_139 = arith.constant 0 : i32
      %dma_wait3A_140 = tpu.memref_slice %arg2[%add3A, %run_scoped3A_59, %dma_wait3A_138, %dma_wait3A_139] : memref<32x2x40x125xi32, #tpu.memory_space<hbm>> -> memref<1x1x40x125xi32, #tpu.memory_space<hbm>>
      %dma_wait3A_141 = tpu.memref_squeeze %dma_wait3A_140 : memref<1x1x40x125xi32, #tpu.memory_space<hbm>> -> memref<40x125xi32, #tpu.memory_space<hbm>>
      tpu.wait_dma2 semaphore(%run_scoped3A_125 : memref<!tpu.dma_semaphore, #tpu.memory_space<semaphore_mem>>) src(%dma_wait3A_141 : memref<40x125xi32, #tpu.memory_space<hbm>>) dst(%arg7 : memref<40x125xi32, #tpu.memory_space<vmem>>)
      tpu.yield
    }) : () -> ()
    %run_scoped3A_60 = arith.constant 1 : i32
    "tpu.region"() ({
      %run_scoped3A_125 = tpu.sem_alloc : memref<!tpu.dma_semaphore, #tpu.memory_space<semaphore_mem>>
      %dma_start3A_126 = arith.constant 0 : i32
      %dma_start3A_127 = arith.constant 0 : i32
      %dma_start3A_128 = tpu.memref_slice %arg3[%add3A, %run_scoped3A_60, %dma_start3A_126, %dma_start3A_127] : memref<32x2x40x125xi32, #tpu.memory_space<hbm>> -> memref<1x1x40x125xi32, #tpu.memory_space<hbm>>
      %dma_start3A_129 = tpu.memref_squeeze %dma_start3A_128 : memref<1x1x40x125xi32, #tpu.memory_space<hbm>> -> memref<40x125xi32, #tpu.memory_space<hbm>>
      %dma_start3A_130 = arith.constant 0 : i32
      %dma_start3A_131 = arith.constant 0 : i32
      %dma_start3A_132 = tpu.memref_slice %arg3[%add3A, %run_scoped3A_60, %dma_start3A_130, %dma_start3A_131] : memref<32x2x40x125xi32, #tpu.memory_space<hbm>> -> memref<1x1x40x125xi32, #tpu.memory_space<hbm>>
      %dma_start3A_133 = tpu.memref_squeeze %dma_start3A_132 : memref<1x1x40x125xi32, #tpu.memory_space<hbm>> -> memref<40x125xi32, #tpu.memory_space<hbm>>
      tpu.enqueue_dma source(%dma_start3A_133 : memref<40x125xi32, #tpu.memory_space<hbm>>) target(%arg8 : memref<40x125xi32, #tpu.memory_space<vmem>>) target_semaphore(%run_scoped3A_125 : memref<!tpu.dma_semaphore, #tpu.memory_space<semaphore_mem>>)
      %dma_wait3A_134 = arith.constant 0 : i32
      %dma_wait3A_135 = arith.constant 0 : i32
      %dma_wait3A_136 = tpu.memref_slice %arg3[%add3A, %run_scoped3A_60, %dma_wait3A_134, %dma_wait3A_135] : memref<32x2x40x125xi32, #tpu.memory_space<hbm>> -> memref<1x1x40x125xi32, #tpu.memory_space<hbm>>
      %dma_wait3A_137 = tpu.memref_squeeze %dma_wait3A_136 : memref<1x1x40x125xi32, #tpu.memory_space<hbm>> -> memref<40x125xi32, #tpu.memory_space<hbm>>
      %dma_wait3A_138 = arith.constant 0 : i32
      %dma_wait3A_139 = arith.constant 0 : i32
      %dma_wait3A_140 = tpu.memref_slice %arg3[%add3A, %run_scoped3A_60, %dma_wait3A_138, %dma_wait3A_139] : memref<32x2x40x125xi32, #tpu.memory_space<hbm>> -> memref<1x1x40x125xi32, #tpu.memory_space<hbm>>
      %dma_wait3A_141 = tpu.memref_squeeze %dma_wait3A_140 : memref<1x1x40x125xi32, #tpu.memory_space<hbm>> -> memref<40x125xi32, #tpu.memory_space<hbm>>
      tpu.wait_dma2 semaphore(%run_scoped3A_125 : memref<!tpu.dma_semaphore, #tpu.memory_space<semaphore_mem>>) src(%dma_wait3A_141 : memref<40x125xi32, #tpu.memory_space<hbm>>) dst(%arg8 : memref<40x125xi32, #tpu.memory_space<vmem>>)
      tpu.yield
    }) : () -> ()
    %dma_start3A_61 = arith.constant 0 : i32
    %dma_start3A_62 = arith.constant 0 : i32
    %dma_start3A_63 = arith.constant 0 : i32
    %dma_start3A_64 = arith.constant 0 : i32
    %dma_start3A_65 = tpu.memref_slice %arg9[%dma_start3A_62, %dma_start3A_63, %dma_start3A_64] : memref<2x125x128xf32, #tpu.memory_space<vmem>> -> memref<1x125x128xf32, #tpu.memory_space<vmem>>
    %dma_start3A_66 = tpu.memref_squeeze %dma_start3A_65 : memref<1x125x128xf32, #tpu.memory_space<vmem>> -> memref<125x128xf32, #tpu.memory_space<vmem>>
    %dma_start3A_67 = arith.constant 0 : i32
    %dma_start3A_68 = tpu.memref_slice %arg7[%dma_start3A_61, %dma_start3A_67] : memref<40x125xi32, #tpu.memory_space<vmem>> -> memref<1x125xi32, #tpu.memory_space<vmem>>
    %dma_start3A_69 = tpu.memref_squeeze %dma_start3A_68 : memref<1x125xi32, #tpu.memory_space<vmem>> -> memref<125xi32, #tpu.memory_space<vmem>>
    %dma_start3A_70 = arith.constant 0 : i32
    %dma_start3A_71 = arith.constant 0 : i32
    %dma_start3A_72 = tpu.memref_slice %arg4[%dma_start3A_70, %dma_start3A_71] : memref<10000x128xf32, #tpu.memory_space<hbm>> -> memref<10000x128xf32, #tpu.memory_space<hbm>>
    tpu.enqueue_indirect_dma source(%dma_start3A_72 : memref<10000x128xf32, #tpu.memory_space<hbm>>) target(%dma_start3A_66 : memref<125x128xf32, #tpu.memory_space<vmem>>) offsets(%dma_start3A_69 : memref<125xi32, #tpu.memory_space<vmem>>) semaphore(%arg12 : memref<!tpu.dma_semaphore, #tpu.memory_space<semaphore_mem>>)
    %dma_start3A_73 = arith.constant 1 : i32
    %dma_start3A_74 = arith.constant 1 : i32
    %dma_start3A_75 = arith.constant 0 : i32
    %dma_start3A_76 = arith.constant 0 : i32
    %dma_start3A_77 = tpu.memref_slice %arg9[%dma_start3A_74, %dma_start3A_75, %dma_start3A_76] : memref<2x125x128xf32, #tpu.memory_space<vmem>> -> memref<1x125x128xf32, #tpu.memory_space<vmem>>
    %dma_start3A_78 = tpu.memref_squeeze %dma_start3A_77 : memref<1x125x128xf32, #tpu.memory_space<vmem>> -> memref<125x128xf32, #tpu.memory_space<vmem>>
    %dma_start3A_79 = arith.constant 0 : i32
    %dma_start3A_80 = tpu.memref_slice %arg7[%dma_start3A_73, %dma_start3A_79] : memref<40x125xi32, #tpu.memory_space<vmem>> -> memref<1x125xi32, #tpu.memory_space<vmem>>
    %dma_start3A_81 = tpu.memref_squeeze %dma_start3A_80 : memref<1x125xi32, #tpu.memory_space<vmem>> -> memref<125xi32, #tpu.memory_space<vmem>>
    %dma_start3A_82 = arith.constant 0 : i32
    %dma_start3A_83 = arith.constant 0 : i32
    %dma_start3A_84 = tpu.memref_slice %arg4[%dma_start3A_82, %dma_start3A_83] : memref<10000x128xf32, #tpu.memory_space<hbm>> -> memref<10000x128xf32, #tpu.memory_space<hbm>>
    tpu.enqueue_indirect_dma source(%dma_start3A_84 : memref<10000x128xf32, #tpu.memory_space<hbm>>) target(%dma_start3A_78 : memref<125x128xf32, #tpu.memory_space<vmem>>) offsets(%dma_start3A_81 : memref<125xi32, #tpu.memory_space<vmem>>) semaphore(%arg13 : memref<!tpu.dma_semaphore, #tpu.memory_space<semaphore_mem>>)
    %scan3A_85 = arith.constant 0 : i32
    %scan3A_86 = arith.constant 0 : i32
    %scan3A_87 = arith.constant 19 : i32
    %scan3A_88 = arith.addi %scan3A_86, %scan3A_87 : i32
    %scan3A_89 = arith.constant 1 : i32
    scf.for %scan3A_125 = %scan3A_86 to %scan3A_88 step %scan3A_89  : i32 {
      %mul3A_126 = arith.constant 2 : i32
      %mul3A_127 = arith.muli %mul3A_126, %scan3A_125 : i32
      %dma_wait3A_128 = arith.constant 0 : i32
      %dma_wait3A_129 = arith.constant 0 : i32
      %dma_wait3A_130 = arith.constant 0 : i32
      %dma_wait3A_131 = tpu.memref_slice %arg9[%dma_wait3A_128, %dma_wait3A_129, %dma_wait3A_130] : memref<2x125x128xf32, #tpu.memory_space<vmem>> -> memref<1x125x128xf32, #tpu.memory_space<vmem>>
      %dma_wait3A_132 = tpu.memref_squeeze %dma_wait3A_131 : memref<1x125x128xf32, #tpu.memory_space<vmem>> -> memref<125x128xf32, #tpu.memory_space<vmem>>
      %dma_wait3A_133 = arith.constant 0 : i32
      %dma_wait3A_134 = tpu.memref_slice %arg7[%mul3A_127, %dma_wait3A_133] : memref<40x125xi32, #tpu.memory_space<vmem>> -> memref<1x125xi32, #tpu.memory_space<vmem>>
      %dma_wait3A_135 = tpu.memref_squeeze %dma_wait3A_134 : memref<1x125xi32, #tpu.memory_space<vmem>> -> memref<125xi32, #tpu.memory_space<vmem>>
      %dma_wait3A_136 = arith.constant 0 : i32
      %dma_wait3A_137 = arith.constant 0 : i32
      %dma_wait3A_138 = tpu.memref_slice %arg4[%dma_wait3A_136, %dma_wait3A_137] : memref<10000x128xf32, #tpu.memory_space<hbm>> -> memref<10000x128xf32, #tpu.memory_space<hbm>>
      tpu.wait_indirect_dma semaphore(%arg12 : memref<!tpu.dma_semaphore, #tpu.memory_space<semaphore_mem>>) src(%dma_wait3A_138 : memref<10000x128xf32, #tpu.memory_space<hbm>>) dst(%dma_wait3A_132 : memref<125x128xf32, #tpu.memory_space<vmem>>)
      %run_scoped3A_139 = arith.constant 0 : i32
      "tpu.region"() ({
        %run_scoped3A_180 = tpu.sem_alloc : memref<!tpu.dma_semaphore, #tpu.memory_space<semaphore_mem>>
        %dma_start3A_181 = arith.constant 0 : i32
        %dma_start3A_182 = arith.constant 0 : i32
        %dma_start3A_183 = tpu.memref_slice %arg9[%run_scoped3A_139, %dma_start3A_181, %dma_start3A_182] : memref<2x125x128xf32, #tpu.memory_space<vmem>> -> memref<1x125x128xf32, #tpu.memory_space<vmem>>
        %dma_start3A_184 = tpu.memref_squeeze %dma_start3A_183 : memref<1x125x128xf32, #tpu.memory_space<vmem>> -> memref<125x128xf32, #tpu.memory_space<vmem>>
        %dma_start3A_185 = arith.constant 0 : i32
        %dma_start3A_186 = tpu.memref_slice %arg8[%mul3A_127, %dma_start3A_185] : memref<40x125xi32, #tpu.memory_space<vmem>> -> memref<1x125xi32, #tpu.memory_space<vmem>>
        %dma_start3A_187 = tpu.memref_squeeze %dma_start3A_186 : memref<1x125xi32, #tpu.memory_space<vmem>> -> memref<125xi32, #tpu.memory_space<vmem>>
        %dma_start3A_188 = arith.constant 0 : i32
        %dma_start3A_189 = arith.constant 0 : i32
        %dma_start3A_190 = tpu.memref_slice %arg11[%dma_start3A_188, %dma_start3A_189] : memref<10000x128xf32, #tpu.memory_space<vmem_shared>> -> memref<10000x128xf32, #tpu.memory_space<vmem_shared>>
        tpu.enqueue_indirect_dma source(%dma_start3A_184 : memref<125x128xf32, #tpu.memory_space<vmem>>) target(%dma_start3A_190 : memref<10000x128xf32, #tpu.memory_space<vmem_shared>>) offsets(%dma_start3A_187 : memref<125xi32, #tpu.memory_space<vmem>>) semaphore(%run_scoped3A_180 : memref<!tpu.dma_semaphore, #tpu.memory_space<semaphore_mem>>) {add = true}
        %dma_wait3A_191 = arith.constant 0 : i32
        %dma_wait3A_192 = arith.constant 0 : i32
        %dma_wait3A_193 = tpu.memref_slice %arg9[%run_scoped3A_139, %dma_wait3A_191, %dma_wait3A_192] : memref<2x125x128xf32, #tpu.memory_space<vmem>> -> memref<1x125x128xf32, #tpu.memory_space<vmem>>
        %dma_wait3A_194 = tpu.memref_squeeze %dma_wait3A_193 : memref<1x125x128xf32, #tpu.memory_space<vmem>> -> memref<125x128xf32, #tpu.memory_space<vmem>>
        %dma_wait3A_195 = arith.constant 0 : i32
        %dma_wait3A_196 = tpu.memref_slice %arg8[%mul3A_127, %dma_wait3A_195] : memref<40x125xi32, #tpu.memory_space<vmem>> -> memref<1x125xi32, #tpu.memory_space<vmem>>
        %dma_wait3A_197 = tpu.memref_squeeze %dma_wait3A_196 : memref<1x125xi32, #tpu.memory_space<vmem>> -> memref<125xi32, #tpu.memory_space<vmem>>
        %dma_wait3A_198 = arith.constant 0 : i32
        %dma_wait3A_199 = arith.constant 0 : i32
        %dma_wait3A_200 = tpu.memref_slice %arg11[%dma_wait3A_198, %dma_wait3A_199] : memref<10000x128xf32, #tpu.memory_space<vmem_shared>> -> memref<10000x128xf32, #tpu.memory_space<vmem_shared>>
        tpu.wait_indirect_dma semaphore(%run_scoped3A_180 : memref<!tpu.dma_semaphore, #tpu.memory_space<semaphore_mem>>) src(%dma_wait3A_194 : memref<125x128xf32, #tpu.memory_space<vmem>>) dst(%dma_wait3A_200 : memref<10000x128xf32, #tpu.memory_space<vmem_shared>>)
        tpu.yield
      }) : () -> ()
      %add3A_140 = arith.constant 2 : i32
      %add3A_141 = arith.addi %mul3A_127, %add3A_140 : i32
      %dma_start3A_142 = arith.constant 0 : i32
      %dma_start3A_143 = arith.constant 0 : i32
      %dma_start3A_144 = arith.constant 0 : i32
      %dma_start3A_145 = tpu.memref_slice %arg9[%dma_start3A_142, %dma_start3A_143, %dma_start3A_144] : memref<2x125x128xf32, #tpu.memory_space<vmem>> -> memref<1x125x128xf32, #tpu.memory_space<vmem>>
      %dma_start3A_146 = tpu.memref_squeeze %dma_start3A_145 : memref<1x125x128xf32, #tpu.memory_space<vmem>> -> memref<125x128xf32, #tpu.memory_space<vmem>>
      %dma_start3A_147 = arith.constant 0 : i32
      %dma_start3A_148 = tpu.memref_slice %arg7[%add3A_141, %dma_start3A_147] : memref<40x125xi32, #tpu.memory_space<vmem>> -> memref<1x125xi32, #tpu.memory_space<vmem>>
      %dma_start3A_149 = tpu.memref_squeeze %dma_start3A_148 : memref<1x125xi32, #tpu.memory_space<vmem>> -> memref<125xi32, #tpu.memory_space<vmem>>
      %dma_start3A_150 = arith.constant 0 : i32
      %dma_start3A_151 = arith.constant 0 : i32
      %dma_start3A_152 = tpu.memref_slice %arg4[%dma_start3A_150, %dma_start3A_151] : memref<10000x128xf32, #tpu.memory_space<hbm>> -> memref<10000x128xf32, #tpu.memory_space<hbm>>
      tpu.enqueue_indirect_dma source(%dma_start3A_152 : memref<10000x128xf32, #tpu.memory_space<hbm>>) target(%dma_start3A_146 : memref<125x128xf32, #tpu.memory_space<vmem>>) offsets(%dma_start3A_149 : memref<125xi32, #tpu.memory_space<vmem>>) semaphore(%arg12 : memref<!tpu.dma_semaphore, #tpu.memory_space<semaphore_mem>>)
      %add3A_153 = arith.constant 1 : i32
      %add3A_154 = arith.addi %mul3A_127, %add3A_153 : i32
      %dma_wait3A_155 = arith.constant 1 : i32
      %dma_wait3A_156 = arith.constant 0 : i32
      %dma_wait3A_157 = arith.constant 0 : i32
      %dma_wait3A_158 = tpu.memref_slice %arg9[%dma_wait3A_155, %dma_wait3A_156, %dma_wait3A_157] : memref<2x125x128xf32, #tpu.memory_space<vmem>> -> memref<1x125x128xf32, #tpu.memory_space<vmem>>
      %dma_wait3A_159 = tpu.memref_squeeze %dma_wait3A_158 : memref<1x125x128xf32, #tpu.memory_space<vmem>> -> memref<125x128xf32, #tpu.memory_space<vmem>>
      %dma_wait3A_160 = arith.constant 0 : i32
      %dma_wait3A_161 = tpu.memref_slice %arg7[%add3A_154, %dma_wait3A_160] : memref<40x125xi32, #tpu.memory_space<vmem>> -> memref<1x125xi32, #tpu.memory_space<vmem>>
      %dma_wait3A_162 = tpu.memref_squeeze %dma_wait3A_161 : memref<1x125xi32, #tpu.memory_space<vmem>> -> memref<125xi32, #tpu.memory_space<vmem>>
      %dma_wait3A_163 = arith.constant 0 : i32
      %dma_wait3A_164 = arith.constant 0 : i32
      %dma_wait3A_165 = tpu.memref_slice %arg4[%dma_wait3A_163, %dma_wait3A_164] : memref<10000x128xf32, #tpu.memory_space<hbm>> -> memref<10000x128xf32, #tpu.memory_space<hbm>>
      tpu.wait_indirect_dma semaphore(%arg13 : memref<!tpu.dma_semaphore, #tpu.memory_space<semaphore_mem>>) src(%dma_wait3A_165 : memref<10000x128xf32, #tpu.memory_space<hbm>>) dst(%dma_wait3A_159 : memref<125x128xf32, #tpu.memory_space<vmem>>)
      %run_scoped3A_166 = arith.constant 1 : i32
      "tpu.region"() ({
        %run_scoped3A_180 = tpu.sem_alloc : memref<!tpu.dma_semaphore, #tpu.memory_space<semaphore_mem>>
        %dma_start3A_181 = arith.constant 0 : i32
        %dma_start3A_182 = arith.constant 0 : i32
        %dma_start3A_183 = tpu.memref_slice %arg9[%run_scoped3A_166, %dma_start3A_181, %dma_start3A_182] : memref<2x125x128xf32, #tpu.memory_space<vmem>> -> memref<1x125x128xf32, #tpu.memory_space<vmem>>
        %dma_start3A_184 = tpu.memref_squeeze %dma_start3A_183 : memref<1x125x128xf32, #tpu.memory_space<vmem>> -> memref<125x128xf32, #tpu.memory_space<vmem>>
        %dma_start3A_185 = arith.constant 0 : i32
        %dma_start3A_186 = tpu.memref_slice %arg8[%add3A_154, %dma_start3A_185] : memref<40x125xi32, #tpu.memory_space<vmem>> -> memref<1x125xi32, #tpu.memory_space<vmem>>
        %dma_start3A_187 = tpu.memref_squeeze %dma_start3A_186 : memref<1x125xi32, #tpu.memory_space<vmem>> -> memref<125xi32, #tpu.memory_space<vmem>>
        %dma_start3A_188 = arith.constant 0 : i32
        %dma_start3A_189 = arith.constant 0 : i32
        %dma_start3A_190 = tpu.memref_slice %arg11[%dma_start3A_188, %dma_start3A_189] : memref<10000x128xf32, #tpu.memory_space<vmem_shared>> -> memref<10000x128xf32, #tpu.memory_space<vmem_shared>>
        tpu.enqueue_indirect_dma source(%dma_start3A_184 : memref<125x128xf32, #tpu.memory_space<vmem>>) target(%dma_start3A_190 : memref<10000x128xf32, #tpu.memory_space<vmem_shared>>) offsets(%dma_start3A_187 : memref<125xi32, #tpu.memory_space<vmem>>) semaphore(%run_scoped3A_180 : memref<!tpu.dma_semaphore, #tpu.memory_space<semaphore_mem>>) {add = true}
        %dma_wait3A_191 = arith.constant 0 : i32
        %dma_wait3A_192 = arith.constant 0 : i32
        %dma_wait3A_193 = tpu.memref_slice %arg9[%run_scoped3A_166, %dma_wait3A_191, %dma_wait3A_192] : memref<2x125x128xf32, #tpu.memory_space<vmem>> -> memref<1x125x128xf32, #tpu.memory_space<vmem>>
        %dma_wait3A_194 = tpu.memref_squeeze %dma_wait3A_193 : memref<1x125x128xf32, #tpu.memory_space<vmem>> -> memref<125x128xf32, #tpu.memory_space<vmem>>
        %dma_wait3A_195 = arith.constant 0 : i32
        %dma_wait3A_196 = tpu.memref_slice %arg8[%add3A_154, %dma_wait3A_195] : memref<40x125xi32, #tpu.memory_space<vmem>> -> memref<1x125xi32, #tpu.memory_space<vmem>>
        %dma_wait3A_197 = tpu.memref_squeeze %dma_wait3A_196 : memref<1x125xi32, #tpu.memory_space<vmem>> -> memref<125xi32, #tpu.memory_space<vmem>>
        %dma_wait3A_198 = arith.constant 0 : i32
        %dma_wait3A_199 = arith.constant 0 : i32
        %dma_wait3A_200 = tpu.memref_slice %arg11[%dma_wait3A_198, %dma_wait3A_199] : memref<10000x128xf32, #tpu.memory_space<vmem_shared>> -> memref<10000x128xf32, #tpu.memory_space<vmem_shared>>
        tpu.wait_indirect_dma semaphore(%run_scoped3A_180 : memref<!tpu.dma_semaphore, #tpu.memory_space<semaphore_mem>>) src(%dma_wait3A_194 : memref<125x128xf32, #tpu.memory_space<vmem>>) dst(%dma_wait3A_200 : memref<10000x128xf32, #tpu.memory_space<vmem_shared>>)
        tpu.yield
      }) : () -> ()
      %add3A_167 = arith.constant 3 : i32
      %add3A_168 = arith.addi %mul3A_127, %add3A_167 : i32
      %dma_start3A_169 = arith.constant 1 : i32
      %dma_start3A_170 = arith.constant 0 : i32
      %dma_start3A_171 = arith.constant 0 : i32
      %dma_start3A_172 = tpu.memref_slice %arg9[%dma_start3A_169, %dma_start3A_170, %dma_start3A_171] : memref<2x125x128xf32, #tpu.memory_space<vmem>> -> memref<1x125x128xf32, #tpu.memory_space<vmem>>
      %dma_start3A_173 = tpu.memref_squeeze %dma_start3A_172 : memref<1x125x128xf32, #tpu.memory_space<vmem>> -> memref<125x128xf32, #tpu.memory_space<vmem>>
      %dma_start3A_174 = arith.constant 0 : i32
      %dma_start3A_175 = tpu.memref_slice %arg7[%add3A_168, %dma_start3A_174] : memref<40x125xi32, #tpu.memory_space<vmem>> -> memref<1x125xi32, #tpu.memory_space<vmem>>
      %dma_start3A_176 = tpu.memref_squeeze %dma_start3A_175 : memref<1x125xi32, #tpu.memory_space<vmem>> -> memref<125xi32, #tpu.memory_space<vmem>>
      %dma_start3A_177 = arith.constant 0 : i32
      %dma_start3A_178 = arith.constant 0 : i32
      %dma_start3A_179 = tpu.memref_slice %arg4[%dma_start3A_177, %dma_start3A_178] : memref<10000x128xf32, #tpu.memory_space<hbm>> -> memref<10000x128xf32, #tpu.memory_space<hbm>>
      tpu.enqueue_indirect_dma source(%dma_start3A_179 : memref<10000x128xf32, #tpu.memory_space<hbm>>) target(%dma_start3A_173 : memref<125x128xf32, #tpu.memory_space<vmem>>) offsets(%dma_start3A_176 : memref<125xi32, #tpu.memory_space<vmem>>) semaphore(%arg13 : memref<!tpu.dma_semaphore, #tpu.memory_space<semaphore_mem>>)
    }
    %scan3A_90 = arith.constant 19 : i32
    %dma_wait3A_91 = arith.constant 38 : i32
    %dma_wait3A_92 = arith.constant 0 : i32
    %dma_wait3A_93 = arith.constant 0 : i32
    %dma_wait3A_94 = arith.constant 0 : i32
    %dma_wait3A_95 = tpu.memref_slice %arg9[%dma_wait3A_92, %dma_wait3A_93, %dma_wait3A_94] : memref<2x125x128xf32, #tpu.memory_space<vmem>> -> memref<1x125x128xf32, #tpu.memory_space<vmem>>
    %dma_wait3A_96 = tpu.memref_squeeze %dma_wait3A_95 : memref<1x125x128xf32, #tpu.memory_space<vmem>> -> memref<125x128xf32, #tpu.memory_space<vmem>>
    %dma_wait3A_97 = arith.constant 0 : i32
    %dma_wait3A_98 = tpu.memref_slice %arg7[%dma_wait3A_91, %dma_wait3A_97] : memref<40x125xi32, #tpu.memory_space<vmem>> -> memref<1x125xi32, #tpu.memory_space<vmem>>
    %dma_wait3A_99 = tpu.memref_squeeze %dma_wait3A_98 : memref<1x125xi32, #tpu.memory_space<vmem>> -> memref<125xi32, #tpu.memory_space<vmem>>
    %dma_wait3A_100 = arith.constant 0 : i32
    %dma_wait3A_101 = arith.constant 0 : i32
    %dma_wait3A_102 = tpu.memref_slice %arg4[%dma_wait3A_100, %dma_wait3A_101] : memref<10000x128xf32, #tpu.memory_space<hbm>> -> memref<10000x128xf32, #tpu.memory_space<hbm>>
    tpu.wait_indirect_dma semaphore(%arg12 : memref<!tpu.dma_semaphore, #tpu.memory_space<semaphore_mem>>) src(%dma_wait3A_102 : memref<10000x128xf32, #tpu.memory_space<hbm>>) dst(%dma_wait3A_96 : memref<125x128xf32, #tpu.memory_space<vmem>>)
    %run_scoped3A_103 = arith.constant 0 : i32
    %run_scoped3A_104 = arith.constant 38 : i32
    "tpu.region"() ({
      %run_scoped3A_125 = tpu.sem_alloc : memref<!tpu.dma_semaphore, #tpu.memory_space<semaphore_mem>>
      %dma_start3A_126 = arith.constant 0 : i32
      %dma_start3A_127 = arith.constant 0 : i32
      %dma_start3A_128 = tpu.memref_slice %arg9[%run_scoped3A_103, %dma_start3A_126, %dma_start3A_127] : memref<2x125x128xf32, #tpu.memory_space<vmem>> -> memref<1x125x128xf32, #tpu.memory_space<vmem>>
      %dma_start3A_129 = tpu.memref_squeeze %dma_start3A_128 : memref<1x125x128xf32, #tpu.memory_space<vmem>> -> memref<125x128xf32, #tpu.memory_space<vmem>>
      %dma_start3A_130 = arith.constant 0 : i32
      %dma_start3A_131 = tpu.memref_slice %arg8[%run_scoped3A_104, %dma_start3A_130] : memref<40x125xi32, #tpu.memory_space<vmem>> -> memref<1x125xi32, #tpu.memory_space<vmem>>
      %dma_start3A_132 = tpu.memref_squeeze %dma_start3A_131 : memref<1x125xi32, #tpu.memory_space<vmem>> -> memref<125xi32, #tpu.memory_space<vmem>>
      %dma_start3A_133 = arith.constant 0 : i32
      %dma_start3A_134 = arith.constant 0 : i32
      %dma_start3A_135 = tpu.memref_slice %arg11[%dma_start3A_133, %dma_start3A_134] : memref<10000x128xf32, #tpu.memory_space<vmem_shared>> -> memref<10000x128xf32, #tpu.memory_space<vmem_shared>>
      tpu.enqueue_indirect_dma source(%dma_start3A_129 : memref<125x128xf32, #tpu.memory_space<vmem>>) target(%dma_start3A_135 : memref<10000x128xf32, #tpu.memory_space<vmem_shared>>) offsets(%dma_start3A_132 : memref<125xi32, #tpu.memory_space<vmem>>) semaphore(%run_scoped3A_125 : memref<!tpu.dma_semaphore, #tpu.memory_space<semaphore_mem>>) {add = true}
      %dma_wait3A_136 = arith.constant 0 : i32
      %dma_wait3A_137 = arith.constant 0 : i32
      %dma_wait3A_138 = tpu.memref_slice %arg9[%run_scoped3A_103, %dma_wait3A_136, %dma_wait3A_137] : memref<2x125x128xf32, #tpu.memory_space<vmem>> -> memref<1x125x128xf32, #tpu.memory_space<vmem>>
      %dma_wait3A_139 = tpu.memref_squeeze %dma_wait3A_138 : memref<1x125x128xf32, #tpu.memory_space<vmem>> -> memref<125x128xf32, #tpu.memory_space<vmem>>
      %dma_wait3A_140 = arith.constant 0 : i32
      %dma_wait3A_141 = tpu.memref_slice %arg8[%run_scoped3A_104, %dma_wait3A_140] : memref<40x125xi32, #tpu.memory_space<vmem>> -> memref<1x125xi32, #tpu.memory_space<vmem>>
      %dma_wait3A_142 = tpu.memref_squeeze %dma_wait3A_141 : memref<1x125xi32, #tpu.memory_space<vmem>> -> memref<125xi32, #tpu.memory_space<vmem>>
      %dma_wait3A_143 = arith.constant 0 : i32
      %dma_wait3A_144 = arith.constant 0 : i32
      %dma_wait3A_145 = tpu.memref_slice %arg11[%dma_wait3A_143, %dma_wait3A_144] : memref<10000x128xf32, #tpu.memory_space<vmem_shared>> -> memref<10000x128xf32, #tpu.memory_space<vmem_shared>>
      tpu.wait_indirect_dma semaphore(%run_scoped3A_125 : memref<!tpu.dma_semaphore, #tpu.memory_space<semaphore_mem>>) src(%dma_wait3A_139 : memref<125x128xf32, #tpu.memory_space<vmem>>) dst(%dma_wait3A_145 : memref<10000x128xf32, #tpu.memory_space<vmem_shared>>)
      tpu.yield
    }) : () -> ()
    %dma_wait3A_105 = arith.constant 39 : i32
    %dma_wait3A_106 = arith.constant 1 : i32
    %dma_wait3A_107 = arith.constant 0 : i32
    %dma_wait3A_108 = arith.constant 0 : i32
    %dma_wait3A_109 = tpu.memref_slice %arg9[%dma_wait3A_106, %dma_wait3A_107, %dma_wait3A_108] : memref<2x125x128xf32, #tpu.memory_space<vmem>> -> memref<1x125x128xf32, #tpu.memory_space<vmem>>
    %dma_wait3A_110 = tpu.memref_squeeze %dma_wait3A_109 : memref<1x125x128xf32, #tpu.memory_space<vmem>> -> memref<125x128xf32, #tpu.memory_space<vmem>>
    %dma_wait3A_111 = arith.constant 0 : i32
    %dma_wait3A_112 = tpu.memref_slice %arg7[%dma_wait3A_105, %dma_wait3A_111] : memref<40x125xi32, #tpu.memory_space<vmem>> -> memref<1x125xi32, #tpu.memory_space<vmem>>
    %dma_wait3A_113 = tpu.memref_squeeze %dma_wait3A_112 : memref<1x125xi32, #tpu.memory_space<vmem>> -> memref<125xi32, #tpu.memory_space<vmem>>
    %dma_wait3A_114 = arith.constant 0 : i32
    %dma_wait3A_115 = arith.constant 0 : i32
    %dma_wait3A_116 = tpu.memref_slice %arg4[%dma_wait3A_114, %dma_wait3A_115] : memref<10000x128xf32, #tpu.memory_space<hbm>> -> memref<10000x128xf32, #tpu.memory_space<hbm>>
    tpu.wait_indirect_dma semaphore(%arg13 : memref<!tpu.dma_semaphore, #tpu.memory_space<semaphore_mem>>) src(%dma_wait3A_116 : memref<10000x128xf32, #tpu.memory_space<hbm>>) dst(%dma_wait3A_110 : memref<125x128xf32, #tpu.memory_space<vmem>>)
    %run_scoped3A_117 = arith.constant 1 : i32
    %run_scoped3A_118 = arith.constant 39 : i32
    "tpu.region"() ({
      %run_scoped3A_125 = tpu.sem_alloc : memref<!tpu.dma_semaphore, #tpu.memory_space<semaphore_mem>>
      %dma_start3A_126 = arith.constant 0 : i32
      %dma_start3A_127 = arith.constant 0 : i32
      %dma_start3A_128 = tpu.memref_slice %arg9[%run_scoped3A_117, %dma_start3A_126, %dma_start3A_127] : memref<2x125x128xf32, #tpu.memory_space<vmem>> -> memref<1x125x128xf32, #tpu.memory_space<vmem>>
      %dma_start3A_129 = tpu.memref_squeeze %dma_start3A_128 : memref<1x125x128xf32, #tpu.memory_space<vmem>> -> memref<125x128xf32, #tpu.memory_space<vmem>>
      %dma_start3A_130 = arith.constant 0 : i32
      %dma_start3A_131 = tpu.memref_slice %arg8[%run_scoped3A_118, %dma_start3A_130] : memref<40x125xi32, #tpu.memory_space<vmem>> -> memref<1x125xi32, #tpu.memory_space<vmem>>
      %dma_start3A_132 = tpu.memref_squeeze %dma_start3A_131 : memref<1x125xi32, #tpu.memory_space<vmem>> -> memref<125xi32, #tpu.memory_space<vmem>>
      %dma_start3A_133 = arith.constant 0 : i32
      %dma_start3A_134 = arith.constant 0 : i32
      %dma_start3A_135 = tpu.memref_slice %arg11[%dma_start3A_133, %dma_start3A_134] : memref<10000x128xf32, #tpu.memory_space<vmem_shared>> -> memref<10000x128xf32, #tpu.memory_space<vmem_shared>>
      tpu.enqueue_indirect_dma source(%dma_start3A_129 : memref<125x128xf32, #tpu.memory_space<vmem>>) target(%dma_start3A_135 : memref<10000x128xf32, #tpu.memory_space<vmem_shared>>) offsets(%dma_start3A_132 : memref<125xi32, #tpu.memory_space<vmem>>) semaphore(%run_scoped3A_125 : memref<!tpu.dma_semaphore, #tpu.memory_space<semaphore_mem>>) {add = true}
      %dma_wait3A_136 = arith.constant 0 : i32
      %dma_wait3A_137 = arith.constant 0 : i32
      %dma_wait3A_138 = tpu.memref_slice %arg9[%run_scoped3A_117, %dma_wait3A_136, %dma_wait3A_137] : memref<2x125x128xf32, #tpu.memory_space<vmem>> -> memref<1x125x128xf32, #tpu.memory_space<vmem>>
      %dma_wait3A_139 = tpu.memref_squeeze %dma_wait3A_138 : memref<1x125x128xf32, #tpu.memory_space<vmem>> -> memref<125x128xf32, #tpu.memory_space<vmem>>
      %dma_wait3A_140 = arith.constant 0 : i32
      %dma_wait3A_141 = tpu.memref_slice %arg8[%run_scoped3A_118, %dma_wait3A_140] : memref<40x125xi32, #tpu.memory_space<vmem>> -> memref<1x125xi32, #tpu.memory_space<vmem>>
      %dma_wait3A_142 = tpu.memref_squeeze %dma_wait3A_141 : memref<1x125xi32, #tpu.memory_space<vmem>> -> memref<125xi32, #tpu.memory_space<vmem>>
      %dma_wait3A_143 = arith.constant 0 : i32
      %dma_wait3A_144 = arith.constant 0 : i32
      %dma_wait3A_145 = tpu.memref_slice %arg11[%dma_wait3A_143, %dma_wait3A_144] : memref<10000x128xf32, #tpu.memory_space<vmem_shared>> -> memref<10000x128xf32, #tpu.memory_space<vmem_shared>>
      tpu.wait_indirect_dma semaphore(%run_scoped3A_125 : memref<!tpu.dma_semaphore, #tpu.memory_space<semaphore_mem>>) src(%dma_wait3A_139 : memref<125x128xf32, #tpu.memory_space<vmem>>) dst(%dma_wait3A_145 : memref<10000x128xf32, #tpu.memory_space<vmem_shared>>)
      tpu.yield
    }) : () -> ()
    %barrier3A_119 = arith.constant 0 : index
    tpu.barrier barrier_id(%barrier3A_119)
    %lt3A_120 = arith.constant 10 : i32
    %lt3A_121 = arith.cmpi slt, %arg1, %lt3A_120 : i32
    %convert_element_type3A_122 = arith.extui %lt3A_121 : i1 to i32
    %cond3A_123 = arith.constant 0 : i32
    %cond3A_124 = arith.cmpi ne, %convert_element_type3A_122, %cond3A_123 : i32
    scf.if %cond3A_124 {
      %mul3A_125 = arith.constant 1000 : i32
      %mul3A_126 = arith.muli %arg1, %mul3A_125 : i32
      %mul3A_127 = arith.constant 1000 : i32
      %mul3A_128 = arith.muli %arg1, %mul3A_127 : i32
      "tpu.region"() ({
        %run_scoped3A_129 = tpu.sem_alloc : memref<!tpu.dma_semaphore, #tpu.memory_space<semaphore_mem>>
        %dma_start3A_130 = arith.constant 0 : i32
        %dma_start3A_131 = tpu.memref_slice %arg6[%arg0, %mul3A_128, %dma_start3A_130] : memref<2x10000x128xf32, #tpu.memory_space<hbm>> -> memref<1x1000x128xf32, #tpu.memory_space<hbm>>
        %dma_start3A_132 = tpu.memref_squeeze %dma_start3A_131 : memref<1x1000x128xf32, #tpu.memory_space<hbm>> -> memref<1000x128xf32, #tpu.memory_space<hbm>>
        %dma_start3A_133 = arith.constant 0 : i32
        %dma_start3A_134 = tpu.memref_slice %arg11[%mul3A_126, %dma_start3A_133] : memref<10000x128xf32, #tpu.memory_space<vmem_shared>> -> memref<1000x128xf32, #tpu.memory_space<vmem_shared>>
        tpu.enqueue_dma source(%dma_start3A_134 : memref<1000x128xf32, #tpu.memory_space<vmem_shared>>) target(%dma_start3A_132 : memref<1000x128xf32, #tpu.memory_space<hbm>>) target_semaphore(%run_scoped3A_129 : memref<!tpu.dma_semaphore, #tpu.memory_space<semaphore_mem>>)
        %dma_wait3A_135 = arith.constant 0 : i32
        %dma_wait3A_136 = tpu.memref_slice %arg6[%arg0, %mul3A_128, %dma_wait3A_135] : memref<2x10000x128xf32, #tpu.memory_space<hbm>> -> memref<1x1000x128xf32, #tpu.memory_space<hbm>>
        %dma_wait3A_137 = tpu.memref_squeeze %dma_wait3A_136 : memref<1x1000x128xf32, #tpu.memory_space<hbm>> -> memref<1000x128xf32, #tpu.memory_space<hbm>>
        %dma_wait3A_138 = arith.constant 0 : i32
        %dma_wait3A_139 = tpu.memref_slice %arg11[%mul3A_126, %dma_wait3A_138] : memref<10000x128xf32, #tpu.memory_space<vmem_shared>> -> memref<1000x128xf32, #tpu.memory_space<vmem_shared>>
        tpu.wait_dma2 semaphore(%run_scoped3A_129 : memref<!tpu.dma_semaphore, #tpu.memory_space<semaphore_mem>>) src(%dma_wait3A_139 : memref<1000x128xf32, #tpu.memory_space<vmem_shared>>) dst(%dma_wait3A_137 : memref<1000x128xf32, #tpu.memory_space<hbm>>)
        tpu.yield
      }) : () -> ()
    } else {
    }
    return
  }
}

#map = affine_map<(d0, d1) -> (0, 0, 0, 0)>
#map1 = affine_map<(d0, d1) -> (0, 0)>
#map2 = affine_map<(d0, d1) -> (0, 0, 0)>
module attributes {stable_mosaic.version = 14 : i64} {
  func.func @_agg_body(%arg0: i32, %arg1: i32, %arg2: memref<32x2x40x125xi32, #tpu.memory_space<hbm>>, %arg3: memref<32x2x40x125xi32, #tpu.memory_space<hbm>>, %arg4: memref<10000x128xf32, #tpu.memory_space<hbm>>, %arg5: memref<40x128xf32, #tpu.memory_space<hbm>>, %arg6: memref<2x10000x128xf32, #tpu.memory_space<hbm>>, %arg7: memref<40x125xi32, #tpu.memory_space<vmem>>, %arg8: memref<40x125xi32, #tpu.memory_space<vmem>>, %arg9: memref<2x125x128xf32, #tpu.memory_space<vmem>>, %arg10: memref<40x128xf32, #tpu.memory_space<vmem>>, %arg11: memref<10000x128xf32, #tpu.memory_space<vmem_shared>>, %arg12: memref<!tpu.dma_semaphore, #tpu.memory_space<semaphore_mem>>, %arg13: memref<!tpu.dma_semaphore, #tpu.memory_space<semaphore_mem>>) attributes {dimension_semantics = [#tpu.dimension_semantics<core_parallel>, #tpu.dimension_semantics<subcore_parallel>], iteration_bounds = array<i64: 2, 16>, scalar_prefetch = 0 : i64, scratch_operands = 7 : i64, tpu.core_type = #tpu.core_type<sc_vector_subcore>, window_params = [{transform_indices = #map}, {transform_indices = #map}, {transform_indices = #map1}, {transform_indices = #map1}, {transform_indices = #map2}]} {
    %mul3A = arith.constant 16 : i32
    %mul3A_0 = arith.muli %arg0, %mul3A : i32
    %add3A = arith.addi %mul3A_0, %arg1 : i32
    %run_scoped3A = arith.constant 0 : i32
    "tpu.region"() ({
      %run_scoped3A_125 = tpu.sem_alloc : memref<!tpu.dma_semaphore, #tpu.memory_space<semaphore_mem>>
      %dma_start3A_126 = arith.constant 0 : i32
      %dma_start3A_127 = arith.constant 0 : i32
      %dma_start3A_128 = tpu.memref_slice %arg2[%add3A, %run_scoped3A, %dma_start3A_126, %dma_start3A_127] : memref<32x2x40x125xi32, #tpu.memory_space<hbm>> -> memref<1x1x40x125xi32, #tpu.memory_space<hbm>>
      %dma_start3A_129 = tpu.memref_squeeze %dma_start3A_128 : memref<1x1x40x125xi32, #tpu.memory_space<hbm>> -> memref<40x125xi32, #tpu.memory_space<hbm>>
      %dma_start3A_130 = arith.constant 0 : i32
      %dma_start3A_131 = arith.constant 0 : i32
      %dma_start3A_132 = tpu.memref_slice %arg2[%add3A, %run_scoped3A, %dma_start3A_130, %dma_start3A_131] : memref<32x2x40x125xi32, #tpu.memory_space<hbm>> -> memref<1x1x40x125xi32, #tpu.memory_space<hbm>>
      %dma_start3A_133 = tpu.memref_squeeze %dma_start3A_132 : memref<1x1x40x125xi32, #tpu.memory_space<hbm>> -> memref<40x125xi32, #tpu.memory_space<hbm>>
      tpu.enqueue_dma source(%dma_start3A_133 : memref<40x125xi32, #tpu.memory_space<hbm>>) target(%arg7 : memref<40x125xi32, #tpu.memory_space<vmem>>) target_semaphore(%run_scoped3A_125 : memref<!tpu.dma_semaphore, #tpu.memory_space<semaphore_mem>>)
      %dma_wait3A_134 = arith.constant 0 : i32
      %dma_wait3A_135 = arith.constant 0 : i32
      %dma_wait3A_136 = tpu.memref_slice %arg2[%add3A, %run_scoped3A, %dma_wait3A_134, %dma_wait3A_135] : memref<32x2x40x125xi32, #tpu.memory_space<hbm>> -> memref<1x1x40x125xi32, #tpu.memory_space<hbm>>
      %dma_wait3A_137 = tpu.memref_squeeze %dma_wait3A_136 : memref<1x1x40x125xi32, #tpu.memory_space<hbm>> -> memref<40x125xi32, #tpu.memory_space<hbm>>
      %dma_wait3A_138 = arith.constant 0 : i32
      %dma_wait3A_139 = arith.constant 0 : i32
      %dma_wait3A_140 = tpu.memref_slice %arg2[%add3A, %run_scoped3A, %dma_wait3A_138, %dma_wait3A_139] : memref<32x2x40x125xi32, #tpu.memory_space<hbm>> -> memref<1x1x40x125xi32, #tpu.memory_space<hbm>>
      %dma_wait3A_141 = tpu.memref_squeeze %dma_wait3A_140 : memref<1x1x40x125xi32, #tpu.memory_space<hbm>> -> memref<40x125xi32, #tpu.memory_space<hbm>>
      tpu.wait_dma2 semaphore(%run_scoped3A_125 : memref<!tpu.dma_semaphore, #tpu.memory_space<semaphore_mem>>) src(%dma_wait3A_141 : memref<40x125xi32, #tpu.memory_space<hbm>>) dst(%arg7 : memref<40x125xi32, #tpu.memory_space<vmem>>)
      tpu.yield
    }) : () -> ()
    %run_scoped3A_1 = arith.constant 0 : i32
    "tpu.region"() ({
      %run_scoped3A_125 = tpu.sem_alloc : memref<!tpu.dma_semaphore, #tpu.memory_space<semaphore_mem>>
      %dma_start3A_126 = arith.constant 0 : i32
      %dma_start3A_127 = arith.constant 0 : i32
      %dma_start3A_128 = tpu.memref_slice %arg3[%add3A, %run_scoped3A_1, %dma_start3A_126, %dma_start3A_127] : memref<32x2x40x125xi32, #tpu.memory_space<hbm>> -> memref<1x1x40x125xi32, #tpu.memory_space<hbm>>
      %dma_start3A_129 = tpu.memref_squeeze %dma_start3A_128 : memref<1x1x40x125xi32, #tpu.memory_space<hbm>> -> memref<40x125xi32, #tpu.memory_space<hbm>>
      %dma_start3A_130 = arith.constant 0 : i32
      %dma_start3A_131 = arith.constant 0 : i32
      %dma_start3A_132 = tpu.memref_slice %arg3[%add3A, %run_scoped3A_1, %dma_start3A_130, %dma_start3A_131] : memref<32x2x40x125xi32, #tpu.memory_space<hbm>> -> memref<1x1x40x125xi32, #tpu.memory_space<hbm>>
      %dma_start3A_133 = tpu.memref_squeeze %dma_start3A_132 : memref<1x1x40x125xi32, #tpu.memory_space<hbm>> -> memref<40x125xi32, #tpu.memory_space<hbm>>
      tpu.enqueue_dma source(%dma_start3A_133 : memref<40x125xi32, #tpu.memory_space<hbm>>) target(%arg8 : memref<40x125xi32, #tpu.memory_space<vmem>>) target_semaphore(%run_scoped3A_125 : memref<!tpu.dma_semaphore, #tpu.memory_space<semaphore_mem>>)
      %dma_wait3A_134 = arith.constant 0 : i32
      %dma_wait3A_135 = arith.constant 0 : i32
      %dma_wait3A_136 = tpu.memref_slice %arg3[%add3A, %run_scoped3A_1, %dma_wait3A_134, %dma_wait3A_135] : memref<32x2x40x125xi32, #tpu.memory_space<hbm>> -> memref<1x1x40x125xi32, #tpu.memory_space<hbm>>
      %dma_wait3A_137 = tpu.memref_squeeze %dma_wait3A_136 : memref<1x1x40x125xi32, #tpu.memory_space<hbm>> -> memref<40x125xi32, #tpu.memory_space<hbm>>
      %dma_wait3A_138 = arith.constant 0 : i32
      %dma_wait3A_139 = arith.constant 0 : i32
      %dma_wait3A_140 = tpu.memref_slice %arg3[%add3A, %run_scoped3A_1, %dma_wait3A_138, %dma_wait3A_139] : memref<32x2x40x125xi32, #tpu.memory_space<hbm>> -> memref<1x1x40x125xi32, #tpu.memory_space<hbm>>
      %dma_wait3A_141 = tpu.memref_squeeze %dma_wait3A_140 : memref<1x1x40x125xi32, #tpu.memory_space<hbm>> -> memref<40x125xi32, #tpu.memory_space<hbm>>
      tpu.wait_dma2 semaphore(%run_scoped3A_125 : memref<!tpu.dma_semaphore, #tpu.memory_space<semaphore_mem>>) src(%dma_wait3A_141 : memref<40x125xi32, #tpu.memory_space<hbm>>) dst(%arg8 : memref<40x125xi32, #tpu.memory_space<vmem>>)
      tpu.yield
    }) : () -> ()
    %dma_start3A = arith.constant 0 : i32
    %dma_start3A_2 = arith.constant 0 : i32
    %dma_start3A_3 = arith.constant 0 : i32
    %dma_start3A_4 = arith.constant 0 : i32
    %dma_start3A_5 = tpu.memref_slice %arg9[%dma_start3A_2, %dma_start3A_3, %dma_start3A_4] : memref<2x125x128xf32, #tpu.memory_space<vmem>> -> memref<1x125x128xf32, #tpu.memory_space<vmem>>
    %dma_start3A_6 = tpu.memref_squeeze %dma_start3A_5 : memref<1x125x128xf32, #tpu.memory_space<vmem>> -> memref<125x128xf32, #tpu.memory_space<vmem>>
    %dma_start3A_7 = arith.constant 0 : i32
    %dma_start3A_8 = tpu.memref_slice %arg7[%dma_start3A, %dma_start3A_7] : memref<40x125xi32, #tpu.memory_space<vmem>> -> memref<1x125xi32, #tpu.memory_space<vmem>>
    %dma_start3A_9 = tpu.memref_squeeze %dma_start3A_8 : memref<1x125xi32, #tpu.memory_space<vmem>> -> memref<125xi32, #tpu.memory_space<vmem>>
    %dma_start3A_10 = arith.constant 0 : i32
    %dma_start3A_11 = arith.constant 0 : i32
    %dma_start3A_12 = tpu.memref_slice %arg4[%dma_start3A_10, %dma_start3A_11] : memref<10000x128xf32, #tpu.memory_space<hbm>> -> memref<10000x128xf32, #tpu.memory_space<hbm>>
    tpu.enqueue_indirect_dma source(%dma_start3A_12 : memref<10000x128xf32, #tpu.memory_space<hbm>>) target(%dma_start3A_6 : memref<125x128xf32, #tpu.memory_space<vmem>>) offsets(%dma_start3A_9 : memref<125xi32, #tpu.memory_space<vmem>>) semaphore(%arg12 : memref<!tpu.dma_semaphore, #tpu.memory_space<semaphore_mem>>)
    %dma_start3A_13 = arith.constant 1 : i32
    %dma_start3A_14 = arith.constant 1 : i32
    %dma_start3A_15 = arith.constant 0 : i32
    %dma_start3A_16 = arith.constant 0 : i32
    %dma_start3A_17 = tpu.memref_slice %arg9[%dma_start3A_14, %dma_start3A_15, %dma_start3A_16] : memref<2x125x128xf32, #tpu.memory_space<vmem>> -> memref<1x125x128xf32, #tpu.memory_space<vmem>>
    %dma_start3A_18 = tpu.memref_squeeze %dma_start3A_17 : memref<1x125x128xf32, #tpu.memory_space<vmem>> -> memref<125x128xf32, #tpu.memory_space<vmem>>
    %dma_start3A_19 = arith.constant 0 : i32
    %dma_start3A_20 = tpu.memref_slice %arg7[%dma_start3A_13, %dma_start3A_19] : memref<40x125xi32, #tpu.memory_space<vmem>> -> memref<1x125xi32, #tpu.memory_space<vmem>>
    %dma_start3A_21 = tpu.memref_squeeze %dma_start3A_20 : memref<1x125xi32, #tpu.memory_space<vmem>> -> memref<125xi32, #tpu.memory_space<vmem>>
    %dma_start3A_22 = arith.constant 0 : i32
    %dma_start3A_23 = arith.constant 0 : i32
    %dma_start3A_24 = tpu.memref_slice %arg4[%dma_start3A_22, %dma_start3A_23] : memref<10000x128xf32, #tpu.memory_space<hbm>> -> memref<10000x128xf32, #tpu.memory_space<hbm>>
    tpu.enqueue_indirect_dma source(%dma_start3A_24 : memref<10000x128xf32, #tpu.memory_space<hbm>>) target(%dma_start3A_18 : memref<125x128xf32, #tpu.memory_space<vmem>>) offsets(%dma_start3A_21 : memref<125xi32, #tpu.memory_space<vmem>>) semaphore(%arg13 : memref<!tpu.dma_semaphore, #tpu.memory_space<semaphore_mem>>)
    "tpu.region"() ({
      %run_scoped3A_125 = tpu.sem_alloc : memref<!tpu.dma_semaphore, #tpu.memory_space<semaphore_mem>>
      tpu.enqueue_dma source(%arg5 : memref<40x128xf32, #tpu.memory_space<hbm>>) target(%arg10 : memref<40x128xf32, #tpu.memory_space<vmem>>) target_semaphore(%run_scoped3A_125 : memref<!tpu.dma_semaphore, #tpu.memory_space<semaphore_mem>>)
      tpu.wait_dma2 semaphore(%run_scoped3A_125 : memref<!tpu.dma_semaphore, #tpu.memory_space<semaphore_mem>>) src(%arg5 : memref<40x128xf32, #tpu.memory_space<hbm>>) dst(%arg10 : memref<40x128xf32, #tpu.memory_space<vmem>>)
      tpu.yield
    }) : () -> ()
    %lt3A = arith.constant 10 : i32
    %lt3A_25 = arith.cmpi slt, %arg1, %lt3A : i32
    %convert_element_type3A = arith.extui %lt3A_25 : i1 to i32
    %cond3A = arith.constant 0 : i32
    %cond3A_26 = arith.cmpi ne, %convert_element_type3A, %cond3A : i32
    scf.if %cond3A_26 {
      %mul3A_125 = arith.constant 1000 : i32
      %mul3A_126 = arith.muli %arg1, %mul3A_125 : i32
      %add3A_127 = arith.constant 0 : i32
      %add3A_128 = arith.addi %mul3A_126, %add3A_127 : i32
      "tpu.region"() ({
        %run_scoped3A_225 = tpu.sem_alloc : memref<!tpu.dma_semaphore, #tpu.memory_space<semaphore_mem>>
        %dma_start3A_226 = arith.constant 0 : i32
        %dma_start3A_227 = tpu.memref_slice %arg11[%add3A_128, %dma_start3A_226] : memref<10000x128xf32, #tpu.memory_space<vmem_shared>> -> memref<40x128xf32, #tpu.memory_space<vmem_shared>>
        %dma_start3A_228 = arith.constant 0 : i32
        %dma_start3A_229 = tpu.memref_slice %arg11[%add3A_128, %dma_start3A_228] : memref<10000x128xf32, #tpu.memory_space<vmem_shared>> -> memref<40x128xf32, #tpu.memory_space<vmem_shared>>
        tpu.enqueue_dma source(%arg10 : memref<40x128xf32, #tpu.memory_space<vmem>>) target(%dma_start3A_229 : memref<40x128xf32, #tpu.memory_space<vmem_shared>>) target_semaphore(%run_scoped3A_225 : memref<!tpu.dma_semaphore, #tpu.memory_space<semaphore_mem>>)
        %dma_wait3A_230 = arith.constant 0 : i32
        %dma_wait3A_231 = tpu.memref_slice %arg11[%add3A_128, %dma_wait3A_230] : memref<10000x128xf32, #tpu.memory_space<vmem_shared>> -> memref<40x128xf32, #tpu.memory_space<vmem_shared>>
        %dma_wait3A_232 = arith.constant 0 : i32
        %dma_wait3A_233 = tpu.memref_slice %arg11[%add3A_128, %dma_wait3A_232] : memref<10000x128xf32, #tpu.memory_space<vmem_shared>> -> memref<40x128xf32, #tpu.memory_space<vmem_shared>>
        tpu.wait_dma2 semaphore(%run_scoped3A_225 : memref<!tpu.dma_semaphore, #tpu.memory_space<semaphore_mem>>) src(%arg10 : memref<40x128xf32, #tpu.memory_space<vmem>>) dst(%dma_wait3A_233 : memref<40x128xf32, #tpu.memory_space<vmem_shared>>)
        tpu.yield
      }) : () -> ()
      %mul3A_129 = arith.constant 1000 : i32
      %mul3A_130 = arith.muli %arg1, %mul3A_129 : i32
      %add3A_131 = arith.constant 40 : i32
      %add3A_132 = arith.addi %mul3A_130, %add3A_131 : i32
      "tpu.region"() ({
        %run_scoped3A_225 = tpu.sem_alloc : memref<!tpu.dma_semaphore, #tpu.memory_space<semaphore_mem>>
        %dma_start3A_226 = arith.constant 0 : i32
        %dma_start3A_227 = tpu.memref_slice %arg11[%add3A_132, %dma_start3A_226] : memref<10000x128xf32, #tpu.memory_space<vmem_shared>> -> memref<40x128xf32, #tpu.memory_space<vmem_shared>>
        %dma_start3A_228 = arith.constant 0 : i32
        %dma_start3A_229 = tpu.memref_slice %arg11[%add3A_132, %dma_start3A_228] : memref<10000x128xf32, #tpu.memory_space<vmem_shared>> -> memref<40x128xf32, #tpu.memory_space<vmem_shared>>
        tpu.enqueue_dma source(%arg10 : memref<40x128xf32, #tpu.memory_space<vmem>>) target(%dma_start3A_229 : memref<40x128xf32, #tpu.memory_space<vmem_shared>>) target_semaphore(%run_scoped3A_225 : memref<!tpu.dma_semaphore, #tpu.memory_space<semaphore_mem>>)
        %dma_wait3A_230 = arith.constant 0 : i32
        %dma_wait3A_231 = tpu.memref_slice %arg11[%add3A_132, %dma_wait3A_230] : memref<10000x128xf32, #tpu.memory_space<vmem_shared>> -> memref<40x128xf32, #tpu.memory_space<vmem_shared>>
        %dma_wait3A_232 = arith.constant 0 : i32
        %dma_wait3A_233 = tpu.memref_slice %arg11[%add3A_132, %dma_wait3A_232] : memref<10000x128xf32, #tpu.memory_space<vmem_shared>> -> memref<40x128xf32, #tpu.memory_space<vmem_shared>>
        tpu.wait_dma2 semaphore(%run_scoped3A_225 : memref<!tpu.dma_semaphore, #tpu.memory_space<semaphore_mem>>) src(%arg10 : memref<40x128xf32, #tpu.memory_space<vmem>>) dst(%dma_wait3A_233 : memref<40x128xf32, #tpu.memory_space<vmem_shared>>)
        tpu.yield
      }) : () -> ()
      %mul3A_133 = arith.constant 1000 : i32
      %mul3A_134 = arith.muli %arg1, %mul3A_133 : i32
      %add3A_135 = arith.constant 80 : i32
      %add3A_136 = arith.addi %mul3A_134, %add3A_135 : i32
      "tpu.region"() ({
        %run_scoped3A_225 = tpu.sem_alloc : memref<!tpu.dma_semaphore, #tpu.memory_space<semaphore_mem>>
        %dma_start3A_226 = arith.constant 0 : i32
        %dma_start3A_227 = tpu.memref_slice %arg11[%add3A_136, %dma_start3A_226] : memref<10000x128xf32, #tpu.memory_space<vmem_shared>> -> memref<40x128xf32, #tpu.memory_space<vmem_shared>>
        %dma_start3A_228 = arith.constant 0 : i32
        %dma_start3A_229 = tpu.memref_slice %arg11[%add3A_136, %dma_start3A_228] : memref<10000x128xf32, #tpu.memory_space<vmem_shared>> -> memref<40x128xf32, #tpu.memory_space<vmem_shared>>
        tpu.enqueue_dma source(%arg10 : memref<40x128xf32, #tpu.memory_space<vmem>>) target(%dma_start3A_229 : memref<40x128xf32, #tpu.memory_space<vmem_shared>>) target_semaphore(%run_scoped3A_225 : memref<!tpu.dma_semaphore, #tpu.memory_space<semaphore_mem>>)
        %dma_wait3A_230 = arith.constant 0 : i32
        %dma_wait3A_231 = tpu.memref_slice %arg11[%add3A_136, %dma_wait3A_230] : memref<10000x128xf32, #tpu.memory_space<vmem_shared>> -> memref<40x128xf32, #tpu.memory_space<vmem_shared>>
        %dma_wait3A_232 = arith.constant 0 : i32
        %dma_wait3A_233 = tpu.memref_slice %arg11[%add3A_136, %dma_wait3A_232] : memref<10000x128xf32, #tpu.memory_space<vmem_shared>> -> memref<40x128xf32, #tpu.memory_space<vmem_shared>>
        tpu.wait_dma2 semaphore(%run_scoped3A_225 : memref<!tpu.dma_semaphore, #tpu.memory_space<semaphore_mem>>) src(%arg10 : memref<40x128xf32, #tpu.memory_space<vmem>>) dst(%dma_wait3A_233 : memref<40x128xf32, #tpu.memory_space<vmem_shared>>)
        tpu.yield
      }) : () -> ()
      %mul3A_137 = arith.constant 1000 : i32
      %mul3A_138 = arith.muli %arg1, %mul3A_137 : i32
      %add3A_139 = arith.constant 120 : i32
      %add3A_140 = arith.addi %mul3A_138, %add3A_139 : i32
      "tpu.region"() ({
        %run_scoped3A_225 = tpu.sem_alloc : memref<!tpu.dma_semaphore, #tpu.memory_space<semaphore_mem>>
        %dma_start3A_226 = arith.constant 0 : i32
        %dma_start3A_227 = tpu.memref_slice %arg11[%add3A_140, %dma_start3A_226] : memref<10000x128xf32, #tpu.memory_space<vmem_shared>> -> memref<40x128xf32, #tpu.memory_space<vmem_shared>>
        %dma_start3A_228 = arith.constant 0 : i32
        %dma_start3A_229 = tpu.memref_slice %arg11[%add3A_140, %dma_start3A_228] : memref<10000x128xf32, #tpu.memory_space<vmem_shared>> -> memref<40x128xf32, #tpu.memory_space<vmem_shared>>
        tpu.enqueue_dma source(%arg10 : memref<40x128xf32, #tpu.memory_space<vmem>>) target(%dma_start3A_229 : memref<40x128xf32, #tpu.memory_space<vmem_shared>>) target_semaphore(%run_scoped3A_225 : memref<!tpu.dma_semaphore, #tpu.memory_space<semaphore_mem>>)
        %dma_wait3A_230 = arith.constant 0 : i32
        %dma_wait3A_231 = tpu.memref_slice %arg11[%add3A_140, %dma_wait3A_230] : memref<10000x128xf32, #tpu.memory_space<vmem_shared>> -> memref<40x128xf32, #tpu.memory_space<vmem_shared>>
        %dma_wait3A_232 = arith.constant 0 : i32
        %dma_wait3A_233 = tpu.memref_slice %arg11[%add3A_140, %dma_wait3A_232] : memref<10000x128xf32, #tpu.memory_space<vmem_shared>> -> memref<40x128xf32, #tpu.memory_space<vmem_shared>>
        tpu.wait_dma2 semaphore(%run_scoped3A_225 : memref<!tpu.dma_semaphore, #tpu.memory_space<semaphore_mem>>) src(%arg10 : memref<40x128xf32, #tpu.memory_space<vmem>>) dst(%dma_wait3A_233 : memref<40x128xf32, #tpu.memory_space<vmem_shared>>)
        tpu.yield
      }) : () -> ()
      %mul3A_141 = arith.constant 1000 : i32
      %mul3A_142 = arith.muli %arg1, %mul3A_141 : i32
      %add3A_143 = arith.constant 160 : i32
      %add3A_144 = arith.addi %mul3A_142, %add3A_143 : i32
      "tpu.region"() ({
        %run_scoped3A_225 = tpu.sem_alloc : memref<!tpu.dma_semaphore, #tpu.memory_space<semaphore_mem>>
        %dma_start3A_226 = arith.constant 0 : i32
        %dma_start3A_227 = tpu.memref_slice %arg11[%add3A_144, %dma_start3A_226] : memref<10000x128xf32, #tpu.memory_space<vmem_shared>> -> memref<40x128xf32, #tpu.memory_space<vmem_shared>>
        %dma_start3A_228 = arith.constant 0 : i32
        %dma_start3A_229 = tpu.memref_slice %arg11[%add3A_144, %dma_start3A_228] : memref<10000x128xf32, #tpu.memory_space<vmem_shared>> -> memref<40x128xf32, #tpu.memory_space<vmem_shared>>
        tpu.enqueue_dma source(%arg10 : memref<40x128xf32, #tpu.memory_space<vmem>>) target(%dma_start3A_229 : memref<40x128xf32, #tpu.memory_space<vmem_shared>>) target_semaphore(%run_scoped3A_225 : memref<!tpu.dma_semaphore, #tpu.memory_space<semaphore_mem>>)
        %dma_wait3A_230 = arith.constant 0 : i32
        %dma_wait3A_231 = tpu.memref_slice %arg11[%add3A_144, %dma_wait3A_230] : memref<10000x128xf32, #tpu.memory_space<vmem_shared>> -> memref<40x128xf32, #tpu.memory_space<vmem_shared>>
        %dma_wait3A_232 = arith.constant 0 : i32
        %dma_wait3A_233 = tpu.memref_slice %arg11[%add3A_144, %dma_wait3A_232] : memref<10000x128xf32, #tpu.memory_space<vmem_shared>> -> memref<40x128xf32, #tpu.memory_space<vmem_shared>>
        tpu.wait_dma2 semaphore(%run_scoped3A_225 : memref<!tpu.dma_semaphore, #tpu.memory_space<semaphore_mem>>) src(%arg10 : memref<40x128xf32, #tpu.memory_space<vmem>>) dst(%dma_wait3A_233 : memref<40x128xf32, #tpu.memory_space<vmem_shared>>)
        tpu.yield
      }) : () -> ()
      %mul3A_145 = arith.constant 1000 : i32
      %mul3A_146 = arith.muli %arg1, %mul3A_145 : i32
      %add3A_147 = arith.constant 200 : i32
      %add3A_148 = arith.addi %mul3A_146, %add3A_147 : i32
      "tpu.region"() ({
        %run_scoped3A_225 = tpu.sem_alloc : memref<!tpu.dma_semaphore, #tpu.memory_space<semaphore_mem>>
        %dma_start3A_226 = arith.constant 0 : i32
        %dma_start3A_227 = tpu.memref_slice %arg11[%add3A_148, %dma_start3A_226] : memref<10000x128xf32, #tpu.memory_space<vmem_shared>> -> memref<40x128xf32, #tpu.memory_space<vmem_shared>>
        %dma_start3A_228 = arith.constant 0 : i32
        %dma_start3A_229 = tpu.memref_slice %arg11[%add3A_148, %dma_start3A_228] : memref<10000x128xf32, #tpu.memory_space<vmem_shared>> -> memref<40x128xf32, #tpu.memory_space<vmem_shared>>
        tpu.enqueue_dma source(%arg10 : memref<40x128xf32, #tpu.memory_space<vmem>>) target(%dma_start3A_229 : memref<40x128xf32, #tpu.memory_space<vmem_shared>>) target_semaphore(%run_scoped3A_225 : memref<!tpu.dma_semaphore, #tpu.memory_space<semaphore_mem>>)
        %dma_wait3A_230 = arith.constant 0 : i32
        %dma_wait3A_231 = tpu.memref_slice %arg11[%add3A_148, %dma_wait3A_230] : memref<10000x128xf32, #tpu.memory_space<vmem_shared>> -> memref<40x128xf32, #tpu.memory_space<vmem_shared>>
        %dma_wait3A_232 = arith.constant 0 : i32
        %dma_wait3A_233 = tpu.memref_slice %arg11[%add3A_148, %dma_wait3A_232] : memref<10000x128xf32, #tpu.memory_space<vmem_shared>> -> memref<40x128xf32, #tpu.memory_space<vmem_shared>>
        tpu.wait_dma2 semaphore(%run_scoped3A_225 : memref<!tpu.dma_semaphore, #tpu.memory_space<semaphore_mem>>) src(%arg10 : memref<40x128xf32, #tpu.memory_space<vmem>>) dst(%dma_wait3A_233 : memref<40x128xf32, #tpu.memory_space<vmem_shared>>)
        tpu.yield
      }) : () -> ()
      %mul3A_149 = arith.constant 1000 : i32
      %mul3A_150 = arith.muli %arg1, %mul3A_149 : i32
      %add3A_151 = arith.constant 240 : i32
      %add3A_152 = arith.addi %mul3A_150, %add3A_151 : i32
      "tpu.region"() ({
        %run_scoped3A_225 = tpu.sem_alloc : memref<!tpu.dma_semaphore, #tpu.memory_space<semaphore_mem>>
        %dma_start3A_226 = arith.constant 0 : i32
        %dma_start3A_227 = tpu.memref_slice %arg11[%add3A_152, %dma_start3A_226] : memref<10000x128xf32, #tpu.memory_space<vmem_shared>> -> memref<40x128xf32, #tpu.memory_space<vmem_shared>>
        %dma_start3A_228 = arith.constant 0 : i32
        %dma_start3A_229 = tpu.memref_slice %arg11[%add3A_152, %dma_start3A_228] : memref<10000x128xf32, #tpu.memory_space<vmem_shared>> -> memref<40x128xf32, #tpu.memory_space<vmem_shared>>
        tpu.enqueue_dma source(%arg10 : memref<40x128xf32, #tpu.memory_space<vmem>>) target(%dma_start3A_229 : memref<40x128xf32, #tpu.memory_space<vmem_shared>>) target_semaphore(%run_scoped3A_225 : memref<!tpu.dma_semaphore, #tpu.memory_space<semaphore_mem>>)
        %dma_wait3A_230 = arith.constant 0 : i32
        %dma_wait3A_231 = tpu.memref_slice %arg11[%add3A_152, %dma_wait3A_230] : memref<10000x128xf32, #tpu.memory_space<vmem_shared>> -> memref<40x128xf32, #tpu.memory_space<vmem_shared>>
        %dma_wait3A_232 = arith.constant 0 : i32
        %dma_wait3A_233 = tpu.memref_slice %arg11[%add3A_152, %dma_wait3A_232] : memref<10000x128xf32, #tpu.memory_space<vmem_shared>> -> memref<40x128xf32, #tpu.memory_space<vmem_shared>>
        tpu.wait_dma2 semaphore(%run_scoped3A_225 : memref<!tpu.dma_semaphore, #tpu.memory_space<semaphore_mem>>) src(%arg10 : memref<40x128xf32, #tpu.memory_space<vmem>>) dst(%dma_wait3A_233 : memref<40x128xf32, #tpu.memory_space<vmem_shared>>)
        tpu.yield
      }) : () -> ()
      %mul3A_153 = arith.constant 1000 : i32
      %mul3A_154 = arith.muli %arg1, %mul3A_153 : i32
      %add3A_155 = arith.constant 280 : i32
      %add3A_156 = arith.addi %mul3A_154, %add3A_155 : i32
      "tpu.region"() ({
        %run_scoped3A_225 = tpu.sem_alloc : memref<!tpu.dma_semaphore, #tpu.memory_space<semaphore_mem>>
        %dma_start3A_226 = arith.constant 0 : i32
        %dma_start3A_227 = tpu.memref_slice %arg11[%add3A_156, %dma_start3A_226] : memref<10000x128xf32, #tpu.memory_space<vmem_shared>> -> memref<40x128xf32, #tpu.memory_space<vmem_shared>>
        %dma_start3A_228 = arith.constant 0 : i32
        %dma_start3A_229 = tpu.memref_slice %arg11[%add3A_156, %dma_start3A_228] : memref<10000x128xf32, #tpu.memory_space<vmem_shared>> -> memref<40x128xf32, #tpu.memory_space<vmem_shared>>
        tpu.enqueue_dma source(%arg10 : memref<40x128xf32, #tpu.memory_space<vmem>>) target(%dma_start3A_229 : memref<40x128xf32, #tpu.memory_space<vmem_shared>>) target_semaphore(%run_scoped3A_225 : memref<!tpu.dma_semaphore, #tpu.memory_space<semaphore_mem>>)
        %dma_wait3A_230 = arith.constant 0 : i32
        %dma_wait3A_231 = tpu.memref_slice %arg11[%add3A_156, %dma_wait3A_230] : memref<10000x128xf32, #tpu.memory_space<vmem_shared>> -> memref<40x128xf32, #tpu.memory_space<vmem_shared>>
        %dma_wait3A_232 = arith.constant 0 : i32
        %dma_wait3A_233 = tpu.memref_slice %arg11[%add3A_156, %dma_wait3A_232] : memref<10000x128xf32, #tpu.memory_space<vmem_shared>> -> memref<40x128xf32, #tpu.memory_space<vmem_shared>>
        tpu.wait_dma2 semaphore(%run_scoped3A_225 : memref<!tpu.dma_semaphore, #tpu.memory_space<semaphore_mem>>) src(%arg10 : memref<40x128xf32, #tpu.memory_space<vmem>>) dst(%dma_wait3A_233 : memref<40x128xf32, #tpu.memory_space<vmem_shared>>)
        tpu.yield
      }) : () -> ()
      %mul3A_157 = arith.constant 1000 : i32
      %mul3A_158 = arith.muli %arg1, %mul3A_157 : i32
      %add3A_159 = arith.constant 320 : i32
      %add3A_160 = arith.addi %mul3A_158, %add3A_159 : i32
      "tpu.region"() ({
        %run_scoped3A_225 = tpu.sem_alloc : memref<!tpu.dma_semaphore, #tpu.memory_space<semaphore_mem>>
        %dma_start3A_226 = arith.constant 0 : i32
        %dma_start3A_227 = tpu.memref_slice %arg11[%add3A_160, %dma_start3A_226] : memref<10000x128xf32, #tpu.memory_space<vmem_shared>> -> memref<40x128xf32, #tpu.memory_space<vmem_shared>>
        %dma_start3A_228 = arith.constant 0 : i32
        %dma_start3A_229 = tpu.memref_slice %arg11[%add3A_160, %dma_start3A_228] : memref<10000x128xf32, #tpu.memory_space<vmem_shared>> -> memref<40x128xf32, #tpu.memory_space<vmem_shared>>
        tpu.enqueue_dma source(%arg10 : memref<40x128xf32, #tpu.memory_space<vmem>>) target(%dma_start3A_229 : memref<40x128xf32, #tpu.memory_space<vmem_shared>>) target_semaphore(%run_scoped3A_225 : memref<!tpu.dma_semaphore, #tpu.memory_space<semaphore_mem>>)
        %dma_wait3A_230 = arith.constant 0 : i32
        %dma_wait3A_231 = tpu.memref_slice %arg11[%add3A_160, %dma_wait3A_230] : memref<10000x128xf32, #tpu.memory_space<vmem_shared>> -> memref<40x128xf32, #tpu.memory_space<vmem_shared>>
        %dma_wait3A_232 = arith.constant 0 : i32
        %dma_wait3A_233 = tpu.memref_slice %arg11[%add3A_160, %dma_wait3A_232] : memref<10000x128xf32, #tpu.memory_space<vmem_shared>> -> memref<40x128xf32, #tpu.memory_space<vmem_shared>>
        tpu.wait_dma2 semaphore(%run_scoped3A_225 : memref<!tpu.dma_semaphore, #tpu.memory_space<semaphore_mem>>) src(%arg10 : memref<40x128xf32, #tpu.memory_space<vmem>>) dst(%dma_wait3A_233 : memref<40x128xf32, #tpu.memory_space<vmem_shared>>)
        tpu.yield
      }) : () -> ()
      %mul3A_161 = arith.constant 1000 : i32
      %mul3A_162 = arith.muli %arg1, %mul3A_161 : i32
      %add3A_163 = arith.constant 360 : i32
      %add3A_164 = arith.addi %mul3A_162, %add3A_163 : i32
      "tpu.region"() ({
        %run_scoped3A_225 = tpu.sem_alloc : memref<!tpu.dma_semaphore, #tpu.memory_space<semaphore_mem>>
        %dma_start3A_226 = arith.constant 0 : i32
        %dma_start3A_227 = tpu.memref_slice %arg11[%add3A_164, %dma_start3A_226] : memref<10000x128xf32, #tpu.memory_space<vmem_shared>> -> memref<40x128xf32, #tpu.memory_space<vmem_shared>>
        %dma_start3A_228 = arith.constant 0 : i32
        %dma_start3A_229 = tpu.memref_slice %arg11[%add3A_164, %dma_start3A_228] : memref<10000x128xf32, #tpu.memory_space<vmem_shared>> -> memref<40x128xf32, #tpu.memory_space<vmem_shared>>
        tpu.enqueue_dma source(%arg10 : memref<40x128xf32, #tpu.memory_space<vmem>>) target(%dma_start3A_229 : memref<40x128xf32, #tpu.memory_space<vmem_shared>>) target_semaphore(%run_scoped3A_225 : memref<!tpu.dma_semaphore, #tpu.memory_space<semaphore_mem>>)
        %dma_wait3A_230 = arith.constant 0 : i32
        %dma_wait3A_231 = tpu.memref_slice %arg11[%add3A_164, %dma_wait3A_230] : memref<10000x128xf32, #tpu.memory_space<vmem_shared>> -> memref<40x128xf32, #tpu.memory_space<vmem_shared>>
        %dma_wait3A_232 = arith.constant 0 : i32
        %dma_wait3A_233 = tpu.memref_slice %arg11[%add3A_164, %dma_wait3A_232] : memref<10000x128xf32, #tpu.memory_space<vmem_shared>> -> memref<40x128xf32, #tpu.memory_space<vmem_shared>>
        tpu.wait_dma2 semaphore(%run_scoped3A_225 : memref<!tpu.dma_semaphore, #tpu.memory_space<semaphore_mem>>) src(%arg10 : memref<40x128xf32, #tpu.memory_space<vmem>>) dst(%dma_wait3A_233 : memref<40x128xf32, #tpu.memory_space<vmem_shared>>)
        tpu.yield
      }) : () -> ()
      %mul3A_165 = arith.constant 1000 : i32
      %mul3A_166 = arith.muli %arg1, %mul3A_165 : i32
      %add3A_167 = arith.constant 400 : i32
      %add3A_168 = arith.addi %mul3A_166, %add3A_167 : i32
      "tpu.region"() ({
        %run_scoped3A_225 = tpu.sem_alloc : memref<!tpu.dma_semaphore, #tpu.memory_space<semaphore_mem>>
        %dma_start3A_226 = arith.constant 0 : i32
        %dma_start3A_227 = tpu.memref_slice %arg11[%add3A_168, %dma_start3A_226] : memref<10000x128xf32, #tpu.memory_space<vmem_shared>> -> memref<40x128xf32, #tpu.memory_space<vmem_shared>>
        %dma_start3A_228 = arith.constant 0 : i32
        %dma_start3A_229 = tpu.memref_slice %arg11[%add3A_168, %dma_start3A_228] : memref<10000x128xf32, #tpu.memory_space<vmem_shared>> -> memref<40x128xf32, #tpu.memory_space<vmem_shared>>
        tpu.enqueue_dma source(%arg10 : memref<40x128xf32, #tpu.memory_space<vmem>>) target(%dma_start3A_229 : memref<40x128xf32, #tpu.memory_space<vmem_shared>>) target_semaphore(%run_scoped3A_225 : memref<!tpu.dma_semaphore, #tpu.memory_space<semaphore_mem>>)
        %dma_wait3A_230 = arith.constant 0 : i32
        %dma_wait3A_231 = tpu.memref_slice %arg11[%add3A_168, %dma_wait3A_230] : memref<10000x128xf32, #tpu.memory_space<vmem_shared>> -> memref<40x128xf32, #tpu.memory_space<vmem_shared>>
        %dma_wait3A_232 = arith.constant 0 : i32
        %dma_wait3A_233 = tpu.memref_slice %arg11[%add3A_168, %dma_wait3A_232] : memref<10000x128xf32, #tpu.memory_space<vmem_shared>> -> memref<40x128xf32, #tpu.memory_space<vmem_shared>>
        tpu.wait_dma2 semaphore(%run_scoped3A_225 : memref<!tpu.dma_semaphore, #tpu.memory_space<semaphore_mem>>) src(%arg10 : memref<40x128xf32, #tpu.memory_space<vmem>>) dst(%dma_wait3A_233 : memref<40x128xf32, #tpu.memory_space<vmem_shared>>)
        tpu.yield
      }) : () -> ()
      %mul3A_169 = arith.constant 1000 : i32
      %mul3A_170 = arith.muli %arg1, %mul3A_169 : i32
      %add3A_171 = arith.constant 440 : i32
      %add3A_172 = arith.addi %mul3A_170, %add3A_171 : i32
      "tpu.region"() ({
        %run_scoped3A_225 = tpu.sem_alloc : memref<!tpu.dma_semaphore, #tpu.memory_space<semaphore_mem>>
        %dma_start3A_226 = arith.constant 0 : i32
        %dma_start3A_227 = tpu.memref_slice %arg11[%add3A_172, %dma_start3A_226] : memref<10000x128xf32, #tpu.memory_space<vmem_shared>> -> memref<40x128xf32, #tpu.memory_space<vmem_shared>>
        %dma_start3A_228 = arith.constant 0 : i32
        %dma_start3A_229 = tpu.memref_slice %arg11[%add3A_172, %dma_start3A_228] : memref<10000x128xf32, #tpu.memory_space<vmem_shared>> -> memref<40x128xf32, #tpu.memory_space<vmem_shared>>
        tpu.enqueue_dma source(%arg10 : memref<40x128xf32, #tpu.memory_space<vmem>>) target(%dma_start3A_229 : memref<40x128xf32, #tpu.memory_space<vmem_shared>>) target_semaphore(%run_scoped3A_225 : memref<!tpu.dma_semaphore, #tpu.memory_space<semaphore_mem>>)
        %dma_wait3A_230 = arith.constant 0 : i32
        %dma_wait3A_231 = tpu.memref_slice %arg11[%add3A_172, %dma_wait3A_230] : memref<10000x128xf32, #tpu.memory_space<vmem_shared>> -> memref<40x128xf32, #tpu.memory_space<vmem_shared>>
        %dma_wait3A_232 = arith.constant 0 : i32
        %dma_wait3A_233 = tpu.memref_slice %arg11[%add3A_172, %dma_wait3A_232] : memref<10000x128xf32, #tpu.memory_space<vmem_shared>> -> memref<40x128xf32, #tpu.memory_space<vmem_shared>>
        tpu.wait_dma2 semaphore(%run_scoped3A_225 : memref<!tpu.dma_semaphore, #tpu.memory_space<semaphore_mem>>) src(%arg10 : memref<40x128xf32, #tpu.memory_space<vmem>>) dst(%dma_wait3A_233 : memref<40x128xf32, #tpu.memory_space<vmem_shared>>)
        tpu.yield
      }) : () -> ()
      %mul3A_173 = arith.constant 1000 : i32
      %mul3A_174 = arith.muli %arg1, %mul3A_173 : i32
      %add3A_175 = arith.constant 480 : i32
      %add3A_176 = arith.addi %mul3A_174, %add3A_175 : i32
      "tpu.region"() ({
        %run_scoped3A_225 = tpu.sem_alloc : memref<!tpu.dma_semaphore, #tpu.memory_space<semaphore_mem>>
        %dma_start3A_226 = arith.constant 0 : i32
        %dma_start3A_227 = tpu.memref_slice %arg11[%add3A_176, %dma_start3A_226] : memref<10000x128xf32, #tpu.memory_space<vmem_shared>> -> memref<40x128xf32, #tpu.memory_space<vmem_shared>>
        %dma_start3A_228 = arith.constant 0 : i32
        %dma_start3A_229 = tpu.memref_slice %arg11[%add3A_176, %dma_start3A_228] : memref<10000x128xf32, #tpu.memory_space<vmem_shared>> -> memref<40x128xf32, #tpu.memory_space<vmem_shared>>
        tpu.enqueue_dma source(%arg10 : memref<40x128xf32, #tpu.memory_space<vmem>>) target(%dma_start3A_229 : memref<40x128xf32, #tpu.memory_space<vmem_shared>>) target_semaphore(%run_scoped3A_225 : memref<!tpu.dma_semaphore, #tpu.memory_space<semaphore_mem>>)
        %dma_wait3A_230 = arith.constant 0 : i32
        %dma_wait3A_231 = tpu.memref_slice %arg11[%add3A_176, %dma_wait3A_230] : memref<10000x128xf32, #tpu.memory_space<vmem_shared>> -> memref<40x128xf32, #tpu.memory_space<vmem_shared>>
        %dma_wait3A_232 = arith.constant 0 : i32
        %dma_wait3A_233 = tpu.memref_slice %arg11[%add3A_176, %dma_wait3A_232] : memref<10000x128xf32, #tpu.memory_space<vmem_shared>> -> memref<40x128xf32, #tpu.memory_space<vmem_shared>>
        tpu.wait_dma2 semaphore(%run_scoped3A_225 : memref<!tpu.dma_semaphore, #tpu.memory_space<semaphore_mem>>) src(%arg10 : memref<40x128xf32, #tpu.memory_space<vmem>>) dst(%dma_wait3A_233 : memref<40x128xf32, #tpu.memory_space<vmem_shared>>)
        tpu.yield
      }) : () -> ()
      %mul3A_177 = arith.constant 1000 : i32
      %mul3A_178 = arith.muli %arg1, %mul3A_177 : i32
      %add3A_179 = arith.constant 520 : i32
      %add3A_180 = arith.addi %mul3A_178, %add3A_179 : i32
      "tpu.region"() ({
        %run_scoped3A_225 = tpu.sem_alloc : memref<!tpu.dma_semaphore, #tpu.memory_space<semaphore_mem>>
        %dma_start3A_226 = arith.constant 0 : i32
        %dma_start3A_227 = tpu.memref_slice %arg11[%add3A_180, %dma_start3A_226] : memref<10000x128xf32, #tpu.memory_space<vmem_shared>> -> memref<40x128xf32, #tpu.memory_space<vmem_shared>>
        %dma_start3A_228 = arith.constant 0 : i32
        %dma_start3A_229 = tpu.memref_slice %arg11[%add3A_180, %dma_start3A_228] : memref<10000x128xf32, #tpu.memory_space<vmem_shared>> -> memref<40x128xf32, #tpu.memory_space<vmem_shared>>
        tpu.enqueue_dma source(%arg10 : memref<40x128xf32, #tpu.memory_space<vmem>>) target(%dma_start3A_229 : memref<40x128xf32, #tpu.memory_space<vmem_shared>>) target_semaphore(%run_scoped3A_225 : memref<!tpu.dma_semaphore, #tpu.memory_space<semaphore_mem>>)
        %dma_wait3A_230 = arith.constant 0 : i32
        %dma_wait3A_231 = tpu.memref_slice %arg11[%add3A_180, %dma_wait3A_230] : memref<10000x128xf32, #tpu.memory_space<vmem_shared>> -> memref<40x128xf32, #tpu.memory_space<vmem_shared>>
        %dma_wait3A_232 = arith.constant 0 : i32
        %dma_wait3A_233 = tpu.memref_slice %arg11[%add3A_180, %dma_wait3A_232] : memref<10000x128xf32, #tpu.memory_space<vmem_shared>> -> memref<40x128xf32, #tpu.memory_space<vmem_shared>>
        tpu.wait_dma2 semaphore(%run_scoped3A_225 : memref<!tpu.dma_semaphore, #tpu.memory_space<semaphore_mem>>) src(%arg10 : memref<40x128xf32, #tpu.memory_space<vmem>>) dst(%dma_wait3A_233 : memref<40x128xf32, #tpu.memory_space<vmem_shared>>)
        tpu.yield
      }) : () -> ()
      %mul3A_181 = arith.constant 1000 : i32
      %mul3A_182 = arith.muli %arg1, %mul3A_181 : i32
      %add3A_183 = arith.constant 560 : i32
      %add3A_184 = arith.addi %mul3A_182, %add3A_183 : i32
      "tpu.region"() ({
        %run_scoped3A_225 = tpu.sem_alloc : memref<!tpu.dma_semaphore, #tpu.memory_space<semaphore_mem>>
        %dma_start3A_226 = arith.constant 0 : i32
        %dma_start3A_227 = tpu.memref_slice %arg11[%add3A_184, %dma_start3A_226] : memref<10000x128xf32, #tpu.memory_space<vmem_shared>> -> memref<40x128xf32, #tpu.memory_space<vmem_shared>>
        %dma_start3A_228 = arith.constant 0 : i32
        %dma_start3A_229 = tpu.memref_slice %arg11[%add3A_184, %dma_start3A_228] : memref<10000x128xf32, #tpu.memory_space<vmem_shared>> -> memref<40x128xf32, #tpu.memory_space<vmem_shared>>
        tpu.enqueue_dma source(%arg10 : memref<40x128xf32, #tpu.memory_space<vmem>>) target(%dma_start3A_229 : memref<40x128xf32, #tpu.memory_space<vmem_shared>>) target_semaphore(%run_scoped3A_225 : memref<!tpu.dma_semaphore, #tpu.memory_space<semaphore_mem>>)
        %dma_wait3A_230 = arith.constant 0 : i32
        %dma_wait3A_231 = tpu.memref_slice %arg11[%add3A_184, %dma_wait3A_230] : memref<10000x128xf32, #tpu.memory_space<vmem_shared>> -> memref<40x128xf32, #tpu.memory_space<vmem_shared>>
        %dma_wait3A_232 = arith.constant 0 : i32
        %dma_wait3A_233 = tpu.memref_slice %arg11[%add3A_184, %dma_wait3A_232] : memref<10000x128xf32, #tpu.memory_space<vmem_shared>> -> memref<40x128xf32, #tpu.memory_space<vmem_shared>>
        tpu.wait_dma2 semaphore(%run_scoped3A_225 : memref<!tpu.dma_semaphore, #tpu.memory_space<semaphore_mem>>) src(%arg10 : memref<40x128xf32, #tpu.memory_space<vmem>>) dst(%dma_wait3A_233 : memref<40x128xf32, #tpu.memory_space<vmem_shared>>)
        tpu.yield
      }) : () -> ()
      %mul3A_185 = arith.constant 1000 : i32
      %mul3A_186 = arith.muli %arg1, %mul3A_185 : i32
      %add3A_187 = arith.constant 600 : i32
      %add3A_188 = arith.addi %mul3A_186, %add3A_187 : i32
      "tpu.region"() ({
        %run_scoped3A_225 = tpu.sem_alloc : memref<!tpu.dma_semaphore, #tpu.memory_space<semaphore_mem>>
        %dma_start3A_226 = arith.constant 0 : i32
        %dma_start3A_227 = tpu.memref_slice %arg11[%add3A_188, %dma_start3A_226] : memref<10000x128xf32, #tpu.memory_space<vmem_shared>> -> memref<40x128xf32, #tpu.memory_space<vmem_shared>>
        %dma_start3A_228 = arith.constant 0 : i32
        %dma_start3A_229 = tpu.memref_slice %arg11[%add3A_188, %dma_start3A_228] : memref<10000x128xf32, #tpu.memory_space<vmem_shared>> -> memref<40x128xf32, #tpu.memory_space<vmem_shared>>
        tpu.enqueue_dma source(%arg10 : memref<40x128xf32, #tpu.memory_space<vmem>>) target(%dma_start3A_229 : memref<40x128xf32, #tpu.memory_space<vmem_shared>>) target_semaphore(%run_scoped3A_225 : memref<!tpu.dma_semaphore, #tpu.memory_space<semaphore_mem>>)
        %dma_wait3A_230 = arith.constant 0 : i32
        %dma_wait3A_231 = tpu.memref_slice %arg11[%add3A_188, %dma_wait3A_230] : memref<10000x128xf32, #tpu.memory_space<vmem_shared>> -> memref<40x128xf32, #tpu.memory_space<vmem_shared>>
        %dma_wait3A_232 = arith.constant 0 : i32
        %dma_wait3A_233 = tpu.memref_slice %arg11[%add3A_188, %dma_wait3A_232] : memref<10000x128xf32, #tpu.memory_space<vmem_shared>> -> memref<40x128xf32, #tpu.memory_space<vmem_shared>>
        tpu.wait_dma2 semaphore(%run_scoped3A_225 : memref<!tpu.dma_semaphore, #tpu.memory_space<semaphore_mem>>) src(%arg10 : memref<40x128xf32, #tpu.memory_space<vmem>>) dst(%dma_wait3A_233 : memref<40x128xf32, #tpu.memory_space<vmem_shared>>)
        tpu.yield
      }) : () -> ()
      %mul3A_189 = arith.constant 1000 : i32
      %mul3A_190 = arith.muli %arg1, %mul3A_189 : i32
      %add3A_191 = arith.constant 640 : i32
      %add3A_192 = arith.addi %mul3A_190, %add3A_191 : i32
      "tpu.region"() ({
        %run_scoped3A_225 = tpu.sem_alloc : memref<!tpu.dma_semaphore, #tpu.memory_space<semaphore_mem>>
        %dma_start3A_226 = arith.constant 0 : i32
        %dma_start3A_227 = tpu.memref_slice %arg11[%add3A_192, %dma_start3A_226] : memref<10000x128xf32, #tpu.memory_space<vmem_shared>> -> memref<40x128xf32, #tpu.memory_space<vmem_shared>>
        %dma_start3A_228 = arith.constant 0 : i32
        %dma_start3A_229 = tpu.memref_slice %arg11[%add3A_192, %dma_start3A_228] : memref<10000x128xf32, #tpu.memory_space<vmem_shared>> -> memref<40x128xf32, #tpu.memory_space<vmem_shared>>
        tpu.enqueue_dma source(%arg10 : memref<40x128xf32, #tpu.memory_space<vmem>>) target(%dma_start3A_229 : memref<40x128xf32, #tpu.memory_space<vmem_shared>>) target_semaphore(%run_scoped3A_225 : memref<!tpu.dma_semaphore, #tpu.memory_space<semaphore_mem>>)
        %dma_wait3A_230 = arith.constant 0 : i32
        %dma_wait3A_231 = tpu.memref_slice %arg11[%add3A_192, %dma_wait3A_230] : memref<10000x128xf32, #tpu.memory_space<vmem_shared>> -> memref<40x128xf32, #tpu.memory_space<vmem_shared>>
        %dma_wait3A_232 = arith.constant 0 : i32
        %dma_wait3A_233 = tpu.memref_slice %arg11[%add3A_192, %dma_wait3A_232] : memref<10000x128xf32, #tpu.memory_space<vmem_shared>> -> memref<40x128xf32, #tpu.memory_space<vmem_shared>>
        tpu.wait_dma2 semaphore(%run_scoped3A_225 : memref<!tpu.dma_semaphore, #tpu.memory_space<semaphore_mem>>) src(%arg10 : memref<40x128xf32, #tpu.memory_space<vmem>>) dst(%dma_wait3A_233 : memref<40x128xf32, #tpu.memory_space<vmem_shared>>)
        tpu.yield
      }) : () -> ()
      %mul3A_193 = arith.constant 1000 : i32
      %mul3A_194 = arith.muli %arg1, %mul3A_193 : i32
      %add3A_195 = arith.constant 680 : i32
      %add3A_196 = arith.addi %mul3A_194, %add3A_195 : i32
      "tpu.region"() ({
        %run_scoped3A_225 = tpu.sem_alloc : memref<!tpu.dma_semaphore, #tpu.memory_space<semaphore_mem>>
        %dma_start3A_226 = arith.constant 0 : i32
        %dma_start3A_227 = tpu.memref_slice %arg11[%add3A_196, %dma_start3A_226] : memref<10000x128xf32, #tpu.memory_space<vmem_shared>> -> memref<40x128xf32, #tpu.memory_space<vmem_shared>>
        %dma_start3A_228 = arith.constant 0 : i32
        %dma_start3A_229 = tpu.memref_slice %arg11[%add3A_196, %dma_start3A_228] : memref<10000x128xf32, #tpu.memory_space<vmem_shared>> -> memref<40x128xf32, #tpu.memory_space<vmem_shared>>
        tpu.enqueue_dma source(%arg10 : memref<40x128xf32, #tpu.memory_space<vmem>>) target(%dma_start3A_229 : memref<40x128xf32, #tpu.memory_space<vmem_shared>>) target_semaphore(%run_scoped3A_225 : memref<!tpu.dma_semaphore, #tpu.memory_space<semaphore_mem>>)
        %dma_wait3A_230 = arith.constant 0 : i32
        %dma_wait3A_231 = tpu.memref_slice %arg11[%add3A_196, %dma_wait3A_230] : memref<10000x128xf32, #tpu.memory_space<vmem_shared>> -> memref<40x128xf32, #tpu.memory_space<vmem_shared>>
        %dma_wait3A_232 = arith.constant 0 : i32
        %dma_wait3A_233 = tpu.memref_slice %arg11[%add3A_196, %dma_wait3A_232] : memref<10000x128xf32, #tpu.memory_space<vmem_shared>> -> memref<40x128xf32, #tpu.memory_space<vmem_shared>>
        tpu.wait_dma2 semaphore(%run_scoped3A_225 : memref<!tpu.dma_semaphore, #tpu.memory_space<semaphore_mem>>) src(%arg10 : memref<40x128xf32, #tpu.memory_space<vmem>>) dst(%dma_wait3A_233 : memref<40x128xf32, #tpu.memory_space<vmem_shared>>)
        tpu.yield
      }) : () -> ()
      %mul3A_197 = arith.constant 1000 : i32
      %mul3A_198 = arith.muli %arg1, %mul3A_197 : i32
      %add3A_199 = arith.constant 720 : i32
      %add3A_200 = arith.addi %mul3A_198, %add3A_199 : i32
      "tpu.region"() ({
        %run_scoped3A_225 = tpu.sem_alloc : memref<!tpu.dma_semaphore, #tpu.memory_space<semaphore_mem>>
        %dma_start3A_226 = arith.constant 0 : i32
        %dma_start3A_227 = tpu.memref_slice %arg11[%add3A_200, %dma_start3A_226] : memref<10000x128xf32, #tpu.memory_space<vmem_shared>> -> memref<40x128xf32, #tpu.memory_space<vmem_shared>>
        %dma_start3A_228 = arith.constant 0 : i32
        %dma_start3A_229 = tpu.memref_slice %arg11[%add3A_200, %dma_start3A_228] : memref<10000x128xf32, #tpu.memory_space<vmem_shared>> -> memref<40x128xf32, #tpu.memory_space<vmem_shared>>
        tpu.enqueue_dma source(%arg10 : memref<40x128xf32, #tpu.memory_space<vmem>>) target(%dma_start3A_229 : memref<40x128xf32, #tpu.memory_space<vmem_shared>>) target_semaphore(%run_scoped3A_225 : memref<!tpu.dma_semaphore, #tpu.memory_space<semaphore_mem>>)
        %dma_wait3A_230 = arith.constant 0 : i32
        %dma_wait3A_231 = tpu.memref_slice %arg11[%add3A_200, %dma_wait3A_230] : memref<10000x128xf32, #tpu.memory_space<vmem_shared>> -> memref<40x128xf32, #tpu.memory_space<vmem_shared>>
        %dma_wait3A_232 = arith.constant 0 : i32
        %dma_wait3A_233 = tpu.memref_slice %arg11[%add3A_200, %dma_wait3A_232] : memref<10000x128xf32, #tpu.memory_space<vmem_shared>> -> memref<40x128xf32, #tpu.memory_space<vmem_shared>>
        tpu.wait_dma2 semaphore(%run_scoped3A_225 : memref<!tpu.dma_semaphore, #tpu.memory_space<semaphore_mem>>) src(%arg10 : memref<40x128xf32, #tpu.memory_space<vmem>>) dst(%dma_wait3A_233 : memref<40x128xf32, #tpu.memory_space<vmem_shared>>)
        tpu.yield
      }) : () -> ()
      %mul3A_201 = arith.constant 1000 : i32
      %mul3A_202 = arith.muli %arg1, %mul3A_201 : i32
      %add3A_203 = arith.constant 760 : i32
      %add3A_204 = arith.addi %mul3A_202, %add3A_203 : i32
      "tpu.region"() ({
        %run_scoped3A_225 = tpu.sem_alloc : memref<!tpu.dma_semaphore, #tpu.memory_space<semaphore_mem>>
        %dma_start3A_226 = arith.constant 0 : i32
        %dma_start3A_227 = tpu.memref_slice %arg11[%add3A_204, %dma_start3A_226] : memref<10000x128xf32, #tpu.memory_space<vmem_shared>> -> memref<40x128xf32, #tpu.memory_space<vmem_shared>>
        %dma_start3A_228 = arith.constant 0 : i32
        %dma_start3A_229 = tpu.memref_slice %arg11[%add3A_204, %dma_start3A_228] : memref<10000x128xf32, #tpu.memory_space<vmem_shared>> -> memref<40x128xf32, #tpu.memory_space<vmem_shared>>
        tpu.enqueue_dma source(%arg10 : memref<40x128xf32, #tpu.memory_space<vmem>>) target(%dma_start3A_229 : memref<40x128xf32, #tpu.memory_space<vmem_shared>>) target_semaphore(%run_scoped3A_225 : memref<!tpu.dma_semaphore, #tpu.memory_space<semaphore_mem>>)
        %dma_wait3A_230 = arith.constant 0 : i32
        %dma_wait3A_231 = tpu.memref_slice %arg11[%add3A_204, %dma_wait3A_230] : memref<10000x128xf32, #tpu.memory_space<vmem_shared>> -> memref<40x128xf32, #tpu.memory_space<vmem_shared>>
        %dma_wait3A_232 = arith.constant 0 : i32
        %dma_wait3A_233 = tpu.memref_slice %arg11[%add3A_204, %dma_wait3A_232] : memref<10000x128xf32, #tpu.memory_space<vmem_shared>> -> memref<40x128xf32, #tpu.memory_space<vmem_shared>>
        tpu.wait_dma2 semaphore(%run_scoped3A_225 : memref<!tpu.dma_semaphore, #tpu.memory_space<semaphore_mem>>) src(%arg10 : memref<40x128xf32, #tpu.memory_space<vmem>>) dst(%dma_wait3A_233 : memref<40x128xf32, #tpu.memory_space<vmem_shared>>)
        tpu.yield
      }) : () -> ()
      %mul3A_205 = arith.constant 1000 : i32
      %mul3A_206 = arith.muli %arg1, %mul3A_205 : i32
      %add3A_207 = arith.constant 800 : i32
      %add3A_208 = arith.addi %mul3A_206, %add3A_207 : i32
      "tpu.region"() ({
        %run_scoped3A_225 = tpu.sem_alloc : memref<!tpu.dma_semaphore, #tpu.memory_space<semaphore_mem>>
        %dma_start3A_226 = arith.constant 0 : i32
        %dma_start3A_227 = tpu.memref_slice %arg11[%add3A_208, %dma_start3A_226] : memref<10000x128xf32, #tpu.memory_space<vmem_shared>> -> memref<40x128xf32, #tpu.memory_space<vmem_shared>>
        %dma_start3A_228 = arith.constant 0 : i32
        %dma_start3A_229 = tpu.memref_slice %arg11[%add3A_208, %dma_start3A_228] : memref<10000x128xf32, #tpu.memory_space<vmem_shared>> -> memref<40x128xf32, #tpu.memory_space<vmem_shared>>
        tpu.enqueue_dma source(%arg10 : memref<40x128xf32, #tpu.memory_space<vmem>>) target(%dma_start3A_229 : memref<40x128xf32, #tpu.memory_space<vmem_shared>>) target_semaphore(%run_scoped3A_225 : memref<!tpu.dma_semaphore, #tpu.memory_space<semaphore_mem>>)
        %dma_wait3A_230 = arith.constant 0 : i32
        %dma_wait3A_231 = tpu.memref_slice %arg11[%add3A_208, %dma_wait3A_230] : memref<10000x128xf32, #tpu.memory_space<vmem_shared>> -> memref<40x128xf32, #tpu.memory_space<vmem_shared>>
        %dma_wait3A_232 = arith.constant 0 : i32
        %dma_wait3A_233 = tpu.memref_slice %arg11[%add3A_208, %dma_wait3A_232] : memref<10000x128xf32, #tpu.memory_space<vmem_shared>> -> memref<40x128xf32, #tpu.memory_space<vmem_shared>>
        tpu.wait_dma2 semaphore(%run_scoped3A_225 : memref<!tpu.dma_semaphore, #tpu.memory_space<semaphore_mem>>) src(%arg10 : memref<40x128xf32, #tpu.memory_space<vmem>>) dst(%dma_wait3A_233 : memref<40x128xf32, #tpu.memory_space<vmem_shared>>)
        tpu.yield
      }) : () -> ()
      %mul3A_209 = arith.constant 1000 : i32
      %mul3A_210 = arith.muli %arg1, %mul3A_209 : i32
      %add3A_211 = arith.constant 840 : i32
      %add3A_212 = arith.addi %mul3A_210, %add3A_211 : i32
      "tpu.region"() ({
        %run_scoped3A_225 = tpu.sem_alloc : memref<!tpu.dma_semaphore, #tpu.memory_space<semaphore_mem>>
        %dma_start3A_226 = arith.constant 0 : i32
        %dma_start3A_227 = tpu.memref_slice %arg11[%add3A_212, %dma_start3A_226] : memref<10000x128xf32, #tpu.memory_space<vmem_shared>> -> memref<40x128xf32, #tpu.memory_space<vmem_shared>>
        %dma_start3A_228 = arith.constant 0 : i32
        %dma_start3A_229 = tpu.memref_slice %arg11[%add3A_212, %dma_start3A_228] : memref<10000x128xf32, #tpu.memory_space<vmem_shared>> -> memref<40x128xf32, #tpu.memory_space<vmem_shared>>
        tpu.enqueue_dma source(%arg10 : memref<40x128xf32, #tpu.memory_space<vmem>>) target(%dma_start3A_229 : memref<40x128xf32, #tpu.memory_space<vmem_shared>>) target_semaphore(%run_scoped3A_225 : memref<!tpu.dma_semaphore, #tpu.memory_space<semaphore_mem>>)
        %dma_wait3A_230 = arith.constant 0 : i32
        %dma_wait3A_231 = tpu.memref_slice %arg11[%add3A_212, %dma_wait3A_230] : memref<10000x128xf32, #tpu.memory_space<vmem_shared>> -> memref<40x128xf32, #tpu.memory_space<vmem_shared>>
        %dma_wait3A_232 = arith.constant 0 : i32
        %dma_wait3A_233 = tpu.memref_slice %arg11[%add3A_212, %dma_wait3A_232] : memref<10000x128xf32, #tpu.memory_space<vmem_shared>> -> memref<40x128xf32, #tpu.memory_space<vmem_shared>>
        tpu.wait_dma2 semaphore(%run_scoped3A_225 : memref<!tpu.dma_semaphore, #tpu.memory_space<semaphore_mem>>) src(%arg10 : memref<40x128xf32, #tpu.memory_space<vmem>>) dst(%dma_wait3A_233 : memref<40x128xf32, #tpu.memory_space<vmem_shared>>)
        tpu.yield
      }) : () -> ()
      %mul3A_213 = arith.constant 1000 : i32
      %mul3A_214 = arith.muli %arg1, %mul3A_213 : i32
      %add3A_215 = arith.constant 880 : i32
      %add3A_216 = arith.addi %mul3A_214, %add3A_215 : i32
      "tpu.region"() ({
        %run_scoped3A_225 = tpu.sem_alloc : memref<!tpu.dma_semaphore, #tpu.memory_space<semaphore_mem>>
        %dma_start3A_226 = arith.constant 0 : i32
        %dma_start3A_227 = tpu.memref_slice %arg11[%add3A_216, %dma_start3A_226] : memref<10000x128xf32, #tpu.memory_space<vmem_shared>> -> memref<40x128xf32, #tpu.memory_space<vmem_shared>>
        %dma_start3A_228 = arith.constant 0 : i32
        %dma_start3A_229 = tpu.memref_slice %arg11[%add3A_216, %dma_start3A_228] : memref<10000x128xf32, #tpu.memory_space<vmem_shared>> -> memref<40x128xf32, #tpu.memory_space<vmem_shared>>
        tpu.enqueue_dma source(%arg10 : memref<40x128xf32, #tpu.memory_space<vmem>>) target(%dma_start3A_229 : memref<40x128xf32, #tpu.memory_space<vmem_shared>>) target_semaphore(%run_scoped3A_225 : memref<!tpu.dma_semaphore, #tpu.memory_space<semaphore_mem>>)
        %dma_wait3A_230 = arith.constant 0 : i32
        %dma_wait3A_231 = tpu.memref_slice %arg11[%add3A_216, %dma_wait3A_230] : memref<10000x128xf32, #tpu.memory_space<vmem_shared>> -> memref<40x128xf32, #tpu.memory_space<vmem_shared>>
        %dma_wait3A_232 = arith.constant 0 : i32
        %dma_wait3A_233 = tpu.memref_slice %arg11[%add3A_216, %dma_wait3A_232] : memref<10000x128xf32, #tpu.memory_space<vmem_shared>> -> memref<40x128xf32, #tpu.memory_space<vmem_shared>>
        tpu.wait_dma2 semaphore(%run_scoped3A_225 : memref<!tpu.dma_semaphore, #tpu.memory_space<semaphore_mem>>) src(%arg10 : memref<40x128xf32, #tpu.memory_space<vmem>>) dst(%dma_wait3A_233 : memref<40x128xf32, #tpu.memory_space<vmem_shared>>)
        tpu.yield
      }) : () -> ()
      %mul3A_217 = arith.constant 1000 : i32
      %mul3A_218 = arith.muli %arg1, %mul3A_217 : i32
      %add3A_219 = arith.constant 920 : i32
      %add3A_220 = arith.addi %mul3A_218, %add3A_219 : i32
      "tpu.region"() ({
        %run_scoped3A_225 = tpu.sem_alloc : memref<!tpu.dma_semaphore, #tpu.memory_space<semaphore_mem>>
        %dma_start3A_226 = arith.constant 0 : i32
        %dma_start3A_227 = tpu.memref_slice %arg11[%add3A_220, %dma_start3A_226] : memref<10000x128xf32, #tpu.memory_space<vmem_shared>> -> memref<40x128xf32, #tpu.memory_space<vmem_shared>>
        %dma_start3A_228 = arith.constant 0 : i32
        %dma_start3A_229 = tpu.memref_slice %arg11[%add3A_220, %dma_start3A_228] : memref<10000x128xf32, #tpu.memory_space<vmem_shared>> -> memref<40x128xf32, #tpu.memory_space<vmem_shared>>
        tpu.enqueue_dma source(%arg10 : memref<40x128xf32, #tpu.memory_space<vmem>>) target(%dma_start3A_229 : memref<40x128xf32, #tpu.memory_space<vmem_shared>>) target_semaphore(%run_scoped3A_225 : memref<!tpu.dma_semaphore, #tpu.memory_space<semaphore_mem>>)
        %dma_wait3A_230 = arith.constant 0 : i32
        %dma_wait3A_231 = tpu.memref_slice %arg11[%add3A_220, %dma_wait3A_230] : memref<10000x128xf32, #tpu.memory_space<vmem_shared>> -> memref<40x128xf32, #tpu.memory_space<vmem_shared>>
        %dma_wait3A_232 = arith.constant 0 : i32
        %dma_wait3A_233 = tpu.memref_slice %arg11[%add3A_220, %dma_wait3A_232] : memref<10000x128xf32, #tpu.memory_space<vmem_shared>> -> memref<40x128xf32, #tpu.memory_space<vmem_shared>>
        tpu.wait_dma2 semaphore(%run_scoped3A_225 : memref<!tpu.dma_semaphore, #tpu.memory_space<semaphore_mem>>) src(%arg10 : memref<40x128xf32, #tpu.memory_space<vmem>>) dst(%dma_wait3A_233 : memref<40x128xf32, #tpu.memory_space<vmem_shared>>)
        tpu.yield
      }) : () -> ()
      %mul3A_221 = arith.constant 1000 : i32
      %mul3A_222 = arith.muli %arg1, %mul3A_221 : i32
      %add3A_223 = arith.constant 960 : i32
      %add3A_224 = arith.addi %mul3A_222, %add3A_223 : i32
      "tpu.region"() ({
        %run_scoped3A_225 = tpu.sem_alloc : memref<!tpu.dma_semaphore, #tpu.memory_space<semaphore_mem>>
        %dma_start3A_226 = arith.constant 0 : i32
        %dma_start3A_227 = tpu.memref_slice %arg11[%add3A_224, %dma_start3A_226] : memref<10000x128xf32, #tpu.memory_space<vmem_shared>> -> memref<40x128xf32, #tpu.memory_space<vmem_shared>>
        %dma_start3A_228 = arith.constant 0 : i32
        %dma_start3A_229 = tpu.memref_slice %arg11[%add3A_224, %dma_start3A_228] : memref<10000x128xf32, #tpu.memory_space<vmem_shared>> -> memref<40x128xf32, #tpu.memory_space<vmem_shared>>
        tpu.enqueue_dma source(%arg10 : memref<40x128xf32, #tpu.memory_space<vmem>>) target(%dma_start3A_229 : memref<40x128xf32, #tpu.memory_space<vmem_shared>>) target_semaphore(%run_scoped3A_225 : memref<!tpu.dma_semaphore, #tpu.memory_space<semaphore_mem>>)
        %dma_wait3A_230 = arith.constant 0 : i32
        %dma_wait3A_231 = tpu.memref_slice %arg11[%add3A_224, %dma_wait3A_230] : memref<10000x128xf32, #tpu.memory_space<vmem_shared>> -> memref<40x128xf32, #tpu.memory_space<vmem_shared>>
        %dma_wait3A_232 = arith.constant 0 : i32
        %dma_wait3A_233 = tpu.memref_slice %arg11[%add3A_224, %dma_wait3A_232] : memref<10000x128xf32, #tpu.memory_space<vmem_shared>> -> memref<40x128xf32, #tpu.memory_space<vmem_shared>>
        tpu.wait_dma2 semaphore(%run_scoped3A_225 : memref<!tpu.dma_semaphore, #tpu.memory_space<semaphore_mem>>) src(%arg10 : memref<40x128xf32, #tpu.memory_space<vmem>>) dst(%dma_wait3A_233 : memref<40x128xf32, #tpu.memory_space<vmem_shared>>)
        tpu.yield
      }) : () -> ()
    } else {
    }
    %barrier3A = arith.constant 0 : index
    tpu.barrier barrier_id(%barrier3A)
    %scan3A = arith.constant 0 : i32
    %scan3A_27 = arith.constant 0 : i32
    %scan3A_28 = arith.constant 19 : i32
    %scan3A_29 = arith.addi %scan3A_27, %scan3A_28 : i32
    %scan3A_30 = arith.constant 1 : i32
    scf.for %scan3A_125 = %scan3A_27 to %scan3A_29 step %scan3A_30  : i32 {
      %mul3A_126 = arith.constant 2 : i32
      %mul3A_127 = arith.muli %mul3A_126, %scan3A_125 : i32
      %dma_wait3A_128 = arith.constant 0 : i32
      %dma_wait3A_129 = arith.constant 0 : i32
      %dma_wait3A_130 = arith.constant 0 : i32
      %dma_wait3A_131 = tpu.memref_slice %arg9[%dma_wait3A_128, %dma_wait3A_129, %dma_wait3A_130] : memref<2x125x128xf32, #tpu.memory_space<vmem>> -> memref<1x125x128xf32, #tpu.memory_space<vmem>>
      %dma_wait3A_132 = tpu.memref_squeeze %dma_wait3A_131 : memref<1x125x128xf32, #tpu.memory_space<vmem>> -> memref<125x128xf32, #tpu.memory_space<vmem>>
      %dma_wait3A_133 = arith.constant 0 : i32
      %dma_wait3A_134 = tpu.memref_slice %arg7[%mul3A_127, %dma_wait3A_133] : memref<40x125xi32, #tpu.memory_space<vmem>> -> memref<1x125xi32, #tpu.memory_space<vmem>>
      %dma_wait3A_135 = tpu.memref_squeeze %dma_wait3A_134 : memref<1x125xi32, #tpu.memory_space<vmem>> -> memref<125xi32, #tpu.memory_space<vmem>>
      %dma_wait3A_136 = arith.constant 0 : i32
      %dma_wait3A_137 = arith.constant 0 : i32
      %dma_wait3A_138 = tpu.memref_slice %arg4[%dma_wait3A_136, %dma_wait3A_137] : memref<10000x128xf32, #tpu.memory_space<hbm>> -> memref<10000x128xf32, #tpu.memory_space<hbm>>
      tpu.wait_indirect_dma semaphore(%arg12 : memref<!tpu.dma_semaphore, #tpu.memory_space<semaphore_mem>>) src(%dma_wait3A_138 : memref<10000x128xf32, #tpu.memory_space<hbm>>) dst(%dma_wait3A_132 : memref<125x128xf32, #tpu.memory_space<vmem>>)
      %run_scoped3A_139 = arith.constant 0 : i32
      "tpu.region"() ({
        %run_scoped3A_180 = tpu.sem_alloc : memref<!tpu.dma_semaphore, #tpu.memory_space<semaphore_mem>>
        %dma_start3A_181 = arith.constant 0 : i32
        %dma_start3A_182 = arith.constant 0 : i32
        %dma_start3A_183 = tpu.memref_slice %arg9[%run_scoped3A_139, %dma_start3A_181, %dma_start3A_182] : memref<2x125x128xf32, #tpu.memory_space<vmem>> -> memref<1x125x128xf32, #tpu.memory_space<vmem>>
        %dma_start3A_184 = tpu.memref_squeeze %dma_start3A_183 : memref<1x125x128xf32, #tpu.memory_space<vmem>> -> memref<125x128xf32, #tpu.memory_space<vmem>>
        %dma_start3A_185 = arith.constant 0 : i32
        %dma_start3A_186 = tpu.memref_slice %arg8[%mul3A_127, %dma_start3A_185] : memref<40x125xi32, #tpu.memory_space<vmem>> -> memref<1x125xi32, #tpu.memory_space<vmem>>
        %dma_start3A_187 = tpu.memref_squeeze %dma_start3A_186 : memref<1x125xi32, #tpu.memory_space<vmem>> -> memref<125xi32, #tpu.memory_space<vmem>>
        %dma_start3A_188 = arith.constant 0 : i32
        %dma_start3A_189 = arith.constant 0 : i32
        %dma_start3A_190 = tpu.memref_slice %arg11[%dma_start3A_188, %dma_start3A_189] : memref<10000x128xf32, #tpu.memory_space<vmem_shared>> -> memref<10000x128xf32, #tpu.memory_space<vmem_shared>>
        tpu.enqueue_indirect_dma source(%dma_start3A_184 : memref<125x128xf32, #tpu.memory_space<vmem>>) target(%dma_start3A_190 : memref<10000x128xf32, #tpu.memory_space<vmem_shared>>) offsets(%dma_start3A_187 : memref<125xi32, #tpu.memory_space<vmem>>) semaphore(%run_scoped3A_180 : memref<!tpu.dma_semaphore, #tpu.memory_space<semaphore_mem>>) {add = true}
        %dma_wait3A_191 = arith.constant 0 : i32
        %dma_wait3A_192 = arith.constant 0 : i32
        %dma_wait3A_193 = tpu.memref_slice %arg9[%run_scoped3A_139, %dma_wait3A_191, %dma_wait3A_192] : memref<2x125x128xf32, #tpu.memory_space<vmem>> -> memref<1x125x128xf32, #tpu.memory_space<vmem>>
        %dma_wait3A_194 = tpu.memref_squeeze %dma_wait3A_193 : memref<1x125x128xf32, #tpu.memory_space<vmem>> -> memref<125x128xf32, #tpu.memory_space<vmem>>
        %dma_wait3A_195 = arith.constant 0 : i32
        %dma_wait3A_196 = tpu.memref_slice %arg8[%mul3A_127, %dma_wait3A_195] : memref<40x125xi32, #tpu.memory_space<vmem>> -> memref<1x125xi32, #tpu.memory_space<vmem>>
        %dma_wait3A_197 = tpu.memref_squeeze %dma_wait3A_196 : memref<1x125xi32, #tpu.memory_space<vmem>> -> memref<125xi32, #tpu.memory_space<vmem>>
        %dma_wait3A_198 = arith.constant 0 : i32
        %dma_wait3A_199 = arith.constant 0 : i32
        %dma_wait3A_200 = tpu.memref_slice %arg11[%dma_wait3A_198, %dma_wait3A_199] : memref<10000x128xf32, #tpu.memory_space<vmem_shared>> -> memref<10000x128xf32, #tpu.memory_space<vmem_shared>>
        tpu.wait_indirect_dma semaphore(%run_scoped3A_180 : memref<!tpu.dma_semaphore, #tpu.memory_space<semaphore_mem>>) src(%dma_wait3A_194 : memref<125x128xf32, #tpu.memory_space<vmem>>) dst(%dma_wait3A_200 : memref<10000x128xf32, #tpu.memory_space<vmem_shared>>)
        tpu.yield
      }) : () -> ()
      %add3A_140 = arith.constant 2 : i32
      %add3A_141 = arith.addi %mul3A_127, %add3A_140 : i32
      %dma_start3A_142 = arith.constant 0 : i32
      %dma_start3A_143 = arith.constant 0 : i32
      %dma_start3A_144 = arith.constant 0 : i32
      %dma_start3A_145 = tpu.memref_slice %arg9[%dma_start3A_142, %dma_start3A_143, %dma_start3A_144] : memref<2x125x128xf32, #tpu.memory_space<vmem>> -> memref<1x125x128xf32, #tpu.memory_space<vmem>>
      %dma_start3A_146 = tpu.memref_squeeze %dma_start3A_145 : memref<1x125x128xf32, #tpu.memory_space<vmem>> -> memref<125x128xf32, #tpu.memory_space<vmem>>
      %dma_start3A_147 = arith.constant 0 : i32
      %dma_start3A_148 = tpu.memref_slice %arg7[%add3A_141, %dma_start3A_147] : memref<40x125xi32, #tpu.memory_space<vmem>> -> memref<1x125xi32, #tpu.memory_space<vmem>>
      %dma_start3A_149 = tpu.memref_squeeze %dma_start3A_148 : memref<1x125xi32, #tpu.memory_space<vmem>> -> memref<125xi32, #tpu.memory_space<vmem>>
      %dma_start3A_150 = arith.constant 0 : i32
      %dma_start3A_151 = arith.constant 0 : i32
      %dma_start3A_152 = tpu.memref_slice %arg4[%dma_start3A_150, %dma_start3A_151] : memref<10000x128xf32, #tpu.memory_space<hbm>> -> memref<10000x128xf32, #tpu.memory_space<hbm>>
      tpu.enqueue_indirect_dma source(%dma_start3A_152 : memref<10000x128xf32, #tpu.memory_space<hbm>>) target(%dma_start3A_146 : memref<125x128xf32, #tpu.memory_space<vmem>>) offsets(%dma_start3A_149 : memref<125xi32, #tpu.memory_space<vmem>>) semaphore(%arg12 : memref<!tpu.dma_semaphore, #tpu.memory_space<semaphore_mem>>)
      %add3A_153 = arith.constant 1 : i32
      %add3A_154 = arith.addi %mul3A_127, %add3A_153 : i32
      %dma_wait3A_155 = arith.constant 1 : i32
      %dma_wait3A_156 = arith.constant 0 : i32
      %dma_wait3A_157 = arith.constant 0 : i32
      %dma_wait3A_158 = tpu.memref_slice %arg9[%dma_wait3A_155, %dma_wait3A_156, %dma_wait3A_157] : memref<2x125x128xf32, #tpu.memory_space<vmem>> -> memref<1x125x128xf32, #tpu.memory_space<vmem>>
      %dma_wait3A_159 = tpu.memref_squeeze %dma_wait3A_158 : memref<1x125x128xf32, #tpu.memory_space<vmem>> -> memref<125x128xf32, #tpu.memory_space<vmem>>
      %dma_wait3A_160 = arith.constant 0 : i32
      %dma_wait3A_161 = tpu.memref_slice %arg7[%add3A_154, %dma_wait3A_160] : memref<40x125xi32, #tpu.memory_space<vmem>> -> memref<1x125xi32, #tpu.memory_space<vmem>>
      %dma_wait3A_162 = tpu.memref_squeeze %dma_wait3A_161 : memref<1x125xi32, #tpu.memory_space<vmem>> -> memref<125xi32, #tpu.memory_space<vmem>>
      %dma_wait3A_163 = arith.constant 0 : i32
      %dma_wait3A_164 = arith.constant 0 : i32
      %dma_wait3A_165 = tpu.memref_slice %arg4[%dma_wait3A_163, %dma_wait3A_164] : memref<10000x128xf32, #tpu.memory_space<hbm>> -> memref<10000x128xf32, #tpu.memory_space<hbm>>
      tpu.wait_indirect_dma semaphore(%arg13 : memref<!tpu.dma_semaphore, #tpu.memory_space<semaphore_mem>>) src(%dma_wait3A_165 : memref<10000x128xf32, #tpu.memory_space<hbm>>) dst(%dma_wait3A_159 : memref<125x128xf32, #tpu.memory_space<vmem>>)
      %run_scoped3A_166 = arith.constant 1 : i32
      "tpu.region"() ({
        %run_scoped3A_180 = tpu.sem_alloc : memref<!tpu.dma_semaphore, #tpu.memory_space<semaphore_mem>>
        %dma_start3A_181 = arith.constant 0 : i32
        %dma_start3A_182 = arith.constant 0 : i32
        %dma_start3A_183 = tpu.memref_slice %arg9[%run_scoped3A_166, %dma_start3A_181, %dma_start3A_182] : memref<2x125x128xf32, #tpu.memory_space<vmem>> -> memref<1x125x128xf32, #tpu.memory_space<vmem>>
        %dma_start3A_184 = tpu.memref_squeeze %dma_start3A_183 : memref<1x125x128xf32, #tpu.memory_space<vmem>> -> memref<125x128xf32, #tpu.memory_space<vmem>>
        %dma_start3A_185 = arith.constant 0 : i32
        %dma_start3A_186 = tpu.memref_slice %arg8[%add3A_154, %dma_start3A_185] : memref<40x125xi32, #tpu.memory_space<vmem>> -> memref<1x125xi32, #tpu.memory_space<vmem>>
        %dma_start3A_187 = tpu.memref_squeeze %dma_start3A_186 : memref<1x125xi32, #tpu.memory_space<vmem>> -> memref<125xi32, #tpu.memory_space<vmem>>
        %dma_start3A_188 = arith.constant 0 : i32
        %dma_start3A_189 = arith.constant 0 : i32
        %dma_start3A_190 = tpu.memref_slice %arg11[%dma_start3A_188, %dma_start3A_189] : memref<10000x128xf32, #tpu.memory_space<vmem_shared>> -> memref<10000x128xf32, #tpu.memory_space<vmem_shared>>
        tpu.enqueue_indirect_dma source(%dma_start3A_184 : memref<125x128xf32, #tpu.memory_space<vmem>>) target(%dma_start3A_190 : memref<10000x128xf32, #tpu.memory_space<vmem_shared>>) offsets(%dma_start3A_187 : memref<125xi32, #tpu.memory_space<vmem>>) semaphore(%run_scoped3A_180 : memref<!tpu.dma_semaphore, #tpu.memory_space<semaphore_mem>>) {add = true}
        %dma_wait3A_191 = arith.constant 0 : i32
        %dma_wait3A_192 = arith.constant 0 : i32
        %dma_wait3A_193 = tpu.memref_slice %arg9[%run_scoped3A_166, %dma_wait3A_191, %dma_wait3A_192] : memref<2x125x128xf32, #tpu.memory_space<vmem>> -> memref<1x125x128xf32, #tpu.memory_space<vmem>>
        %dma_wait3A_194 = tpu.memref_squeeze %dma_wait3A_193 : memref<1x125x128xf32, #tpu.memory_space<vmem>> -> memref<125x128xf32, #tpu.memory_space<vmem>>
        %dma_wait3A_195 = arith.constant 0 : i32
        %dma_wait3A_196 = tpu.memref_slice %arg8[%add3A_154, %dma_wait3A_195] : memref<40x125xi32, #tpu.memory_space<vmem>> -> memref<1x125xi32, #tpu.memory_space<vmem>>
        %dma_wait3A_197 = tpu.memref_squeeze %dma_wait3A_196 : memref<1x125xi32, #tpu.memory_space<vmem>> -> memref<125xi32, #tpu.memory_space<vmem>>
        %dma_wait3A_198 = arith.constant 0 : i32
        %dma_wait3A_199 = arith.constant 0 : i32
        %dma_wait3A_200 = tpu.memref_slice %arg11[%dma_wait3A_198, %dma_wait3A_199] : memref<10000x128xf32, #tpu.memory_space<vmem_shared>> -> memref<10000x128xf32, #tpu.memory_space<vmem_shared>>
        tpu.wait_indirect_dma semaphore(%run_scoped3A_180 : memref<!tpu.dma_semaphore, #tpu.memory_space<semaphore_mem>>) src(%dma_wait3A_194 : memref<125x128xf32, #tpu.memory_space<vmem>>) dst(%dma_wait3A_200 : memref<10000x128xf32, #tpu.memory_space<vmem_shared>>)
        tpu.yield
      }) : () -> ()
      %add3A_167 = arith.constant 3 : i32
      %add3A_168 = arith.addi %mul3A_127, %add3A_167 : i32
      %dma_start3A_169 = arith.constant 1 : i32
      %dma_start3A_170 = arith.constant 0 : i32
      %dma_start3A_171 = arith.constant 0 : i32
      %dma_start3A_172 = tpu.memref_slice %arg9[%dma_start3A_169, %dma_start3A_170, %dma_start3A_171] : memref<2x125x128xf32, #tpu.memory_space<vmem>> -> memref<1x125x128xf32, #tpu.memory_space<vmem>>
      %dma_start3A_173 = tpu.memref_squeeze %dma_start3A_172 : memref<1x125x128xf32, #tpu.memory_space<vmem>> -> memref<125x128xf32, #tpu.memory_space<vmem>>
      %dma_start3A_174 = arith.constant 0 : i32
      %dma_start3A_175 = tpu.memref_slice %arg7[%add3A_168, %dma_start3A_174] : memref<40x125xi32, #tpu.memory_space<vmem>> -> memref<1x125xi32, #tpu.memory_space<vmem>>
      %dma_start3A_176 = tpu.memref_squeeze %dma_start3A_175 : memref<1x125xi32, #tpu.memory_space<vmem>> -> memref<125xi32, #tpu.memory_space<vmem>>
      %dma_start3A_177 = arith.constant 0 : i32
      %dma_start3A_178 = arith.constant 0 : i32
      %dma_start3A_179 = tpu.memref_slice %arg4[%dma_start3A_177, %dma_start3A_178] : memref<10000x128xf32, #tpu.memory_space<hbm>> -> memref<10000x128xf32, #tpu.memory_space<hbm>>
      tpu.enqueue_indirect_dma source(%dma_start3A_179 : memref<10000x128xf32, #tpu.memory_space<hbm>>) target(%dma_start3A_173 : memref<125x128xf32, #tpu.memory_space<vmem>>) offsets(%dma_start3A_176 : memref<125xi32, #tpu.memory_space<vmem>>) semaphore(%arg13 : memref<!tpu.dma_semaphore, #tpu.memory_space<semaphore_mem>>)
    }
    %scan3A_31 = arith.constant 19 : i32
    %dma_wait3A = arith.constant 38 : i32
    %dma_wait3A_32 = arith.constant 0 : i32
    %dma_wait3A_33 = arith.constant 0 : i32
    %dma_wait3A_34 = arith.constant 0 : i32
    %dma_wait3A_35 = tpu.memref_slice %arg9[%dma_wait3A_32, %dma_wait3A_33, %dma_wait3A_34] : memref<2x125x128xf32, #tpu.memory_space<vmem>> -> memref<1x125x128xf32, #tpu.memory_space<vmem>>
    %dma_wait3A_36 = tpu.memref_squeeze %dma_wait3A_35 : memref<1x125x128xf32, #tpu.memory_space<vmem>> -> memref<125x128xf32, #tpu.memory_space<vmem>>
    %dma_wait3A_37 = arith.constant 0 : i32
    %dma_wait3A_38 = tpu.memref_slice %arg7[%dma_wait3A, %dma_wait3A_37] : memref<40x125xi32, #tpu.memory_space<vmem>> -> memref<1x125xi32, #tpu.memory_space<vmem>>
    %dma_wait3A_39 = tpu.memref_squeeze %dma_wait3A_38 : memref<1x125xi32, #tpu.memory_space<vmem>> -> memref<125xi32, #tpu.memory_space<vmem>>
    %dma_wait3A_40 = arith.constant 0 : i32
    %dma_wait3A_41 = arith.constant 0 : i32
    %dma_wait3A_42 = tpu.memref_slice %arg4[%dma_wait3A_40, %dma_wait3A_41] : memref<10000x128xf32, #tpu.memory_space<hbm>> -> memref<10000x128xf32, #tpu.memory_space<hbm>>
    tpu.wait_indirect_dma semaphore(%arg12 : memref<!tpu.dma_semaphore, #tpu.memory_space<semaphore_mem>>) src(%dma_wait3A_42 : memref<10000x128xf32, #tpu.memory_space<hbm>>) dst(%dma_wait3A_36 : memref<125x128xf32, #tpu.memory_space<vmem>>)
    %run_scoped3A_43 = arith.constant 0 : i32
    %run_scoped3A_44 = arith.constant 38 : i32
    "tpu.region"() ({
      %run_scoped3A_125 = tpu.sem_alloc : memref<!tpu.dma_semaphore, #tpu.memory_space<semaphore_mem>>
      %dma_start3A_126 = arith.constant 0 : i32
      %dma_start3A_127 = arith.constant 0 : i32
      %dma_start3A_128 = tpu.memref_slice %arg9[%run_scoped3A_43, %dma_start3A_126, %dma_start3A_127] : memref<2x125x128xf32, #tpu.memory_space<vmem>> -> memref<1x125x128xf32, #tpu.memory_space<vmem>>
      %dma_start3A_129 = tpu.memref_squeeze %dma_start3A_128 : memref<1x125x128xf32, #tpu.memory_space<vmem>> -> memref<125x128xf32, #tpu.memory_space<vmem>>
      %dma_start3A_130 = arith.constant 0 : i32
      %dma_start3A_131 = tpu.memref_slice %arg8[%run_scoped3A_44, %dma_start3A_130] : memref<40x125xi32, #tpu.memory_space<vmem>> -> memref<1x125xi32, #tpu.memory_space<vmem>>
      %dma_start3A_132 = tpu.memref_squeeze %dma_start3A_131 : memref<1x125xi32, #tpu.memory_space<vmem>> -> memref<125xi32, #tpu.memory_space<vmem>>
      %dma_start3A_133 = arith.constant 0 : i32
      %dma_start3A_134 = arith.constant 0 : i32
      %dma_start3A_135 = tpu.memref_slice %arg11[%dma_start3A_133, %dma_start3A_134] : memref<10000x128xf32, #tpu.memory_space<vmem_shared>> -> memref<10000x128xf32, #tpu.memory_space<vmem_shared>>
      tpu.enqueue_indirect_dma source(%dma_start3A_129 : memref<125x128xf32, #tpu.memory_space<vmem>>) target(%dma_start3A_135 : memref<10000x128xf32, #tpu.memory_space<vmem_shared>>) offsets(%dma_start3A_132 : memref<125xi32, #tpu.memory_space<vmem>>) semaphore(%run_scoped3A_125 : memref<!tpu.dma_semaphore, #tpu.memory_space<semaphore_mem>>) {add = true}
      %dma_wait3A_136 = arith.constant 0 : i32
      %dma_wait3A_137 = arith.constant 0 : i32
      %dma_wait3A_138 = tpu.memref_slice %arg9[%run_scoped3A_43, %dma_wait3A_136, %dma_wait3A_137] : memref<2x125x128xf32, #tpu.memory_space<vmem>> -> memref<1x125x128xf32, #tpu.memory_space<vmem>>
      %dma_wait3A_139 = tpu.memref_squeeze %dma_wait3A_138 : memref<1x125x128xf32, #tpu.memory_space<vmem>> -> memref<125x128xf32, #tpu.memory_space<vmem>>
      %dma_wait3A_140 = arith.constant 0 : i32
      %dma_wait3A_141 = tpu.memref_slice %arg8[%run_scoped3A_44, %dma_wait3A_140] : memref<40x125xi32, #tpu.memory_space<vmem>> -> memref<1x125xi32, #tpu.memory_space<vmem>>
      %dma_wait3A_142 = tpu.memref_squeeze %dma_wait3A_141 : memref<1x125xi32, #tpu.memory_space<vmem>> -> memref<125xi32, #tpu.memory_space<vmem>>
      %dma_wait3A_143 = arith.constant 0 : i32
      %dma_wait3A_144 = arith.constant 0 : i32
      %dma_wait3A_145 = tpu.memref_slice %arg11[%dma_wait3A_143, %dma_wait3A_144] : memref<10000x128xf32, #tpu.memory_space<vmem_shared>> -> memref<10000x128xf32, #tpu.memory_space<vmem_shared>>
      tpu.wait_indirect_dma semaphore(%run_scoped3A_125 : memref<!tpu.dma_semaphore, #tpu.memory_space<semaphore_mem>>) src(%dma_wait3A_139 : memref<125x128xf32, #tpu.memory_space<vmem>>) dst(%dma_wait3A_145 : memref<10000x128xf32, #tpu.memory_space<vmem_shared>>)
      tpu.yield
    }) : () -> ()
    %dma_wait3A_45 = arith.constant 39 : i32
    %dma_wait3A_46 = arith.constant 1 : i32
    %dma_wait3A_47 = arith.constant 0 : i32
    %dma_wait3A_48 = arith.constant 0 : i32
    %dma_wait3A_49 = tpu.memref_slice %arg9[%dma_wait3A_46, %dma_wait3A_47, %dma_wait3A_48] : memref<2x125x128xf32, #tpu.memory_space<vmem>> -> memref<1x125x128xf32, #tpu.memory_space<vmem>>
    %dma_wait3A_50 = tpu.memref_squeeze %dma_wait3A_49 : memref<1x125x128xf32, #tpu.memory_space<vmem>> -> memref<125x128xf32, #tpu.memory_space<vmem>>
    %dma_wait3A_51 = arith.constant 0 : i32
    %dma_wait3A_52 = tpu.memref_slice %arg7[%dma_wait3A_45, %dma_wait3A_51] : memref<40x125xi32, #tpu.memory_space<vmem>> -> memref<1x125xi32, #tpu.memory_space<vmem>>
    %dma_wait3A_53 = tpu.memref_squeeze %dma_wait3A_52 : memref<1x125xi32, #tpu.memory_space<vmem>> -> memref<125xi32, #tpu.memory_space<vmem>>
    %dma_wait3A_54 = arith.constant 0 : i32
    %dma_wait3A_55 = arith.constant 0 : i32
    %dma_wait3A_56 = tpu.memref_slice %arg4[%dma_wait3A_54, %dma_wait3A_55] : memref<10000x128xf32, #tpu.memory_space<hbm>> -> memref<10000x128xf32, #tpu.memory_space<hbm>>
    tpu.wait_indirect_dma semaphore(%arg13 : memref<!tpu.dma_semaphore, #tpu.memory_space<semaphore_mem>>) src(%dma_wait3A_56 : memref<10000x128xf32, #tpu.memory_space<hbm>>) dst(%dma_wait3A_50 : memref<125x128xf32, #tpu.memory_space<vmem>>)
    %run_scoped3A_57 = arith.constant 1 : i32
    %run_scoped3A_58 = arith.constant 39 : i32
    "tpu.region"() ({
      %run_scoped3A_125 = tpu.sem_alloc : memref<!tpu.dma_semaphore, #tpu.memory_space<semaphore_mem>>
      %dma_start3A_126 = arith.constant 0 : i32
      %dma_start3A_127 = arith.constant 0 : i32
      %dma_start3A_128 = tpu.memref_slice %arg9[%run_scoped3A_57, %dma_start3A_126, %dma_start3A_127] : memref<2x125x128xf32, #tpu.memory_space<vmem>> -> memref<1x125x128xf32, #tpu.memory_space<vmem>>
      %dma_start3A_129 = tpu.memref_squeeze %dma_start3A_128 : memref<1x125x128xf32, #tpu.memory_space<vmem>> -> memref<125x128xf32, #tpu.memory_space<vmem>>
      %dma_start3A_130 = arith.constant 0 : i32
      %dma_start3A_131 = tpu.memref_slice %arg8[%run_scoped3A_58, %dma_start3A_130] : memref<40x125xi32, #tpu.memory_space<vmem>> -> memref<1x125xi32, #tpu.memory_space<vmem>>
      %dma_start3A_132 = tpu.memref_squeeze %dma_start3A_131 : memref<1x125xi32, #tpu.memory_space<vmem>> -> memref<125xi32, #tpu.memory_space<vmem>>
      %dma_start3A_133 = arith.constant 0 : i32
      %dma_start3A_134 = arith.constant 0 : i32
      %dma_start3A_135 = tpu.memref_slice %arg11[%dma_start3A_133, %dma_start3A_134] : memref<10000x128xf32, #tpu.memory_space<vmem_shared>> -> memref<10000x128xf32, #tpu.memory_space<vmem_shared>>
      tpu.enqueue_indirect_dma source(%dma_start3A_129 : memref<125x128xf32, #tpu.memory_space<vmem>>) target(%dma_start3A_135 : memref<10000x128xf32, #tpu.memory_space<vmem_shared>>) offsets(%dma_start3A_132 : memref<125xi32, #tpu.memory_space<vmem>>) semaphore(%run_scoped3A_125 : memref<!tpu.dma_semaphore, #tpu.memory_space<semaphore_mem>>) {add = true}
      %dma_wait3A_136 = arith.constant 0 : i32
      %dma_wait3A_137 = arith.constant 0 : i32
      %dma_wait3A_138 = tpu.memref_slice %arg9[%run_scoped3A_57, %dma_wait3A_136, %dma_wait3A_137] : memref<2x125x128xf32, #tpu.memory_space<vmem>> -> memref<1x125x128xf32, #tpu.memory_space<vmem>>
      %dma_wait3A_139 = tpu.memref_squeeze %dma_wait3A_138 : memref<1x125x128xf32, #tpu.memory_space<vmem>> -> memref<125x128xf32, #tpu.memory_space<vmem>>
      %dma_wait3A_140 = arith.constant 0 : i32
      %dma_wait3A_141 = tpu.memref_slice %arg8[%run_scoped3A_58, %dma_wait3A_140] : memref<40x125xi32, #tpu.memory_space<vmem>> -> memref<1x125xi32, #tpu.memory_space<vmem>>
      %dma_wait3A_142 = tpu.memref_squeeze %dma_wait3A_141 : memref<1x125xi32, #tpu.memory_space<vmem>> -> memref<125xi32, #tpu.memory_space<vmem>>
      %dma_wait3A_143 = arith.constant 0 : i32
      %dma_wait3A_144 = arith.constant 0 : i32
      %dma_wait3A_145 = tpu.memref_slice %arg11[%dma_wait3A_143, %dma_wait3A_144] : memref<10000x128xf32, #tpu.memory_space<vmem_shared>> -> memref<10000x128xf32, #tpu.memory_space<vmem_shared>>
      tpu.wait_indirect_dma semaphore(%run_scoped3A_125 : memref<!tpu.dma_semaphore, #tpu.memory_space<semaphore_mem>>) src(%dma_wait3A_139 : memref<125x128xf32, #tpu.memory_space<vmem>>) dst(%dma_wait3A_145 : memref<10000x128xf32, #tpu.memory_space<vmem_shared>>)
      tpu.yield
    }) : () -> ()
    %run_scoped3A_59 = arith.constant 1 : i32
    "tpu.region"() ({
      %run_scoped3A_125 = tpu.sem_alloc : memref<!tpu.dma_semaphore, #tpu.memory_space<semaphore_mem>>
      %dma_start3A_126 = arith.constant 0 : i32
      %dma_start3A_127 = arith.constant 0 : i32
      %dma_start3A_128 = tpu.memref_slice %arg2[%add3A, %run_scoped3A_59, %dma_start3A_126, %dma_start3A_127] : memref<32x2x40x125xi32, #tpu.memory_space<hbm>> -> memref<1x1x40x125xi32, #tpu.memory_space<hbm>>
      %dma_start3A_129 = tpu.memref_squeeze %dma_start3A_128 : memref<1x1x40x125xi32, #tpu.memory_space<hbm>> -> memref<40x125xi32, #tpu.memory_space<hbm>>
      %dma_start3A_130 = arith.constant 0 : i32
      %dma_start3A_131 = arith.constant 0 : i32
      %dma_start3A_132 = tpu.memref_slice %arg2[%add3A, %run_scoped3A_59, %dma_start3A_130, %dma_start3A_131] : memref<32x2x40x125xi32, #tpu.memory_space<hbm>> -> memref<1x1x40x125xi32, #tpu.memory_space<hbm>>
      %dma_start3A_133 = tpu.memref_squeeze %dma_start3A_132 : memref<1x1x40x125xi32, #tpu.memory_space<hbm>> -> memref<40x125xi32, #tpu.memory_space<hbm>>
      tpu.enqueue_dma source(%dma_start3A_133 : memref<40x125xi32, #tpu.memory_space<hbm>>) target(%arg7 : memref<40x125xi32, #tpu.memory_space<vmem>>) target_semaphore(%run_scoped3A_125 : memref<!tpu.dma_semaphore, #tpu.memory_space<semaphore_mem>>)
      %dma_wait3A_134 = arith.constant 0 : i32
      %dma_wait3A_135 = arith.constant 0 : i32
      %dma_wait3A_136 = tpu.memref_slice %arg2[%add3A, %run_scoped3A_59, %dma_wait3A_134, %dma_wait3A_135] : memref<32x2x40x125xi32, #tpu.memory_space<hbm>> -> memref<1x1x40x125xi32, #tpu.memory_space<hbm>>
      %dma_wait3A_137 = tpu.memref_squeeze %dma_wait3A_136 : memref<1x1x40x125xi32, #tpu.memory_space<hbm>> -> memref<40x125xi32, #tpu.memory_space<hbm>>
      %dma_wait3A_138 = arith.constant 0 : i32
      %dma_wait3A_139 = arith.constant 0 : i32
      %dma_wait3A_140 = tpu.memref_slice %arg2[%add3A, %run_scoped3A_59, %dma_wait3A_138, %dma_wait3A_139] : memref<32x2x40x125xi32, #tpu.memory_space<hbm>> -> memref<1x1x40x125xi32, #tpu.memory_space<hbm>>
      %dma_wait3A_141 = tpu.memref_squeeze %dma_wait3A_140 : memref<1x1x40x125xi32, #tpu.memory_space<hbm>> -> memref<40x125xi32, #tpu.memory_space<hbm>>
      tpu.wait_dma2 semaphore(%run_scoped3A_125 : memref<!tpu.dma_semaphore, #tpu.memory_space<semaphore_mem>>) src(%dma_wait3A_141 : memref<40x125xi32, #tpu.memory_space<hbm>>) dst(%arg7 : memref<40x125xi32, #tpu.memory_space<vmem>>)
      tpu.yield
    }) : () -> ()
    %run_scoped3A_60 = arith.constant 1 : i32
    "tpu.region"() ({
      %run_scoped3A_125 = tpu.sem_alloc : memref<!tpu.dma_semaphore, #tpu.memory_space<semaphore_mem>>
      %dma_start3A_126 = arith.constant 0 : i32
      %dma_start3A_127 = arith.constant 0 : i32
      %dma_start3A_128 = tpu.memref_slice %arg3[%add3A, %run_scoped3A_60, %dma_start3A_126, %dma_start3A_127] : memref<32x2x40x125xi32, #tpu.memory_space<hbm>> -> memref<1x1x40x125xi32, #tpu.memory_space<hbm>>
      %dma_start3A_129 = tpu.memref_squeeze %dma_start3A_128 : memref<1x1x40x125xi32, #tpu.memory_space<hbm>> -> memref<40x125xi32, #tpu.memory_space<hbm>>
      %dma_start3A_130 = arith.constant 0 : i32
      %dma_start3A_131 = arith.constant 0 : i32
      %dma_start3A_132 = tpu.memref_slice %arg3[%add3A, %run_scoped3A_60, %dma_start3A_130, %dma_start3A_131] : memref<32x2x40x125xi32, #tpu.memory_space<hbm>> -> memref<1x1x40x125xi32, #tpu.memory_space<hbm>>
      %dma_start3A_133 = tpu.memref_squeeze %dma_start3A_132 : memref<1x1x40x125xi32, #tpu.memory_space<hbm>> -> memref<40x125xi32, #tpu.memory_space<hbm>>
      tpu.enqueue_dma source(%dma_start3A_133 : memref<40x125xi32, #tpu.memory_space<hbm>>) target(%arg8 : memref<40x125xi32, #tpu.memory_space<vmem>>) target_semaphore(%run_scoped3A_125 : memref<!tpu.dma_semaphore, #tpu.memory_space<semaphore_mem>>)
      %dma_wait3A_134 = arith.constant 0 : i32
      %dma_wait3A_135 = arith.constant 0 : i32
      %dma_wait3A_136 = tpu.memref_slice %arg3[%add3A, %run_scoped3A_60, %dma_wait3A_134, %dma_wait3A_135] : memref<32x2x40x125xi32, #tpu.memory_space<hbm>> -> memref<1x1x40x125xi32, #tpu.memory_space<hbm>>
      %dma_wait3A_137 = tpu.memref_squeeze %dma_wait3A_136 : memref<1x1x40x125xi32, #tpu.memory_space<hbm>> -> memref<40x125xi32, #tpu.memory_space<hbm>>
      %dma_wait3A_138 = arith.constant 0 : i32
      %dma_wait3A_139 = arith.constant 0 : i32
      %dma_wait3A_140 = tpu.memref_slice %arg3[%add3A, %run_scoped3A_60, %dma_wait3A_138, %dma_wait3A_139] : memref<32x2x40x125xi32, #tpu.memory_space<hbm>> -> memref<1x1x40x125xi32, #tpu.memory_space<hbm>>
      %dma_wait3A_141 = tpu.memref_squeeze %dma_wait3A_140 : memref<1x1x40x125xi32, #tpu.memory_space<hbm>> -> memref<40x125xi32, #tpu.memory_space<hbm>>
      tpu.wait_dma2 semaphore(%run_scoped3A_125 : memref<!tpu.dma_semaphore, #tpu.memory_space<semaphore_mem>>) src(%dma_wait3A_141 : memref<40x125xi32, #tpu.memory_space<hbm>>) dst(%arg8 : memref<40x125xi32, #tpu.memory_space<vmem>>)
      tpu.yield
    }) : () -> ()
    %dma_start3A_61 = arith.constant 0 : i32
    %dma_start3A_62 = arith.constant 0 : i32
    %dma_start3A_63 = arith.constant 0 : i32
    %dma_start3A_64 = arith.constant 0 : i32
    %dma_start3A_65 = tpu.memref_slice %arg9[%dma_start3A_62, %dma_start3A_63, %dma_start3A_64] : memref<2x125x128xf32, #tpu.memory_space<vmem>> -> memref<1x125x128xf32, #tpu.memory_space<vmem>>
    %dma_start3A_66 = tpu.memref_squeeze %dma_start3A_65 : memref<1x125x128xf32, #tpu.memory_space<vmem>> -> memref<125x128xf32, #tpu.memory_space<vmem>>
    %dma_start3A_67 = arith.constant 0 : i32
    %dma_start3A_68 = tpu.memref_slice %arg7[%dma_start3A_61, %dma_start3A_67] : memref<40x125xi32, #tpu.memory_space<vmem>> -> memref<1x125xi32, #tpu.memory_space<vmem>>
    %dma_start3A_69 = tpu.memref_squeeze %dma_start3A_68 : memref<1x125xi32, #tpu.memory_space<vmem>> -> memref<125xi32, #tpu.memory_space<vmem>>
    %dma_start3A_70 = arith.constant 0 : i32
    %dma_start3A_71 = arith.constant 0 : i32
    %dma_start3A_72 = tpu.memref_slice %arg4[%dma_start3A_70, %dma_start3A_71] : memref<10000x128xf32, #tpu.memory_space<hbm>> -> memref<10000x128xf32, #tpu.memory_space<hbm>>
    tpu.enqueue_indirect_dma source(%dma_start3A_72 : memref<10000x128xf32, #tpu.memory_space<hbm>>) target(%dma_start3A_66 : memref<125x128xf32, #tpu.memory_space<vmem>>) offsets(%dma_start3A_69 : memref<125xi32, #tpu.memory_space<vmem>>) semaphore(%arg12 : memref<!tpu.dma_semaphore, #tpu.memory_space<semaphore_mem>>)
    %dma_start3A_73 = arith.constant 1 : i32
    %dma_start3A_74 = arith.constant 1 : i32
    %dma_start3A_75 = arith.constant 0 : i32
    %dma_start3A_76 = arith.constant 0 : i32
    %dma_start3A_77 = tpu.memref_slice %arg9[%dma_start3A_74, %dma_start3A_75, %dma_start3A_76] : memref<2x125x128xf32, #tpu.memory_space<vmem>> -> memref<1x125x128xf32, #tpu.memory_space<vmem>>
    %dma_start3A_78 = tpu.memref_squeeze %dma_start3A_77 : memref<1x125x128xf32, #tpu.memory_space<vmem>> -> memref<125x128xf32, #tpu.memory_space<vmem>>
    %dma_start3A_79 = arith.constant 0 : i32
    %dma_start3A_80 = tpu.memref_slice %arg7[%dma_start3A_73, %dma_start3A_79] : memref<40x125xi32, #tpu.memory_space<vmem>> -> memref<1x125xi32, #tpu.memory_space<vmem>>
    %dma_start3A_81 = tpu.memref_squeeze %dma_start3A_80 : memref<1x125xi32, #tpu.memory_space<vmem>> -> memref<125xi32, #tpu.memory_space<vmem>>
    %dma_start3A_82 = arith.constant 0 : i32
    %dma_start3A_83 = arith.constant 0 : i32
    %dma_start3A_84 = tpu.memref_slice %arg4[%dma_start3A_82, %dma_start3A_83] : memref<10000x128xf32, #tpu.memory_space<hbm>> -> memref<10000x128xf32, #tpu.memory_space<hbm>>
    tpu.enqueue_indirect_dma source(%dma_start3A_84 : memref<10000x128xf32, #tpu.memory_space<hbm>>) target(%dma_start3A_78 : memref<125x128xf32, #tpu.memory_space<vmem>>) offsets(%dma_start3A_81 : memref<125xi32, #tpu.memory_space<vmem>>) semaphore(%arg13 : memref<!tpu.dma_semaphore, #tpu.memory_space<semaphore_mem>>)
    %scan3A_85 = arith.constant 0 : i32
    %scan3A_86 = arith.constant 0 : i32
    %scan3A_87 = arith.constant 19 : i32
    %scan3A_88 = arith.addi %scan3A_86, %scan3A_87 : i32
    %scan3A_89 = arith.constant 1 : i32
    scf.for %scan3A_125 = %scan3A_86 to %scan3A_88 step %scan3A_89  : i32 {
      %mul3A_126 = arith.constant 2 : i32
      %mul3A_127 = arith.muli %mul3A_126, %scan3A_125 : i32
      %dma_wait3A_128 = arith.constant 0 : i32
      %dma_wait3A_129 = arith.constant 0 : i32
      %dma_wait3A_130 = arith.constant 0 : i32
      %dma_wait3A_131 = tpu.memref_slice %arg9[%dma_wait3A_128, %dma_wait3A_129, %dma_wait3A_130] : memref<2x125x128xf32, #tpu.memory_space<vmem>> -> memref<1x125x128xf32, #tpu.memory_space<vmem>>
      %dma_wait3A_132 = tpu.memref_squeeze %dma_wait3A_131 : memref<1x125x128xf32, #tpu.memory_space<vmem>> -> memref<125x128xf32, #tpu.memory_space<vmem>>
      %dma_wait3A_133 = arith.constant 0 : i32
      %dma_wait3A_134 = tpu.memref_slice %arg7[%mul3A_127, %dma_wait3A_133] : memref<40x125xi32, #tpu.memory_space<vmem>> -> memref<1x125xi32, #tpu.memory_space<vmem>>
      %dma_wait3A_135 = tpu.memref_squeeze %dma_wait3A_134 : memref<1x125xi32, #tpu.memory_space<vmem>> -> memref<125xi32, #tpu.memory_space<vmem>>
      %dma_wait3A_136 = arith.constant 0 : i32
      %dma_wait3A_137 = arith.constant 0 : i32
      %dma_wait3A_138 = tpu.memref_slice %arg4[%dma_wait3A_136, %dma_wait3A_137] : memref<10000x128xf32, #tpu.memory_space<hbm>> -> memref<10000x128xf32, #tpu.memory_space<hbm>>
      tpu.wait_indirect_dma semaphore(%arg12 : memref<!tpu.dma_semaphore, #tpu.memory_space<semaphore_mem>>) src(%dma_wait3A_138 : memref<10000x128xf32, #tpu.memory_space<hbm>>) dst(%dma_wait3A_132 : memref<125x128xf32, #tpu.memory_space<vmem>>)
      %run_scoped3A_139 = arith.constant 0 : i32
      "tpu.region"() ({
        %run_scoped3A_180 = tpu.sem_alloc : memref<!tpu.dma_semaphore, #tpu.memory_space<semaphore_mem>>
        %dma_start3A_181 = arith.constant 0 : i32
        %dma_start3A_182 = arith.constant 0 : i32
        %dma_start3A_183 = tpu.memref_slice %arg9[%run_scoped3A_139, %dma_start3A_181, %dma_start3A_182] : memref<2x125x128xf32, #tpu.memory_space<vmem>> -> memref<1x125x128xf32, #tpu.memory_space<vmem>>
        %dma_start3A_184 = tpu.memref_squeeze %dma_start3A_183 : memref<1x125x128xf32, #tpu.memory_space<vmem>> -> memref<125x128xf32, #tpu.memory_space<vmem>>
        %dma_start3A_185 = arith.constant 0 : i32
        %dma_start3A_186 = tpu.memref_slice %arg8[%mul3A_127, %dma_start3A_185] : memref<40x125xi32, #tpu.memory_space<vmem>> -> memref<1x125xi32, #tpu.memory_space<vmem>>
        %dma_start3A_187 = tpu.memref_squeeze %dma_start3A_186 : memref<1x125xi32, #tpu.memory_space<vmem>> -> memref<125xi32, #tpu.memory_space<vmem>>
        %dma_start3A_188 = arith.constant 0 : i32
        %dma_start3A_189 = arith.constant 0 : i32
        %dma_start3A_190 = tpu.memref_slice %arg11[%dma_start3A_188, %dma_start3A_189] : memref<10000x128xf32, #tpu.memory_space<vmem_shared>> -> memref<10000x128xf32, #tpu.memory_space<vmem_shared>>
        tpu.enqueue_indirect_dma source(%dma_start3A_184 : memref<125x128xf32, #tpu.memory_space<vmem>>) target(%dma_start3A_190 : memref<10000x128xf32, #tpu.memory_space<vmem_shared>>) offsets(%dma_start3A_187 : memref<125xi32, #tpu.memory_space<vmem>>) semaphore(%run_scoped3A_180 : memref<!tpu.dma_semaphore, #tpu.memory_space<semaphore_mem>>) {add = true}
        %dma_wait3A_191 = arith.constant 0 : i32
        %dma_wait3A_192 = arith.constant 0 : i32
        %dma_wait3A_193 = tpu.memref_slice %arg9[%run_scoped3A_139, %dma_wait3A_191, %dma_wait3A_192] : memref<2x125x128xf32, #tpu.memory_space<vmem>> -> memref<1x125x128xf32, #tpu.memory_space<vmem>>
        %dma_wait3A_194 = tpu.memref_squeeze %dma_wait3A_193 : memref<1x125x128xf32, #tpu.memory_space<vmem>> -> memref<125x128xf32, #tpu.memory_space<vmem>>
        %dma_wait3A_195 = arith.constant 0 : i32
        %dma_wait3A_196 = tpu.memref_slice %arg8[%mul3A_127, %dma_wait3A_195] : memref<40x125xi32, #tpu.memory_space<vmem>> -> memref<1x125xi32, #tpu.memory_space<vmem>>
        %dma_wait3A_197 = tpu.memref_squeeze %dma_wait3A_196 : memref<1x125xi32, #tpu.memory_space<vmem>> -> memref<125xi32, #tpu.memory_space<vmem>>
        %dma_wait3A_198 = arith.constant 0 : i32
        %dma_wait3A_199 = arith.constant 0 : i32
        %dma_wait3A_200 = tpu.memref_slice %arg11[%dma_wait3A_198, %dma_wait3A_199] : memref<10000x128xf32, #tpu.memory_space<vmem_shared>> -> memref<10000x128xf32, #tpu.memory_space<vmem_shared>>
        tpu.wait_indirect_dma semaphore(%run_scoped3A_180 : memref<!tpu.dma_semaphore, #tpu.memory_space<semaphore_mem>>) src(%dma_wait3A_194 : memref<125x128xf32, #tpu.memory_space<vmem>>) dst(%dma_wait3A_200 : memref<10000x128xf32, #tpu.memory_space<vmem_shared>>)
        tpu.yield
      }) : () -> ()
      %add3A_140 = arith.constant 2 : i32
      %add3A_141 = arith.addi %mul3A_127, %add3A_140 : i32
      %dma_start3A_142 = arith.constant 0 : i32
      %dma_start3A_143 = arith.constant 0 : i32
      %dma_start3A_144 = arith.constant 0 : i32
      %dma_start3A_145 = tpu.memref_slice %arg9[%dma_start3A_142, %dma_start3A_143, %dma_start3A_144] : memref<2x125x128xf32, #tpu.memory_space<vmem>> -> memref<1x125x128xf32, #tpu.memory_space<vmem>>
      %dma_start3A_146 = tpu.memref_squeeze %dma_start3A_145 : memref<1x125x128xf32, #tpu.memory_space<vmem>> -> memref<125x128xf32, #tpu.memory_space<vmem>>
      %dma_start3A_147 = arith.constant 0 : i32
      %dma_start3A_148 = tpu.memref_slice %arg7[%add3A_141, %dma_start3A_147] : memref<40x125xi32, #tpu.memory_space<vmem>> -> memref<1x125xi32, #tpu.memory_space<vmem>>
      %dma_start3A_149 = tpu.memref_squeeze %dma_start3A_148 : memref<1x125xi32, #tpu.memory_space<vmem>> -> memref<125xi32, #tpu.memory_space<vmem>>
      %dma_start3A_150 = arith.constant 0 : i32
      %dma_start3A_151 = arith.constant 0 : i32
      %dma_start3A_152 = tpu.memref_slice %arg4[%dma_start3A_150, %dma_start3A_151] : memref<10000x128xf32, #tpu.memory_space<hbm>> -> memref<10000x128xf32, #tpu.memory_space<hbm>>
      tpu.enqueue_indirect_dma source(%dma_start3A_152 : memref<10000x128xf32, #tpu.memory_space<hbm>>) target(%dma_start3A_146 : memref<125x128xf32, #tpu.memory_space<vmem>>) offsets(%dma_start3A_149 : memref<125xi32, #tpu.memory_space<vmem>>) semaphore(%arg12 : memref<!tpu.dma_semaphore, #tpu.memory_space<semaphore_mem>>)
      %add3A_153 = arith.constant 1 : i32
      %add3A_154 = arith.addi %mul3A_127, %add3A_153 : i32
      %dma_wait3A_155 = arith.constant 1 : i32
      %dma_wait3A_156 = arith.constant 0 : i32
      %dma_wait3A_157 = arith.constant 0 : i32
      %dma_wait3A_158 = tpu.memref_slice %arg9[%dma_wait3A_155, %dma_wait3A_156, %dma_wait3A_157] : memref<2x125x128xf32, #tpu.memory_space<vmem>> -> memref<1x125x128xf32, #tpu.memory_space<vmem>>
      %dma_wait3A_159 = tpu.memref_squeeze %dma_wait3A_158 : memref<1x125x128xf32, #tpu.memory_space<vmem>> -> memref<125x128xf32, #tpu.memory_space<vmem>>
      %dma_wait3A_160 = arith.constant 0 : i32
      %dma_wait3A_161 = tpu.memref_slice %arg7[%add3A_154, %dma_wait3A_160] : memref<40x125xi32, #tpu.memory_space<vmem>> -> memref<1x125xi32, #tpu.memory_space<vmem>>
      %dma_wait3A_162 = tpu.memref_squeeze %dma_wait3A_161 : memref<1x125xi32, #tpu.memory_space<vmem>> -> memref<125xi32, #tpu.memory_space<vmem>>
      %dma_wait3A_163 = arith.constant 0 : i32
      %dma_wait3A_164 = arith.constant 0 : i32
      %dma_wait3A_165 = tpu.memref_slice %arg4[%dma_wait3A_163, %dma_wait3A_164] : memref<10000x128xf32, #tpu.memory_space<hbm>> -> memref<10000x128xf32, #tpu.memory_space<hbm>>
      tpu.wait_indirect_dma semaphore(%arg13 : memref<!tpu.dma_semaphore, #tpu.memory_space<semaphore_mem>>) src(%dma_wait3A_165 : memref<10000x128xf32, #tpu.memory_space<hbm>>) dst(%dma_wait3A_159 : memref<125x128xf32, #tpu.memory_space<vmem>>)
      %run_scoped3A_166 = arith.constant 1 : i32
      "tpu.region"() ({
        %run_scoped3A_180 = tpu.sem_alloc : memref<!tpu.dma_semaphore, #tpu.memory_space<semaphore_mem>>
        %dma_start3A_181 = arith.constant 0 : i32
        %dma_start3A_182 = arith.constant 0 : i32
        %dma_start3A_183 = tpu.memref_slice %arg9[%run_scoped3A_166, %dma_start3A_181, %dma_start3A_182] : memref<2x125x128xf32, #tpu.memory_space<vmem>> -> memref<1x125x128xf32, #tpu.memory_space<vmem>>
        %dma_start3A_184 = tpu.memref_squeeze %dma_start3A_183 : memref<1x125x128xf32, #tpu.memory_space<vmem>> -> memref<125x128xf32, #tpu.memory_space<vmem>>
        %dma_start3A_185 = arith.constant 0 : i32
        %dma_start3A_186 = tpu.memref_slice %arg8[%add3A_154, %dma_start3A_185] : memref<40x125xi32, #tpu.memory_space<vmem>> -> memref<1x125xi32, #tpu.memory_space<vmem>>
        %dma_start3A_187 = tpu.memref_squeeze %dma_start3A_186 : memref<1x125xi32, #tpu.memory_space<vmem>> -> memref<125xi32, #tpu.memory_space<vmem>>
        %dma_start3A_188 = arith.constant 0 : i32
        %dma_start3A_189 = arith.constant 0 : i32
        %dma_start3A_190 = tpu.memref_slice %arg11[%dma_start3A_188, %dma_start3A_189] : memref<10000x128xf32, #tpu.memory_space<vmem_shared>> -> memref<10000x128xf32, #tpu.memory_space<vmem_shared>>
        tpu.enqueue_indirect_dma source(%dma_start3A_184 : memref<125x128xf32, #tpu.memory_space<vmem>>) target(%dma_start3A_190 : memref<10000x128xf32, #tpu.memory_space<vmem_shared>>) offsets(%dma_start3A_187 : memref<125xi32, #tpu.memory_space<vmem>>) semaphore(%run_scoped3A_180 : memref<!tpu.dma_semaphore, #tpu.memory_space<semaphore_mem>>) {add = true}
        %dma_wait3A_191 = arith.constant 0 : i32
        %dma_wait3A_192 = arith.constant 0 : i32
        %dma_wait3A_193 = tpu.memref_slice %arg9[%run_scoped3A_166, %dma_wait3A_191, %dma_wait3A_192] : memref<2x125x128xf32, #tpu.memory_space<vmem>> -> memref<1x125x128xf32, #tpu.memory_space<vmem>>
        %dma_wait3A_194 = tpu.memref_squeeze %dma_wait3A_193 : memref<1x125x128xf32, #tpu.memory_space<vmem>> -> memref<125x128xf32, #tpu.memory_space<vmem>>
        %dma_wait3A_195 = arith.constant 0 : i32
        %dma_wait3A_196 = tpu.memref_slice %arg8[%add3A_154, %dma_wait3A_195] : memref<40x125xi32, #tpu.memory_space<vmem>> -> memref<1x125xi32, #tpu.memory_space<vmem>>
        %dma_wait3A_197 = tpu.memref_squeeze %dma_wait3A_196 : memref<1x125xi32, #tpu.memory_space<vmem>> -> memref<125xi32, #tpu.memory_space<vmem>>
        %dma_wait3A_198 = arith.constant 0 : i32
        %dma_wait3A_199 = arith.constant 0 : i32
        %dma_wait3A_200 = tpu.memref_slice %arg11[%dma_wait3A_198, %dma_wait3A_199] : memref<10000x128xf32, #tpu.memory_space<vmem_shared>> -> memref<10000x128xf32, #tpu.memory_space<vmem_shared>>
        tpu.wait_indirect_dma semaphore(%run_scoped3A_180 : memref<!tpu.dma_semaphore, #tpu.memory_space<semaphore_mem>>) src(%dma_wait3A_194 : memref<125x128xf32, #tpu.memory_space<vmem>>) dst(%dma_wait3A_200 : memref<10000x128xf32, #tpu.memory_space<vmem_shared>>)
        tpu.yield
      }) : () -> ()
      %add3A_167 = arith.constant 3 : i32
      %add3A_168 = arith.addi %mul3A_127, %add3A_167 : i32
      %dma_start3A_169 = arith.constant 1 : i32
      %dma_start3A_170 = arith.constant 0 : i32
      %dma_start3A_171 = arith.constant 0 : i32
      %dma_start3A_172 = tpu.memref_slice %arg9[%dma_start3A_169, %dma_start3A_170, %dma_start3A_171] : memref<2x125x128xf32, #tpu.memory_space<vmem>> -> memref<1x125x128xf32, #tpu.memory_space<vmem>>
      %dma_start3A_173 = tpu.memref_squeeze %dma_start3A_172 : memref<1x125x128xf32, #tpu.memory_space<vmem>> -> memref<125x128xf32, #tpu.memory_space<vmem>>
      %dma_start3A_174 = arith.constant 0 : i32
      %dma_start3A_175 = tpu.memref_slice %arg7[%add3A_168, %dma_start3A_174] : memref<40x125xi32, #tpu.memory_space<vmem>> -> memref<1x125xi32, #tpu.memory_space<vmem>>
      %dma_start3A_176 = tpu.memref_squeeze %dma_start3A_175 : memref<1x125xi32, #tpu.memory_space<vmem>> -> memref<125xi32, #tpu.memory_space<vmem>>
      %dma_start3A_177 = arith.constant 0 : i32
      %dma_start3A_178 = arith.constant 0 : i32
      %dma_start3A_179 = tpu.memref_slice %arg4[%dma_start3A_177, %dma_start3A_178] : memref<10000x128xf32, #tpu.memory_space<hbm>> -> memref<10000x128xf32, #tpu.memory_space<hbm>>
      tpu.enqueue_indirect_dma source(%dma_start3A_179 : memref<10000x128xf32, #tpu.memory_space<hbm>>) target(%dma_start3A_173 : memref<125x128xf32, #tpu.memory_space<vmem>>) offsets(%dma_start3A_176 : memref<125xi32, #tpu.memory_space<vmem>>) semaphore(%arg13 : memref<!tpu.dma_semaphore, #tpu.memory_space<semaphore_mem>>)
    }
    %scan3A_90 = arith.constant 19 : i32
    %dma_wait3A_91 = arith.constant 38 : i32
    %dma_wait3A_92 = arith.constant 0 : i32
    %dma_wait3A_93 = arith.constant 0 : i32
    %dma_wait3A_94 = arith.constant 0 : i32
    %dma_wait3A_95 = tpu.memref_slice %arg9[%dma_wait3A_92, %dma_wait3A_93, %dma_wait3A_94] : memref<2x125x128xf32, #tpu.memory_space<vmem>> -> memref<1x125x128xf32, #tpu.memory_space<vmem>>
    %dma_wait3A_96 = tpu.memref_squeeze %dma_wait3A_95 : memref<1x125x128xf32, #tpu.memory_space<vmem>> -> memref<125x128xf32, #tpu.memory_space<vmem>>
    %dma_wait3A_97 = arith.constant 0 : i32
    %dma_wait3A_98 = tpu.memref_slice %arg7[%dma_wait3A_91, %dma_wait3A_97] : memref<40x125xi32, #tpu.memory_space<vmem>> -> memref<1x125xi32, #tpu.memory_space<vmem>>
    %dma_wait3A_99 = tpu.memref_squeeze %dma_wait3A_98 : memref<1x125xi32, #tpu.memory_space<vmem>> -> memref<125xi32, #tpu.memory_space<vmem>>
    %dma_wait3A_100 = arith.constant 0 : i32
    %dma_wait3A_101 = arith.constant 0 : i32
    %dma_wait3A_102 = tpu.memref_slice %arg4[%dma_wait3A_100, %dma_wait3A_101] : memref<10000x128xf32, #tpu.memory_space<hbm>> -> memref<10000x128xf32, #tpu.memory_space<hbm>>
    tpu.wait_indirect_dma semaphore(%arg12 : memref<!tpu.dma_semaphore, #tpu.memory_space<semaphore_mem>>) src(%dma_wait3A_102 : memref<10000x128xf32, #tpu.memory_space<hbm>>) dst(%dma_wait3A_96 : memref<125x128xf32, #tpu.memory_space<vmem>>)
    %run_scoped3A_103 = arith.constant 0 : i32
    %run_scoped3A_104 = arith.constant 38 : i32
    "tpu.region"() ({
      %run_scoped3A_125 = tpu.sem_alloc : memref<!tpu.dma_semaphore, #tpu.memory_space<semaphore_mem>>
      %dma_start3A_126 = arith.constant 0 : i32
      %dma_start3A_127 = arith.constant 0 : i32
      %dma_start3A_128 = tpu.memref_slice %arg9[%run_scoped3A_103, %dma_start3A_126, %dma_start3A_127] : memref<2x125x128xf32, #tpu.memory_space<vmem>> -> memref<1x125x128xf32, #tpu.memory_space<vmem>>
      %dma_start3A_129 = tpu.memref_squeeze %dma_start3A_128 : memref<1x125x128xf32, #tpu.memory_space<vmem>> -> memref<125x128xf32, #tpu.memory_space<vmem>>
      %dma_start3A_130 = arith.constant 0 : i32
      %dma_start3A_131 = tpu.memref_slice %arg8[%run_scoped3A_104, %dma_start3A_130] : memref<40x125xi32, #tpu.memory_space<vmem>> -> memref<1x125xi32, #tpu.memory_space<vmem>>
      %dma_start3A_132 = tpu.memref_squeeze %dma_start3A_131 : memref<1x125xi32, #tpu.memory_space<vmem>> -> memref<125xi32, #tpu.memory_space<vmem>>
      %dma_start3A_133 = arith.constant 0 : i32
      %dma_start3A_134 = arith.constant 0 : i32
      %dma_start3A_135 = tpu.memref_slice %arg11[%dma_start3A_133, %dma_start3A_134] : memref<10000x128xf32, #tpu.memory_space<vmem_shared>> -> memref<10000x128xf32, #tpu.memory_space<vmem_shared>>
      tpu.enqueue_indirect_dma source(%dma_start3A_129 : memref<125x128xf32, #tpu.memory_space<vmem>>) target(%dma_start3A_135 : memref<10000x128xf32, #tpu.memory_space<vmem_shared>>) offsets(%dma_start3A_132 : memref<125xi32, #tpu.memory_space<vmem>>) semaphore(%run_scoped3A_125 : memref<!tpu.dma_semaphore, #tpu.memory_space<semaphore_mem>>) {add = true}
      %dma_wait3A_136 = arith.constant 0 : i32
      %dma_wait3A_137 = arith.constant 0 : i32
      %dma_wait3A_138 = tpu.memref_slice %arg9[%run_scoped3A_103, %dma_wait3A_136, %dma_wait3A_137] : memref<2x125x128xf32, #tpu.memory_space<vmem>> -> memref<1x125x128xf32, #tpu.memory_space<vmem>>
      %dma_wait3A_139 = tpu.memref_squeeze %dma_wait3A_138 : memref<1x125x128xf32, #tpu.memory_space<vmem>> -> memref<125x128xf32, #tpu.memory_space<vmem>>
      %dma_wait3A_140 = arith.constant 0 : i32
      %dma_wait3A_141 = tpu.memref_slice %arg8[%run_scoped3A_104, %dma_wait3A_140] : memref<40x125xi32, #tpu.memory_space<vmem>> -> memref<1x125xi32, #tpu.memory_space<vmem>>
      %dma_wait3A_142 = tpu.memref_squeeze %dma_wait3A_141 : memref<1x125xi32, #tpu.memory_space<vmem>> -> memref<125xi32, #tpu.memory_space<vmem>>
      %dma_wait3A_143 = arith.constant 0 : i32
      %dma_wait3A_144 = arith.constant 0 : i32
      %dma_wait3A_145 = tpu.memref_slice %arg11[%dma_wait3A_143, %dma_wait3A_144] : memref<10000x128xf32, #tpu.memory_space<vmem_shared>> -> memref<10000x128xf32, #tpu.memory_space<vmem_shared>>
      tpu.wait_indirect_dma semaphore(%run_scoped3A_125 : memref<!tpu.dma_semaphore, #tpu.memory_space<semaphore_mem>>) src(%dma_wait3A_139 : memref<125x128xf32, #tpu.memory_space<vmem>>) dst(%dma_wait3A_145 : memref<10000x128xf32, #tpu.memory_space<vmem_shared>>)
      tpu.yield
    }) : () -> ()
    %dma_wait3A_105 = arith.constant 39 : i32
    %dma_wait3A_106 = arith.constant 1 : i32
    %dma_wait3A_107 = arith.constant 0 : i32
    %dma_wait3A_108 = arith.constant 0 : i32
    %dma_wait3A_109 = tpu.memref_slice %arg9[%dma_wait3A_106, %dma_wait3A_107, %dma_wait3A_108] : memref<2x125x128xf32, #tpu.memory_space<vmem>> -> memref<1x125x128xf32, #tpu.memory_space<vmem>>
    %dma_wait3A_110 = tpu.memref_squeeze %dma_wait3A_109 : memref<1x125x128xf32, #tpu.memory_space<vmem>> -> memref<125x128xf32, #tpu.memory_space<vmem>>
    %dma_wait3A_111 = arith.constant 0 : i32
    %dma_wait3A_112 = tpu.memref_slice %arg7[%dma_wait3A_105, %dma_wait3A_111] : memref<40x125xi32, #tpu.memory_space<vmem>> -> memref<1x125xi32, #tpu.memory_space<vmem>>
    %dma_wait3A_113 = tpu.memref_squeeze %dma_wait3A_112 : memref<1x125xi32, #tpu.memory_space<vmem>> -> memref<125xi32, #tpu.memory_space<vmem>>
    %dma_wait3A_114 = arith.constant 0 : i32
    %dma_wait3A_115 = arith.constant 0 : i32
    %dma_wait3A_116 = tpu.memref_slice %arg4[%dma_wait3A_114, %dma_wait3A_115] : memref<10000x128xf32, #tpu.memory_space<hbm>> -> memref<10000x128xf32, #tpu.memory_space<hbm>>
    tpu.wait_indirect_dma semaphore(%arg13 : memref<!tpu.dma_semaphore, #tpu.memory_space<semaphore_mem>>) src(%dma_wait3A_116 : memref<10000x128xf32, #tpu.memory_space<hbm>>) dst(%dma_wait3A_110 : memref<125x128xf32, #tpu.memory_space<vmem>>)
    %run_scoped3A_117 = arith.constant 1 : i32
    %run_scoped3A_118 = arith.constant 39 : i32
    "tpu.region"() ({
      %run_scoped3A_125 = tpu.sem_alloc : memref<!tpu.dma_semaphore, #tpu.memory_space<semaphore_mem>>
      %dma_start3A_126 = arith.constant 0 : i32
      %dma_start3A_127 = arith.constant 0 : i32
      %dma_start3A_128 = tpu.memref_slice %arg9[%run_scoped3A_117, %dma_start3A_126, %dma_start3A_127] : memref<2x125x128xf32, #tpu.memory_space<vmem>> -> memref<1x125x128xf32, #tpu.memory_space<vmem>>
      %dma_start3A_129 = tpu.memref_squeeze %dma_start3A_128 : memref<1x125x128xf32, #tpu.memory_space<vmem>> -> memref<125x128xf32, #tpu.memory_space<vmem>>
      %dma_start3A_130 = arith.constant 0 : i32
      %dma_start3A_131 = tpu.memref_slice %arg8[%run_scoped3A_118, %dma_start3A_130] : memref<40x125xi32, #tpu.memory_space<vmem>> -> memref<1x125xi32, #tpu.memory_space<vmem>>
      %dma_start3A_132 = tpu.memref_squeeze %dma_start3A_131 : memref<1x125xi32, #tpu.memory_space<vmem>> -> memref<125xi32, #tpu.memory_space<vmem>>
      %dma_start3A_133 = arith.constant 0 : i32
      %dma_start3A_134 = arith.constant 0 : i32
      %dma_start3A_135 = tpu.memref_slice %arg11[%dma_start3A_133, %dma_start3A_134] : memref<10000x128xf32, #tpu.memory_space<vmem_shared>> -> memref<10000x128xf32, #tpu.memory_space<vmem_shared>>
      tpu.enqueue_indirect_dma source(%dma_start3A_129 : memref<125x128xf32, #tpu.memory_space<vmem>>) target(%dma_start3A_135 : memref<10000x128xf32, #tpu.memory_space<vmem_shared>>) offsets(%dma_start3A_132 : memref<125xi32, #tpu.memory_space<vmem>>) semaphore(%run_scoped3A_125 : memref<!tpu.dma_semaphore, #tpu.memory_space<semaphore_mem>>) {add = true}
      %dma_wait3A_136 = arith.constant 0 : i32
      %dma_wait3A_137 = arith.constant 0 : i32
      %dma_wait3A_138 = tpu.memref_slice %arg9[%run_scoped3A_117, %dma_wait3A_136, %dma_wait3A_137] : memref<2x125x128xf32, #tpu.memory_space<vmem>> -> memref<1x125x128xf32, #tpu.memory_space<vmem>>
      %dma_wait3A_139 = tpu.memref_squeeze %dma_wait3A_138 : memref<1x125x128xf32, #tpu.memory_space<vmem>> -> memref<125x128xf32, #tpu.memory_space<vmem>>
      %dma_wait3A_140 = arith.constant 0 : i32
      %dma_wait3A_141 = tpu.memref_slice %arg8[%run_scoped3A_118, %dma_wait3A_140] : memref<40x125xi32, #tpu.memory_space<vmem>> -> memref<1x125xi32, #tpu.memory_space<vmem>>
      %dma_wait3A_142 = tpu.memref_squeeze %dma_wait3A_141 : memref<1x125xi32, #tpu.memory_space<vmem>> -> memref<125xi32, #tpu.memory_space<vmem>>
      %dma_wait3A_143 = arith.constant 0 : i32
      %dma_wait3A_144 = arith.constant 0 : i32
      %dma_wait3A_145 = tpu.memref_slice %arg11[%dma_wait3A_143, %dma_wait3A_144] : memref<10000x128xf32, #tpu.memory_space<vmem_shared>> -> memref<10000x128xf32, #tpu.memory_space<vmem_shared>>
      tpu.wait_indirect_dma semaphore(%run_scoped3A_125 : memref<!tpu.dma_semaphore, #tpu.memory_space<semaphore_mem>>) src(%dma_wait3A_139 : memref<125x128xf32, #tpu.memory_space<vmem>>) dst(%dma_wait3A_145 : memref<10000x128xf32, #tpu.memory_space<vmem_shared>>)
      tpu.yield
    }) : () -> ()
    %barrier3A_119 = arith.constant 0 : index
    tpu.barrier barrier_id(%barrier3A_119)
    %lt3A_120 = arith.constant 10 : i32
    %lt3A_121 = arith.cmpi slt, %arg1, %lt3A_120 : i32
    %convert_element_type3A_122 = arith.extui %lt3A_121 : i1 to i32
    %cond3A_123 = arith.constant 0 : i32
    %cond3A_124 = arith.cmpi ne, %convert_element_type3A_122, %cond3A_123 : i32
    scf.if %cond3A_124 {
      %mul3A_125 = arith.constant 1000 : i32
      %mul3A_126 = arith.muli %arg1, %mul3A_125 : i32
      %mul3A_127 = arith.constant 1000 : i32
      %mul3A_128 = arith.muli %arg1, %mul3A_127 : i32
      "tpu.region"() ({
        %run_scoped3A_129 = tpu.sem_alloc : memref<!tpu.dma_semaphore, #tpu.memory_space<semaphore_mem>>
        %dma_start3A_130 = arith.constant 0 : i32
        %dma_start3A_131 = tpu.memref_slice %arg6[%arg0, %mul3A_128, %dma_start3A_130] : memref<2x10000x128xf32, #tpu.memory_space<hbm>> -> memref<1x1000x128xf32, #tpu.memory_space<hbm>>
        %dma_start3A_132 = tpu.memref_squeeze %dma_start3A_131 : memref<1x1000x128xf32, #tpu.memory_space<hbm>> -> memref<1000x128xf32, #tpu.memory_space<hbm>>
        %dma_start3A_133 = arith.constant 0 : i32
        %dma_start3A_134 = tpu.memref_slice %arg11[%mul3A_126, %dma_start3A_133] : memref<10000x128xf32, #tpu.memory_space<vmem_shared>> -> memref<1000x128xf32, #tpu.memory_space<vmem_shared>>
        tpu.enqueue_dma source(%dma_start3A_134 : memref<1000x128xf32, #tpu.memory_space<vmem_shared>>) target(%dma_start3A_132 : memref<1000x128xf32, #tpu.memory_space<hbm>>) target_semaphore(%run_scoped3A_129 : memref<!tpu.dma_semaphore, #tpu.memory_space<semaphore_mem>>)
        %dma_wait3A_135 = arith.constant 0 : i32
        %dma_wait3A_136 = tpu.memref_slice %arg6[%arg0, %mul3A_128, %dma_wait3A_135] : memref<2x10000x128xf32, #tpu.memory_space<hbm>> -> memref<1x1000x128xf32, #tpu.memory_space<hbm>>
        %dma_wait3A_137 = tpu.memref_squeeze %dma_wait3A_136 : memref<1x1000x128xf32, #tpu.memory_space<hbm>> -> memref<1000x128xf32, #tpu.memory_space<hbm>>
        %dma_wait3A_138 = arith.constant 0 : i32
        %dma_wait3A_139 = tpu.memref_slice %arg11[%mul3A_126, %dma_wait3A_138] : memref<10000x128xf32, #tpu.memory_space<vmem_shared>> -> memref<1000x128xf32, #tpu.memory_space<vmem_shared>>
        tpu.wait_dma2 semaphore(%run_scoped3A_129 : memref<!tpu.dma_semaphore, #tpu.memory_space<semaphore_mem>>) src(%dma_wait3A_139 : memref<1000x128xf32, #tpu.memory_space<vmem_shared>>) dst(%dma_wait3A_137 : memref<1000x128xf32, #tpu.memory_space<hbm>>)
        tpu.yield
      }) : () -> ()
    } else {
    }
    return
  }
}

#map = affine_map<(d0, d1) -> (0, 0, 0)>
#map1 = affine_map<(d0, d1) -> (0)>
module attributes {stable_mosaic.version = 14 : i64} {
  func.func @_deg_body(%arg0: i32, %arg1: i32, %arg2: memref<32x80x125xi32, #tpu.memory_space<hbm>>, %arg3: memref<32x80x125xi32, #tpu.memory_space<hbm>>, %arg4: memref<125xf32, #tpu.memory_space<hbm>>, %arg5: memref<2000xf32, #tpu.memory_space<hbm>>, %arg6: memref<20000xf32, #tpu.memory_space<hbm>>, %arg7: memref<20000xf32, #tpu.memory_space<hbm>>, %arg8: memref<80x125xi32, #tpu.memory_space<vmem>>, %arg9: memref<80x125xi32, #tpu.memory_space<vmem>>, %arg10: memref<125xf32, #tpu.memory_space<vmem>>, %arg11: memref<2000xf32, #tpu.memory_space<vmem>>, %arg12: memref<10000xf32, #tpu.memory_space<vmem_shared>>, %arg13: memref<10000xf32, #tpu.memory_space<vmem_shared>>, %arg14: memref<!tpu.dma_semaphore, #tpu.memory_space<semaphore_mem>>, %arg15: memref<!tpu.dma_semaphore, #tpu.memory_space<semaphore_mem>>, %arg16: memref<!tpu.dma_semaphore, #tpu.memory_space<semaphore_mem>>, %arg17: memref<!tpu.dma_semaphore, #tpu.memory_space<semaphore_mem>>) attributes {dimension_semantics = [#tpu.dimension_semantics<core_parallel>, #tpu.dimension_semantics<subcore_parallel>], iteration_bounds = array<i64: 2, 16>, scalar_prefetch = 0 : i64, scratch_operands = 10 : i64, tpu.core_type = #tpu.core_type<sc_vector_subcore>, window_params = [{transform_indices = #map}, {transform_indices = #map}, {transform_indices = #map1}, {transform_indices = #map1}, {transform_indices = #map1}, {transform_indices = #map1}]} {
    %mul3A = arith.constant 16 : i32
    %mul3A_0 = arith.muli %arg0, %mul3A : i32
    %add3A = arith.addi %mul3A_0, %arg1 : i32
    "tpu.region"() ({
      %run_scoped3A = tpu.sem_alloc : memref<!tpu.dma_semaphore, #tpu.memory_space<semaphore_mem>>
      %dma_start3A_60 = arith.constant 0 : i32
      %dma_start3A_61 = arith.constant 0 : i32
      %dma_start3A_62 = tpu.memref_slice %arg2[%add3A, %dma_start3A_60, %dma_start3A_61] : memref<32x80x125xi32, #tpu.memory_space<hbm>> -> memref<1x80x125xi32, #tpu.memory_space<hbm>>
      %dma_start3A_63 = tpu.memref_squeeze %dma_start3A_62 : memref<1x80x125xi32, #tpu.memory_space<hbm>> -> memref<80x125xi32, #tpu.memory_space<hbm>>
      %dma_start3A_64 = arith.constant 0 : i32
      %dma_start3A_65 = arith.constant 0 : i32
      %dma_start3A_66 = tpu.memref_slice %arg2[%add3A, %dma_start3A_64, %dma_start3A_65] : memref<32x80x125xi32, #tpu.memory_space<hbm>> -> memref<1x80x125xi32, #tpu.memory_space<hbm>>
      %dma_start3A_67 = tpu.memref_squeeze %dma_start3A_66 : memref<1x80x125xi32, #tpu.memory_space<hbm>> -> memref<80x125xi32, #tpu.memory_space<hbm>>
      tpu.enqueue_dma source(%dma_start3A_67 : memref<80x125xi32, #tpu.memory_space<hbm>>) target(%arg8 : memref<80x125xi32, #tpu.memory_space<vmem>>) target_semaphore(%run_scoped3A : memref<!tpu.dma_semaphore, #tpu.memory_space<semaphore_mem>>)
      %dma_wait3A_68 = arith.constant 0 : i32
      %dma_wait3A_69 = arith.constant 0 : i32
      %dma_wait3A_70 = tpu.memref_slice %arg2[%add3A, %dma_wait3A_68, %dma_wait3A_69] : memref<32x80x125xi32, #tpu.memory_space<hbm>> -> memref<1x80x125xi32, #tpu.memory_space<hbm>>
      %dma_wait3A_71 = tpu.memref_squeeze %dma_wait3A_70 : memref<1x80x125xi32, #tpu.memory_space<hbm>> -> memref<80x125xi32, #tpu.memory_space<hbm>>
      %dma_wait3A_72 = arith.constant 0 : i32
      %dma_wait3A_73 = arith.constant 0 : i32
      %dma_wait3A_74 = tpu.memref_slice %arg2[%add3A, %dma_wait3A_72, %dma_wait3A_73] : memref<32x80x125xi32, #tpu.memory_space<hbm>> -> memref<1x80x125xi32, #tpu.memory_space<hbm>>
      %dma_wait3A_75 = tpu.memref_squeeze %dma_wait3A_74 : memref<1x80x125xi32, #tpu.memory_space<hbm>> -> memref<80x125xi32, #tpu.memory_space<hbm>>
      tpu.wait_dma2 semaphore(%run_scoped3A : memref<!tpu.dma_semaphore, #tpu.memory_space<semaphore_mem>>) src(%dma_wait3A_75 : memref<80x125xi32, #tpu.memory_space<hbm>>) dst(%arg8 : memref<80x125xi32, #tpu.memory_space<vmem>>)
      tpu.yield
    }) : () -> ()
    "tpu.region"() ({
      %run_scoped3A = tpu.sem_alloc : memref<!tpu.dma_semaphore, #tpu.memory_space<semaphore_mem>>
      %dma_start3A_60 = arith.constant 0 : i32
      %dma_start3A_61 = arith.constant 0 : i32
      %dma_start3A_62 = tpu.memref_slice %arg3[%add3A, %dma_start3A_60, %dma_start3A_61] : memref<32x80x125xi32, #tpu.memory_space<hbm>> -> memref<1x80x125xi32, #tpu.memory_space<hbm>>
      %dma_start3A_63 = tpu.memref_squeeze %dma_start3A_62 : memref<1x80x125xi32, #tpu.memory_space<hbm>> -> memref<80x125xi32, #tpu.memory_space<hbm>>
      %dma_start3A_64 = arith.constant 0 : i32
      %dma_start3A_65 = arith.constant 0 : i32
      %dma_start3A_66 = tpu.memref_slice %arg3[%add3A, %dma_start3A_64, %dma_start3A_65] : memref<32x80x125xi32, #tpu.memory_space<hbm>> -> memref<1x80x125xi32, #tpu.memory_space<hbm>>
      %dma_start3A_67 = tpu.memref_squeeze %dma_start3A_66 : memref<1x80x125xi32, #tpu.memory_space<hbm>> -> memref<80x125xi32, #tpu.memory_space<hbm>>
      tpu.enqueue_dma source(%dma_start3A_67 : memref<80x125xi32, #tpu.memory_space<hbm>>) target(%arg9 : memref<80x125xi32, #tpu.memory_space<vmem>>) target_semaphore(%run_scoped3A : memref<!tpu.dma_semaphore, #tpu.memory_space<semaphore_mem>>)
      %dma_wait3A_68 = arith.constant 0 : i32
      %dma_wait3A_69 = arith.constant 0 : i32
      %dma_wait3A_70 = tpu.memref_slice %arg3[%add3A, %dma_wait3A_68, %dma_wait3A_69] : memref<32x80x125xi32, #tpu.memory_space<hbm>> -> memref<1x80x125xi32, #tpu.memory_space<hbm>>
      %dma_wait3A_71 = tpu.memref_squeeze %dma_wait3A_70 : memref<1x80x125xi32, #tpu.memory_space<hbm>> -> memref<80x125xi32, #tpu.memory_space<hbm>>
      %dma_wait3A_72 = arith.constant 0 : i32
      %dma_wait3A_73 = arith.constant 0 : i32
      %dma_wait3A_74 = tpu.memref_slice %arg3[%add3A, %dma_wait3A_72, %dma_wait3A_73] : memref<32x80x125xi32, #tpu.memory_space<hbm>> -> memref<1x80x125xi32, #tpu.memory_space<hbm>>
      %dma_wait3A_75 = tpu.memref_squeeze %dma_wait3A_74 : memref<1x80x125xi32, #tpu.memory_space<hbm>> -> memref<80x125xi32, #tpu.memory_space<hbm>>
      tpu.wait_dma2 semaphore(%run_scoped3A : memref<!tpu.dma_semaphore, #tpu.memory_space<semaphore_mem>>) src(%dma_wait3A_75 : memref<80x125xi32, #tpu.memory_space<hbm>>) dst(%arg9 : memref<80x125xi32, #tpu.memory_space<vmem>>)
      tpu.yield
    }) : () -> ()
    "tpu.region"() ({
      %run_scoped3A = tpu.sem_alloc : memref<!tpu.dma_semaphore, #tpu.memory_space<semaphore_mem>>
      tpu.enqueue_dma source(%arg4 : memref<125xf32, #tpu.memory_space<hbm>>) target(%arg10 : memref<125xf32, #tpu.memory_space<vmem>>) target_semaphore(%run_scoped3A : memref<!tpu.dma_semaphore, #tpu.memory_space<semaphore_mem>>)
      tpu.wait_dma2 semaphore(%run_scoped3A : memref<!tpu.dma_semaphore, #tpu.memory_space<semaphore_mem>>) src(%arg4 : memref<125xf32, #tpu.memory_space<hbm>>) dst(%arg10 : memref<125xf32, #tpu.memory_space<vmem>>)
      tpu.yield
    }) : () -> ()
    %lt3A = arith.constant 5 : i32
    %lt3A_1 = arith.cmpi slt, %arg1, %lt3A : i32
    %convert_element_type3A = arith.extui %lt3A_1 : i1 to i32
    %cond3A = arith.constant 0 : i32
    %cond3A_2 = arith.cmpi ne, %convert_element_type3A, %cond3A : i32
    scf.if %cond3A_2 {
      %mul3A_60 = arith.constant 2000 : i32
      %mul3A_61 = arith.muli %arg1, %mul3A_60 : i32
      "tpu.region"() ({
        %run_scoped3A = tpu.sem_alloc : memref<!tpu.dma_semaphore, #tpu.memory_space<semaphore_mem>>
        tpu.enqueue_dma source(%arg5 : memref<2000xf32, #tpu.memory_space<hbm>>) target(%arg11 : memref<2000xf32, #tpu.memory_space<vmem>>) target_semaphore(%run_scoped3A : memref<!tpu.dma_semaphore, #tpu.memory_space<semaphore_mem>>)
        tpu.wait_dma2 semaphore(%run_scoped3A : memref<!tpu.dma_semaphore, #tpu.memory_space<semaphore_mem>>) src(%arg5 : memref<2000xf32, #tpu.memory_space<hbm>>) dst(%arg11 : memref<2000xf32, #tpu.memory_space<vmem>>)
        tpu.yield
      }) : () -> ()
      "tpu.region"() ({
        %run_scoped3A = tpu.sem_alloc : memref<!tpu.dma_semaphore, #tpu.memory_space<semaphore_mem>>
        %dma_start3A_62 = tpu.memref_slice %arg12[%mul3A_61] : memref<10000xf32, #tpu.memory_space<vmem_shared>> -> memref<2000xf32, #tpu.memory_space<vmem_shared>>
        %dma_start3A_63 = tpu.memref_slice %arg12[%mul3A_61] : memref<10000xf32, #tpu.memory_space<vmem_shared>> -> memref<2000xf32, #tpu.memory_space<vmem_shared>>
        tpu.enqueue_dma source(%arg11 : memref<2000xf32, #tpu.memory_space<vmem>>) target(%dma_start3A_63 : memref<2000xf32, #tpu.memory_space<vmem_shared>>) target_semaphore(%run_scoped3A : memref<!tpu.dma_semaphore, #tpu.memory_space<semaphore_mem>>)
        %dma_wait3A_64 = tpu.memref_slice %arg12[%mul3A_61] : memref<10000xf32, #tpu.memory_space<vmem_shared>> -> memref<2000xf32, #tpu.memory_space<vmem_shared>>
        %dma_wait3A_65 = tpu.memref_slice %arg12[%mul3A_61] : memref<10000xf32, #tpu.memory_space<vmem_shared>> -> memref<2000xf32, #tpu.memory_space<vmem_shared>>
        tpu.wait_dma2 semaphore(%run_scoped3A : memref<!tpu.dma_semaphore, #tpu.memory_space<semaphore_mem>>) src(%arg11 : memref<2000xf32, #tpu.memory_space<vmem>>) dst(%dma_wait3A_65 : memref<2000xf32, #tpu.memory_space<vmem_shared>>)
        tpu.yield
      }) : () -> ()
      "tpu.region"() ({
        %run_scoped3A = tpu.sem_alloc : memref<!tpu.dma_semaphore, #tpu.memory_space<semaphore_mem>>
        %dma_start3A_62 = tpu.memref_slice %arg13[%mul3A_61] : memref<10000xf32, #tpu.memory_space<vmem_shared>> -> memref<2000xf32, #tpu.memory_space<vmem_shared>>
        %dma_start3A_63 = tpu.memref_slice %arg13[%mul3A_61] : memref<10000xf32, #tpu.memory_space<vmem_shared>> -> memref<2000xf32, #tpu.memory_space<vmem_shared>>
        tpu.enqueue_dma source(%arg11 : memref<2000xf32, #tpu.memory_space<vmem>>) target(%dma_start3A_63 : memref<2000xf32, #tpu.memory_space<vmem_shared>>) target_semaphore(%run_scoped3A : memref<!tpu.dma_semaphore, #tpu.memory_space<semaphore_mem>>)
        %dma_wait3A_64 = tpu.memref_slice %arg13[%mul3A_61] : memref<10000xf32, #tpu.memory_space<vmem_shared>> -> memref<2000xf32, #tpu.memory_space<vmem_shared>>
        %dma_wait3A_65 = tpu.memref_slice %arg13[%mul3A_61] : memref<10000xf32, #tpu.memory_space<vmem_shared>> -> memref<2000xf32, #tpu.memory_space<vmem_shared>>
        tpu.wait_dma2 semaphore(%run_scoped3A : memref<!tpu.dma_semaphore, #tpu.memory_space<semaphore_mem>>) src(%arg11 : memref<2000xf32, #tpu.memory_space<vmem>>) dst(%dma_wait3A_65 : memref<2000xf32, #tpu.memory_space<vmem_shared>>)
        tpu.yield
      }) : () -> ()
    } else {
    }
    %barrier3A = arith.constant 0 : index
    tpu.barrier barrier_id(%barrier3A)
    %dma_start3A = arith.constant 0 : i32
    %dma_start3A_3 = arith.constant 0 : i32
    %dma_start3A_4 = tpu.memref_slice %arg8[%dma_start3A, %dma_start3A_3] : memref<80x125xi32, #tpu.memory_space<vmem>> -> memref<1x125xi32, #tpu.memory_space<vmem>>
    %dma_start3A_5 = tpu.memref_squeeze %dma_start3A_4 : memref<1x125xi32, #tpu.memory_space<vmem>> -> memref<125xi32, #tpu.memory_space<vmem>>
    %dma_start3A_6 = arith.constant 0 : i32
    %dma_start3A_7 = tpu.memref_slice %arg12[%dma_start3A_6] : memref<10000xf32, #tpu.memory_space<vmem_shared>> -> memref<10000xf32, #tpu.memory_space<vmem_shared>>
    tpu.enqueue_indirect_dma source(%arg10 : memref<125xf32, #tpu.memory_space<vmem>>) target(%dma_start3A_7 : memref<10000xf32, #tpu.memory_space<vmem_shared>>) offsets(%dma_start3A_5 : memref<125xi32, #tpu.memory_space<vmem>>) semaphore(%arg14 : memref<!tpu.dma_semaphore, #tpu.memory_space<semaphore_mem>>) {add = true}
    %dma_start3A_8 = arith.constant 0 : i32
    %dma_start3A_9 = arith.constant 0 : i32
    %dma_start3A_10 = tpu.memref_slice %arg9[%dma_start3A_8, %dma_start3A_9] : memref<80x125xi32, #tpu.memory_space<vmem>> -> memref<1x125xi32, #tpu.memory_space<vmem>>
    %dma_start3A_11 = tpu.memref_squeeze %dma_start3A_10 : memref<1x125xi32, #tpu.memory_space<vmem>> -> memref<125xi32, #tpu.memory_space<vmem>>
    %dma_start3A_12 = arith.constant 0 : i32
    %dma_start3A_13 = tpu.memref_slice %arg13[%dma_start3A_12] : memref<10000xf32, #tpu.memory_space<vmem_shared>> -> memref<10000xf32, #tpu.memory_space<vmem_shared>>
    tpu.enqueue_indirect_dma source(%arg10 : memref<125xf32, #tpu.memory_space<vmem>>) target(%dma_start3A_13 : memref<10000xf32, #tpu.memory_space<vmem_shared>>) offsets(%dma_start3A_11 : memref<125xi32, #tpu.memory_space<vmem>>) semaphore(%arg16 : memref<!tpu.dma_semaphore, #tpu.memory_space<semaphore_mem>>) {add = true}
    %dma_start3A_14 = arith.constant 1 : i32
    %dma_start3A_15 = arith.constant 0 : i32
    %dma_start3A_16 = tpu.memref_slice %arg8[%dma_start3A_14, %dma_start3A_15] : memref<80x125xi32, #tpu.memory_space<vmem>> -> memref<1x125xi32, #tpu.memory_space<vmem>>
    %dma_start3A_17 = tpu.memref_squeeze %dma_start3A_16 : memref<1x125xi32, #tpu.memory_space<vmem>> -> memref<125xi32, #tpu.memory_space<vmem>>
    %dma_start3A_18 = arith.constant 0 : i32
    %dma_start3A_19 = tpu.memref_slice %arg12[%dma_start3A_18] : memref<10000xf32, #tpu.memory_space<vmem_shared>> -> memref<10000xf32, #tpu.memory_space<vmem_shared>>
    tpu.enqueue_indirect_dma source(%arg10 : memref<125xf32, #tpu.memory_space<vmem>>) target(%dma_start3A_19 : memref<10000xf32, #tpu.memory_space<vmem_shared>>) offsets(%dma_start3A_17 : memref<125xi32, #tpu.memory_space<vmem>>) semaphore(%arg15 : memref<!tpu.dma_semaphore, #tpu.memory_space<semaphore_mem>>) {add = true}
    %dma_start3A_20 = arith.constant 1 : i32
    %dma_start3A_21 = arith.constant 0 : i32
    %dma_start3A_22 = tpu.memref_slice %arg9[%dma_start3A_20, %dma_start3A_21] : memref<80x125xi32, #tpu.memory_space<vmem>> -> memref<1x125xi32, #tpu.memory_space<vmem>>
    %dma_start3A_23 = tpu.memref_squeeze %dma_start3A_22 : memref<1x125xi32, #tpu.memory_space<vmem>> -> memref<125xi32, #tpu.memory_space<vmem>>
    %dma_start3A_24 = arith.constant 0 : i32
    %dma_start3A_25 = tpu.memref_slice %arg13[%dma_start3A_24] : memref<10000xf32, #tpu.memory_space<vmem_shared>> -> memref<10000xf32, #tpu.memory_space<vmem_shared>>
    tpu.enqueue_indirect_dma source(%arg10 : memref<125xf32, #tpu.memory_space<vmem>>) target(%dma_start3A_25 : memref<10000xf32, #tpu.memory_space<vmem_shared>>) offsets(%dma_start3A_23 : memref<125xi32, #tpu.memory_space<vmem>>) semaphore(%arg17 : memref<!tpu.dma_semaphore, #tpu.memory_space<semaphore_mem>>) {add = true}
    %scan3A = arith.constant 0 : i32
    %scan3A_26 = arith.constant 0 : i32
    %scan3A_27 = arith.constant 39 : i32
    %scan3A_28 = arith.addi %scan3A_26, %scan3A_27 : i32
    %scan3A_29 = arith.constant 1 : i32
    scf.for %scan3A_60 = %scan3A_26 to %scan3A_28 step %scan3A_29  : i32 {
      %mul3A_61 = arith.constant 2 : i32
      %mul3A_62 = arith.muli %mul3A_61, %scan3A_60 : i32
      %dma_wait3A_63 = arith.constant 0 : i32
      %dma_wait3A_64 = tpu.memref_slice %arg8[%mul3A_62, %dma_wait3A_63] : memref<80x125xi32, #tpu.memory_space<vmem>> -> memref<1x125xi32, #tpu.memory_space<vmem>>
      %dma_wait3A_65 = tpu.memref_squeeze %dma_wait3A_64 : memref<1x125xi32, #tpu.memory_space<vmem>> -> memref<125xi32, #tpu.memory_space<vmem>>
      %dma_wait3A_66 = arith.constant 0 : i32
      %dma_wait3A_67 = tpu.memref_slice %arg12[%dma_wait3A_66] : memref<10000xf32, #tpu.memory_space<vmem_shared>> -> memref<10000xf32, #tpu.memory_space<vmem_shared>>
      tpu.wait_indirect_dma semaphore(%arg14 : memref<!tpu.dma_semaphore, #tpu.memory_space<semaphore_mem>>) src(%arg10 : memref<125xf32, #tpu.memory_space<vmem>>) dst(%dma_wait3A_67 : memref<10000xf32, #tpu.memory_space<vmem_shared>>)
      %dma_wait3A_68 = arith.constant 0 : i32
      %dma_wait3A_69 = tpu.memref_slice %arg9[%mul3A_62, %dma_wait3A_68] : memref<80x125xi32, #tpu.memory_space<vmem>> -> memref<1x125xi32, #tpu.memory_space<vmem>>
      %dma_wait3A_70 = tpu.memref_squeeze %dma_wait3A_69 : memref<1x125xi32, #tpu.memory_space<vmem>> -> memref<125xi32, #tpu.memory_space<vmem>>
      %dma_wait3A_71 = arith.constant 0 : i32
      %dma_wait3A_72 = tpu.memref_slice %arg13[%dma_wait3A_71] : memref<10000xf32, #tpu.memory_space<vmem_shared>> -> memref<10000xf32, #tpu.memory_space<vmem_shared>>
      tpu.wait_indirect_dma semaphore(%arg16 : memref<!tpu.dma_semaphore, #tpu.memory_space<semaphore_mem>>) src(%arg10 : memref<125xf32, #tpu.memory_space<vmem>>) dst(%dma_wait3A_72 : memref<10000xf32, #tpu.memory_space<vmem_shared>>)
      %add3A_73 = arith.constant 2 : i32
      %add3A_74 = arith.addi %mul3A_62, %add3A_73 : i32
      %dma_start3A_75 = arith.constant 0 : i32
      %dma_start3A_76 = tpu.memref_slice %arg8[%add3A_74, %dma_start3A_75] : memref<80x125xi32, #tpu.memory_space<vmem>> -> memref<1x125xi32, #tpu.memory_space<vmem>>
      %dma_start3A_77 = tpu.memref_squeeze %dma_start3A_76 : memref<1x125xi32, #tpu.memory_space<vmem>> -> memref<125xi32, #tpu.memory_space<vmem>>
      %dma_start3A_78 = arith.constant 0 : i32
      %dma_start3A_79 = tpu.memref_slice %arg12[%dma_start3A_78] : memref<10000xf32, #tpu.memory_space<vmem_shared>> -> memref<10000xf32, #tpu.memory_space<vmem_shared>>
      tpu.enqueue_indirect_dma source(%arg10 : memref<125xf32, #tpu.memory_space<vmem>>) target(%dma_start3A_79 : memref<10000xf32, #tpu.memory_space<vmem_shared>>) offsets(%dma_start3A_77 : memref<125xi32, #tpu.memory_space<vmem>>) semaphore(%arg14 : memref<!tpu.dma_semaphore, #tpu.memory_space<semaphore_mem>>) {add = true}
      %dma_start3A_80 = arith.constant 0 : i32
      %dma_start3A_81 = tpu.memref_slice %arg9[%add3A_74, %dma_start3A_80] : memref<80x125xi32, #tpu.memory_space<vmem>> -> memref<1x125xi32, #tpu.memory_space<vmem>>
      %dma_start3A_82 = tpu.memref_squeeze %dma_start3A_81 : memref<1x125xi32, #tpu.memory_space<vmem>> -> memref<125xi32, #tpu.memory_space<vmem>>
      %dma_start3A_83 = arith.constant 0 : i32
      %dma_start3A_84 = tpu.memref_slice %arg13[%dma_start3A_83] : memref<10000xf32, #tpu.memory_space<vmem_shared>> -> memref<10000xf32, #tpu.memory_space<vmem_shared>>
      tpu.enqueue_indirect_dma source(%arg10 : memref<125xf32, #tpu.memory_space<vmem>>) target(%dma_start3A_84 : memref<10000xf32, #tpu.memory_space<vmem_shared>>) offsets(%dma_start3A_82 : memref<125xi32, #tpu.memory_space<vmem>>) semaphore(%arg16 : memref<!tpu.dma_semaphore, #tpu.memory_space<semaphore_mem>>) {add = true}
      %add3A_85 = arith.constant 1 : i32
      %add3A_86 = arith.addi %mul3A_62, %add3A_85 : i32
      %dma_wait3A_87 = arith.constant 0 : i32
      %dma_wait3A_88 = tpu.memref_slice %arg8[%add3A_86, %dma_wait3A_87] : memref<80x125xi32, #tpu.memory_space<vmem>> -> memref<1x125xi32, #tpu.memory_space<vmem>>
      %dma_wait3A_89 = tpu.memref_squeeze %dma_wait3A_88 : memref<1x125xi32, #tpu.memory_space<vmem>> -> memref<125xi32, #tpu.memory_space<vmem>>
      %dma_wait3A_90 = arith.constant 0 : i32
      %dma_wait3A_91 = tpu.memref_slice %arg12[%dma_wait3A_90] : memref<10000xf32, #tpu.memory_space<vmem_shared>> -> memref<10000xf32, #tpu.memory_space<vmem_shared>>
      tpu.wait_indirect_dma semaphore(%arg15 : memref<!tpu.dma_semaphore, #tpu.memory_space<semaphore_mem>>) src(%arg10 : memref<125xf32, #tpu.memory_space<vmem>>) dst(%dma_wait3A_91 : memref<10000xf32, #tpu.memory_space<vmem_shared>>)
      %dma_wait3A_92 = arith.constant 0 : i32
      %dma_wait3A_93 = tpu.memref_slice %arg9[%add3A_86, %dma_wait3A_92] : memref<80x125xi32, #tpu.memory_space<vmem>> -> memref<1x125xi32, #tpu.memory_space<vmem>>
      %dma_wait3A_94 = tpu.memref_squeeze %dma_wait3A_93 : memref<1x125xi32, #tpu.memory_space<vmem>> -> memref<125xi32, #tpu.memory_space<vmem>>
      %dma_wait3A_95 = arith.constant 0 : i32
      %dma_wait3A_96 = tpu.memref_slice %arg13[%dma_wait3A_95] : memref<10000xf32, #tpu.memory_space<vmem_shared>> -> memref<10000xf32, #tpu.memory_space<vmem_shared>>
      tpu.wait_indirect_dma semaphore(%arg17 : memref<!tpu.dma_semaphore, #tpu.memory_space<semaphore_mem>>) src(%arg10 : memref<125xf32, #tpu.memory_space<vmem>>) dst(%dma_wait3A_96 : memref<10000xf32, #tpu.memory_space<vmem_shared>>)
      %add3A_97 = arith.constant 3 : i32
      %add3A_98 = arith.addi %mul3A_62, %add3A_97 : i32
      %dma_start3A_99 = arith.constant 0 : i32
      %dma_start3A_100 = tpu.memref_slice %arg8[%add3A_98, %dma_start3A_99] : memref<80x125xi32, #tpu.memory_space<vmem>> -> memref<1x125xi32, #tpu.memory_space<vmem>>
      %dma_start3A_101 = tpu.memref_squeeze %dma_start3A_100 : memref<1x125xi32, #tpu.memory_space<vmem>> -> memref<125xi32, #tpu.memory_space<vmem>>
      %dma_start3A_102 = arith.constant 0 : i32
      %dma_start3A_103 = tpu.memref_slice %arg12[%dma_start3A_102] : memref<10000xf32, #tpu.memory_space<vmem_shared>> -> memref<10000xf32, #tpu.memory_space<vmem_shared>>
      tpu.enqueue_indirect_dma source(%arg10 : memref<125xf32, #tpu.memory_space<vmem>>) target(%dma_start3A_103 : memref<10000xf32, #tpu.memory_space<vmem_shared>>) offsets(%dma_start3A_101 : memref<125xi32, #tpu.memory_space<vmem>>) semaphore(%arg15 : memref<!tpu.dma_semaphore, #tpu.memory_space<semaphore_mem>>) {add = true}
      %dma_start3A_104 = arith.constant 0 : i32
      %dma_start3A_105 = tpu.memref_slice %arg9[%add3A_98, %dma_start3A_104] : memref<80x125xi32, #tpu.memory_space<vmem>> -> memref<1x125xi32, #tpu.memory_space<vmem>>
      %dma_start3A_106 = tpu.memref_squeeze %dma_start3A_105 : memref<1x125xi32, #tpu.memory_space<vmem>> -> memref<125xi32, #tpu.memory_space<vmem>>
      %dma_start3A_107 = arith.constant 0 : i32
      %dma_start3A_108 = tpu.memref_slice %arg13[%dma_start3A_107] : memref<10000xf32, #tpu.memory_space<vmem_shared>> -> memref<10000xf32, #tpu.memory_space<vmem_shared>>
      tpu.enqueue_indirect_dma source(%arg10 : memref<125xf32, #tpu.memory_space<vmem>>) target(%dma_start3A_108 : memref<10000xf32, #tpu.memory_space<vmem_shared>>) offsets(%dma_start3A_106 : memref<125xi32, #tpu.memory_space<vmem>>) semaphore(%arg17 : memref<!tpu.dma_semaphore, #tpu.memory_space<semaphore_mem>>) {add = true}
    }
    %scan3A_30 = arith.constant 39 : i32
    %dma_wait3A = arith.constant 78 : i32
    %dma_wait3A_31 = arith.constant 0 : i32
    %dma_wait3A_32 = tpu.memref_slice %arg8[%dma_wait3A, %dma_wait3A_31] : memref<80x125xi32, #tpu.memory_space<vmem>> -> memref<1x125xi32, #tpu.memory_space<vmem>>
    %dma_wait3A_33 = tpu.memref_squeeze %dma_wait3A_32 : memref<1x125xi32, #tpu.memory_space<vmem>> -> memref<125xi32, #tpu.memory_space<vmem>>
    %dma_wait3A_34 = arith.constant 0 : i32
    %dma_wait3A_35 = tpu.memref_slice %arg12[%dma_wait3A_34] : memref<10000xf32, #tpu.memory_space<vmem_shared>> -> memref<10000xf32, #tpu.memory_space<vmem_shared>>
    tpu.wait_indirect_dma semaphore(%arg14 : memref<!tpu.dma_semaphore, #tpu.memory_space<semaphore_mem>>) src(%arg10 : memref<125xf32, #tpu.memory_space<vmem>>) dst(%dma_wait3A_35 : memref<10000xf32, #tpu.memory_space<vmem_shared>>)
    %dma_wait3A_36 = arith.constant 78 : i32
    %dma_wait3A_37 = arith.constant 0 : i32
    %dma_wait3A_38 = tpu.memref_slice %arg9[%dma_wait3A_36, %dma_wait3A_37] : memref<80x125xi32, #tpu.memory_space<vmem>> -> memref<1x125xi32, #tpu.memory_space<vmem>>
    %dma_wait3A_39 = tpu.memref_squeeze %dma_wait3A_38 : memref<1x125xi32, #tpu.memory_space<vmem>> -> memref<125xi32, #tpu.memory_space<vmem>>
    %dma_wait3A_40 = arith.constant 0 : i32
    %dma_wait3A_41 = tpu.memref_slice %arg13[%dma_wait3A_40] : memref<10000xf32, #tpu.memory_space<vmem_shared>> -> memref<10000xf32, #tpu.memory_space<vmem_shared>>
    tpu.wait_indirect_dma semaphore(%arg16 : memref<!tpu.dma_semaphore, #tpu.memory_space<semaphore_mem>>) src(%arg10 : memref<125xf32, #tpu.memory_space<vmem>>) dst(%dma_wait3A_41 : memref<10000xf32, #tpu.memory_space<vmem_shared>>)
    %dma_wait3A_42 = arith.constant 79 : i32
    %dma_wait3A_43 = arith.constant 0 : i32
    %dma_wait3A_44 = tpu.memref_slice %arg8[%dma_wait3A_42, %dma_wait3A_43] : memref<80x125xi32, #tpu.memory_space<vmem>> -> memref<1x125xi32, #tpu.memory_space<vmem>>
    %dma_wait3A_45 = tpu.memref_squeeze %dma_wait3A_44 : memref<1x125xi32, #tpu.memory_space<vmem>> -> memref<125xi32, #tpu.memory_space<vmem>>
    %dma_wait3A_46 = arith.constant 0 : i32
    %dma_wait3A_47 = tpu.memref_slice %arg12[%dma_wait3A_46] : memref<10000xf32, #tpu.memory_space<vmem_shared>> -> memref<10000xf32, #tpu.memory_space<vmem_shared>>
    tpu.wait_indirect_dma semaphore(%arg15 : memref<!tpu.dma_semaphore, #tpu.memory_space<semaphore_mem>>) src(%arg10 : memref<125xf32, #tpu.memory_space<vmem>>) dst(%dma_wait3A_47 : memref<10000xf32, #tpu.memory_space<vmem_shared>>)
    %dma_wait3A_48 = arith.constant 79 : i32
    %dma_wait3A_49 = arith.constant 0 : i32
    %dma_wait3A_50 = tpu.memref_slice %arg9[%dma_wait3A_48, %dma_wait3A_49] : memref<80x125xi32, #tpu.memory_space<vmem>> -> memref<1x125xi32, #tpu.memory_space<vmem>>
    %dma_wait3A_51 = tpu.memref_squeeze %dma_wait3A_50 : memref<1x125xi32, #tpu.memory_space<vmem>> -> memref<125xi32, #tpu.memory_space<vmem>>
    %dma_wait3A_52 = arith.constant 0 : i32
    %dma_wait3A_53 = tpu.memref_slice %arg13[%dma_wait3A_52] : memref<10000xf32, #tpu.memory_space<vmem_shared>> -> memref<10000xf32, #tpu.memory_space<vmem_shared>>
    tpu.wait_indirect_dma semaphore(%arg17 : memref<!tpu.dma_semaphore, #tpu.memory_space<semaphore_mem>>) src(%arg10 : memref<125xf32, #tpu.memory_space<vmem>>) dst(%dma_wait3A_53 : memref<10000xf32, #tpu.memory_space<vmem_shared>>)
    %barrier3A_54 = arith.constant 0 : index
    tpu.barrier barrier_id(%barrier3A_54)
    %lt3A_55 = arith.constant 5 : i32
    %lt3A_56 = arith.cmpi slt, %arg1, %lt3A_55 : i32
    %convert_element_type3A_57 = arith.extui %lt3A_56 : i1 to i32
    %cond3A_58 = arith.constant 0 : i32
    %cond3A_59 = arith.cmpi ne, %convert_element_type3A_57, %cond3A_58 : i32
    scf.if %cond3A_59 {
      %mul3A_60 = arith.constant 2000 : i32
      %mul3A_61 = arith.muli %arg1, %mul3A_60 : i32
      "tpu.region"() ({
        %run_scoped3A = tpu.sem_alloc : memref<!tpu.dma_semaphore, #tpu.memory_space<semaphore_mem>>
        %dma_start3A_68 = tpu.memref_slice %arg12[%mul3A_61] : memref<10000xf32, #tpu.memory_space<vmem_shared>> -> memref<2000xf32, #tpu.memory_space<vmem_shared>>
        %dma_start3A_69 = tpu.memref_slice %arg12[%mul3A_61] : memref<10000xf32, #tpu.memory_space<vmem_shared>> -> memref<2000xf32, #tpu.memory_space<vmem_shared>>
        tpu.enqueue_dma source(%dma_start3A_69 : memref<2000xf32, #tpu.memory_space<vmem_shared>>) target(%arg11 : memref<2000xf32, #tpu.memory_space<vmem>>) target_semaphore(%run_scoped3A : memref<!tpu.dma_semaphore, #tpu.memory_space<semaphore_mem>>)
        %dma_wait3A_70 = tpu.memref_slice %arg12[%mul3A_61] : memref<10000xf32, #tpu.memory_space<vmem_shared>> -> memref<2000xf32, #tpu.memory_space<vmem_shared>>
        %dma_wait3A_71 = tpu.memref_slice %arg12[%mul3A_61] : memref<10000xf32, #tpu.memory_space<vmem_shared>> -> memref<2000xf32, #tpu.memory_space<vmem_shared>>
        tpu.wait_dma2 semaphore(%run_scoped3A : memref<!tpu.dma_semaphore, #tpu.memory_space<semaphore_mem>>) src(%dma_wait3A_71 : memref<2000xf32, #tpu.memory_space<vmem_shared>>) dst(%arg11 : memref<2000xf32, #tpu.memory_space<vmem>>)
        tpu.yield
      }) : () -> ()
      %mul3A_62 = arith.constant 10000 : i32
      %mul3A_63 = arith.muli %arg0, %mul3A_62 : i32
      %add3A_64 = arith.addi %mul3A_63, %mul3A_61 : i32
      "tpu.region"() ({
        %run_scoped3A = tpu.sem_alloc : memref<!tpu.dma_semaphore, #tpu.memory_space<semaphore_mem>>
        %dma_start3A_68 = tpu.memref_slice %arg6[%add3A_64] : memref<20000xf32, #tpu.memory_space<hbm>> -> memref<2000xf32, #tpu.memory_space<hbm>>
        %dma_start3A_69 = tpu.memref_slice %arg6[%add3A_64] : memref<20000xf32, #tpu.memory_space<hbm>> -> memref<2000xf32, #tpu.memory_space<hbm>>
        tpu.enqueue_dma source(%arg11 : memref<2000xf32, #tpu.memory_space<vmem>>) target(%dma_start3A_69 : memref<2000xf32, #tpu.memory_space<hbm>>) target_semaphore(%run_scoped3A : memref<!tpu.dma_semaphore, #tpu.memory_space<semaphore_mem>>)
        %dma_wait3A_70 = tpu.memref_slice %arg6[%add3A_64] : memref<20000xf32, #tpu.memory_space<hbm>> -> memref<2000xf32, #tpu.memory_space<hbm>>
        %dma_wait3A_71 = tpu.memref_slice %arg6[%add3A_64] : memref<20000xf32, #tpu.memory_space<hbm>> -> memref<2000xf32, #tpu.memory_space<hbm>>
        tpu.wait_dma2 semaphore(%run_scoped3A : memref<!tpu.dma_semaphore, #tpu.memory_space<semaphore_mem>>) src(%arg11 : memref<2000xf32, #tpu.memory_space<vmem>>) dst(%dma_wait3A_71 : memref<2000xf32, #tpu.memory_space<hbm>>)
        tpu.yield
      }) : () -> ()
      "tpu.region"() ({
        %run_scoped3A = tpu.sem_alloc : memref<!tpu.dma_semaphore, #tpu.memory_space<semaphore_mem>>
        %dma_start3A_68 = tpu.memref_slice %arg13[%mul3A_61] : memref<10000xf32, #tpu.memory_space<vmem_shared>> -> memref<2000xf32, #tpu.memory_space<vmem_shared>>
        %dma_start3A_69 = tpu.memref_slice %arg13[%mul3A_61] : memref<10000xf32, #tpu.memory_space<vmem_shared>> -> memref<2000xf32, #tpu.memory_space<vmem_shared>>
        tpu.enqueue_dma source(%dma_start3A_69 : memref<2000xf32, #tpu.memory_space<vmem_shared>>) target(%arg11 : memref<2000xf32, #tpu.memory_space<vmem>>) target_semaphore(%run_scoped3A : memref<!tpu.dma_semaphore, #tpu.memory_space<semaphore_mem>>)
        %dma_wait3A_70 = tpu.memref_slice %arg13[%mul3A_61] : memref<10000xf32, #tpu.memory_space<vmem_shared>> -> memref<2000xf32, #tpu.memory_space<vmem_shared>>
        %dma_wait3A_71 = tpu.memref_slice %arg13[%mul3A_61] : memref<10000xf32, #tpu.memory_space<vmem_shared>> -> memref<2000xf32, #tpu.memory_space<vmem_shared>>
        tpu.wait_dma2 semaphore(%run_scoped3A : memref<!tpu.dma_semaphore, #tpu.memory_space<semaphore_mem>>) src(%dma_wait3A_71 : memref<2000xf32, #tpu.memory_space<vmem_shared>>) dst(%arg11 : memref<2000xf32, #tpu.memory_space<vmem>>)
        tpu.yield
      }) : () -> ()
      %mul3A_65 = arith.constant 10000 : i32
      %mul3A_66 = arith.muli %arg0, %mul3A_65 : i32
      %add3A_67 = arith.addi %mul3A_66, %mul3A_61 : i32
      "tpu.region"() ({
        %run_scoped3A = tpu.sem_alloc : memref<!tpu.dma_semaphore, #tpu.memory_space<semaphore_mem>>
        %dma_start3A_68 = tpu.memref_slice %arg7[%add3A_67] : memref<20000xf32, #tpu.memory_space<hbm>> -> memref<2000xf32, #tpu.memory_space<hbm>>
        %dma_start3A_69 = tpu.memref_slice %arg7[%add3A_67] : memref<20000xf32, #tpu.memory_space<hbm>> -> memref<2000xf32, #tpu.memory_space<hbm>>
        tpu.enqueue_dma source(%arg11 : memref<2000xf32, #tpu.memory_space<vmem>>) target(%dma_start3A_69 : memref<2000xf32, #tpu.memory_space<hbm>>) target_semaphore(%run_scoped3A : memref<!tpu.dma_semaphore, #tpu.memory_space<semaphore_mem>>)
        %dma_wait3A_70 = tpu.memref_slice %arg7[%add3A_67] : memref<20000xf32, #tpu.memory_space<hbm>> -> memref<2000xf32, #tpu.memory_space<hbm>>
        %dma_wait3A_71 = tpu.memref_slice %arg7[%add3A_67] : memref<20000xf32, #tpu.memory_space<hbm>> -> memref<2000xf32, #tpu.memory_space<hbm>>
        tpu.wait_dma2 semaphore(%run_scoped3A : memref<!tpu.dma_semaphore, #tpu.memory_space<semaphore_mem>>) src(%arg11 : memref<2000xf32, #tpu.memory_space<vmem>>) dst(%dma_wait3A_71 : memref<2000xf32, #tpu.memory_space<hbm>>)
        tpu.yield
      }) : () -> ()
    } else {
    }
    return
  }
}

module attributes {stable_mosaic.version = 14 : i64} {
  func.func @_prep_body(%arg0: i32, %arg1: memref<1000x128xf32, #tpu.memory_space<vmem>>, %arg2: memref<2x1000x1xf32, #tpu.memory_space<vmem>>, %arg3: memref<1000x128xf32, #tpu.memory_space<vmem>>) attributes {dimension_semantics = [#tpu.dimension_semantics<arbitrary>], iteration_bounds = array<i64: 10>, scalar_prefetch = 0 : i64, scratch_operands = 0 : i64, tpu.core_type = #tpu.core_type<tc>, window_params = [{transform_indices = @transform_0, window_bounds = array<i64: 1000, 128>}, {transform_indices = @transform_1, window_bounds = array<i64: 2, 1000, 1>}, {transform_indices = @transform_2, window_bounds = array<i64: 1000, 128>}]} {
    %get3A = arith.constant 0 : index
    %get3A_0 = arith.constant 0 : index
    %get3A_1 = arith.constant 0 : index
    %get3A_2 = vector.load %arg2[%get3A, %get3A_0, %get3A_1] : memref<2x1000x1xf32, #tpu.memory_space<vmem>>, vector<1x1000x1xf32>
    %get3A_3 = vector.shape_cast %get3A_2 : vector<1x1000x1xf32> to vector<1000x1xf32>
    %get3A_4 = arith.constant 1 : index
    %get3A_5 = arith.constant 0 : index
    %get3A_6 = arith.constant 0 : index
    %get3A_7 = vector.load %arg2[%get3A_4, %get3A_5, %get3A_6] : memref<2x1000x1xf32, #tpu.memory_space<vmem>>, vector<1x1000x1xf32>
    %get3A_8 = vector.shape_cast %get3A_7 : vector<1x1000x1xf32> to vector<1000x1xf32>
    %add3A = arith.addf %get3A_3, %get3A_8 : vector<1000x1xf32>
    %max3A = arith.constant 1.000000e+00 : f32
    %max3A_9 = vector.broadcast %max3A : f32 to vector<1000x1xf32>
    %max3A_10 = arith.maximumf %add3A, %max3A_9 : vector<1000x1xf32>
    %get3A_11 = arith.constant 0 : index
    %get3A_12 = arith.constant 0 : index
    %get3A_13 = vector.load %arg1[%get3A_11, %get3A_12] : memref<1000x128xf32, #tpu.memory_space<vmem>>, vector<1000x128xf32>
    %rsqrt3A = math.rsqrt %max3A_10 : vector<1000x1xf32>
    %mul3A = vector.broadcast %rsqrt3A : vector<1000x1xf32> to vector<1000x128xf32>
    %mul3A_14 = arith.mulf %get3A_13, %mul3A : vector<1000x128xf32>
    %swap3A = arith.constant 0 : index
    %swap3A_15 = arith.constant 0 : index
    %swap3A_16 = vector.load %arg3[%swap3A, %swap3A_15] : memref<1000x128xf32, #tpu.memory_space<vmem>>, vector<1000x128xf32>
    tpu.vector_store %arg3[%swap3A, %swap3A_15], %mul3A_14 {strides = array<i32>} : memref<1000x128xf32, #tpu.memory_space<vmem>>, vector<1000x128xf32>,
    return
  }
  func.func @transform_0(%arg0: i32) -> (i32, i32) {
    %c0_i32 = arith.constant 0 : i32
    %c0_i32_0 = arith.constant 0 : i32
    return %arg0, %c0_i32 : i32, i32
  }
  func.func @transform_1(%arg0: i32) -> (i32, i32, i32) {
    %c0_i32 = arith.constant 0 : i32
    %c0_i32_0 = arith.constant 0 : i32
    %c0_i32_1 = arith.constant 0 : i32
    return %c0_i32, %arg0, %c0_i32_0 : i32, i32, i32
  }
  func.func @transform_2(%arg0: i32) -> (i32, i32) {
    %c0_i32 = arith.constant 0 : i32
    %c0_i32_0 = arith.constant 0 : i32
    return %arg0, %c0_i32 : i32, i32
  }
}

module attributes {stable_mosaic.version = 14 : i64} {
  func.func @_dense_body2(%arg0: i32, %arg1: memref<2x1000x128xf32, #tpu.memory_space<vmem>>, %arg2: memref<2x1000x1xf32, #tpu.memory_space<vmem>>, %arg3: memref<2x1000x1xf32, #tpu.memory_space<vmem>>, %arg4: memref<1000x128xf32, #tpu.memory_space<vmem>>, %arg5: memref<128x128xf32, #tpu.memory_space<vmem>>, %arg6: memref<1x128xf32, #tpu.memory_space<vmem>>, %arg7: memref<1x128xf32, #tpu.memory_space<vmem>>, %arg8: memref<1x128xf32, #tpu.memory_space<vmem>>, %arg9: memref<1000x128xf32, #tpu.memory_space<vmem>>, %arg10: memref<1000x128xf32, #tpu.memory_space<vmem>>) attributes {dimension_semantics = [#tpu.dimension_semantics<arbitrary>], iteration_bounds = array<i64: 10>, scalar_prefetch = 0 : i64, scratch_operands = 0 : i64, tpu.core_type = #tpu.core_type<tc>, window_params = [{transform_indices = @transform_0, window_bounds = array<i64: 2, 1000, 128>}, {transform_indices = @transform_1, window_bounds = array<i64: 2, 1000, 1>}, {transform_indices = @transform_2, window_bounds = array<i64: 2, 1000, 1>}, {transform_indices = @transform_3, window_bounds = array<i64: 1000, 128>}, {pipeline_mode = #tpu.pipeline_mode<synchronous>, transform_indices = @transform_4, window_bounds = array<i64: 128, 128>}, {pipeline_mode = #tpu.pipeline_mode<synchronous>, transform_indices = @transform_5, window_bounds = array<i64: 1, 128>}, {pipeline_mode = #tpu.pipeline_mode<synchronous>, transform_indices = @transform_6, window_bounds = array<i64: 1, 128>}, {pipeline_mode = #tpu.pipeline_mode<synchronous>, transform_indices = @transform_7, window_bounds = array<i64: 1, 128>}, {transform_indices = @transform_8, window_bounds = array<i64: 1000, 128>}, {transform_indices = @transform_9, window_bounds = array<i64: 1000, 128>}]} {
    %get3A = arith.constant 0 : index
    %get3A_0 = arith.constant 0 : index
    %get3A_1 = arith.constant 0 : index
    %get3A_2 = vector.load %arg2[%get3A, %get3A_0, %get3A_1] : memref<2x1000x1xf32, #tpu.memory_space<vmem>>, vector<1x1000x1xf32>
    %get3A_3 = vector.shape_cast %get3A_2 : vector<1x1000x1xf32> to vector<1000x1xf32>
    %get3A_4 = arith.constant 1 : index
    %get3A_5 = arith.constant 0 : index
    %get3A_6 = arith.constant 0 : index
    %get3A_7 = vector.load %arg2[%get3A_4, %get3A_5, %get3A_6] : memref<2x1000x1xf32, #tpu.memory_space<vmem>>, vector<1x1000x1xf32>
    %get3A_8 = vector.shape_cast %get3A_7 : vector<1x1000x1xf32> to vector<1000x1xf32>
    %add3A = arith.addf %get3A_3, %get3A_8 : vector<1000x1xf32>
    %max3A = arith.constant 1.000000e+00 : f32
    %max3A_9 = vector.broadcast %max3A : f32 to vector<1000x1xf32>
    %max3A_10 = arith.maximumf %add3A, %max3A_9 : vector<1000x1xf32>
    %rsqrt3A = math.rsqrt %max3A_10 : vector<1000x1xf32>
    %get3A_11 = arith.constant 0 : index
    %get3A_12 = arith.constant 0 : index
    %get3A_13 = arith.constant 0 : index
    %get3A_14 = vector.load %arg1[%get3A_11, %get3A_12, %get3A_13] : memref<2x1000x128xf32, #tpu.memory_space<vmem>>, vector<1x1000x128xf32>
    %get3A_15 = vector.shape_cast %get3A_14 : vector<1x1000x128xf32> to vector<1000x128xf32>
    %get3A_16 = arith.constant 1 : index
    %get3A_17 = arith.constant 0 : index
    %get3A_18 = arith.constant 0 : index
    %get3A_19 = vector.load %arg1[%get3A_16, %get3A_17, %get3A_18] : memref<2x1000x128xf32, #tpu.memory_space<vmem>>, vector<1x1000x128xf32>
    %get3A_20 = vector.shape_cast %get3A_19 : vector<1x1000x128xf32> to vector<1000x128xf32>
    %add3A_21 = arith.addf %get3A_15, %get3A_20 : vector<1000x128xf32>
    %mul3A = vector.broadcast %rsqrt3A : vector<1000x1xf32> to vector<1000x128xf32>
    %mul3A_22 = arith.mulf %add3A_21, %mul3A : vector<1000x128xf32>
    %get3A_23 = arith.constant 0 : index
    %get3A_24 = arith.constant 0 : index
    %get3A_25 = vector.load %arg5[%get3A_23, %get3A_24] : memref<128x128xf32, #tpu.memory_space<vmem>>, vector<128x128xf32>
    %dot_general3A = arith.constant dense<0.000000e+00> : vector<1000x128xf32>
    %dot_general3A_26 = tpu.matmul %mul3A_22, %get3A_25, %dot_general3A {dimension_numbers = #tpu.dot_dimension_numbers<[1], [0], [0], [1], [0, 0, 1, 1], [], []>, transpose_lhs_hint = false} : vector<1000x128xf32>, vector<128x128xf32>, vector<1000x128xf32> -> vector<1000x128xf32>
    %get3A_27 = arith.constant 0 : index
    %get3A_28 = arith.constant 0 : index
    %get3A_29 = vector.load %arg6[%get3A_27, %get3A_28] : memref<1x128xf32, #tpu.memory_space<vmem>>, vector<1x128xf32>
    %add3A_30 = vector.broadcast %get3A_29 : vector<1x128xf32> to vector<1000x128xf32>
    %add3A_31 = arith.addf %dot_general3A_26, %add3A_30 : vector<1000x128xf32>
    %reduce_sum3A = arith.constant dense<0.000000e+00> : vector<1000xf32>
    %reduce_sum3A_32 = vector.multi_reduction <add>, %add3A_31, %reduce_sum3A [1] : vector<1000x128xf32> to vector<1000xf32>
    %broadcast_in_dim3A = vector.shape_cast %reduce_sum3A_32 : vector<1000xf32> to vector<1000x1xf32>
    %div3A = arith.constant 1.280000e+02 : f32
    %div3A_33 = vector.broadcast %div3A : f32 to vector<1000x1xf32>
    %div3A_34 = arith.divf %broadcast_in_dim3A, %div3A_33 : vector<1000x1xf32>
    %sub3A = vector.broadcast %div3A_34 : vector<1000x1xf32> to vector<1000x128xf32>
    %sub3A_35 = arith.subf %add3A_31, %sub3A : vector<1000x128xf32>
    %integer_pow3A = arith.mulf %sub3A_35, %sub3A_35 : vector<1000x128xf32>
    %reduce_sum3A_36 = arith.constant dense<0.000000e+00> : vector<1000xf32>
    %reduce_sum3A_37 = vector.multi_reduction <add>, %integer_pow3A, %reduce_sum3A_36 [1] : vector<1000x128xf32> to vector<1000xf32>
    %broadcast_in_dim3A_38 = vector.shape_cast %reduce_sum3A_37 : vector<1000xf32> to vector<1000x1xf32>
    %div3A_39 = arith.constant 1.280000e+02 : f32
    %div3A_40 = vector.broadcast %div3A_39 : f32 to vector<1000x1xf32>
    %div3A_41 = arith.divf %broadcast_in_dim3A_38, %div3A_40 : vector<1000x1xf32>
    %sub3A_42 = vector.broadcast %div3A_34 : vector<1000x1xf32> to vector<1000x128xf32>
    %sub3A_43 = arith.subf %add3A_31, %sub3A_42 : vector<1000x128xf32>
    %add3A_44 = arith.constant 9.99999974E-6 : f32
    %add3A_45 = vector.broadcast %add3A_44 : f32 to vector<1000x1xf32>
    %add3A_46 = arith.addf %div3A_41, %add3A_45 : vector<1000x1xf32>
    %rsqrt3A_47 = math.rsqrt %add3A_46 : vector<1000x1xf32>
    %mul3A_48 = vector.broadcast %rsqrt3A_47 : vector<1000x1xf32> to vector<1000x128xf32>
    %mul3A_49 = arith.mulf %sub3A_43, %mul3A_48 : vector<1000x128xf32>
    %get3A_50 = arith.constant 0 : index
    %get3A_51 = arith.constant 0 : index
    %get3A_52 = vector.load %arg7[%get3A_50, %get3A_51] : memref<1x128xf32, #tpu.memory_space<vmem>>, vector<1x128xf32>
    %mul3A_53 = vector.broadcast %get3A_52 : vector<1x128xf32> to vector<1000x128xf32>
    %mul3A_54 = arith.mulf %mul3A_49, %mul3A_53 : vector<1000x128xf32>
    %get3A_55 = arith.constant 0 : index
    %get3A_56 = arith.constant 0 : index
    %get3A_57 = vector.load %arg8[%get3A_55, %get3A_56] : memref<1x128xf32, #tpu.memory_space<vmem>>, vector<1x128xf32>
    %add3A_58 = vector.broadcast %get3A_57 : vector<1x128xf32> to vector<1000x128xf32>
    %add3A_59 = arith.addf %mul3A_54, %add3A_58 : vector<1000x128xf32>
    %max3A_60 = arith.constant 0.000000e+00 : f32
    %max3A_61 = vector.broadcast %max3A_60 : f32 to vector<1000x128xf32>
    %max3A_62 = arith.maximumf %add3A_59, %max3A_61 : vector<1000x128xf32>
    %get3A_63 = arith.constant 0 : index
    %get3A_64 = arith.constant 0 : index
    %get3A_65 = vector.load %arg4[%get3A_63, %get3A_64] : memref<1000x128xf32, #tpu.memory_space<vmem>>, vector<1000x128xf32>
    %add3A_66 = arith.addf %max3A_62, %get3A_65 : vector<1000x128xf32>
    %swap3A = arith.constant 0 : index
    %swap3A_67 = arith.constant 0 : index
    %swap3A_68 = vector.load %arg9[%swap3A, %swap3A_67] : memref<1000x128xf32, #tpu.memory_space<vmem>>, vector<1000x128xf32>
    tpu.vector_store %arg9[%swap3A, %swap3A_67], %add3A_66 {strides = array<i32>} : memref<1000x128xf32, #tpu.memory_space<vmem>>, vector<1000x128xf32>,
    %get3A_69 = arith.constant 0 : index
    %get3A_70 = arith.constant 0 : index
    %get3A_71 = arith.constant 0 : index
    %get3A_72 = vector.load %arg3[%get3A_69, %get3A_70, %get3A_71] : memref<2x1000x1xf32, #tpu.memory_space<vmem>>, vector<1x1000x1xf32>
    %get3A_73 = vector.shape_cast %get3A_72 : vector<1x1000x1xf32> to vector<1000x1xf32>
    %get3A_74 = arith.constant 1 : index
    %get3A_75 = arith.constant 0 : index
    %get3A_76 = arith.constant 0 : index
    %get3A_77 = vector.load %arg3[%get3A_74, %get3A_75, %get3A_76] : memref<2x1000x1xf32, #tpu.memory_space<vmem>>, vector<1x1000x1xf32>
    %get3A_78 = vector.shape_cast %get3A_77 : vector<1x1000x1xf32> to vector<1000x1xf32>
    %add3A_79 = arith.addf %get3A_73, %get3A_78 : vector<1000x1xf32>
    %max3A_80 = arith.constant 1.000000e+00 : f32
    %max3A_81 = vector.broadcast %max3A_80 : f32 to vector<1000x1xf32>
    %max3A_82 = arith.maximumf %add3A_79, %max3A_81 : vector<1000x1xf32>
    %rsqrt3A_83 = math.rsqrt %max3A_82 : vector<1000x1xf32>
    %mul3A_84 = vector.broadcast %rsqrt3A_83 : vector<1000x1xf32> to vector<1000x128xf32>
    %mul3A_85 = arith.mulf %add3A_66, %mul3A_84 : vector<1000x128xf32>
    %swap3A_86 = arith.constant 0 : index
    %swap3A_87 = arith.constant 0 : index
    %swap3A_88 = vector.load %arg10[%swap3A_86, %swap3A_87] : memref<1000x128xf32, #tpu.memory_space<vmem>>, vector<1000x128xf32>
    tpu.vector_store %arg10[%swap3A_86, %swap3A_87], %mul3A_85 {strides = array<i32>} : memref<1000x128xf32, #tpu.memory_space<vmem>>, vector<1000x128xf32>,
    return
  }
  func.func @transform_0(%arg0: i32) -> (i32, i32, i32) {
    %c0_i32 = arith.constant 0 : i32
    %c0_i32_0 = arith.constant 0 : i32
    %c0_i32_1 = arith.constant 0 : i32
    return %c0_i32, %arg0, %c0_i32_0 : i32, i32, i32
  }
  func.func @transform_1(%arg0: i32) -> (i32, i32, i32) {
    %c0_i32 = arith.constant 0 : i32
    %c0_i32_0 = arith.constant 0 : i32
    %c0_i32_1 = arith.constant 0 : i32
    return %c0_i32, %arg0, %c0_i32_0 : i32, i32, i32
  }
  func.func @transform_2(%arg0: i32) -> (i32, i32, i32) {
    %c0_i32 = arith.constant 0 : i32
    %c0_i32_0 = arith.constant 0 : i32
    %c0_i32_1 = arith.constant 0 : i32
    return %c0_i32, %arg0, %c0_i32_0 : i32, i32, i32
  }
  func.func @transform_3(%arg0: i32) -> (i32, i32) {
    %c0_i32 = arith.constant 0 : i32
    %c0_i32_0 = arith.constant 0 : i32
    return %arg0, %c0_i32 : i32, i32
  }
  func.func @transform_4(%arg0: i32) -> (i32, i32) {
    %c0_i32 = arith.constant 0 : i32
    %c0_i32_0 = arith.constant 0 : i32
    %c0_i32_1 = arith.constant 0 : i32
    return %c0_i32, %c0_i32_0 : i32, i32
  }
  func.func @transform_5(%arg0: i32) -> (i32, i32) {
    %c0_i32 = arith.constant 0 : i32
    %c0_i32_0 = arith.constant 0 : i32
    %c0_i32_1 = arith.constant 0 : i32
    return %c0_i32, %c0_i32_0 : i32, i32
  }
  func.func @transform_6(%arg0: i32) -> (i32, i32) {
    %c0_i32 = arith.constant 0 : i32
    %c0_i32_0 = arith.constant 0 : i32
    %c0_i32_1 = arith.constant 0 : i32
    return %c0_i32, %c0_i32_0 : i32, i32
  }
  func.func @transform_7(%arg0: i32) -> (i32, i32) {
    %c0_i32 = arith.constant 0 : i32
    %c0_i32_0 = arith.constant 0 : i32
    %c0_i32_1 = arith.constant 0 : i32
    return %c0_i32, %c0_i32_0 : i32, i32
  }
  func.func @transform_8(%arg0: i32) -> (i32, i32) {
    %c0_i32 = arith.constant 0 : i32
    %c0_i32_0 = arith.constant 0 : i32
    return %arg0, %c0_i32 : i32, i32
  }
  func.func @transform_9(%arg0: i32) -> (i32, i32) {
    %c0_i32 = arith.constant 0 : i32
    %c0_i32_0 = arith.constant 0 : i32
    return %arg0, %c0_i32 : i32, i32
  }
}

module attributes {stable_mosaic.version = 14 : i64} {
  func.func @_dense_body1(%arg0: i32, %arg1: memref<2x1000x128xf32, #tpu.memory_space<vmem>>, %arg2: memref<2x1000x1xf32, #tpu.memory_space<vmem>>, %arg3: memref<2x1000x1xf32, #tpu.memory_space<vmem>>, %arg4: memref<1000x128xf32, #tpu.memory_space<vmem>>, %arg5: memref<128x128xf32, #tpu.memory_space<vmem>>, %arg6: memref<1x128xf32, #tpu.memory_space<vmem>>, %arg7: memref<1x128xf32, #tpu.memory_space<vmem>>, %arg8: memref<1x128xf32, #tpu.memory_space<vmem>>, %arg9: memref<1000x128xf32, #tpu.memory_space<vmem>>) attributes {dimension_semantics = [#tpu.dimension_semantics<arbitrary>], iteration_bounds = array<i64: 10>, scalar_prefetch = 0 : i64, scratch_operands = 0 : i64, tpu.core_type = #tpu.core_type<tc>, window_params = [{transform_indices = @transform_0, window_bounds = array<i64: 2, 1000, 128>}, {transform_indices = @transform_1, window_bounds = array<i64: 2, 1000, 1>}, {transform_indices = @transform_2, window_bounds = array<i64: 2, 1000, 1>}, {transform_indices = @transform_3, window_bounds = array<i64: 1000, 128>}, {pipeline_mode = #tpu.pipeline_mode<synchronous>, transform_indices = @transform_4, window_bounds = array<i64: 128, 128>}, {pipeline_mode = #tpu.pipeline_mode<synchronous>, transform_indices = @transform_5, window_bounds = array<i64: 1, 128>}, {pipeline_mode = #tpu.pipeline_mode<synchronous>, transform_indices = @transform_6, window_bounds = array<i64: 1, 128>}, {pipeline_mode = #tpu.pipeline_mode<synchronous>, transform_indices = @transform_7, window_bounds = array<i64: 1, 128>}, {transform_indices = @transform_8, window_bounds = array<i64: 1000, 128>}]} {
    %get3A = arith.constant 0 : index
    %get3A_0 = arith.constant 0 : index
    %get3A_1 = arith.constant 0 : index
    %get3A_2 = vector.load %arg2[%get3A, %get3A_0, %get3A_1] : memref<2x1000x1xf32, #tpu.memory_space<vmem>>, vector<1x1000x1xf32>
    %get3A_3 = vector.shape_cast %get3A_2 : vector<1x1000x1xf32> to vector<1000x1xf32>
    %get3A_4 = arith.constant 1 : index
    %get3A_5 = arith.constant 0 : index
    %get3A_6 = arith.constant 0 : index
    %get3A_7 = vector.load %arg2[%get3A_4, %get3A_5, %get3A_6] : memref<2x1000x1xf32, #tpu.memory_space<vmem>>, vector<1x1000x1xf32>
    %get3A_8 = vector.shape_cast %get3A_7 : vector<1x1000x1xf32> to vector<1000x1xf32>
    %add3A = arith.addf %get3A_3, %get3A_8 : vector<1000x1xf32>
    %max3A = arith.constant 1.000000e+00 : f32
    %max3A_9 = vector.broadcast %max3A : f32 to vector<1000x1xf32>
    %max3A_10 = arith.maximumf %add3A, %max3A_9 : vector<1000x1xf32>
    %rsqrt3A = math.rsqrt %max3A_10 : vector<1000x1xf32>
    %get3A_11 = arith.constant 0 : index
    %get3A_12 = arith.constant 0 : index
    %get3A_13 = arith.constant 0 : index
    %get3A_14 = vector.load %arg1[%get3A_11, %get3A_12, %get3A_13] : memref<2x1000x128xf32, #tpu.memory_space<vmem>>, vector<1x1000x128xf32>
    %get3A_15 = vector.shape_cast %get3A_14 : vector<1x1000x128xf32> to vector<1000x128xf32>
    %get3A_16 = arith.constant 1 : index
    %get3A_17 = arith.constant 0 : index
    %get3A_18 = arith.constant 0 : index
    %get3A_19 = vector.load %arg1[%get3A_16, %get3A_17, %get3A_18] : memref<2x1000x128xf32, #tpu.memory_space<vmem>>, vector<1x1000x128xf32>
    %get3A_20 = vector.shape_cast %get3A_19 : vector<1x1000x128xf32> to vector<1000x128xf32>
    %add3A_21 = arith.addf %get3A_15, %get3A_20 : vector<1000x128xf32>
    %mul3A = vector.broadcast %rsqrt3A : vector<1000x1xf32> to vector<1000x128xf32>
    %mul3A_22 = arith.mulf %add3A_21, %mul3A : vector<1000x128xf32>
    %get3A_23 = arith.constant 0 : index
    %get3A_24 = arith.constant 0 : index
    %get3A_25 = vector.load %arg5[%get3A_23, %get3A_24] : memref<128x128xf32, #tpu.memory_space<vmem>>, vector<128x128xf32>
    %dot_general3A = arith.constant dense<0.000000e+00> : vector<1000x128xf32>
    %dot_general3A_26 = tpu.matmul %mul3A_22, %get3A_25, %dot_general3A {dimension_numbers = #tpu.dot_dimension_numbers<[1], [0], [0], [1], [0, 0, 1, 1], [], []>, transpose_lhs_hint = false} : vector<1000x128xf32>, vector<128x128xf32>, vector<1000x128xf32> -> vector<1000x128xf32>
    %get3A_27 = arith.constant 0 : index
    %get3A_28 = arith.constant 0 : index
    %get3A_29 = vector.load %arg6[%get3A_27, %get3A_28] : memref<1x128xf32, #tpu.memory_space<vmem>>, vector<1x128xf32>
    %add3A_30 = vector.broadcast %get3A_29 : vector<1x128xf32> to vector<1000x128xf32>
    %add3A_31 = arith.addf %dot_general3A_26, %add3A_30 : vector<1000x128xf32>
    %reduce_sum3A = arith.constant dense<0.000000e+00> : vector<1000xf32>
    %reduce_sum3A_32 = vector.multi_reduction <add>, %add3A_31, %reduce_sum3A [1] : vector<1000x128xf32> to vector<1000xf32>
    %broadcast_in_dim3A = vector.shape_cast %reduce_sum3A_32 : vector<1000xf32> to vector<1000x1xf32>
    %div3A = arith.constant 1.280000e+02 : f32
    %div3A_33 = vector.broadcast %div3A : f32 to vector<1000x1xf32>
    %div3A_34 = arith.divf %broadcast_in_dim3A, %div3A_33 : vector<1000x1xf32>
    %sub3A = vector.broadcast %div3A_34 : vector<1000x1xf32> to vector<1000x128xf32>
    %sub3A_35 = arith.subf %add3A_31, %sub3A : vector<1000x128xf32>
    %integer_pow3A = arith.mulf %sub3A_35, %sub3A_35 : vector<1000x128xf32>
    %reduce_sum3A_36 = arith.constant dense<0.000000e+00> : vector<1000xf32>
    %reduce_sum3A_37 = vector.multi_reduction <add>, %integer_pow3A, %reduce_sum3A_36 [1] : vector<1000x128xf32> to vector<1000xf32>
    %broadcast_in_dim3A_38 = vector.shape_cast %reduce_sum3A_37 : vector<1000xf32> to vector<1000x1xf32>
    %div3A_39 = arith.constant 1.280000e+02 : f32
    %div3A_40 = vector.broadcast %div3A_39 : f32 to vector<1000x1xf32>
    %div3A_41 = arith.divf %broadcast_in_dim3A_38, %div3A_40 : vector<1000x1xf32>
    %sub3A_42 = vector.broadcast %div3A_34 : vector<1000x1xf32> to vector<1000x128xf32>
    %sub3A_43 = arith.subf %add3A_31, %sub3A_42 : vector<1000x128xf32>
    %add3A_44 = arith.constant 9.99999974E-6 : f32
    %add3A_45 = vector.broadcast %add3A_44 : f32 to vector<1000x1xf32>
    %add3A_46 = arith.addf %div3A_41, %add3A_45 : vector<1000x1xf32>
    %rsqrt3A_47 = math.rsqrt %add3A_46 : vector<1000x1xf32>
    %mul3A_48 = vector.broadcast %rsqrt3A_47 : vector<1000x1xf32> to vector<1000x128xf32>
    %mul3A_49 = arith.mulf %sub3A_43, %mul3A_48 : vector<1000x128xf32>
    %get3A_50 = arith.constant 0 : index
    %get3A_51 = arith.constant 0 : index
    %get3A_52 = vector.load %arg7[%get3A_50, %get3A_51] : memref<1x128xf32, #tpu.memory_space<vmem>>, vector<1x128xf32>
    %mul3A_53 = vector.broadcast %get3A_52 : vector<1x128xf32> to vector<1000x128xf32>
    %mul3A_54 = arith.mulf %mul3A_49, %mul3A_53 : vector<1000x128xf32>
    %get3A_55 = arith.constant 0 : index
    %get3A_56 = arith.constant 0 : index
    %get3A_57 = vector.load %arg8[%get3A_55, %get3A_56] : memref<1x128xf32, #tpu.memory_space<vmem>>, vector<1x128xf32>
    %add3A_58 = vector.broadcast %get3A_57 : vector<1x128xf32> to vector<1000x128xf32>
    %add3A_59 = arith.addf %mul3A_54, %add3A_58 : vector<1000x128xf32>
    %max3A_60 = arith.constant 0.000000e+00 : f32
    %max3A_61 = vector.broadcast %max3A_60 : f32 to vector<1000x128xf32>
    %max3A_62 = arith.maximumf %add3A_59, %max3A_61 : vector<1000x128xf32>
    %get3A_63 = arith.constant 0 : index
    %get3A_64 = arith.constant 0 : index
    %get3A_65 = vector.load %arg4[%get3A_63, %get3A_64] : memref<1000x128xf32, #tpu.memory_space<vmem>>, vector<1000x128xf32>
    %add3A_66 = arith.addf %max3A_62, %get3A_65 : vector<1000x128xf32>
    %swap3A = arith.constant 0 : index
    %swap3A_67 = arith.constant 0 : index
    %swap3A_68 = vector.load %arg9[%swap3A, %swap3A_67] : memref<1000x128xf32, #tpu.memory_space<vmem>>, vector<1000x128xf32>
    tpu.vector_store %arg9[%swap3A, %swap3A_67], %add3A_66 {strides = array<i32>} : memref<1000x128xf32, #tpu.memory_space<vmem>>, vector<1000x128xf32>,
    return
  }
  func.func @transform_0(%arg0: i32) -> (i32, i32, i32) {
    %c0_i32 = arith.constant 0 : i32
    %c0_i32_0 = arith.constant 0 : i32
    %c0_i32_1 = arith.constant 0 : i32
    return %c0_i32, %arg0, %c0_i32_0 : i32, i32, i32
  }
  func.func @transform_1(%arg0: i32) -> (i32, i32, i32) {
    %c0_i32 = arith.constant 0 : i32
    %c0_i32_0 = arith.constant 0 : i32
    %c0_i32_1 = arith.constant 0 : i32
    return %c0_i32, %arg0, %c0_i32_0 : i32, i32, i32
  }
  func.func @transform_2(%arg0: i32) -> (i32, i32, i32) {
    %c0_i32 = arith.constant 0 : i32
    %c0_i32_0 = arith.constant 0 : i32
    %c0_i32_1 = arith.constant 0 : i32
    return %c0_i32, %arg0, %c0_i32_0 : i32, i32, i32
  }
  func.func @transform_3(%arg0: i32) -> (i32, i32) {
    %c0_i32 = arith.constant 0 : i32
    %c0_i32_0 = arith.constant 0 : i32
    return %arg0, %c0_i32 : i32, i32
  }
  func.func @transform_4(%arg0: i32) -> (i32, i32) {
    %c0_i32 = arith.constant 0 : i32
    %c0_i32_0 = arith.constant 0 : i32
    %c0_i32_1 = arith.constant 0 : i32
    return %c0_i32, %c0_i32_0 : i32, i32
  }
  func.func @transform_5(%arg0: i32) -> (i32, i32) {
    %c0_i32 = arith.constant 0 : i32
    %c0_i32_0 = arith.constant 0 : i32
    %c0_i32_1 = arith.constant 0 : i32
    return %c0_i32, %c0_i32_0 : i32, i32
  }
  func.func @transform_6(%arg0: i32) -> (i32, i32) {
    %c0_i32 = arith.constant 0 : i32
    %c0_i32_0 = arith.constant 0 : i32
    %c0_i32_1 = arith.constant 0 : i32
    return %c0_i32, %c0_i32_0 : i32, i32
  }
  func.func @transform_7(%arg0: i32) -> (i32, i32) {
    %c0_i32 = arith.constant 0 : i32
    %c0_i32_0 = arith.constant 0 : i32
    %c0_i32_1 = arith.constant 0 : i32
    return %c0_i32, %c0_i32_0 : i32, i32
  }
  func.func @transform_8(%arg0: i32) -> (i32, i32) {
    %c0_i32 = arith.constant 0 : i32
    %c0_i32_0 = arith.constant 0 : i32
    return %arg0, %c0_i32 : i32, i32
  }
}

</mosaic_0001>

<sc_bundles>
// kernel: kernel.11.cloned.1.call-start
scs
__scs_entry_jumppad:
0x0: {  	(pc) =	sbr.rel $0x88, $3  }
0x1: {  	(tag) =	ssettag $0x0;
	lr =	simm.s32 $0x1  }
0x2: {  	[smem:$0x3F97] =	sst lr;
	_ =	strace $0xD0000000  }
0x3: {  	_ = 	snop  }
0x4: {  	_ = 	snop  }
0x5: {  	_ = 	snop  }
0x6: {  	_ = 	snop  }
0x7: {  	_ = 	snop  }
__scs_overlays_trampoline_lowered:
0x8: {  	[smem:$0x3FA6] =	sst s0  }
0x9: {  	[smem:$0x3FA7] =	sst s1  }
0xa: {  	[smem:$0x3FA8] =	sst s2  }
0xb: {  	[smem:$0x3FA9] =	sst s3  }
0xc: {  	[smem:$0x3FAA] =	sst s4  }
0xd: {  	[smem:$0x3FAB] =	sst s5  }
0xe: {  	[smem:$0x3FAC] =	sst s6  }
0xf: {  	[smem:$0x3FAD] =	sst s7  }
0x10: {  	[smem:$0x3FAE] =	sst s8  }
0x11: {  	[smem:$0x3FAF] =	sst s9;
	s0 =	simm.s32 @!p0 $0x0  }
0x12: {  	s1 =	sld [smem:$0x3F95];
	s0 =	simm.s32 @p0 $0x1  }
0x13: {  	[smem:$0x3FB0] =	sst s0;
	s0 =	simm.s32 @!p1 $0x0  }
0x14: {  	s2 =	sld [smem:$0x3F94];
	s0 =	simm.s32 @p1 $0x1  }
0x15: {  	[smem:$0x3FB1] =	sst s0;
	s0 =	simm.s32 @!p2 $0x0  }
0x16: {  	s3 =	sld [smem:$0x3FDB];
	s0 =	simm.s32 @p2 $0x1  }
0x17: {  	s4 =	simm.s32 $0x1BF5;
	[smem:$0x3FB3] =	sst s0  }
0x18: {  	s0 =	sld [smem:$0x3F96];
	_ =	swait.ge [sflag:s4], $0x0  }
0x19: {  	s7 =	sld [smem:$0x3F97]  }
0x1a: {  	s8 =	sadd.s32 $0xFFFFE003, lr  }
0x1b: {  	s9 =	sadd.s32 $0xFFFFFEF7, lr;
	s5 =	simm.s32 $0xFFFFFFFF;
	p2 =	slt.u32 s8, $0xFFFFF086  }
0x1c: {  	p1 =	slt.u32 s9, $0xF7A;
	s5 =	simm.s32 @!p2 $0x0  }
0x1d: {  	s5 =	simm.s32 @p1 $0x1;
	p0 =	seq.s32 s7, s2  }
0x1e: {  	s7 =	smul.u32 @!p0 $0xF7A, s2;
	p2 =	seq.s32 @!p0 s5, $0x0  }
0x1f: {  	s9 =	smul.u32 $0xF7A, s1;
	s8 =	simm.s32 @!p0 $0x1BF5;
	p2 =	por !p2, p0  }
0x20: {  	[sflag:s8] =	ssyncset.s32 @!p0 $0xFFFFF086;
	s6 =	sadd.s32 @!p0 s3, s7;
	s7 =	simm.s32 @!p0 $0x108  }
0x21: {  	s3 =	sadd.s32 s3, s9;
	s6 =	sadd.s32 @!p0 $0x88, s6;
	s7 =	simm.s32 @p2 $0x1082  }
0x22: {  	[simem:s7], [sflag:s8] =	dma.local @!p0 [hbm:s6], $0xF7A  }
0x23: {  	s9 =	sor.u32 $0xD0000000, s2;
	s6 =	simm.s32 $0x108;
	_ =	swait.ge @!p0 [sflag:s8], $0x0  }
0x24: {  	s3 =	sadd.s32 $0x88, s3;
	s6 =	simm.s32 @!p1 $0x1082;
	[sflag:s4] =	ssyncset.s32 $0xFFFFF086  }
0x25: {  	[simem:s6], [sflag:s4] =	dma.local [hbm:s3], $0xF7A  }
0x26: {  	[smem:$0x3F97] =	sst s1;
	(tag) =	ssettag s2;
	_ =	strace s9  }
0x27: {  	s1 =	sld [smem:$0x3FA7]  }
0x28: {  	s2 =	sld [smem:$0x3FA8]  }
0x29: {  	s4 =	sld [smem:$0x3FAA]  }
0x2a: {  	p0 =	seq.s32 s5, $0x0;
	s5 =	sld [smem:$0x3FAB]  }
0x2b: {  	s6 =	sld [smem:$0x3FAC]  }
0x2c: {  	s7 =	sld [smem:$0x3FAD]  }
0x2d: {  	s3 =	simm.s32 $0x108;
	s8 =	sld [smem:$0x3FAE]  }
0x2e: {  	s3 =	simm.s32 @!p0 $0x1082;
	s9 =	sld [smem:$0x3FAF]  }
0x2f: {  	lr =	sadd.s32 s0, s3;
	s0 =	sld [smem:$0x3FA6]  }
0x30: {  	s3 =	sld [smem:$0x3FA9]  }
0x31: {  	[smem:$0x3FB2] =	sst s10  }
0x32: {  	s10 =	sld [smem:$0x3FB0];
	_ =	sdelay $0x3  }
0x33: {  	p0 =	seq.s32 s10, $0x1;
	s10 =	sld [smem:$0x3FB2];
	_ =	sdelay $0x3  }
0x34: {  	[smem:$0x3FB2] =	sst s10  }
0x35: {  	s10 =	sld [smem:$0x3FB1];
	_ =	sdelay $0x3  }
0x36: {  	p1 =	seq.s32 s10, $0x1;
	s10 =	sld [smem:$0x3FB2];
	_ =	sdelay $0x3  }
0x37: {  	[smem:$0x3FB2] =	sst s10  }
0x38: {  	s10 =	sld [smem:$0x3FB3]  }
0x39: {  	_ = 	snop;
	(pc) =	sbr.ind lr, $3  }
0x3a: {  	_ = 	snop  }
0x3b: {  	_ = 	snop  }
0x3c: {  	p2 =	seq.s32 s10, $0x1;
	s10 =	sld [smem:$0x3FB2]  }
0x3d: {  	_ =	shalt  }
0x3e: {  	_ =	shalt  }
0x3f: {  	_ =	shalt  }
0x40: {  	_ =	shalt  }
0x41: {  	_ =	shalt  }
0x42: {  	_ =	shalt  }
0x43: {  	_ =	shalt  }
0x44: {  	_ =	shalt  }
0x45: {  	_ =	shalt  }
0x46: {  	_ =	shalt  }
0x47: {  	_ =	shalt  }
0x48: {  	_ =	shalt  }
0x49: {  	_ =	shalt  }
0x4a: {  	_ =	shalt  }
0x4b: {  	_ =	shalt  }
0x4c: {  	_ =	shalt  }
0x4d: {  	_ =	shalt  }
0x4e: {  	_ =	shalt  }
0x4f: {  	_ =	shalt  }
0x50: {  	_ =	shalt  }
0x51: {  	_ =	shalt  }
0x52: {  	_ =	shalt  }
0x53: {  	_ =	shalt  }
0x54: {  	_ =	shalt  }
0x55: {  	_ =	shalt  }
0x56: {  	_ =	shalt  }
0x57: {  	_ =	shalt  }
0x58: {  	_ =	shalt  }
0x59: {  	_ =	shalt  }
0x5a: {  	_ =	shalt  }
0x5b: {  	_ =	shalt  }
0x5c: {  	_ =	shalt  }
0x5d: {  	_ =	shalt  }
0x5e: {  	_ =	shalt  }
0x5f: {  	_ =	shalt  }
0x60: {  	_ =	shalt  }
0x61: {  	_ =	shalt  }
0x62: {  	_ =	shalt  }
0x63: {  	_ =	shalt  }
0x64: {  	_ =	shalt  }
0x65: {  	_ =	shalt  }
0x66: {  	_ =	shalt  }
0x67: {  	_ =	shalt  }
0x68: {  	_ =	shalt  }
0x69: {  	_ =	shalt  }
0x6a: {  	_ =	shalt  }
0x6b: {  	_ =	shalt  }
0x6c: {  	_ =	shalt  }
0x6d: {  	_ =	shalt  }
0x6e: {  	_ =	shalt  }
0x6f: {  	_ =	shalt  }
0x70: {  	_ =	shalt  }
0x71: {  	_ =	shalt  }
0x72: {  	_ =	shalt  }
0x73: {  	_ =	shalt  }
0x74: {  	_ =	shalt  }
0x75: {  	_ =	shalt  }
0x76: {  	_ =	shalt  }
0x77: {  	_ =	shalt  }
0x78: {  	_ =	shalt  }
0x79: {  	_ =	shalt  }
0x7a: {  	_ =	shalt  }
0x7b: {  	_ =	shalt  }
0x7c: {  	_ =	shalt  }
0x7d: {  	_ =	shalt  }
0x7e: {  	_ =	shalt  }
0x7f: {  	_ =	shalt  }
0x80: {  	_ =	shalt  }
0x81: {  	_ =	shalt  }
0x82: {  	_ =	shalt  }
0x83: {  	_ =	shalt  }
0x84: {  	_ =	shalt  }
0x85: {  	_ =	shalt  }
0x86: {  	_ =	shalt  }
0x87: {  	_ =	shalt  }
.Lfunc_end0:
.L_simem_size_0:
called_computation.1_lowered:
.L_overlay_start_0:
0x88: {  	s2 =	sld [smem:$0x3FD9]  }
0x89: {  	s3 =	sld [smem:$0x3FFE];
	_ =	sdelay $0x1  }
0x8a: {  	s1 =	srdreg.scid  }
0x8b: {  	s0 =	sand.u32 $0x1, s1  }
0x8c: {  	s17 =	sshll.u32 s0, $0xA;
	s2 =	sadd.s32 s3, s2  }
0x8d: {  	s2 =	sadd.s32 s2, s17  }
0x8e: {  	[smem:$0x3FBE] =	sst s2  }
0x8f: {  	_ = 	snop  }
0x90: {  	s2 =	sld [smem:$0x3FD0];
	(tm) =	ssettm $0x1  }
0x91: {  	s18 =	sld [smem:$0x3FFB];
	_ =	sdelay $0x3  }
0x92: {  	_ =	strace s18  }
0x93: {  	s3 =	sld [smem:$0x3FFC];
	_ =	sdelay $0x3  }
0x94: {  	_ =	strace s3  }
0x95: {  	s3 =	sld [smem:$0x3FFD];
	_ =	sdelay $0x3  }
0x96: {  	_ =	strace s3  }
0x97: {  	_ =	strace $0x8FFFFFFF  }
0x98: {  	s19 =	sld [smem:$0x3FDB];
	_ =	sdelay $0x1  }
0x99: {  	s4 =	simm.s32 $_scs_section_size  }
0x9a: {  	s5 =	simm.s32 $_size__tile_overlayer_lowered;
	s6 =	simm.s32 $_tile_overlayer_lowered  }
0x9b: {  	s22 =	simm.s32 $0x1BFF;
	s21 =	sshll.u32 s6, $0x1;
	s3 =	sadd.s32 s4, s19  }
0x9c: {  	s7 =	simm.s32 $0x0;
	s20 =	sshll.u32 s5, $0x1;
	s5 =	sadd.s32 s21, s3  }
0x9d: {  	[timem:s7], [sflag:s22] =	dma.local [hbm:s5], s20  }
0x9e: {  	_ =	swait.ge [sflag:s22], s20  }
0x9f: {  	s4 =	ssub.s32 $0x0, s20;
	[sflag:s22] =	ssyncset.done $0x0  }
0xa0: {  	[sflag:s22] =	ssyncadd.s32 s4;
	_ =	sdelay $0x1  }
0xa1: {  	s23 =	simm.s32 $0x1B8B  }
0xa2: {  	_ =	swait.ge [sflag:s23], $0x1  }
0xa3: {  	[sflag:s23] =	ssyncset.done $0x0  }
0xa4: {  	s25 =	simm.s32 $0x1B8E;
	s24 =	sld [smem:$0x3FFE];
	[sflag:s23] =	ssyncadd.s32 $0xFFFFFFFF  }
0xa5: {  	s26 =	simm.s32 $execute0_lowered;
	[smem:$0x3FD2] =	sst s25  }
0xa6: {  	s5 =	sshll.u32 s26, $0x1;
	_ =	strace $0x80000049;
	[dreg:$0x1] =	wrdreg $0xFFFFFFFF  }
0xa7: {  	s28 =	simm.s32 $_size_execute0_lowered;
	s3 =	sadd.s32 s3, s5;
	[dreg:$0x0] =	wrdreg $0x0  }
0xa8: {  	s5 =	sshll.u32 s28, $0x1;
	[dreg:$0x2] =	wrdreg s3  }
0xa9: {  	[dreg:$0x3] =	wrdreg s5  }
0xaa: {  	[dreg:$0x4] =	wrdreg $0xC0  }
0xab: {  	_ =	task [dreg:s7], $0x5FFFF  }
0xac: {  	[dreg:$0x1] =	wrdreg $0xFFFFFFFF  }
0xad: {  	[dreg:$0x0] =	wrdreg $0x60  }
0xae: {  	[dreg:$0x2] =	wrdreg s24  }
0xaf: {  	[dreg:$0x3] =	wrdreg s2  }
0xb0: {  	[dreg:$0x4] =	wrdreg $0xBC000  }
0xb1: {  	[dreg:$0x5] =	wrdreg $0x9  }
0xb2: {  	_ =	task.clear_ibuf [dreg:s7], $0x6FFFF;
	_ =	strace $0x90000049  }
0xb3: {  	s29 =	simm.s32 $0x9;
	_ =	strace $0x8000004B  }
0xb4: {  	_ =	swait.ge [sflag:s29], $0x1  }
0xb5: {  	[sflag:s29] =	ssyncadd.s32 $0xFFFFFFFF  }
0xb6: {  	_ =	strace $0x9000004B  }
0xb7: {  	_ =	sfence  }
0xb8: {  	s30 =	sld [smem:$0x0];
	_ =	sdelay $0x2  }
0xb9: {  	s31 =	sshll.u32 s1, $0xD;
	s1 =	sshrl.u32 s1, $0x2  }
0xba: {  	s3 =	sand.u32 $0x4000, s31;
	s1 =	sadd.s32 s1, s30  }
0xbb: {  	s0 =	sor.u32 s3, s0;
	s1 =	sshll.u32 s1, $0x11  }
0xbc: {  	s0 =	sor.u32 s1, s0  }
0xbd: {  	s0 =	sadd.s32 $0x8F2B, s0  }
0xbe: {  	[sflag:s0] =	ssyncadd.remote.s32 $0x1  }
0xbf: {  	_ =	sfence.sel $0xFFFF  }
0xc0: {  	[dreg:$0x0] =	wrdreg $0xFFFFFFFF;
	(pc) =	sbr.abs _section_cstart, $3  }
0xc1: {  	[dreg:$0x1] =	wrdreg $0xFFFFFFFF  }
0xc2: {  	_ =	task.clear_ibuf [dreg:s7], $0x2FFFF;
	_ =	strace $0x9FFFFFFF  }
0xc3: {  	(tm) =	ssettm $0x7FFFFFFF  }
tec
execute0_lowered:
.L_overlay_start_1:
0x0: {  	(tag) =	ssettag $0x1  }
0x1: {  	s0 =	rddreg [dreg:$0x0]  }
0x2: {  	s1 =	rddreg [dreg:$0x1]  }
0x3: {  	s2 =	rddreg [dreg:$0x2];
	s12 =	stileid.u32  }
0x4: {  	s3 =	srdreg.scid;
	s8 =	smul.u32 $0x7D000, s12  }
0x5: {  	s4 =	simm.s32 $0x0;
	s28 =	simm.s32 $0x2780;
	s29 =	simm.s32 $0x0  }
0x6: {  	s3 =	sand.u32 $0x1, s3;
	[smem:$0x7FF] =	sst s4;
	s8 =	sshrl.u32 s8, $0x2  }
0x7: {  	s6 =	smul.u32 $0x1F400, s12;
	s9 =	sadd.s32 $0x18400, s0;
	s8 =	sadd.s32 s8, s2  }
0x8: {  	s10 =	sadd.s32 $0xE400, s0;
	p0 =	sgt.u32 s12, $0x9;
	s13 =	sadd.s32 $0x1400, s8  }
0x9: {  	_ =	strace $0x8000004A;
	s22 =	sadd.s32 $0x2800, s8;
	[dreg:$0x4] =	wrdreg s13  }
0xa: {  	s5 =	smul.u32 $0x138800, s3;
	s23 =	sadd.s32 $0x3C00, s8;
	[dreg:$0x5] =	wrdreg s22  }
0xb: {  	s7 =	sshll.u32 s3, $0x4;
	s24 =	sadd.s32 $0x5000, s8;
	[dreg:$0x6] =	wrdreg s23  }
0xc: {  	s3 =	ssub.s32 $0x2, s3;
	s25 =	sadd.s32 $0x6400, s8;
	[dreg:$0x7] =	wrdreg s24  }
0xd: {  	s7 =	sor.u32 s12, s7;
	s26 =	sadd.s32 $0x7800, s8;
	[dreg:$0x8] =	wrdreg s25  }
0xe: {  	s21 =	sshrl.u32 s3, $0x1;
	s30 =	sadd.s32 $0x8C00, s8;
	[dreg:$0x9] =	wrdreg s26  }
0xf: {  	s5 =	sadd.s32 s6, s5;
	s31 =	sadd.s32 $0xA000, s8;
	[dreg:$0xa] =	wrdreg s30  }
0x10: {  	s19 =	smul.u32 $0x2800, s7;
	s14 =	sadd.s32 $0xB400, s8;
	[dreg:$0xb] =	wrdreg s31  }
0x11: {  	s3 =	ssub.s32 s3, s21;
	s15 =	sadd.s32 $0xC800, s8;
	[dreg:$0xc] =	wrdreg s14  }
0x12: {  	s20 =	sshrl.u32 s5, $0x3;
	s16 =	sadd.s32 $0xDC00, s8;
	[dreg:$0xd] =	wrdreg s15  }
0x13: {  	s5 =	sadd.s32 $0x2C00, s0;
	s17 =	sadd.s32 $0xF000, s8;
	[dreg:$0xe] =	wrdreg s16  }
0x14: {  	s18 =	sadd.s32 $0x10400, s8;
	s12 =	sadd.s32 $0x1CC00, s8;
	[dreg:$0xf] =	wrdreg s17  }
0x15: {  	s0 =	sadd.s32 s20, s0;
	s11 =	sshrl.u32 s19, $0x3;
	[dreg:$0x10] =	wrdreg s18  }
0x16: {  	s25 =	smax.u32 s3, $0x1;
	s19 =	sadd.s32 $0x11800, s8;
	s20 =	sadd.s32 $0x12C00, s8  }
0x17: {  	s23 =	sadd.s32 $0x14000, s8;
	s26 =	sadd.s32 $0x15400, s8;
	s30 =	sadd.s32 $0x16800, s8  }
0x18: {  	s31 =	sadd.s32 $0x17C00, s8;
	s13 =	sadd.s32 $0x1E000, s8;
	[dreg:$0x11] =	wrdreg s19  }
0x19: {  	s14 =	simm.s32 $0x3;
	s15 =	simm.s32 $0x1400;
	[dreg:$0x12] =	wrdreg s20  }
0x1a: {  	s16 =	simm.s32 $0x7D;
	s17 =	simm.s32 $0x2800;
	[dreg:$0x13] =	wrdreg s23  }
0x1b: {  	s18 =	simm.s32 $0x80;
	s3 =	simm.s32 $0x1;
	[dreg:$0x14] =	wrdreg s26  }
0x1c: {  	s6 =	sadd.s32 s9, s11;
	s7 =	sadd.s32 s10, s11;
	[dreg:$0x15] =	wrdreg s30  }
0x1d: {  	s11 =	sadd.s32 $0x280, s11;
	s24 =	sadd.s32 $0x70600, s0;
	[dreg:$0x16] =	wrdreg s31  }
0x1e: {  	s19 =	simm.s32 $0x6800;
	s20 =	simm.s32 $0xA800;
	s23 =	simm.s32 $0x2  }
0x1f: {  	s26 =	simm.s32 $0x2700;
	s21 =	sadd.s32 s9, s11;
	s22 =	sadd.s32 s10, s11  }
0x20: {  	s9 =	sadd.s32 $0x19000, s8;
	s10 =	sadd.s32 $0x1A400, s8;
	s11 =	sadd.s32 $0x1B800, s8  }
.LBB2_1:
0x21: {  	[tilespmem:s4], [sflag:$0x3] =	stream.linear.gather [hbm4b:s6+s4], $0x1400, $0x38;
	[tilespmem:$0x1F480] =	vst v63  }
0x22: {  	_ =	swait.ge [sflag:s14], $0x1400  }
0x23: {  	[sflag:s14] =	ssyncset.done $0x0  }
0x24: {  	[sflag:s14] =	ssyncadd.s32 $0xFFFFEC00  }
0x25: {  	[tilespmem:s15], [sflag:$0x3] =	stream.linear.gather [hbm4b:s7+s4], $0x1400, $0x38;
	[tilespmem:$0x1F480] =	vst v63  }
0x26: {  	_ =	swait.ge [sflag:s14], $0x1400  }
0x27: {  	[sflag:s14] =	ssyncset.done $0x0  }
0x28: {  	[sflag:s14] =	ssyncadd.s32 $0xFFFFEC00  }
0x29: {  	[tilespmem:s17], [sflag:$0x1] =	stream.indirect.gather [hbm4b:s1+s16], $0x80, s4, s16, $0xb8;
	[tilespmem:$0x1F480] =	vst v63  }
0x2a: {  	_ = 	snop  }
0x2b: {  	[tilespmem:s19], [sflag:$0x2] =	stream.indirect.gather [hbm4b:s1+s16], $0x80, s18, s16, $0xb8;
	[tilespmem:$0x1F480] =	vst v63  }
.Ltmp0:
0x2c: {  	_ = 	snop;
	(pc) =	sbr.rel @p0 .LBB2_3-.Ltmp0, $4  }
0x2d: {  	[tilespmem:s20], [sflag:$0x3] =	stream.linear.gather [hbm4b:s5+s4], $0x1400, $0x38;
	[tilespmem:$0x1F480] =	vst v63  }
0x2e: {  	_ =	swait.ge [sflag:s14], $0x1400  }
0x2f: {  	[sflag:s14] =	ssyncset.done $0x0  }
0x30: {  	[sflag:s14] =	ssyncadd.s32 $0xFFFFEC00  }
0x31: {  	[spmem:s8] =	stream.linear.scatter [tilespmem:s20], [sflag:$0x3], $0x1400, $0x38;
	[tilespmem:$0x1F480] =	vst v63  }
0x32: {  	_ =	swait.ge [sflag:s14], $0x1400  }
0x33: {  	[sflag:s14] =	ssyncset.done $0x0  }
0x34: {  	s0 =	rddreg [dreg:$0x4];
	[sflag:s14] =	ssyncadd.s32 $0xFFFFEC00  }
0x35: {  	[spmem:s0] =	stream.linear.scatter [tilespmem:s20], [sflag:$0x3], $0x1400, $0x38;
	[tilespmem:$0x1F480] =	vst v63  }
0x36: {  	_ =	swait.ge [sflag:s14], $0x1400  }
0x37: {  	[sflag:s14] =	ssyncset.done $0x0  }
0x38: {  	s30 =	rddreg [dreg:$0x5];
	[sflag:s14] =	ssyncadd.s32 $0xFFFFEC00  }
0x39: {  	[spmem:s30] =	stream.linear.scatter [tilespmem:s20], [sflag:$0x3], $0x1400, $0x38;
	[tilespmem:$0x1F480] =	vst v63  }
0x3a: {  	_ =	swait.ge [sflag:s14], $0x1400  }
0x3b: {  	[sflag:s14] =	ssyncset.done $0x0  }
0x3c: {  	s31 =	rddreg [dreg:$0x6];
	[sflag:s14] =	ssyncadd.s32 $0xFFFFEC00  }
0x3d: {  	[spmem:s31] =	stream.linear.scatter [tilespmem:s20], [sflag:$0x3], $0x1400, $0x38;
	[tilespmem:$0x1F480] =	vst v63  }
0x3e: {  	_ =	swait.ge [sflag:s14], $0x1400  }
0x3f: {  	[sflag:s14] =	ssyncset.done $0x0  }
0x40: {  	s30 =	rddreg [dreg:$0x7];
	[sflag:s14] =	ssyncadd.s32 $0xFFFFEC00  }
0x41: {  	[spmem:s30] =	stream.linear.scatter [tilespmem:s20], [sflag:$0x3], $0x1400, $0x38;
	[tilespmem:$0x1F480] =	vst v63  }
0x42: {  	_ =	swait.ge [sflag:s14], $0x1400  }
0x43: {  	[sflag:s14] =	ssyncset.done $0x0  }
0x44: {  	s31 =	rddreg [dreg:$0x8];
	[sflag:s14] =	ssyncadd.s32 $0xFFFFEC00  }
0x45: {  	[spmem:s31] =	stream.linear.scatter [tilespmem:s20], [sflag:$0x3], $0x1400, $0x38;
	[tilespmem:$0x1F480] =	vst v63  }
0x46: {  	_ =	swait.ge [sflag:s14], $0x1400  }
0x47: {  	[sflag:s14] =	ssyncset.done $0x0  }
0x48: {  	s30 =	rddreg [dreg:$0x9];
	[sflag:s14] =	ssyncadd.s32 $0xFFFFEC00  }
0x49: {  	[spmem:s30] =	stream.linear.scatter [tilespmem:s20], [sflag:$0x3], $0x1400, $0x38;
	[tilespmem:$0x1F480] =	vst v63  }
0x4a: {  	_ =	swait.ge [sflag:s14], $0x1400  }
0x4b: {  	[sflag:s14] =	ssyncset.done $0x0  }
0x4c: {  	s31 =	rddreg [dreg:$0xa];
	[sflag:s14] =	ssyncadd.s32 $0xFFFFEC00  }
0x4d: {  	[spmem:s31] =	stream.linear.scatter [tilespmem:s20], [sflag:$0x3], $0x1400, $0x38;
	[tilespmem:$0x1F480] =	vst v63  }
0x4e: {  	_ =	swait.ge [sflag:s14], $0x1400  }
0x4f: {  	[sflag:s14] =	ssyncset.done $0x0  }
0x50: {  	s30 =	rddreg [dreg:$0xb];
	[sflag:s14] =	ssyncadd.s32 $0xFFFFEC00  }
0x51: {  	[spmem:s30] =	stream.linear.scatter [tilespmem:s20], [sflag:$0x3], $0x1400, $0x38;
	[tilespmem:$0x1F480] =	vst v63  }
0x52: {  	_ =	swait.ge [sflag:s14], $0x1400  }
0x53: {  	[sflag:s14] =	ssyncset.done $0x0  }
0x54: {  	s31 =	rddreg [dreg:$0xc];
	[sflag:s14] =	ssyncadd.s32 $0xFFFFEC00  }
0x55: {  	[spmem:s31] =	stream.linear.scatter [tilespmem:s20], [sflag:$0x3], $0x1400, $0x38;
	[tilespmem:$0x1F480] =	vst v63  }
0x56: {  	_ =	swait.ge [sflag:s14], $0x1400  }
0x57: {  	[sflag:s14] =	ssyncset.done $0x0  }
0x58: {  	s30 =	rddreg [dreg:$0xd];
	[sflag:s14] =	ssyncadd.s32 $0xFFFFEC00  }
0x59: {  	[spmem:s30] =	stream.linear.scatter [tilespmem:s20], [sflag:$0x3], $0x1400, $0x38;
	[tilespmem:$0x1F480] =	vst v63  }
0x5a: {  	_ =	swait.ge [sflag:s14], $0x1400  }
0x5b: {  	[sflag:s14] =	ssyncset.done $0x0  }
0x5c: {  	s31 =	rddreg [dreg:$0xe];
	[sflag:s14] =	ssyncadd.s32 $0xFFFFEC00  }
0x5d: {  	[spmem:s31] =	stream.linear.scatter [tilespmem:s20], [sflag:$0x3], $0x1400, $0x38;
	[tilespmem:$0x1F480] =	vst v63  }
0x5e: {  	_ =	swait.ge [sflag:s14], $0x1400  }
0x5f: {  	[sflag:s14] =	ssyncset.done $0x0  }
0x60: {  	s30 =	rddreg [dreg:$0xf];
	[sflag:s14] =	ssyncadd.s32 $0xFFFFEC00  }
0x61: {  	[spmem:s30] =	stream.linear.scatter [tilespmem:s20], [sflag:$0x3], $0x1400, $0x38;
	[tilespmem:$0x1F480] =	vst v63  }
0x62: {  	_ =	swait.ge [sflag:s14], $0x1400  }
0x63: {  	[sflag:s14] =	ssyncset.done $0x0  }
0x64: {  	s31 =	rddreg [dreg:$0x10];
	[sflag:s14] =	ssyncadd.s32 $0xFFFFEC00  }
0x65: {  	[spmem:s31] =	stream.linear.scatter [tilespmem:s20], [sflag:$0x3], $0x1400, $0x38;
	[tilespmem:$0x1F480] =	vst v63  }
0x66: {  	_ =	swait.ge [sflag:s14], $0x1400  }
0x67: {  	[sflag:s14] =	ssyncset.done $0x0  }
0x68: {  	s30 =	rddreg [dreg:$0x11];
	[sflag:s14] =	ssyncadd.s32 $0xFFFFEC00  }
0x69: {  	[spmem:s30] =	stream.linear.scatter [tilespmem:s20], [sflag:$0x3], $0x1400, $0x38;
	[tilespmem:$0x1F480] =	vst v63  }
0x6a: {  	_ =	swait.ge [sflag:s14], $0x1400  }
0x6b: {  	[sflag:s14] =	ssyncset.done $0x0  }
0x6c: {  	s31 =	rddreg [dreg:$0x12];
	[sflag:s14] =	ssyncadd.s32 $0xFFFFEC00  }
0x6d: {  	[spmem:s31] =	stream.linear.scatter [tilespmem:s20], [sflag:$0x3], $0x1400, $0x38;
	[tilespmem:$0x1F480] =	vst v63  }
0x6e: {  	_ =	swait.ge [sflag:s14], $0x1400  }
0x6f: {  	[sflag:s14] =	ssyncset.done $0x0  }
0x70: {  	s30 =	rddreg [dreg:$0x13];
	[sflag:s14] =	ssyncadd.s32 $0xFFFFEC00  }
0x71: {  	[spmem:s30] =	stream.linear.scatter [tilespmem:s20], [sflag:$0x3], $0x1400, $0x38;
	[tilespmem:$0x1F480] =	vst v63  }
0x72: {  	_ =	swait.ge [sflag:s14], $0x1400  }
0x73: {  	[sflag:s14] =	ssyncset.done $0x0  }
0x74: {  	s31 =	rddreg [dreg:$0x14];
	[sflag:s14] =	ssyncadd.s32 $0xFFFFEC00  }
0x75: {  	[spmem:s31] =	stream.linear.scatter [tilespmem:s20], [sflag:$0x3], $0x1400, $0x38;
	[tilespmem:$0x1F480] =	vst v63  }
0x76: {  	_ =	swait.ge [sflag:s14], $0x1400  }
0x77: {  	[sflag:s14] =	ssyncset.done $0x0  }
0x78: {  	s30 =	rddreg [dreg:$0x15];
	[sflag:s14] =	ssyncadd.s32 $0xFFFFEC00  }
0x79: {  	[spmem:s30] =	stream.linear.scatter [tilespmem:s20], [sflag:$0x3], $0x1400, $0x38;
	[tilespmem:$0x1F480] =	vst v63  }
0x7a: {  	_ =	swait.ge [sflag:s14], $0x1400  }
0x7b: {  	[sflag:s14] =	ssyncset.done $0x0  }
0x7c: {  	s31 =	rddreg [dreg:$0x16];
	[sflag:s14] =	ssyncadd.s32 $0xFFFFEC00  }
0x7d: {  	[spmem:s31] =	stream.linear.scatter [tilespmem:s20], [sflag:$0x3], $0x1400, $0x38;
	[tilespmem:$0x1F480] =	vst v63  }
0x7e: {  	_ =	swait.ge [sflag:s14], $0x1400  }
0x7f: {  	[sflag:s14] =	ssyncset.done $0x0  }
0x80: {  	[sflag:s14] =	ssyncadd.s32 $0xFFFFEC00  }
0x81: {  	[spmem:s9] =	stream.linear.scatter [tilespmem:s20], [sflag:$0x3], $0x1400, $0x38;
	[tilespmem:$0x1F480] =	vst v63  }
0x82: {  	_ =	swait.ge [sflag:s14], $0x1400  }
0x83: {  	[sflag:s14] =	ssyncset.done $0x0  }
0x84: {  	[sflag:s14] =	ssyncadd.s32 $0xFFFFEC00  }
0x85: {  	[spmem:s10] =	stream.linear.scatter [tilespmem:s20], [sflag:$0x3], $0x1400, $0x38;
	[tilespmem:$0x1F480] =	vst v63  }
0x86: {  	_ =	swait.ge [sflag:s14], $0x1400  }
0x87: {  	[sflag:s14] =	ssyncset.done $0x0  }
0x88: {  	[sflag:s14] =	ssyncadd.s32 $0xFFFFEC00  }
0x89: {  	[spmem:s11] =	stream.linear.scatter [tilespmem:s20], [sflag:$0x3], $0x1400, $0x38;
	[tilespmem:$0x1F480] =	vst v63  }
0x8a: {  	_ =	swait.ge [sflag:s14], $0x1400  }
0x8b: {  	[sflag:s14] =	ssyncset.done $0x0  }
0x8c: {  	[sflag:s14] =	ssyncadd.s32 $0xFFFFEC00  }
0x8d: {  	[spmem:s12] =	stream.linear.scatter [tilespmem:s20], [sflag:$0x3], $0x1400, $0x38;
	[tilespmem:$0x1F480] =	vst v63  }
0x8e: {  	_ =	swait.ge [sflag:s14], $0x1400  }
0x8f: {  	[sflag:s14] =	ssyncset.done $0x0  }
0x90: {  	[sflag:s14] =	ssyncadd.s32 $0xFFFFEC00  }
0x91: {  	[spmem:s13] =	stream.linear.scatter [tilespmem:s20], [sflag:$0x3], $0x1400, $0x38;
	[tilespmem:$0x1F480] =	vst v63  }
0x92: {  	_ =	swait.ge [sflag:s14], $0x1400  }
0x93: {  	[sflag:s14] =	ssyncset.done $0x0  }
0x94: {  	[sflag:s14] =	ssyncadd.s32 $0xFFFFEC00  }
.LBB2_3:
0x95: {  	[bflag:$0x0] =	sbarrier.arrive $0xFFFF  }
0x96: {  	_ =	swait.ge [sflag:s3], $0x3E80  }
0x97: {  	[sflag:s3] =	ssyncset.done $0x0  }
0x98: {  	s30 =	simm.s32 $0x1400;
	[sflag:s3] =	ssyncadd.s32 $0xFFFFC180  }
0x99: {  	[spmem:s2] =	stream.indirect.scatter.add.f32 [tilespmem:s17], [sflag:$0x3], $0x80, s30, s16, $0xb8;
	[tilespmem:$0x1F480] =	vst v63  }
0x9a: {  	_ =	swait.ge [sflag:s14], $0x3E80  }
0x9b: {  	[sflag:s14] =	ssyncset.done $0x0  }
0x9c: {  	s30 =	simm.s32 $0x100;
	[sflag:s14] =	ssyncadd.s32 $0xFFFFC180  }
0x9d: {  	[tilespmem:s17], [sflag:$0x1] =	stream.indirect.gather [hbm4b:s1+s16], $0x80, s30, s16, $0xb8;
	[tilespmem:$0x1F480] =	vst v63  }
0x9e: {  	_ =	swait.ge [sflag:s23], $0x3E80  }
0x9f: {  	[sflag:s23] =	ssyncset.done $0x0  }
0xa0: {  	s30 =	simm.s32 $0x1480;
	[sflag:s23] =	ssyncadd.s32 $0xFFFFC180  }
0xa1: {  	[spmem:s2] =	stream.indirect.scatter.add.f32 [tilespmem:s19], [sflag:$0x3], $0x80, s30, s16, $0xb8;
	[tilespmem:$0x1F480] =	vst v63  }
0xa2: {  	_ =	swait.ge [sflag:s14], $0x3E80  }
0xa3: {  	[sflag:s14] =	ssyncset.done $0x0  }
0xa4: {  	s31 =	simm.s32 $0x180;
	s30 =	simm.s32 $0x400;
	[sflag:s14] =	ssyncadd.s32 $0xFFFFC180  }
.LBB2_4:
0xa5: {  	[tilespmem:s19], [sflag:$0x2] =	stream.indirect.gather [hbm4b:s1+s16], $0x80, s31, s16, $0xb8;
	[tilespmem:$0x1F480] =	vst v63  }
0xa6: {  	s31 =	smov.u32 s30  }
0xa7: {  	p1 =	sne.s32 s30, $0x4800;
	s30 =	sadd.s32 $0x400, s30;
	_ =	swait.ge [sflag:s3], $0x3E80  }
0xa8: {  	s31 =	sshra.s32 s31, $0x2;
	[sflag:s3] =	ssyncset.done $0x0  }
0xa9: {  	s0 =	sadd.s32 $0x1400, s31;
	[sflag:s3] =	ssyncadd.s32 $0xFFFFC180  }
0xaa: {  	[spmem:s2] =	stream.indirect.scatter.add.f32 [tilespmem:s17], [sflag:$0x3], $0x80, s0, s16, $0xb8;
	[tilespmem:$0x1F480] =	vst v63  }
0xab: {  	_ =	swait.ge [sflag:s14], $0x3E80  }
0xac: {  	[sflag:s14] =	ssyncset.done $0x0  }
0xad: {  	s0 =	sadd.s32 $0x100, s31;
	[sflag:s14] =	ssyncadd.s32 $0xFFFFC180  }
0xae: {  	[tilespmem:s17], [sflag:$0x1] =	stream.indirect.gather [hbm4b:s1+s16], $0x80, s0, s16, $0xb8;
	[tilespmem:$0x1F480] =	vst v63  }
0xaf: {  	_ =	swait.ge [sflag:s23], $0x3E80  }
0xb0: {  	[sflag:s23] =	ssyncset.done $0x0  }
.Ltmp1:
0xb1: {  	s0 =	sadd.s32 $0x1480, s31;
	[sflag:s23] =	ssyncadd.s32 $0xFFFFC180;
	(pc) =	sbr.rel @p1 .LBB2_4-.Ltmp1, $4  }
0xb2: {  	[spmem:s2] =	stream.indirect.scatter.add.f32 [tilespmem:s19], [sflag:$0x3], $0x80, s0, s16, $0xb8;
	[tilespmem:$0x1F480] =	vst v63  }
0xb3: {  	_ =	swait.ge [sflag:s14], $0x3E80  }
0xb4: {  	[sflag:s14] =	ssyncset.done $0x0  }
0xb5: {  	s31 =	sadd.s32 $0x180, s31;
	[sflag:s14] =	ssyncadd.s32 $0xFFFFC180  }
0xb6: {  	[tilespmem:s19], [sflag:$0x2] =	stream.indirect.gather [hbm4b:s1+s16], $0x80, s31, s16, $0xb8;
	[tilespmem:$0x1F480] =	vst v63  }
0xb7: {  	_ =	swait.ge [sflag:s3], $0x3E80  }
0xb8: {  	[sflag:s3] =	ssyncset.done $0x0  }
0xb9: {  	[sflag:s3] =	ssyncadd.s32 $0xFFFFC180  }
0xba: {  	[spmem:s2] =	stream.indirect.scatter.add.f32 [tilespmem:s17], [sflag:$0x3], $0x80, s26, s16, $0xb8;
	[tilespmem:$0x1F480] =	vst v63  }
0xbb: {  	_ =	swait.ge [sflag:s14], $0x3E80  }
0xbc: {  	[sflag:s14] =	ssyncset.done $0x0  }
0xbd: {  	[sflag:s14] =	ssyncadd.s32 $0xFFFFC180  }
0xbe: {  	_ =	swait.ge [sflag:s23], $0x3E80  }
0xbf: {  	[sflag:s23] =	ssyncset.done $0x0  }
0xc0: {  	[sflag:s23] =	ssyncadd.s32 $0xFFFFC180  }
0xc1: {  	[spmem:s2] =	stream.indirect.scatter.add.f32 [tilespmem:s19], [sflag:$0x3], $0x80, s28, s16, $0xb8;
	[tilespmem:$0x1F480] =	vst v63  }
0xc2: {  	_ =	swait.ge [sflag:s14], $0x3E80  }
0xc3: {  	[sflag:s14] =	ssyncset.done $0x0  }
0xc4: {  	s0 =	simm.s32 $0x0;
	[sflag:s14] =	ssyncadd.s32 $0xFFFFC180  }
0xc5: {  	[tilespmem:s0], [sflag:$0x3] =	stream.linear.gather [hbm4b:s21+s0], $0x1400, $0x38;
	[tilespmem:$0x1F480] =	vst v63  }
0xc6: {  	_ =	swait.ge [sflag:s14], $0x1400  }
0xc7: {  	[sflag:s14] =	ssyncset.done $0x0  }
0xc8: {  	[sflag:s14] =	ssyncadd.s32 $0xFFFFEC00  }
0xc9: {  	[tilespmem:s15], [sflag:$0x3] =	stream.linear.gather [hbm4b:s22+s0], $0x1400, $0x38;
	[tilespmem:$0x1F480] =	vst v63  }
0xca: {  	_ =	swait.ge [sflag:s14], $0x1400  }
0xcb: {  	[sflag:s14] =	ssyncset.done $0x0  }
0xcc: {  	[sflag:s14] =	ssyncadd.s32 $0xFFFFEC00  }
0xcd: {  	[tilespmem:s17], [sflag:$0x1] =	stream.indirect.gather [hbm4b:s1+s16], $0x80, s0, s16, $0xb8;
	[tilespmem:$0x1F480] =	vst v63  }
0xce: {  	_ = 	snop  }
0xcf: {  	[tilespmem:s19], [sflag:$0x2] =	stream.indirect.gather [hbm4b:s1+s16], $0x80, s18, s16, $0xb8;
	[tilespmem:$0x1F480] =	vst v63  }
0xd0: {  	_ =	swait.ge [sflag:s3], $0x3E80  }
0xd1: {  	[sflag:s3] =	ssyncset.done $0x0  }
0xd2: {  	s0 =	simm.s32 $0x1400;
	[sflag:s3] =	ssyncadd.s32 $0xFFFFC180  }
0xd3: {  	[spmem:s2] =	stream.indirect.scatter.add.f32 [tilespmem:s17], [sflag:$0x3], $0x80, s0, s16, $0xb8;
	[tilespmem:$0x1F480] =	vst v63  }
0xd4: {  	_ =	swait.ge [sflag:s14], $0x3E80  }
0xd5: {  	[sflag:s14] =	ssyncset.done $0x0  }
0xd6: {  	s0 =	simm.s32 $0x100;
	[sflag:s14] =	ssyncadd.s32 $0xFFFFC180  }
0xd7: {  	[tilespmem:s17], [sflag:$0x1] =	stream.indirect.gather [hbm4b:s1+s16], $0x80, s0, s16, $0xb8;
	[tilespmem:$0x1F480] =	vst v63  }
0xd8: {  	_ =	swait.ge [sflag:s23], $0x3E80  }
0xd9: {  	[sflag:s23] =	ssyncset.done $0x0  }
0xda: {  	s0 =	simm.s32 $0x1480;
	[sflag:s23] =	ssyncadd.s32 $0xFFFFC180  }
0xdb: {  	[spmem:s2] =	stream.indirect.scatter.add.f32 [tilespmem:s19], [sflag:$0x3], $0x80, s0, s16, $0xb8;
	[tilespmem:$0x1F480] =	vst v63  }
0xdc: {  	_ =	swait.ge [sflag:s14], $0x3E80  }
0xdd: {  	[sflag:s14] =	ssyncset.done $0x0  }
0xde: {  	s30 =	simm.s32 $0x400;
	s31 =	simm.s32 $0x180;
	[sflag:s14] =	ssyncadd.s32 $0xFFFFC180  }
.LBB2_6:
0xdf: {  	[tilespmem:s19], [sflag:$0x2] =	stream.indirect.gather [hbm4b:s1+s16], $0x80, s31, s16, $0xb8;
	[tilespmem:$0x1F480] =	vst v63  }
0xe0: {  	s0 =	smov.u32 s30  }
0xe1: {  	p1 =	sne.s32 s30, $0x4800;
	s30 =	sadd.s32 $0x400, s30;
	_ =	swait.ge [sflag:s3], $0x3E80  }
0xe2: {  	s0 =	sshra.s32 s0, $0x2;
	[sflag:s3] =	ssyncset.done $0x0  }
0xe3: {  	s31 =	sadd.s32 $0x1400, s0;
	[sflag:s3] =	ssyncadd.s32 $0xFFFFC180  }
0xe4: {  	[spmem:s2] =	stream.indirect.scatter.add.f32 [tilespmem:s17], [sflag:$0x3], $0x80, s31, s16, $0xb8;
	[tilespmem:$0x1F480] =	vst v63  }
0xe5: {  	_ =	swait.ge [sflag:s14], $0x3E80  }
0xe6: {  	[sflag:s14] =	ssyncset.done $0x0  }
0xe7: {  	s31 =	sadd.s32 $0x100, s0;
	[sflag:s14] =	ssyncadd.s32 $0xFFFFC180  }
0xe8: {  	[tilespmem:s17], [sflag:$0x1] =	stream.indirect.gather [hbm4b:s1+s16], $0x80, s31, s16, $0xb8;
	[tilespmem:$0x1F480] =	vst v63  }
0xe9: {  	_ =	swait.ge [sflag:s23], $0x3E80  }
0xea: {  	[sflag:s23] =	ssyncset.done $0x0  }
.Ltmp2:
0xeb: {  	s31 =	sadd.s32 $0x1480, s0;
	[sflag:s23] =	ssyncadd.s32 $0xFFFFC180;
	(pc) =	sbr.rel @p1 .LBB2_6-.Ltmp2, $4  }
0xec: {  	[spmem:s2] =	stream.indirect.scatter.add.f32 [tilespmem:s19], [sflag:$0x3], $0x80, s31, s16, $0xb8;
	[tilespmem:$0x1F480] =	vst v63  }
0xed: {  	_ =	swait.ge [sflag:s14], $0x3E80  }
0xee: {  	[sflag:s14] =	ssyncset.done $0x0  }
0xef: {  	s31 =	sadd.s32 $0x180, s0;
	[sflag:s14] =	ssyncadd.s32 $0xFFFFC180  }
0xf0: {  	[tilespmem:s19], [sflag:$0x2] =	stream.indirect.gather [hbm4b:s1+s16], $0x80, s31, s16, $0xb8;
	[tilespmem:$0x1F480] =	vst v63  }
0xf1: {  	_ =	swait.ge [sflag:s3], $0x3E80  }
0xf2: {  	[sflag:s3] =	ssyncset.done $0x0  }
0xf3: {  	[sflag:s3] =	ssyncadd.s32 $0xFFFFC180  }
0xf4: {  	[spmem:s2] =	stream.indirect.scatter.add.f32 [tilespmem:s17], [sflag:$0x3], $0x80, s26, s16, $0xb8;
	[tilespmem:$0x1F480] =	vst v63  }
0xf5: {  	_ =	swait.ge [sflag:s14], $0x3E80  }
0xf6: {  	[sflag:s14] =	ssyncset.done $0x0  }
0xf7: {  	[sflag:s14] =	ssyncadd.s32 $0xFFFFC180  }
0xf8: {  	_ =	swait.ge [sflag:s23], $0x3E80  }
0xf9: {  	[sflag:s23] =	ssyncset.done $0x0  }
0xfa: {  	[sflag:s23] =	ssyncadd.s32 $0xFFFFC180  }
0xfb: {  	[spmem:s2] =	stream.indirect.scatter.add.f32 [tilespmem:s19], [sflag:$0x3], $0x80, s28, s16, $0xb8;
	[tilespmem:$0x1F480] =	vst v63  }
0xfc: {  	_ =	swait.ge [sflag:s14], $0x3E80  }
0xfd: {  	s0 =	stileid.u32;
	s30 =	sshrl.u32 @!p0 s8, $0x3;
	[sflag:s14] =	ssyncset.done $0x0  }
0xfe: {  	s29 =	sadd.s32 $0x1, s29;
	s0 =	sshll.u32 @!p0 s0, $0x6;
	[sflag:s14] =	ssyncadd.s32 $0xFFFFC180  }
0xff: {  	p1 =	sne.s32 s29, s25;
	s0 =	sor.u32 @!p0 $0x1C03, s0;
	[bflag:$0x0] =	sbarrier.arrive $0xFFFF  }
0x100: {  	[hbm:s24], [sflag:s0] =	dma.local @!p0 [spmem:s30], $0x3E80  }
.Ltmp3:
0x101: {  	_ = 	snop;
	(pc) =	sbr.rel @p1 .LBB2_1-.Ltmp3, $4  }
0x102: {  	s0 =	simm.s32 @!p0 $0x3  }
0x103: {  	_ =	swait.ge @!p0 [sflag:s0], $0x3E80  }
0x104: {  	[sflag:s0] =	ssyncset.done @!p0 $0x0  }
0x105: {  	[sflag:s0] =	ssyncadd.s32 @!p0 $0xFFFFC180  }
0x106: {  	_ =	sfence.sel $0x180000  }
0x107: {  	[bflag:$0x0] =	sbarrier.arrive $0xFFFF  }
0x108: {  	_ =	strace $0x9000004A  }
0x109: {  	s0 =	stileid.u32;
	[bflag:$0x2] =	sbarrier.arrive $0xFFFF  }
0x10a: {  	p0 =	sne.s32 s0, $0x0;
	s0 =	rddreg [dreg:$0x3]  }
0x10b: {  	s0 =	sadd.s32 @!p0 $0x100000, s0  }
0x10c: {  	[sflag:s0] =	ssyncadd.tile.s32 @!p0 $0x1;
	_ =	shalt  }
.Lfunc_end2:
_tile_overlayer_lowered:
.L_overlay_start_2:
0x10d: {  	(tag) =	ssettag $0x2  }
0x10e: {  	s0 =	rddreg [dreg:$0x0];
	s2 =	stileid.u32  }
0x10f: {  	s1 =	rddreg [dreg:$0x1];
	p0 =	sne.s32 s2, $0x0  }
0x110: {  	s3 =	rddreg [dreg:$0x2];
	[bflag:$0x3] =	sbarrier.arrive $0xFFFF;
	s2 =	simm.s32 @!p0 $0x1C03  }
0x111: {  	[timem:s3], [sflag:s2] =	dma.local @!p0 [hbm:s0], s1  }
0x112: {  	s0 =	simm.s32 @!p0 $0x3  }
0x113: {  	_ =	swait.ge @!p0 [sflag:s0], s1  }
0x114: {  	s1 =	ssub.s32 @!p0 $0x0, s1;
	[sflag:s0] =	ssyncset.done @!p0 $0x0  }
0x115: {  	[sflag:s0] =	ssyncadd.s32 @!p0 s1  }
0x116: {  	[bflag:$0x3] =	sbarrier.arrive $0xFFFF  }
0x117: {  	_ =	shalt  }

// kernel: kernel.14.cloned.1.call-start
scs
__scs_entry_jumppad:
0x0: {  	(pc) =	sbr.rel $0x88, $3  }
0x1: {  	(tag) =	ssettag $0x0;
	lr =	simm.s32 $0x1  }
0x2: {  	[smem:$0x3F97] =	sst lr;
	_ =	strace $0xD0000000  }
0x3: {  	_ = 	snop  }
0x4: {  	_ = 	snop  }
0x5: {  	_ = 	snop  }
0x6: {  	_ = 	snop  }
0x7: {  	_ = 	snop  }
__scs_overlays_trampoline_lowered:
0x8: {  	[smem:$0x3FA6] =	sst s0  }
0x9: {  	[smem:$0x3FA7] =	sst s1  }
0xa: {  	[smem:$0x3FA8] =	sst s2  }
0xb: {  	[smem:$0x3FA9] =	sst s3  }
0xc: {  	[smem:$0x3FAA] =	sst s4  }
0xd: {  	[smem:$0x3FAB] =	sst s5  }
0xe: {  	[smem:$0x3FAC] =	sst s6  }
0xf: {  	[smem:$0x3FAD] =	sst s7  }
0x10: {  	[smem:$0x3FAE] =	sst s8  }
0x11: {  	[smem:$0x3FAF] =	sst s9;
	s0 =	simm.s32 @!p0 $0x0  }
0x12: {  	s1 =	sld [smem:$0x3F95];
	s0 =	simm.s32 @p0 $0x1  }
0x13: {  	[smem:$0x3FB0] =	sst s0;
	s0 =	simm.s32 @!p1 $0x0  }
0x14: {  	s2 =	sld [smem:$0x3F94];
	s0 =	simm.s32 @p1 $0x1  }
0x15: {  	[smem:$0x3FB1] =	sst s0;
	s0 =	simm.s32 @!p2 $0x0  }
0x16: {  	s3 =	sld [smem:$0x3FDB];
	s0 =	simm.s32 @p2 $0x1  }
0x17: {  	s4 =	simm.s32 $0x1BF5;
	[smem:$0x3FB3] =	sst s0  }
0x18: {  	s0 =	sld [smem:$0x3F96];
	_ =	swait.ge [sflag:s4], $0x0  }
0x19: {  	s7 =	sld [smem:$0x3F97]  }
0x1a: {  	s8 =	sadd.s32 $0xFFFFE003, lr  }
0x1b: {  	s9 =	sadd.s32 $0xFFFFFEF7, lr;
	s5 =	simm.s32 $0xFFFFFFFF;
	p2 =	slt.u32 s8, $0xFFFFF086  }
0x1c: {  	p1 =	slt.u32 s9, $0xF7A;
	s5 =	simm.s32 @!p2 $0x0  }
0x1d: {  	s5 =	simm.s32 @p1 $0x1;
	p0 =	seq.s32 s7, s2  }
0x1e: {  	s7 =	smul.u32 @!p0 $0xF7A, s2;
	p2 =	seq.s32 @!p0 s5, $0x0  }
0x1f: {  	s9 =	smul.u32 $0xF7A, s1;
	s8 =	simm.s32 @!p0 $0x1BF5;
	p2 =	por !p2, p0  }
0x20: {  	[sflag:s8] =	ssyncset.s32 @!p0 $0xFFFFF086;
	s6 =	sadd.s32 @!p0 s3, s7;
	s7 =	simm.s32 @!p0 $0x108  }
0x21: {  	s3 =	sadd.s32 s3, s9;
	s6 =	sadd.s32 @!p0 $0x88, s6;
	s7 =	simm.s32 @p2 $0x1082  }
0x22: {  	[simem:s7], [sflag:s8] =	dma.local @!p0 [hbm:s6], $0xF7A  }
0x23: {  	s9 =	sor.u32 $0xD0000000, s2;
	s6 =	simm.s32 $0x108;
	_ =	swait.ge @!p0 [sflag:s8], $0x0  }
0x24: {  	s3 =	sadd.s32 $0x88, s3;
	s6 =	simm.s32 @!p1 $0x1082;
	[sflag:s4] =	ssyncset.s32 $0xFFFFF086  }
0x25: {  	[simem:s6], [sflag:s4] =	dma.local [hbm:s3], $0xF7A  }
0x26: {  	[smem:$0x3F97] =	sst s1;
	(tag) =	ssettag s2;
	_ =	strace s9  }
0x27: {  	s1 =	sld [smem:$0x3FA7]  }
0x28: {  	s2 =	sld [smem:$0x3FA8]  }
0x29: {  	s4 =	sld [smem:$0x3FAA]  }
0x2a: {  	p0 =	seq.s32 s5, $0x0;
	s5 =	sld [smem:$0x3FAB]  }
0x2b: {  	s6 =	sld [smem:$0x3FAC]  }
0x2c: {  	s7 =	sld [smem:$0x3FAD]  }
0x2d: {  	s3 =	simm.s32 $0x108;
	s8 =	sld [smem:$0x3FAE]  }
0x2e: {  	s3 =	simm.s32 @!p0 $0x1082;
	s9 =	sld [smem:$0x3FAF]  }
0x2f: {  	lr =	sadd.s32 s0, s3;
	s0 =	sld [smem:$0x3FA6]  }
0x30: {  	s3 =	sld [smem:$0x3FA9]  }
0x31: {  	[smem:$0x3FB2] =	sst s10  }
0x32: {  	s10 =	sld [smem:$0x3FB0];
	_ =	sdelay $0x3  }
0x33: {  	p0 =	seq.s32 s10, $0x1;
	s10 =	sld [smem:$0x3FB2];
	_ =	sdelay $0x3  }
0x34: {  	[smem:$0x3FB2] =	sst s10  }
0x35: {  	s10 =	sld [smem:$0x3FB1];
	_ =	sdelay $0x3  }
0x36: {  	p1 =	seq.s32 s10, $0x1;
	s10 =	sld [smem:$0x3FB2];
	_ =	sdelay $0x3  }
0x37: {  	[smem:$0x3FB2] =	sst s10  }
0x38: {  	s10 =	sld [smem:$0x3FB3]  }
0x39: {  	_ = 	snop;
	(pc) =	sbr.ind lr, $3  }
0x3a: {  	_ = 	snop  }
0x3b: {  	_ = 	snop  }
0x3c: {  	p2 =	seq.s32 s10, $0x1;
	s10 =	sld [smem:$0x3FB2]  }
0x3d: {  	_ =	shalt  }
0x3e: {  	_ =	shalt  }
0x3f: {  	_ =	shalt  }
0x40: {  	_ =	shalt  }
0x41: {  	_ =	shalt  }
0x42: {  	_ =	shalt  }
0x43: {  	_ =	shalt  }
0x44: {  	_ =	shalt  }
0x45: {  	_ =	shalt  }
0x46: {  	_ =	shalt  }
0x47: {  	_ =	shalt  }
0x48: {  	_ =	shalt  }
0x49: {  	_ =	shalt  }
0x4a: {  	_ =	shalt  }
0x4b: {  	_ =	shalt  }
0x4c: {  	_ =	shalt  }
0x4d: {  	_ =	shalt  }
0x4e: {  	_ =	shalt  }
0x4f: {  	_ =	shalt  }
0x50: {  	_ =	shalt  }
0x51: {  	_ =	shalt  }
0x52: {  	_ =	shalt  }
0x53: {  	_ =	shalt  }
0x54: {  	_ =	shalt  }
0x55: {  	_ =	shalt  }
0x56: {  	_ =	shalt  }
0x57: {  	_ =	shalt  }
0x58: {  	_ =	shalt  }
0x59: {  	_ =	shalt  }
0x5a: {  	_ =	shalt  }
0x5b: {  	_ =	shalt  }
0x5c: {  	_ =	shalt  }
0x5d: {  	_ =	shalt  }
0x5e: {  	_ =	shalt  }
0x5f: {  	_ =	shalt  }
0x60: {  	_ =	shalt  }
0x61: {  	_ =	shalt  }
0x62: {  	_ =	shalt  }
0x63: {  	_ =	shalt  }
0x64: {  	_ =	shalt  }
0x65: {  	_ =	shalt  }
0x66: {  	_ =	shalt  }
0x67: {  	_ =	shalt  }
0x68: {  	_ =	shalt  }
0x69: {  	_ =	shalt  }
0x6a: {  	_ =	shalt  }
0x6b: {  	_ =	shalt  }
0x6c: {  	_ =	shalt  }
0x6d: {  	_ =	shalt  }
0x6e: {  	_ =	shalt  }
0x6f: {  	_ =	shalt  }
0x70: {  	_ =	shalt  }
0x71: {  	_ =	shalt  }
0x72: {  	_ =	shalt  }
0x73: {  	_ =	shalt  }
0x74: {  	_ =	shalt  }
0x75: {  	_ =	shalt  }
0x76: {  	_ =	shalt  }
0x77: {  	_ =	shalt  }
0x78: {  	_ =	shalt  }
0x79: {  	_ =	shalt  }
0x7a: {  	_ =	shalt  }
0x7b: {  	_ =	shalt  }
0x7c: {  	_ =	shalt  }
0x7d: {  	_ =	shalt  }
0x7e: {  	_ =	shalt  }
0x7f: {  	_ =	shalt  }
0x80: {  	_ =	shalt  }
0x81: {  	_ =	shalt  }
0x82: {  	_ =	shalt  }
0x83: {  	_ =	shalt  }
0x84: {  	_ =	shalt  }
0x85: {  	_ =	shalt  }
0x86: {  	_ =	shalt  }
0x87: {  	_ =	shalt  }
.Lfunc_end0:
.L_simem_size_0:
called_computation.2_lowered:
.L_overlay_start_0:
0x88: {  	s2 =	sld [smem:$0x3FD9]  }
0x89: {  	s3 =	sld [smem:$0x3FFE];
	_ =	sdelay $0x1  }
0x8a: {  	s1 =	srdreg.scid  }
0x8b: {  	s0 =	sand.u32 $0x1, s1  }
0x8c: {  	s17 =	sshll.u32 s0, $0xA;
	s2 =	sadd.s32 s3, s2  }
0x8d: {  	s2 =	sadd.s32 s2, s17  }
0x8e: {  	[smem:$0x3FBE] =	sst s2  }
0x8f: {  	_ = 	snop  }
0x90: {  	s2 =	sld [smem:$0x3FD0];
	(tm) =	ssettm $0x1  }
0x91: {  	s18 =	sld [smem:$0x3FFB];
	_ =	sdelay $0x3  }
0x92: {  	_ =	strace s18  }
0x93: {  	s3 =	sld [smem:$0x3FFC];
	_ =	sdelay $0x3  }
0x94: {  	_ =	strace s3  }
0x95: {  	s3 =	sld [smem:$0x3FFD];
	_ =	sdelay $0x3  }
0x96: {  	_ =	strace s3  }
0x97: {  	_ =	strace $0x8FFFFFFF  }
0x98: {  	s19 =	sld [smem:$0x3FDB];
	_ =	sdelay $0x1  }
0x99: {  	s4 =	simm.s32 $_scs_section_size  }
0x9a: {  	s5 =	simm.s32 $_size__tile_overlayer_lowered;
	s6 =	simm.s32 $_tile_overlayer_lowered  }
0x9b: {  	s22 =	simm.s32 $0x1BFF;
	s21 =	sshll.u32 s6, $0x1;
	s3 =	sadd.s32 s4, s19  }
0x9c: {  	s7 =	simm.s32 $0x0;
	s20 =	sshll.u32 s5, $0x1;
	s5 =	sadd.s32 s21, s3  }
0x9d: {  	[timem:s7], [sflag:s22] =	dma.local [hbm:s5], s20  }
0x9e: {  	_ =	swait.ge [sflag:s22], s20  }
0x9f: {  	s4 =	ssub.s32 $0x0, s20;
	[sflag:s22] =	ssyncset.done $0x0  }
0xa0: {  	[sflag:s22] =	ssyncadd.s32 s4;
	_ =	sdelay $0x1  }
0xa1: {  	s23 =	simm.s32 $0x1B8B  }
0xa2: {  	_ =	swait.ge [sflag:s23], $0x1  }
0xa3: {  	[sflag:s23] =	ssyncset.done $0x0  }
0xa4: {  	s25 =	simm.s32 $0x1B8E;
	s24 =	sld [smem:$0x3FFE];
	[sflag:s23] =	ssyncadd.s32 $0xFFFFFFFF  }
0xa5: {  	s26 =	simm.s32 $execute0_lowered;
	[smem:$0x3FD2] =	sst s25  }
0xa6: {  	s5 =	sshll.u32 s26, $0x1;
	_ =	strace $0x8000004C;
	[dreg:$0x1] =	wrdreg $0xFFFFFFFF  }
0xa7: {  	s28 =	simm.s32 $_size_execute0_lowered;
	s3 =	sadd.s32 s3, s5;
	[dreg:$0x0] =	wrdreg $0x0  }
0xa8: {  	s5 =	sshll.u32 s28, $0x1;
	[dreg:$0x2] =	wrdreg s3  }
0xa9: {  	[dreg:$0x3] =	wrdreg s5  }
0xaa: {  	[dreg:$0x4] =	wrdreg $0xC0  }
0xab: {  	_ =	task [dreg:s7], $0x5FFFF  }
0xac: {  	[dreg:$0x1] =	wrdreg $0xFFFFFFFF  }
0xad: {  	[dreg:$0x0] =	wrdreg $0x60  }
0xae: {  	[dreg:$0x2] =	wrdreg s24  }
0xaf: {  	[dreg:$0x3] =	wrdreg s2  }
0xb0: {  	[dreg:$0x4] =	wrdreg $0xBC000  }
0xb1: {  	[dreg:$0x5] =	wrdreg $0x9  }
0xb2: {  	_ =	task.clear_ibuf [dreg:s7], $0x6FFFF;
	_ =	strace $0x9000004C  }
0xb3: {  	s29 =	simm.s32 $0x9;
	_ =	strace $0x8000004E  }
0xb4: {  	_ =	swait.ge [sflag:s29], $0x1  }
0xb5: {  	[sflag:s29] =	ssyncadd.s32 $0xFFFFFFFF  }
0xb6: {  	_ =	strace $0x9000004E  }
0xb7: {  	_ =	sfence  }
0xb8: {  	s30 =	sld [smem:$0x0];
	_ =	sdelay $0x2  }
0xb9: {  	s31 =	sshll.u32 s1, $0xD;
	s1 =	sshrl.u32 s1, $0x2  }
0xba: {  	s3 =	sand.u32 $0x4000, s31;
	s1 =	sadd.s32 s1, s30  }
0xbb: {  	s0 =	sor.u32 s3, s0;
	s1 =	sshll.u32 s1, $0x11  }
0xbc: {  	s0 =	sor.u32 s1, s0  }
0xbd: {  	s0 =	sadd.s32 $0x8F2B, s0  }
0xbe: {  	[sflag:s0] =	ssyncadd.remote.s32 $0x1  }
0xbf: {  	_ =	sfence.sel $0xFFFF  }
0xc0: {  	[dreg:$0x0] =	wrdreg $0xFFFFFFFF;
	(pc) =	sbr.abs _section_cstart, $3  }
0xc1: {  	[dreg:$0x1] =	wrdreg $0xFFFFFFFF  }
0xc2: {  	_ =	task.clear_ibuf [dreg:s7], $0x2FFFF;
	_ =	strace $0x9FFFFFFF  }
0xc3: {  	(tm) =	ssettm $0x7FFFFFFF  }
tec
execute0_lowered:
.L_overlay_start_1:
0x0: {  	(tag) =	ssettag $0x1  }
0x1: {  	s0 =	rddreg [dreg:$0x0]  }
0x2: {  	s1 =	rddreg [dreg:$0x1]  }
0x3: {  	s2 =	rddreg [dreg:$0x2];
	s12 =	stileid.u32  }
0x4: {  	s3 =	srdreg.scid;
	s8 =	smul.u32 $0x7D000, s12  }
0x5: {  	s4 =	simm.s32 $0x0;
	s28 =	simm.s32 $0x2780;
	s29 =	simm.s32 $0x0  }
0x6: {  	s3 =	sand.u32 $0x1, s3;
	[smem:$0x7FF] =	sst s4;
	s8 =	sshrl.u32 s8, $0x2  }
0x7: {  	s6 =	smul.u32 $0x1F400, s12;
	s9 =	sadd.s32 $0x18400, s0;
	s8 =	sadd.s32 s8, s2  }
0x8: {  	s10 =	sadd.s32 $0xE400, s0;
	p0 =	sgt.u32 s12, $0x9;
	s13 =	sadd.s32 $0x1400, s8  }
0x9: {  	_ =	strace $0x8000004D;
	s22 =	sadd.s32 $0x2800, s8;
	[dreg:$0x4] =	wrdreg s13  }
0xa: {  	s5 =	smul.u32 $0x138800, s3;
	s23 =	sadd.s32 $0x3C00, s8;
	[dreg:$0x5] =	wrdreg s22  }
0xb: {  	s7 =	sshll.u32 s3, $0x4;
	s24 =	sadd.s32 $0x5000, s8;
	[dreg:$0x6] =	wrdreg s23  }
0xc: {  	s3 =	ssub.s32 $0x2, s3;
	s25 =	sadd.s32 $0x6400, s8;
	[dreg:$0x7] =	wrdreg s24  }
0xd: {  	s7 =	sor.u32 s12, s7;
	s26 =	sadd.s32 $0x7800, s8;
	[dreg:$0x8] =	wrdreg s25  }
0xe: {  	s21 =	sshrl.u32 s3, $0x1;
	s30 =	sadd.s32 $0x8C00, s8;
	[dreg:$0x9] =	wrdreg s26  }
0xf: {  	s5 =	sadd.s32 s6, s5;
	s31 =	sadd.s32 $0xA000, s8;
	[dreg:$0xa] =	wrdreg s30  }
0x10: {  	s19 =	smul.u32 $0x2800, s7;
	s14 =	sadd.s32 $0xB400, s8;
	[dreg:$0xb] =	wrdreg s31  }
0x11: {  	s3 =	ssub.s32 s3, s21;
	s15 =	sadd.s32 $0xC800, s8;
	[dreg:$0xc] =	wrdreg s14  }
0x12: {  	s20 =	sshrl.u32 s5, $0x3;
	s16 =	sadd.s32 $0xDC00, s8;
	[dreg:$0xd] =	wrdreg s15  }
0x13: {  	s5 =	sadd.s32 $0x2C00, s0;
	s17 =	sadd.s32 $0xF000, s8;
	[dreg:$0xe] =	wrdreg s16  }
0x14: {  	s18 =	sadd.s32 $0x10400, s8;
	s12 =	sadd.s32 $0x1CC00, s8;
	[dreg:$0xf] =	wrdreg s17  }
0x15: {  	s0 =	sadd.s32 s20, s0;
	s11 =	sshrl.u32 s19, $0x3;
	[dreg:$0x10] =	wrdreg s18  }
0x16: {  	s25 =	smax.u32 s3, $0x1;
	s19 =	sadd.s32 $0x11800, s8;
	s20 =	sadd.s32 $0x12C00, s8  }
0x17: {  	s23 =	sadd.s32 $0x14000, s8;
	s26 =	sadd.s32 $0x15400, s8;
	s30 =	sadd.s32 $0x16800, s8  }
0x18: {  	s31 =	sadd.s32 $0x17C00, s8;
	s13 =	sadd.s32 $0x1E000, s8;
	[dreg:$0x11] =	wrdreg s19  }
0x19: {  	s14 =	simm.s32 $0x3;
	s15 =	simm.s32 $0x1400;
	[dreg:$0x12] =	wrdreg s20  }
0x1a: {  	s16 =	simm.s32 $0x7D;
	s17 =	simm.s32 $0x2800;
	[dreg:$0x13] =	wrdreg s23  }
0x1b: {  	s18 =	simm.s32 $0x80;
	s3 =	simm.s32 $0x1;
	[dreg:$0x14] =	wrdreg s26  }
0x1c: {  	s6 =	sadd.s32 s9, s11;
	s7 =	sadd.s32 s10, s11;
	[dreg:$0x15] =	wrdreg s30  }
0x1d: {  	s11 =	sadd.s32 $0x280, s11;
	s24 =	sadd.s32 $0x70600, s0;
	[dreg:$0x16] =	wrdreg s31  }
0x1e: {  	s19 =	simm.s32 $0x6800;
	s20 =	simm.s32 $0xA800;
	s23 =	simm.s32 $0x2  }
0x1f: {  	s26 =	simm.s32 $0x2700;
	s21 =	sadd.s32 s9, s11;
	s22 =	sadd.s32 s10, s11  }
0x20: {  	s9 =	sadd.s32 $0x19000, s8;
	s10 =	sadd.s32 $0x1A400, s8;
	s11 =	sadd.s32 $0x1B800, s8  }
.LBB2_1:
0x21: {  	[tilespmem:s4], [sflag:$0x3] =	stream.linear.gather [hbm4b:s6+s4], $0x1400, $0x38;
	[tilespmem:$0x1F480] =	vst v63  }
0x22: {  	_ =	swait.ge [sflag:s14], $0x1400  }
0x23: {  	[sflag:s14] =	ssyncset.done $0x0  }
0x24: {  	[sflag:s14] =	ssyncadd.s32 $0xFFFFEC00  }
0x25: {  	[tilespmem:s15], [sflag:$0x3] =	stream.linear.gather [hbm4b:s7+s4], $0x1400, $0x38;
	[tilespmem:$0x1F480] =	vst v63  }
0x26: {  	_ =	swait.ge [sflag:s14], $0x1400  }
0x27: {  	[sflag:s14] =	ssyncset.done $0x0  }
0x28: {  	[sflag:s14] =	ssyncadd.s32 $0xFFFFEC00  }
0x29: {  	[tilespmem:s17], [sflag:$0x1] =	stream.indirect.gather [hbm4b:s1+s16], $0x80, s4, s16, $0xb8;
	[tilespmem:$0x1F480] =	vst v63  }
0x2a: {  	_ = 	snop  }
0x2b: {  	[tilespmem:s19], [sflag:$0x2] =	stream.indirect.gather [hbm4b:s1+s16], $0x80, s18, s16, $0xb8;
	[tilespmem:$0x1F480] =	vst v63  }
.Ltmp0:
0x2c: {  	_ = 	snop;
	(pc) =	sbr.rel @p0 .LBB2_3-.Ltmp0, $4  }
0x2d: {  	[tilespmem:s20], [sflag:$0x3] =	stream.linear.gather [hbm4b:s5+s4], $0x1400, $0x38;
	[tilespmem:$0x1F480] =	vst v63  }
0x2e: {  	_ =	swait.ge [sflag:s14], $0x1400  }
0x2f: {  	[sflag:s14] =	ssyncset.done $0x0  }
0x30: {  	[sflag:s14] =	ssyncadd.s32 $0xFFFFEC00  }
0x31: {  	[spmem:s8] =	stream.linear.scatter [tilespmem:s20], [sflag:$0x3], $0x1400, $0x38;
	[tilespmem:$0x1F480] =	vst v63  }
0x32: {  	_ =	swait.ge [sflag:s14], $0x1400  }
0x33: {  	[sflag:s14] =	ssyncset.done $0x0  }
0x34: {  	s0 =	rddreg [dreg:$0x4];
	[sflag:s14] =	ssyncadd.s32 $0xFFFFEC00  }
0x35: {  	[spmem:s0] =	stream.linear.scatter [tilespmem:s20], [sflag:$0x3], $0x1400, $0x38;
	[tilespmem:$0x1F480] =	vst v63  }
0x36: {  	_ =	swait.ge [sflag:s14], $0x1400  }
0x37: {  	[sflag:s14] =	ssyncset.done $0x0  }
0x38: {  	s30 =	rddreg [dreg:$0x5];
	[sflag:s14] =	ssyncadd.s32 $0xFFFFEC00  }
0x39: {  	[spmem:s30] =	stream.linear.scatter [tilespmem:s20], [sflag:$0x3], $0x1400, $0x38;
	[tilespmem:$0x1F480] =	vst v63  }
0x3a: {  	_ =	swait.ge [sflag:s14], $0x1400  }
0x3b: {  	[sflag:s14] =	ssyncset.done $0x0  }
0x3c: {  	s31 =	rddreg [dreg:$0x6];
	[sflag:s14] =	ssyncadd.s32 $0xFFFFEC00  }
0x3d: {  	[spmem:s31] =	stream.linear.scatter [tilespmem:s20], [sflag:$0x3], $0x1400, $0x38;
	[tilespmem:$0x1F480] =	vst v63  }
0x3e: {  	_ =	swait.ge [sflag:s14], $0x1400  }
0x3f: {  	[sflag:s14] =	ssyncset.done $0x0  }
0x40: {  	s30 =	rddreg [dreg:$0x7];
	[sflag:s14] =	ssyncadd.s32 $0xFFFFEC00  }
0x41: {  	[spmem:s30] =	stream.linear.scatter [tilespmem:s20], [sflag:$0x3], $0x1400, $0x38;
	[tilespmem:$0x1F480] =	vst v63  }
0x42: {  	_ =	swait.ge [sflag:s14], $0x1400  }
0x43: {  	[sflag:s14] =	ssyncset.done $0x0  }
0x44: {  	s31 =	rddreg [dreg:$0x8];
	[sflag:s14] =	ssyncadd.s32 $0xFFFFEC00  }
0x45: {  	[spmem:s31] =	stream.linear.scatter [tilespmem:s20], [sflag:$0x3], $0x1400, $0x38;
	[tilespmem:$0x1F480] =	vst v63  }
0x46: {  	_ =	swait.ge [sflag:s14], $0x1400  }
0x47: {  	[sflag:s14] =	ssyncset.done $0x0  }
0x48: {  	s30 =	rddreg [dreg:$0x9];
	[sflag:s14] =	ssyncadd.s32 $0xFFFFEC00  }
0x49: {  	[spmem:s30] =	stream.linear.scatter [tilespmem:s20], [sflag:$0x3], $0x1400, $0x38;
	[tilespmem:$0x1F480] =	vst v63  }
0x4a: {  	_ =	swait.ge [sflag:s14], $0x1400  }
0x4b: {  	[sflag:s14] =	ssyncset.done $0x0  }
0x4c: {  	s31 =	rddreg [dreg:$0xa];
	[sflag:s14] =	ssyncadd.s32 $0xFFFFEC00  }
0x4d: {  	[spmem:s31] =	stream.linear.scatter [tilespmem:s20], [sflag:$0x3], $0x1400, $0x38;
	[tilespmem:$0x1F480] =	vst v63  }
0x4e: {  	_ =	swait.ge [sflag:s14], $0x1400  }
0x4f: {  	[sflag:s14] =	ssyncset.done $0x0  }
0x50: {  	s30 =	rddreg [dreg:$0xb];
	[sflag:s14] =	ssyncadd.s32 $0xFFFFEC00  }
0x51: {  	[spmem:s30] =	stream.linear.scatter [tilespmem:s20], [sflag:$0x3], $0x1400, $0x38;
	[tilespmem:$0x1F480] =	vst v63  }
0x52: {  	_ =	swait.ge [sflag:s14], $0x1400  }
0x53: {  	[sflag:s14] =	ssyncset.done $0x0  }
0x54: {  	s31 =	rddreg [dreg:$0xc];
	[sflag:s14] =	ssyncadd.s32 $0xFFFFEC00  }
0x55: {  	[spmem:s31] =	stream.linear.scatter [tilespmem:s20], [sflag:$0x3], $0x1400, $0x38;
	[tilespmem:$0x1F480] =	vst v63  }
0x56: {  	_ =	swait.ge [sflag:s14], $0x1400  }
0x57: {  	[sflag:s14] =	ssyncset.done $0x0  }
0x58: {  	s30 =	rddreg [dreg:$0xd];
	[sflag:s14] =	ssyncadd.s32 $0xFFFFEC00  }
0x59: {  	[spmem:s30] =	stream.linear.scatter [tilespmem:s20], [sflag:$0x3], $0x1400, $0x38;
	[tilespmem:$0x1F480] =	vst v63  }
0x5a: {  	_ =	swait.ge [sflag:s14], $0x1400  }
0x5b: {  	[sflag:s14] =	ssyncset.done $0x0  }
0x5c: {  	s31 =	rddreg [dreg:$0xe];
	[sflag:s14] =	ssyncadd.s32 $0xFFFFEC00  }
0x5d: {  	[spmem:s31] =	stream.linear.scatter [tilespmem:s20], [sflag:$0x3], $0x1400, $0x38;
	[tilespmem:$0x1F480] =	vst v63  }
0x5e: {  	_ =	swait.ge [sflag:s14], $0x1400  }
0x5f: {  	[sflag:s14] =	ssyncset.done $0x0  }
0x60: {  	s30 =	rddreg [dreg:$0xf];
	[sflag:s14] =	ssyncadd.s32 $0xFFFFEC00  }
0x61: {  	[spmem:s30] =	stream.linear.scatter [tilespmem:s20], [sflag:$0x3], $0x1400, $0x38;
	[tilespmem:$0x1F480] =	vst v63  }
0x62: {  	_ =	swait.ge [sflag:s14], $0x1400  }
0x63: {  	[sflag:s14] =	ssyncset.done $0x0  }
0x64: {  	s31 =	rddreg [dreg:$0x10];
	[sflag:s14] =	ssyncadd.s32 $0xFFFFEC00  }
0x65: {  	[spmem:s31] =	stream.linear.scatter [tilespmem:s20], [sflag:$0x3], $0x1400, $0x38;
	[tilespmem:$0x1F480] =	vst v63  }
0x66: {  	_ =	swait.ge [sflag:s14], $0x1400  }
0x67: {  	[sflag:s14] =	ssyncset.done $0x0  }
0x68: {  	s30 =	rddreg [dreg:$0x11];
	[sflag:s14] =	ssyncadd.s32 $0xFFFFEC00  }
0x69: {  	[spmem:s30] =	stream.linear.scatter [tilespmem:s20], [sflag:$0x3], $0x1400, $0x38;
	[tilespmem:$0x1F480] =	vst v63  }
0x6a: {  	_ =	swait.ge [sflag:s14], $0x1400  }
0x6b: {  	[sflag:s14] =	ssyncset.done $0x0  }
0x6c: {  	s31 =	rddreg [dreg:$0x12];
	[sflag:s14] =	ssyncadd.s32 $0xFFFFEC00  }
0x6d: {  	[spmem:s31] =	stream.linear.scatter [tilespmem:s20], [sflag:$0x3], $0x1400, $0x38;
	[tilespmem:$0x1F480] =	vst v63  }
0x6e: {  	_ =	swait.ge [sflag:s14], $0x1400  }
0x6f: {  	[sflag:s14] =	ssyncset.done $0x0  }
0x70: {  	s30 =	rddreg [dreg:$0x13];
	[sflag:s14] =	ssyncadd.s32 $0xFFFFEC00  }
0x71: {  	[spmem:s30] =	stream.linear.scatter [tilespmem:s20], [sflag:$0x3], $0x1400, $0x38;
	[tilespmem:$0x1F480] =	vst v63  }
0x72: {  	_ =	swait.ge [sflag:s14], $0x1400  }
0x73: {  	[sflag:s14] =	ssyncset.done $0x0  }
0x74: {  	s31 =	rddreg [dreg:$0x14];
	[sflag:s14] =	ssyncadd.s32 $0xFFFFEC00  }
0x75: {  	[spmem:s31] =	stream.linear.scatter [tilespmem:s20], [sflag:$0x3], $0x1400, $0x38;
	[tilespmem:$0x1F480] =	vst v63  }
0x76: {  	_ =	swait.ge [sflag:s14], $0x1400  }
0x77: {  	[sflag:s14] =	ssyncset.done $0x0  }
0x78: {  	s30 =	rddreg [dreg:$0x15];
	[sflag:s14] =	ssyncadd.s32 $0xFFFFEC00  }
0x79: {  	[spmem:s30] =	stream.linear.scatter [tilespmem:s20], [sflag:$0x3], $0x1400, $0x38;
	[tilespmem:$0x1F480] =	vst v63  }
0x7a: {  	_ =	swait.ge [sflag:s14], $0x1400  }
0x7b: {  	[sflag:s14] =	ssyncset.done $0x0  }
0x7c: {  	s31 =	rddreg [dreg:$0x16];
	[sflag:s14] =	ssyncadd.s32 $0xFFFFEC00  }
0x7d: {  	[spmem:s31] =	stream.linear.scatter [tilespmem:s20], [sflag:$0x3], $0x1400, $0x38;
	[tilespmem:$0x1F480] =	vst v63  }
0x7e: {  	_ =	swait.ge [sflag:s14], $0x1400  }
0x7f: {  	[sflag:s14] =	ssyncset.done $0x0  }
0x80: {  	[sflag:s14] =	ssyncadd.s32 $0xFFFFEC00  }
0x81: {  	[spmem:s9] =	stream.linear.scatter [tilespmem:s20], [sflag:$0x3], $0x1400, $0x38;
	[tilespmem:$0x1F480] =	vst v63  }
0x82: {  	_ =	swait.ge [sflag:s14], $0x1400  }
0x83: {  	[sflag:s14] =	ssyncset.done $0x0  }
0x84: {  	[sflag:s14] =	ssyncadd.s32 $0xFFFFEC00  }
0x85: {  	[spmem:s10] =	stream.linear.scatter [tilespmem:s20], [sflag:$0x3], $0x1400, $0x38;
	[tilespmem:$0x1F480] =	vst v63  }
0x86: {  	_ =	swait.ge [sflag:s14], $0x1400  }
0x87: {  	[sflag:s14] =	ssyncset.done $0x0  }
0x88: {  	[sflag:s14] =	ssyncadd.s32 $0xFFFFEC00  }
0x89: {  	[spmem:s11] =	stream.linear.scatter [tilespmem:s20], [sflag:$0x3], $0x1400, $0x38;
	[tilespmem:$0x1F480] =	vst v63  }
0x8a: {  	_ =	swait.ge [sflag:s14], $0x1400  }
0x8b: {  	[sflag:s14] =	ssyncset.done $0x0  }
0x8c: {  	[sflag:s14] =	ssyncadd.s32 $0xFFFFEC00  }
0x8d: {  	[spmem:s12] =	stream.linear.scatter [tilespmem:s20], [sflag:$0x3], $0x1400, $0x38;
	[tilespmem:$0x1F480] =	vst v63  }
0x8e: {  	_ =	swait.ge [sflag:s14], $0x1400  }
0x8f: {  	[sflag:s14] =	ssyncset.done $0x0  }
0x90: {  	[sflag:s14] =	ssyncadd.s32 $0xFFFFEC00  }
0x91: {  	[spmem:s13] =	stream.linear.scatter [tilespmem:s20], [sflag:$0x3], $0x1400, $0x38;
	[tilespmem:$0x1F480] =	vst v63  }
0x92: {  	_ =	swait.ge [sflag:s14], $0x1400  }
0x93: {  	[sflag:s14] =	ssyncset.done $0x0  }
0x94: {  	[sflag:s14] =	ssyncadd.s32 $0xFFFFEC00  }
.LBB2_3:
0x95: {  	[bflag:$0x0] =	sbarrier.arrive $0xFFFF  }
0x96: {  	_ =	swait.ge [sflag:s3], $0x3E80  }
0x97: {  	[sflag:s3] =	ssyncset.done $0x0  }
0x98: {  	s30 =	simm.s32 $0x1400;
	[sflag:s3] =	ssyncadd.s32 $0xFFFFC180  }
0x99: {  	[spmem:s2] =	stream.indirect.scatter.add.f32 [tilespmem:s17], [sflag:$0x3], $0x80, s30, s16, $0xb8;
	[tilespmem:$0x1F480] =	vst v63  }
0x9a: {  	_ =	swait.ge [sflag:s14], $0x3E80  }
0x9b: {  	[sflag:s14] =	ssyncset.done $0x0  }
0x9c: {  	s30 =	simm.s32 $0x100;
	[sflag:s14] =	ssyncadd.s32 $0xFFFFC180  }
0x9d: {  	[tilespmem:s17], [sflag:$0x1] =	stream.indirect.gather [hbm4b:s1+s16], $0x80, s30, s16, $0xb8;
	[tilespmem:$0x1F480] =	vst v63  }
0x9e: {  	_ =	swait.ge [sflag:s23], $0x3E80  }
0x9f: {  	[sflag:s23] =	ssyncset.done $0x0  }
0xa0: {  	s30 =	simm.s32 $0x1480;
	[sflag:s23] =	ssyncadd.s32 $0xFFFFC180  }
0xa1: {  	[spmem:s2] =	stream.indirect.scatter.add.f32 [tilespmem:s19], [sflag:$0x3], $0x80, s30, s16, $0xb8;
	[tilespmem:$0x1F480] =	vst v63  }
0xa2: {  	_ =	swait.ge [sflag:s14], $0x3E80  }
0xa3: {  	[sflag:s14] =	ssyncset.done $0x0  }
0xa4: {  	s31 =	simm.s32 $0x180;
	s30 =	simm.s32 $0x400;
	[sflag:s14] =	ssyncadd.s32 $0xFFFFC180  }
.LBB2_4:
0xa5: {  	[tilespmem:s19], [sflag:$0x2] =	stream.indirect.gather [hbm4b:s1+s16], $0x80, s31, s16, $0xb8;
	[tilespmem:$0x1F480] =	vst v63  }
0xa6: {  	s31 =	smov.u32 s30  }
0xa7: {  	p1 =	sne.s32 s30, $0x4800;
	s30 =	sadd.s32 $0x400, s30;
	_ =	swait.ge [sflag:s3], $0x3E80  }
0xa8: {  	s31 =	sshra.s32 s31, $0x2;
	[sflag:s3] =	ssyncset.done $0x0  }
0xa9: {  	s0 =	sadd.s32 $0x1400, s31;
	[sflag:s3] =	ssyncadd.s32 $0xFFFFC180  }
0xaa: {  	[spmem:s2] =	stream.indirect.scatter.add.f32 [tilespmem:s17], [sflag:$0x3], $0x80, s0, s16, $0xb8;
	[tilespmem:$0x1F480] =	vst v63  }
0xab: {  	_ =	swait.ge [sflag:s14], $0x3E80  }
0xac: {  	[sflag:s14] =	ssyncset.done $0x0  }
0xad: {  	s0 =	sadd.s32 $0x100, s31;
	[sflag:s14] =	ssyncadd.s32 $0xFFFFC180  }
0xae: {  	[tilespmem:s17], [sflag:$0x1] =	stream.indirect.gather [hbm4b:s1+s16], $0x80, s0, s16, $0xb8;
	[tilespmem:$0x1F480] =	vst v63  }
0xaf: {  	_ =	swait.ge [sflag:s23], $0x3E80  }
0xb0: {  	[sflag:s23] =	ssyncset.done $0x0  }
.Ltmp1:
0xb1: {  	s0 =	sadd.s32 $0x1480, s31;
	[sflag:s23] =	ssyncadd.s32 $0xFFFFC180;
	(pc) =	sbr.rel @p1 .LBB2_4-.Ltmp1, $4  }
0xb2: {  	[spmem:s2] =	stream.indirect.scatter.add.f32 [tilespmem:s19], [sflag:$0x3], $0x80, s0, s16, $0xb8;
	[tilespmem:$0x1F480] =	vst v63  }
0xb3: {  	_ =	swait.ge [sflag:s14], $0x3E80  }
0xb4: {  	[sflag:s14] =	ssyncset.done $0x0  }
0xb5: {  	s31 =	sadd.s32 $0x180, s31;
	[sflag:s14] =	ssyncadd.s32 $0xFFFFC180  }
0xb6: {  	[tilespmem:s19], [sflag:$0x2] =	stream.indirect.gather [hbm4b:s1+s16], $0x80, s31, s16, $0xb8;
	[tilespmem:$0x1F480] =	vst v63  }
0xb7: {  	_ =	swait.ge [sflag:s3], $0x3E80  }
0xb8: {  	[sflag:s3] =	ssyncset.done $0x0  }
0xb9: {  	[sflag:s3] =	ssyncadd.s32 $0xFFFFC180  }
0xba: {  	[spmem:s2] =	stream.indirect.scatter.add.f32 [tilespmem:s17], [sflag:$0x3], $0x80, s26, s16, $0xb8;
	[tilespmem:$0x1F480] =	vst v63  }
0xbb: {  	_ =	swait.ge [sflag:s14], $0x3E80  }
0xbc: {  	[sflag:s14] =	ssyncset.done $0x0  }
0xbd: {  	[sflag:s14] =	ssyncadd.s32 $0xFFFFC180  }
0xbe: {  	_ =	swait.ge [sflag:s23], $0x3E80  }
0xbf: {  	[sflag:s23] =	ssyncset.done $0x0  }
0xc0: {  	[sflag:s23] =	ssyncadd.s32 $0xFFFFC180  }
0xc1: {  	[spmem:s2] =	stream.indirect.scatter.add.f32 [tilespmem:s19], [sflag:$0x3], $0x80, s28, s16, $0xb8;
	[tilespmem:$0x1F480] =	vst v63  }
0xc2: {  	_ =	swait.ge [sflag:s14], $0x3E80  }
0xc3: {  	[sflag:s14] =	ssyncset.done $0x0  }
0xc4: {  	s0 =	simm.s32 $0x0;
	[sflag:s14] =	ssyncadd.s32 $0xFFFFC180  }
0xc5: {  	[tilespmem:s0], [sflag:$0x3] =	stream.linear.gather [hbm4b:s21+s0], $0x1400, $0x38;
	[tilespmem:$0x1F480] =	vst v63  }
0xc6: {  	_ =	swait.ge [sflag:s14], $0x1400  }
0xc7: {  	[sflag:s14] =	ssyncset.done $0x0  }
0xc8: {  	[sflag:s14] =	ssyncadd.s32 $0xFFFFEC00  }
0xc9: {  	[tilespmem:s15], [sflag:$0x3] =	stream.linear.gather [hbm4b:s22+s0], $0x1400, $0x38;
	[tilespmem:$0x1F480] =	vst v63  }
0xca: {  	_ =	swait.ge [sflag:s14], $0x1400  }
0xcb: {  	[sflag:s14] =	ssyncset.done $0x0  }
0xcc: {  	[sflag:s14] =	ssyncadd.s32 $0xFFFFEC00  }
0xcd: {  	[tilespmem:s17], [sflag:$0x1] =	stream.indirect.gather [hbm4b:s1+s16], $0x80, s0, s16, $0xb8;
	[tilespmem:$0x1F480] =	vst v63  }
0xce: {  	_ = 	snop  }
0xcf: {  	[tilespmem:s19], [sflag:$0x2] =	stream.indirect.gather [hbm4b:s1+s16], $0x80, s18, s16, $0xb8;
	[tilespmem:$0x1F480] =	vst v63  }
0xd0: {  	_ =	swait.ge [sflag:s3], $0x3E80  }
0xd1: {  	[sflag:s3] =	ssyncset.done $0x0  }
0xd2: {  	s0 =	simm.s32 $0x1400;
	[sflag:s3] =	ssyncadd.s32 $0xFFFFC180  }
0xd3: {  	[spmem:s2] =	stream.indirect.scatter.add.f32 [tilespmem:s17], [sflag:$0x3], $0x80, s0, s16, $0xb8;
	[tilespmem:$0x1F480] =	vst v63  }
0xd4: {  	_ =	swait.ge [sflag:s14], $0x3E80  }
0xd5: {  	[sflag:s14] =	ssyncset.done $0x0  }
0xd6: {  	s0 =	simm.s32 $0x100;
	[sflag:s14] =	ssyncadd.s32 $0xFFFFC180  }
0xd7: {  	[tilespmem:s17], [sflag:$0x1] =	stream.indirect.gather [hbm4b:s1+s16], $0x80, s0, s16, $0xb8;
	[tilespmem:$0x1F480] =	vst v63  }
0xd8: {  	_ =	swait.ge [sflag:s23], $0x3E80  }
0xd9: {  	[sflag:s23] =	ssyncset.done $0x0  }
0xda: {  	s0 =	simm.s32 $0x1480;
	[sflag:s23] =	ssyncadd.s32 $0xFFFFC180  }
0xdb: {  	[spmem:s2] =	stream.indirect.scatter.add.f32 [tilespmem:s19], [sflag:$0x3], $0x80, s0, s16, $0xb8;
	[tilespmem:$0x1F480] =	vst v63  }
0xdc: {  	_ =	swait.ge [sflag:s14], $0x3E80  }
0xdd: {  	[sflag:s14] =	ssyncset.done $0x0  }
0xde: {  	s30 =	simm.s32 $0x400;
	s31 =	simm.s32 $0x180;
	[sflag:s14] =	ssyncadd.s32 $0xFFFFC180  }
.LBB2_6:
0xdf: {  	[tilespmem:s19], [sflag:$0x2] =	stream.indirect.gather [hbm4b:s1+s16], $0x80, s31, s16, $0xb8;
	[tilespmem:$0x1F480] =	vst v63  }
0xe0: {  	s0 =	smov.u32 s30  }
0xe1: {  	p1 =	sne.s32 s30, $0x4800;
	s30 =	sadd.s32 $0x400, s30;
	_ =	swait.ge [sflag:s3], $0x3E80  }
0xe2: {  	s0 =	sshra.s32 s0, $0x2;
	[sflag:s3] =	ssyncset.done $0x0  }
0xe3: {  	s31 =	sadd.s32 $0x1400, s0;
	[sflag:s3] =	ssyncadd.s32 $0xFFFFC180  }
0xe4: {  	[spmem:s2] =	stream.indirect.scatter.add.f32 [tilespmem:s17], [sflag:$0x3], $0x80, s31, s16, $0xb8;
	[tilespmem:$0x1F480] =	vst v63  }
0xe5: {  	_ =	swait.ge [sflag:s14], $0x3E80  }
0xe6: {  	[sflag:s14] =	ssyncset.done $0x0  }
0xe7: {  	s31 =	sadd.s32 $0x100, s0;
	[sflag:s14] =	ssyncadd.s32 $0xFFFFC180  }
0xe8: {  	[tilespmem:s17], [sflag:$0x1] =	stream.indirect.gather [hbm4b:s1+s16], $0x80, s31, s16, $0xb8;
	[tilespmem:$0x1F480] =	vst v63  }
0xe9: {  	_ =	swait.ge [sflag:s23], $0x3E80  }
0xea: {  	[sflag:s23] =	ssyncset.done $0x0  }
.Ltmp2:
0xeb: {  	s31 =	sadd.s32 $0x1480, s0;
	[sflag:s23] =	ssyncadd.s32 $0xFFFFC180;
	(pc) =	sbr.rel @p1 .LBB2_6-.Ltmp2, $4  }
0xec: {  	[spmem:s2] =	stream.indirect.scatter.add.f32 [tilespmem:s19], [sflag:$0x3], $0x80, s31, s16, $0xb8;
	[tilespmem:$0x1F480] =	vst v63  }
0xed: {  	_ =	swait.ge [sflag:s14], $0x3E80  }
0xee: {  	[sflag:s14] =	ssyncset.done $0x0  }
0xef: {  	s31 =	sadd.s32 $0x180, s0;
	[sflag:s14] =	ssyncadd.s32 $0xFFFFC180  }
0xf0: {  	[tilespmem:s19], [sflag:$0x2] =	stream.indirect.gather [hbm4b:s1+s16], $0x80, s31, s16, $0xb8;
	[tilespmem:$0x1F480] =	vst v63  }
0xf1: {  	_ =	swait.ge [sflag:s3], $0x3E80  }
0xf2: {  	[sflag:s3] =	ssyncset.done $0x0  }
0xf3: {  	[sflag:s3] =	ssyncadd.s32 $0xFFFFC180  }
0xf4: {  	[spmem:s2] =	stream.indirect.scatter.add.f32 [tilespmem:s17], [sflag:$0x3], $0x80, s26, s16, $0xb8;
	[tilespmem:$0x1F480] =	vst v63  }
0xf5: {  	_ =	swait.ge [sflag:s14], $0x3E80  }
0xf6: {  	[sflag:s14] =	ssyncset.done $0x0  }
0xf7: {  	[sflag:s14] =	ssyncadd.s32 $0xFFFFC180  }
0xf8: {  	_ =	swait.ge [sflag:s23], $0x3E80  }
0xf9: {  	[sflag:s23] =	ssyncset.done $0x0  }
0xfa: {  	[sflag:s23] =	ssyncadd.s32 $0xFFFFC180  }
0xfb: {  	[spmem:s2] =	stream.indirect.scatter.add.f32 [tilespmem:s19], [sflag:$0x3], $0x80, s28, s16, $0xb8;
	[tilespmem:$0x1F480] =	vst v63  }
0xfc: {  	_ =	swait.ge [sflag:s14], $0x3E80  }
0xfd: {  	s0 =	stileid.u32;
	s30 =	sshrl.u32 @!p0 s8, $0x3;
	[sflag:s14] =	ssyncset.done $0x0  }
0xfe: {  	s29 =	sadd.s32 $0x1, s29;
	s0 =	sshll.u32 @!p0 s0, $0x6;
	[sflag:s14] =	ssyncadd.s32 $0xFFFFC180  }
0xff: {  	p1 =	sne.s32 s29, s25;
	s0 =	sor.u32 @!p0 $0x1C03, s0;
	[bflag:$0x0] =	sbarrier.arrive $0xFFFF  }
0x100: {  	[hbm:s24], [sflag:s0] =	dma.local @!p0 [spmem:s30], $0x3E80  }
.Ltmp3:
0x101: {  	_ = 	snop;
	(pc) =	sbr.rel @p1 .LBB2_1-.Ltmp3, $4  }
0x102: {  	s0 =	simm.s32 @!p0 $0x3  }
0x103: {  	_ =	swait.ge @!p0 [sflag:s0], $0x3E80  }
0x104: {  	[sflag:s0] =	ssyncset.done @!p0 $0x0  }
0x105: {  	[sflag:s0] =	ssyncadd.s32 @!p0 $0xFFFFC180  }
0x106: {  	_ =	sfence.sel $0x180000  }
0x107: {  	[bflag:$0x0] =	sbarrier.arrive $0xFFFF  }
0x108: {  	_ =	strace $0x9000004D  }
0x109: {  	s0 =	stileid.u32;
	[bflag:$0x2] =	sbarrier.arrive $0xFFFF  }
0x10a: {  	p0 =	sne.s32 s0, $0x0;
	s0 =	rddreg [dreg:$0x3]  }
0x10b: {  	s0 =	sadd.s32 @!p0 $0x100000, s0  }
0x10c: {  	[sflag:s0] =	ssyncadd.tile.s32 @!p0 $0x1;
	_ =	shalt  }
.Lfunc_end2:
_tile_overlayer_lowered:
.L_overlay_start_2:
0x10d: {  	(tag) =	ssettag $0x2  }
0x10e: {  	s0 =	rddreg [dreg:$0x0];
	s2 =	stileid.u32  }
0x10f: {  	s1 =	rddreg [dreg:$0x1];
	p0 =	sne.s32 s2, $0x0  }
0x110: {  	s3 =	rddreg [dreg:$0x2];
	[bflag:$0x3] =	sbarrier.arrive $0xFFFF;
	s2 =	simm.s32 @!p0 $0x1C03  }
0x111: {  	[timem:s3], [sflag:s2] =	dma.local @!p0 [hbm:s0], s1  }
0x112: {  	s0 =	simm.s32 @!p0 $0x3  }
0x113: {  	_ =	swait.ge @!p0 [sflag:s0], s1  }
0x114: {  	s1 =	ssub.s32 @!p0 $0x0, s1;
	[sflag:s0] =	ssyncset.done @!p0 $0x0  }
0x115: {  	[sflag:s0] =	ssyncadd.s32 @!p0 s1  }
0x116: {  	[bflag:$0x3] =	sbarrier.arrive $0xFFFF  }
0x117: {  	_ =	shalt  }

// kernel: kernel.8.cloned.1.call-start
scs
__scs_entry_jumppad:
0x0: {  	(pc) =	sbr.rel $0x88, $3  }
0x1: {  	(tag) =	ssettag $0x0;
	lr =	simm.s32 $0x1  }
0x2: {  	[smem:$0x3F97] =	sst lr;
	_ =	strace $0xD0000000  }
0x3: {  	_ = 	snop  }
0x4: {  	_ = 	snop  }
0x5: {  	_ = 	snop  }
0x6: {  	_ = 	snop  }
0x7: {  	_ = 	snop  }
__scs_overlays_trampoline_lowered:
0x8: {  	[smem:$0x3FA6] =	sst s0  }
0x9: {  	[smem:$0x3FA7] =	sst s1  }
0xa: {  	[smem:$0x3FA8] =	sst s2  }
0xb: {  	[smem:$0x3FA9] =	sst s3  }
0xc: {  	[smem:$0x3FAA] =	sst s4  }
0xd: {  	[smem:$0x3FAB] =	sst s5  }
0xe: {  	[smem:$0x3FAC] =	sst s6  }
0xf: {  	[smem:$0x3FAD] =	sst s7  }
0x10: {  	[smem:$0x3FAE] =	sst s8  }
0x11: {  	[smem:$0x3FAF] =	sst s9;
	s0 =	simm.s32 @!p0 $0x0  }
0x12: {  	s1 =	sld [smem:$0x3F95];
	s0 =	simm.s32 @p0 $0x1  }
0x13: {  	[smem:$0x3FB0] =	sst s0;
	s0 =	simm.s32 @!p1 $0x0  }
0x14: {  	s2 =	sld [smem:$0x3F94];
	s0 =	simm.s32 @p1 $0x1  }
0x15: {  	[smem:$0x3FB1] =	sst s0;
	s0 =	simm.s32 @!p2 $0x0  }
0x16: {  	s3 =	sld [smem:$0x3FDB];
	s0 =	simm.s32 @p2 $0x1  }
0x17: {  	s4 =	simm.s32 $0x1BF5;
	[smem:$0x3FB3] =	sst s0  }
0x18: {  	s0 =	sld [smem:$0x3F96];
	_ =	swait.ge [sflag:s4], $0x0  }
0x19: {  	s7 =	sld [smem:$0x3F97]  }
0x1a: {  	s8 =	sadd.s32 $0xFFFFE003, lr  }
0x1b: {  	s9 =	sadd.s32 $0xFFFFFEF7, lr;
	s5 =	simm.s32 $0xFFFFFFFF;
	p2 =	slt.u32 s8, $0xFFFFF086  }
0x1c: {  	p1 =	slt.u32 s9, $0xF7A;
	s5 =	simm.s32 @!p2 $0x0  }
0x1d: {  	s5 =	simm.s32 @p1 $0x1;
	p0 =	seq.s32 s7, s2  }
0x1e: {  	s7 =	smul.u32 @!p0 $0xF7A, s2;
	p2 =	seq.s32 @!p0 s5, $0x0  }
0x1f: {  	s9 =	smul.u32 $0xF7A, s1;
	s8 =	simm.s32 @!p0 $0x1BF5;
	p2 =	por !p2, p0  }
0x20: {  	[sflag:s8] =	ssyncset.s32 @!p0 $0xFFFFF086;
	s6 =	sadd.s32 @!p0 s3, s7;
	s7 =	simm.s32 @!p0 $0x108  }
0x21: {  	s3 =	sadd.s32 s3, s9;
	s6 =	sadd.s32 @!p0 $0x88, s6;
	s7 =	simm.s32 @p2 $0x1082  }
0x22: {  	[simem:s7], [sflag:s8] =	dma.local @!p0 [hbm:s6], $0xF7A  }
0x23: {  	s9 =	sor.u32 $0xD0000000, s2;
	s6 =	simm.s32 $0x108;
	_ =	swait.ge @!p0 [sflag:s8], $0x0  }
0x24: {  	s3 =	sadd.s32 $0x88, s3;
	s6 =	simm.s32 @!p1 $0x1082;
	[sflag:s4] =	ssyncset.s32 $0xFFFFF086  }
0x25: {  	[simem:s6], [sflag:s4] =	dma.local [hbm:s3], $0xF7A  }
0x26: {  	[smem:$0x3F97] =	sst s1;
	(tag) =	ssettag s2;
	_ =	strace s9  }
0x27: {  	s1 =	sld [smem:$0x3FA7]  }
0x28: {  	s2 =	sld [smem:$0x3FA8]  }
0x29: {  	s4 =	sld [smem:$0x3FAA]  }
0x2a: {  	p0 =	seq.s32 s5, $0x0;
	s5 =	sld [smem:$0x3FAB]  }
0x2b: {  	s6 =	sld [smem:$0x3FAC]  }
0x2c: {  	s7 =	sld [smem:$0x3FAD]  }
0x2d: {  	s3 =	simm.s32 $0x108;
	s8 =	sld [smem:$0x3FAE]  }
0x2e: {  	s3 =	simm.s32 @!p0 $0x1082;
	s9 =	sld [smem:$0x3FAF]  }
0x2f: {  	lr =	sadd.s32 s0, s3;
	s0 =	sld [smem:$0x3FA6]  }
0x30: {  	s3 =	sld [smem:$0x3FA9]  }
0x31: {  	[smem:$0x3FB2] =	sst s10  }
0x32: {  	s10 =	sld [smem:$0x3FB0];
	_ =	sdelay $0x3  }
0x33: {  	p0 =	seq.s32 s10, $0x1;
	s10 =	sld [smem:$0x3FB2];
	_ =	sdelay $0x3  }
0x34: {  	[smem:$0x3FB2] =	sst s10  }
0x35: {  	s10 =	sld [smem:$0x3FB1];
	_ =	sdelay $0x3  }
0x36: {  	p1 =	seq.s32 s10, $0x1;
	s10 =	sld [smem:$0x3FB2];
	_ =	sdelay $0x3  }
0x37: {  	[smem:$0x3FB2] =	sst s10  }
0x38: {  	s10 =	sld [smem:$0x3FB3]  }
0x39: {  	_ = 	snop;
	(pc) =	sbr.ind lr, $3  }
0x3a: {  	_ = 	snop  }
0x3b: {  	_ = 	snop  }
0x3c: {  	p2 =	seq.s32 s10, $0x1;
	s10 =	sld [smem:$0x3FB2]  }
0x3d: {  	_ =	shalt  }
0x3e: {  	_ =	shalt  }
0x3f: {  	_ =	shalt  }
0x40: {  	_ =	shalt  }
0x41: {  	_ =	shalt  }
0x42: {  	_ =	shalt  }
0x43: {  	_ =	shalt  }
0x44: {  	_ =	shalt  }
0x45: {  	_ =	shalt  }
0x46: {  	_ =	shalt  }
0x47: {  	_ =	shalt  }
0x48: {  	_ =	shalt  }
0x49: {  	_ =	shalt  }
0x4a: {  	_ =	shalt  }
0x4b: {  	_ =	shalt  }
0x4c: {  	_ =	shalt  }
0x4d: {  	_ =	shalt  }
0x4e: {  	_ =	shalt  }
0x4f: {  	_ =	shalt  }
0x50: {  	_ =	shalt  }
0x51: {  	_ =	shalt  }
0x52: {  	_ =	shalt  }
0x53: {  	_ =	shalt  }
0x54: {  	_ =	shalt  }
0x55: {  	_ =	shalt  }
0x56: {  	_ =	shalt  }
0x57: {  	_ =	shalt  }
0x58: {  	_ =	shalt  }
0x59: {  	_ =	shalt  }
0x5a: {  	_ =	shalt  }
0x5b: {  	_ =	shalt  }
0x5c: {  	_ =	shalt  }
0x5d: {  	_ =	shalt  }
0x5e: {  	_ =	shalt  }
0x5f: {  	_ =	shalt  }
0x60: {  	_ =	shalt  }
0x61: {  	_ =	shalt  }
0x62: {  	_ =	shalt  }
0x63: {  	_ =	shalt  }
0x64: {  	_ =	shalt  }
0x65: {  	_ =	shalt  }
0x66: {  	_ =	shalt  }
0x67: {  	_ =	shalt  }
0x68: {  	_ =	shalt  }
0x69: {  	_ =	shalt  }
0x6a: {  	_ =	shalt  }
0x6b: {  	_ =	shalt  }
0x6c: {  	_ =	shalt  }
0x6d: {  	_ =	shalt  }
0x6e: {  	_ =	shalt  }
0x6f: {  	_ =	shalt  }
0x70: {  	_ =	shalt  }
0x71: {  	_ =	shalt  }
0x72: {  	_ =	shalt  }
0x73: {  	_ =	shalt  }
0x74: {  	_ =	shalt  }
0x75: {  	_ =	shalt  }
0x76: {  	_ =	shalt  }
0x77: {  	_ =	shalt  }
0x78: {  	_ =	shalt  }
0x79: {  	_ =	shalt  }
0x7a: {  	_ =	shalt  }
0x7b: {  	_ =	shalt  }
0x7c: {  	_ =	shalt  }
0x7d: {  	_ =	shalt  }
0x7e: {  	_ =	shalt  }
0x7f: {  	_ =	shalt  }
0x80: {  	_ =	shalt  }
0x81: {  	_ =	shalt  }
0x82: {  	_ =	shalt  }
0x83: {  	_ =	shalt  }
0x84: {  	_ =	shalt  }
0x85: {  	_ =	shalt  }
0x86: {  	_ =	shalt  }
0x87: {  	_ =	shalt  }
.Lfunc_end0:
.L_simem_size_0:
called_computation_lowered:
.L_overlay_start_0:
0x88: {  	s2 =	sld [smem:$0x3FD9]  }
0x89: {  	s3 =	sld [smem:$0x3FFE];
	_ =	sdelay $0x1  }
0x8a: {  	s1 =	srdreg.scid  }
0x8b: {  	s0 =	sand.u32 $0x1, s1  }
0x8c: {  	s17 =	sshll.u32 s0, $0xA;
	s2 =	sadd.s32 s3, s2  }
0x8d: {  	s2 =	sadd.s32 s2, s17  }
0x8e: {  	[smem:$0x3FBE] =	sst s2  }
0x8f: {  	_ = 	snop  }
0x90: {  	s2 =	sld [smem:$0x3FD0];
	(tm) =	ssettm $0x1  }
0x91: {  	s18 =	sld [smem:$0x3FFB];
	_ =	sdelay $0x3  }
0x92: {  	_ =	strace s18  }
0x93: {  	s3 =	sld [smem:$0x3FFC];
	_ =	sdelay $0x3  }
0x94: {  	_ =	strace s3  }
0x95: {  	s3 =	sld [smem:$0x3FFD];
	_ =	sdelay $0x3  }
0x96: {  	_ =	strace s3  }
0x97: {  	_ =	strace $0x8FFFFFFF  }
0x98: {  	s19 =	sld [smem:$0x3FDB];
	_ =	sdelay $0x1  }
0x99: {  	s4 =	simm.s32 $_scs_section_size  }
0x9a: {  	s5 =	simm.s32 $_size__tile_overlayer_lowered;
	s6 =	simm.s32 $_tile_overlayer_lowered  }
0x9b: {  	s22 =	simm.s32 $0x1BFF;
	s21 =	sshll.u32 s6, $0x1;
	s3 =	sadd.s32 s4, s19  }
0x9c: {  	s7 =	simm.s32 $0x0;
	s20 =	sshll.u32 s5, $0x1;
	s5 =	sadd.s32 s21, s3  }
0x9d: {  	[timem:s7], [sflag:s22] =	dma.local [hbm:s5], s20  }
0x9e: {  	_ =	swait.ge [sflag:s22], s20  }
0x9f: {  	s4 =	ssub.s32 $0x0, s20;
	[sflag:s22] =	ssyncset.done $0x0  }
0xa0: {  	[sflag:s22] =	ssyncadd.s32 s4;
	_ =	sdelay $0x1  }
0xa1: {  	s23 =	simm.s32 $0x1B8B  }
0xa2: {  	_ =	swait.ge [sflag:s23], $0x1  }
0xa3: {  	[sflag:s23] =	ssyncset.done $0x0  }
0xa4: {  	s25 =	simm.s32 $0x1B8E;
	s24 =	sld [smem:$0x3FFE];
	[sflag:s23] =	ssyncadd.s32 $0xFFFFFFFF  }
0xa5: {  	s26 =	simm.s32 $execute0_lowered;
	[smem:$0x3FD2] =	sst s25  }
0xa6: {  	s5 =	sshll.u32 s26, $0x1;
	_ =	strace $0x80000046;
	[dreg:$0x1] =	wrdreg $0xFFFFFFFF  }
0xa7: {  	s28 =	simm.s32 $_size_execute0_lowered;
	s3 =	sadd.s32 s3, s5;
	[dreg:$0x0] =	wrdreg $0x0  }
0xa8: {  	s5 =	sshll.u32 s28, $0x1;
	[dreg:$0x2] =	wrdreg s3  }
0xa9: {  	[dreg:$0x3] =	wrdreg s5  }
0xaa: {  	[dreg:$0x4] =	wrdreg $0xC0  }
0xab: {  	_ =	task [dreg:s7], $0x5FFFF  }
0xac: {  	[dreg:$0x1] =	wrdreg $0xFFFFFFFF  }
0xad: {  	[dreg:$0x0] =	wrdreg $0x60  }
0xae: {  	[dreg:$0x2] =	wrdreg s2  }
0xaf: {  	[dreg:$0x3] =	wrdreg s24  }
0xb0: {  	[dreg:$0x4] =	wrdreg $0x58800  }
0xb1: {  	[dreg:$0x5] =	wrdreg $0x5AF80  }
0xb2: {  	[dreg:$0x6] =	wrdreg $0x9  }
0xb3: {  	_ =	task.clear_ibuf [dreg:s7], $0x7FFFF;
	_ =	strace $0x90000046  }
0xb4: {  	s29 =	simm.s32 $0x9;
	_ =	strace $0x80000048  }
0xb5: {  	_ =	swait.ge [sflag:s29], $0x1  }
0xb6: {  	[sflag:s29] =	ssyncadd.s32 $0xFFFFFFFF  }
0xb7: {  	_ =	strace $0x90000048  }
0xb8: {  	_ =	sfence  }
0xb9: {  	s30 =	sld [smem:$0x0];
	_ =	sdelay $0x2  }
0xba: {  	s31 =	sshll.u32 s1, $0xD;
	s1 =	sshrl.u32 s1, $0x2  }
0xbb: {  	s3 =	sand.u32 $0x4000, s31;
	s1 =	sadd.s32 s1, s30  }
0xbc: {  	s0 =	sor.u32 s3, s0;
	s1 =	sshll.u32 s1, $0x11  }
0xbd: {  	s0 =	sor.u32 s1, s0  }
0xbe: {  	s0 =	sadd.s32 $0x8F2B, s0  }
0xbf: {  	[sflag:s0] =	ssyncadd.remote.s32 $0x1  }
0xc0: {  	_ =	sfence.sel $0xFFFF  }
0xc1: {  	[dreg:$0x0] =	wrdreg $0xFFFFFFFF;
	(pc) =	sbr.abs _section_cstart, $3  }
0xc2: {  	[dreg:$0x1] =	wrdreg $0xFFFFFFFF  }
0xc3: {  	_ =	task.clear_ibuf [dreg:s7], $0x2FFFF;
	_ =	strace $0x9FFFFFFF  }
0xc4: {  	(tm) =	ssettm $0x7FFFFFFF  }
0xc5: {  	_ =	shalt  }
tec
execute0_lowered:
.L_overlay_start_1:
0x0: {  	(tag) =	ssettag $0x1  }
0x1: {  	s7 =	rddreg [dreg:$0x0]  }
0x2: {  	s8 =	rddreg [dreg:$0x1]  }
0x3: {  	s2 =	rddreg [dreg:$0x2]  }
0x4: {  	s0 =	srdreg.scid;
	s3 =	rddreg [dreg:$0x3]  }
0x5: {  	s4 =	simm.s32 $0x0;
	s16 =	simm.s32 $0x5000;
	s17 =	simm.s32 $0x7D  }
0x6: {  	s18 =	simm.s32 $0x80;
	s19 =	simm.s32 $0x2880;
	s20 =	simm.s32 $0x1  }
0x7: {  	s21 =	simm.s32 $0x3;
	s22 =	simm.s32 $0x2;
	s23 =	simm.s32 $0x4  }
0x8: {  	s24 =	simm.s32 $0x0;
	s6 =	sand.u32 $0x1, s0;
	s0 =	stileid.u32  }
0x9: {  	[smem:$0x7FF] =	sst s4;
	s5 =	sadd.s32 $0xCC00, s8;
	s10 =	smul.u32 $0x7D0, s0  }
0xa: {  	s1 =	sshll.u32 s6, $0x4;
	s11 =	smul.u32 $0x2710, s6;
	s13 =	ssub.s32 $0x2, s6  }
0xb: {  	s6 =	sadd.s32 $0xCE00, s8;
	p0 =	sgt.u32 s0, $0x4;
	s1 =	sor.u32 s0, s1  }
0xc: {  	s14 =	sshrl.u32 s13, $0x1;
	s9 =	smul.u32 $0x500, s1;
	s1 =	rddreg [dreg:$0x4]  }
0xd: {  	_ =	strace $0x80000047;
	s11 =	sadd.s32 s10, s11;
	s13 =	ssub.s32 s13, s14  }
0xe: {  	s14 =	simm.s32 $0x5;
	s11 =	sshrl.u32 s11, $0x3;
	s13 =	smax.u32 s13, $0x1  }
0xf: {  	s12 =	sadd.s32 s9, s8;
	s15 =	sadd.s32 s11, s8;
	s7 =	sadd.s32 s7, s9  }
0x10: {  	s9 =	sadd.s32 s10, s2;
	s10 =	sadd.s32 s10, s3;
	s8 =	sadd.s32 $0x2C00, s12  }
0x11: {  	s11 =	sadd.s32 $0xD000, s15;
	s12 =	sadd.s32 $0xDA00, s15;
	s15 =	simm.s32 $0x2800  }
.LBB2_1:
0x12: {  	[tilespmem:s4], [sflag:$0x5] =	stream.linear.gather [hbm4b:s7+s4], $0x2800, $0x38;
	[tilespmem:$0x5D70] =	vst v63  }
0x13: {  	_ =	swait.ge [sflag:s14], $0x2800  }
0x14: {  	[sflag:s14] =	ssyncset.done $0x0  }
0x15: {  	[sflag:s14] =	ssyncadd.s32 $0xFFFFD800  }
0x16: {  	[tilespmem:s15], [sflag:$0x5] =	stream.linear.gather [hbm4b:s8+s4], $0x2800, $0x38;
	[tilespmem:$0x5D70] =	vst v63  }
0x17: {  	_ =	swait.ge [sflag:s14], $0x2800  }
0x18: {  	[sflag:s14] =	ssyncset.done $0x0  }
0x19: {  	[sflag:s14] =	ssyncadd.s32 $0xFFFFD800  }
0x1a: {  	[tilespmem:s16], [sflag:$0x5] =	stream.linear.gather [hbm4b:s5+s4], $0x80, $0x38;
	[tilespmem:$0x5D70] =	vst v63  }
0x1b: {  	_ =	swait.ge [sflag:s14], $0x80  }
0x1c: {  	[sflag:s14] =	ssyncset.done $0x0  }
0x1d: {  	s25 =	simm.s32 @!p0 $0x0;
	s26 =	simm.s32 @!p0 $0x5080;
	[sflag:s14] =	ssyncadd.s32 $0xFFFFFF80  }
0x1e: {  	[tilespmem:s26], [sflag:$0x5] =	stream.linear.gather @!p0 [hbm4b:s6+s25], $0x800, $0x38;
	[tilespmem:$0x5D70] =	vst v63  }
0x1f: {  	s25 =	simm.s32 @!p0 $0x5  }
0x20: {  	_ =	swait.ge @!p0 [sflag:s25], $0x800  }
0x21: {  	[sflag:s25] =	ssyncset.done @!p0 $0x0  }
0x22: {  	[sflag:s25] =	ssyncadd.s32 @!p0 $0xFFFFF800  }
0x23: {  	[spmem:s9] =	stream.linear.scatter @!p0 [tilespmem:s26], [sflag:$0x5], $0x7D0, $0x38;
	[tilespmem:$0x5D70] =	vst v63  }
0x24: {  	_ =	swait.ge @!p0 [sflag:s25], $0x7D0  }
0x25: {  	[sflag:s25] =	ssyncset.done @!p0 $0x0  }
0x26: {  	[sflag:s25] =	ssyncadd.s32 @!p0 $0xFFFFF830  }
0x27: {  	[spmem:s10] =	stream.linear.scatter @!p0 [tilespmem:s26], [sflag:$0x5], $0x7D0, $0x38;
	[tilespmem:$0x5D70] =	vst v63  }
0x28: {  	_ =	swait.ge @!p0 [sflag:s25], $0x7D0  }
0x29: {  	[sflag:s25] =	ssyncset.done @!p0 $0x0  }
0x2a: {  	[sflag:s25] =	ssyncadd.s32 @!p0 $0xFFFFF830  }
0x2b: {  	[bflag:$0x0] =	sbarrier.arrive $0xFFFF  }
0x2c: {  	[spmem:s2] =	stream.indirect.scatter.add.f32 [tilespmem:s16], [sflag:$0x1], $0x1, s4, s17, $0xb8;
	[tilespmem:$0x5D70] =	vst v63  }
0x2d: {  	_ = 	snop  }
0x2e: {  	[spmem:s3] =	stream.indirect.scatter.add.f32 [tilespmem:s16], [sflag:$0x3], $0x1, s15, s17, $0xb8;
	[tilespmem:$0x5D70] =	vst v63  }
0x2f: {  	_ = 	snop  }
0x30: {  	[spmem:s2] =	stream.indirect.scatter.add.f32 [tilespmem:s16], [sflag:$0x2], $0x1, s18, s17, $0xb8;
	[tilespmem:$0x5D70] =	vst v63  }
0x31: {  	_ = 	snop  }
0x32: {  	[spmem:s3] =	stream.indirect.scatter.add.f32 [tilespmem:s16], [sflag:$0x4], $0x1, s19, s17, $0xb8;
	[tilespmem:$0x5D70] =	vst v63  }
0x33: {  	_ =	swait.ge [sflag:s20], $0x7D  }
0x34: {  	[sflag:s20] =	ssyncset.done $0x0  }
0x35: {  	[sflag:s20] =	ssyncadd.s32 $0xFFFFFF83  }
0x36: {  	_ =	swait.ge [sflag:s21], $0x7D  }
0x37: {  	[sflag:s21] =	ssyncset.done $0x0  }
0x38: {  	s29 =	simm.s32 $0x100;
	[sflag:s21] =	ssyncadd.s32 $0xFFFFFF83  }
0x39: {  	[spmem:s2] =	stream.indirect.scatter.add.f32 [tilespmem:s16], [sflag:$0x1], $0x1, s29, s17, $0xb8;
	[tilespmem:$0x5D70] =	vst v63  }
0x3a: {  	s30 =	simm.s32 $0x2900  }
0x3b: {  	[spmem:s3] =	stream.indirect.scatter.add.f32 [tilespmem:s16], [sflag:$0x3], $0x1, s30, s17, $0xb8;
	[tilespmem:$0x5D70] =	vst v63  }
0x3c: {  	_ =	swait.ge [sflag:s22], $0x7D  }
0x3d: {  	[sflag:s22] =	ssyncset.done $0x0  }
0x3e: {  	[sflag:s22] =	ssyncadd.s32 $0xFFFFFF83  }
0x3f: {  	_ =	swait.ge [sflag:s23], $0x7D  }
0x40: {  	s31 =	simm.s32 $0x180;
	[sflag:s23] =	ssyncset.done $0x0  }
0x41: {  	s26 =	simm.s32 $0x2980;
	s25 =	simm.s32 $0xFFFF6800;
	[sflag:s23] =	ssyncadd.s32 $0xFFFFFF83  }
0x42: {  	[spmem:s2] =	stream.indirect.scatter.add.f32 [tilespmem:s16], [sflag:$0x2], $0x1, s31, s17, $0xb8;
	[tilespmem:$0x5D70] =	vst v63  }
.LBB2_2:
0x43: {  	[spmem:s3] =	stream.indirect.scatter.add.f32 [tilespmem:s16], [sflag:$0x4], $0x1, s26, s17, $0xb8;
	[tilespmem:$0x5D70] =	vst v63  }
0x44: {  	s26 =	smov.u32 s25  }
0x45: {  	p1 =	sne.s32 s25, $0xFFFFFC00;
	s25 =	sadd.s32 $0x400, s25;
	_ =	swait.ge [sflag:s20], $0x7D  }
0x46: {  	[sflag:s20] =	ssyncset.done $0x0  }
0x47: {  	[sflag:s20] =	ssyncadd.s32 $0xFFFFFF83  }
0x48: {  	_ =	swait.ge [sflag:s21], $0x7D  }
0x49: {  	s26 =	sshra.s32 s26, $0x2;
	[sflag:s21] =	ssyncset.done $0x0  }
0x4a: {  	s28 =	sadd.s32 $0x2800, s26;
	[sflag:s21] =	ssyncadd.s32 $0xFFFFFF83  }
0x4b: {  	[spmem:s2] =	stream.indirect.scatter.add.f32 [tilespmem:s16], [sflag:$0x1], $0x1, s28, s17, $0xb8;
	[tilespmem:$0x5D70] =	vst v63  }
0x4c: {  	s28 =	sadd.s32 $0x5000, s26  }
0x4d: {  	[spmem:s3] =	stream.indirect.scatter.add.f32 [tilespmem:s16], [sflag:$0x3], $0x1, s28, s17, $0xb8;
	[tilespmem:$0x5D70] =	vst v63  }
0x4e: {  	_ =	swait.ge [sflag:s22], $0x7D  }
0x4f: {  	[sflag:s22] =	ssyncset.done $0x0  }
0x50: {  	[sflag:s22] =	ssyncadd.s32 $0xFFFFFF83  }
.Ltmp0:
0x51: {  	_ =	swait.ge [sflag:s23], $0x7D;
	(pc) =	sbr.rel @p1 .LBB2_2-.Ltmp0, $4  }
0x52: {  	[sflag:s23] =	ssyncset.done $0x0  }
0x53: {  	s28 =	sadd.s32 $0x2880, s26;
	[sflag:s23] =	ssyncadd.s32 $0xFFFFFF83  }
0x54: {  	[spmem:s2] =	stream.indirect.scatter.add.f32 [tilespmem:s16], [sflag:$0x2], $0x1, s28, s17, $0xb8;
	[tilespmem:$0x5D70] =	vst v63  }
0x55: {  	s26 =	sadd.s32 $0x5080, s26  }
0x56: {  	[spmem:s3] =	stream.indirect.scatter.add.f32 [tilespmem:s16], [sflag:$0x4], $0x1, s26, s17, $0xb8;
	[tilespmem:$0x5D70] =	vst v63  }
0x57: {  	_ =	swait.ge [sflag:s20], $0x7D  }
0x58: {  	[sflag:s20] =	ssyncset.done $0x0  }
0x59: {  	[sflag:s20] =	ssyncadd.s32 $0xFFFFFF83  }
0x5a: {  	_ =	swait.ge [sflag:s21], $0x7D  }
0x5b: {  	[sflag:s21] =	ssyncset.done $0x0  }
0x5c: {  	[sflag:s21] =	ssyncadd.s32 $0xFFFFFF83  }
0x5d: {  	_ =	swait.ge [sflag:s22], $0x7D  }
0x5e: {  	[sflag:s22] =	ssyncset.done $0x0  }
0x5f: {  	[sflag:s22] =	ssyncadd.s32 $0xFFFFFF83  }
0x60: {  	_ =	swait.ge [sflag:s23], $0x7D  }
0x61: {  	[sflag:s23] =	ssyncset.done $0x0  }
0x62: {  	[sflag:s23] =	ssyncadd.s32 $0xFFFFFF83  }
0x63: {  	s25 =	simm.s32 @!p0 $0x5080;
	s26 =	simm.s32 @!p0 $0x5;
	[bflag:$0x0] =	sbarrier.arrive $0xFFFF  }
0x64: {  	[tilespmem:s25], [sflag:$0x5] =	stream.linear.gather @!p0 [spmem:s9], $0x7D0, $0x38;
	[tilespmem:$0x5D70] =	vst v63  }
0x65: {  	_ =	swait.ge @!p0 [sflag:s26], $0x7D0  }
0x66: {  	[sflag:s26] =	ssyncset.done @!p0 $0x0  }
0x67: {  	s28 =	simm.s32 @!p0 $0x0;
	[sflag:s26] =	ssyncadd.s32 @!p0 $0xFFFFF830  }
0x68: {  	[hbm4b:s11+s28] =	stream.linear.scatter @!p0 [tilespmem:s25], [sflag:$0x5], $0x7D0, $0x38;
	[tilespmem:$0x5D70] =	vst v63  }
0x69: {  	_ =	swait.ge @!p0 [sflag:s26], $0x7D0  }
0x6a: {  	[sflag:s26] =	ssyncset.done @!p0 $0x0  }
0x6b: {  	[sflag:s26] =	ssyncadd.s32 @!p0 $0xFFFFF830  }
0x6c: {  	[tilespmem:s25], [sflag:$0x5] =	stream.linear.gather @!p0 [spmem:s10], $0x7D0, $0x38;
	[tilespmem:$0x5D70] =	vst v63  }
0x6d: {  	s24 =	sadd.s32 $0x1, s24;
	_ =	swait.ge @!p0 [sflag:s26], $0x7D0  }
0x6e: {  	p1 =	sne.s32 s24, s13;
	[sflag:s26] =	ssyncset.done @!p0 $0x0  }
.Ltmp1:
0x6f: {  	[sflag:s26] =	ssyncadd.s32 @!p0 $0xFFFFF830;
	(pc) =	sbr.rel @p1 .LBB2_1-.Ltmp1, $4  }
0x70: {  	[hbm4b:s12+s28] =	stream.linear.scatter @!p0 [tilespmem:s25], [sflag:$0x5], $0x7D0, $0x38;
	[tilespmem:$0x5D70] =	vst v63  }
0x71: {  	_ =	swait.ge @!p0 [sflag:s26], $0x7D0  }
0x72: {  	[sflag:s26] =	ssyncset.done @!p0 $0x0  }
0x73: {  	[sflag:s26] =	ssyncadd.s32 @!p0 $0xFFFFF830  }
0x74: {  	_ =	sfence.sel $0x180000  }
0x75: {  	[bflag:$0x0] =	sbarrier.arrive $0xFFFF  }
0x76: {  	p0 =	sne.s32 s0, $0x0;
	_ =	strace $0x90000047  }
0x77: {  	s0 =	sadd.s32 @!p0 $0x100000, s1;
	[bflag:$0x2] =	sbarrier.arrive $0xFFFF  }
0x78: {  	[sflag:s0] =	ssyncadd.tile.s32 @!p0 $0x1;
	_ =	shalt  }
.Lfunc_end2:
_tile_overlayer_lowered:
.L_overlay_start_2:
0x79: {  	(tag) =	ssettag $0x2  }
0x7a: {  	s0 =	rddreg [dreg:$0x0];
	s2 =	stileid.u32  }
0x7b: {  	s1 =	rddreg [dreg:$0x1];
	p0 =	sne.s32 s2, $0x0  }
0x7c: {  	s3 =	rddreg [dreg:$0x2];
	[bflag:$0x3] =	sbarrier.arrive $0xFFFF;
	s2 =	simm.s32 @!p0 $0x1C05  }
0x7d: {  	[timem:s3], [sflag:s2] =	dma.local @!p0 [hbm:s0], s1  }
0x7e: {  	s0 =	simm.s32 @!p0 $0x5  }
0x7f: {  	_ =	swait.ge @!p0 [sflag:s0], s1  }
0x80: {  	s1 =	ssub.s32 @!p0 $0x0, s1;
	[sflag:s0] =	ssyncset.done @!p0 $0x0  }
0x81: {  	[sflag:s0] =	ssyncadd.s32 @!p0 s1  }
0x82: {  	[bflag:$0x3] =	sbarrier.arrive $0xFFFF  }
0x83: {  	_ =	shalt  }

</sc_bundles>
